<compile_context>
chip_gen: v7x
topology: tpu7x:2x2x1
jax: 0.10.2.dev20260603
libtpu: 0.0.44.dev20260713+nightly
codegen_flags: <defaults>
</compile_context>

<pallas_src>
import functools
import jax
import jax.numpy as jnp
from jax import lax
from jax.experimental import pallas as pl
from jax.experimental.pallas import tpu as pltpu
from jax.experimental.pallas import tpu_sc as plsc

BATCH = 4
SEQ = 2048
D_MODEL = 1024
L = 16
N_W = 32
ROWS_PER_W = BATCH * SEQ // N_W
CH = 16
N_CH = ROWS_PER_W // CH
UNROLL = 8


def kernel(x, pos_table):
    xf = x.reshape(BATCH * SEQ, D_MODEL)
    mesh = plsc.VectorSubcoreMesh(core_axis_name="core", subcore_axis_name="subcore")

    @functools.partial(
        pl.kernel,
        out_type=jax.ShapeDtypeStruct((BATCH * SEQ, D_MODEL), jnp.float32),
        mesh=mesh,
        scratch_types=[
            pltpu.VMEM((CH, D_MODEL), jnp.float32),
            pltpu.VMEM((CH, D_MODEL), jnp.float32),
            pltpu.VMEM((CH, D_MODEL), jnp.float32),
            pltpu.VMEM((CH, D_MODEL), jnp.float32),
            pltpu.VMEM((CH, D_MODEL), jnp.float32),
            pltpu.VMEM((CH, D_MODEL), jnp.float32),
            pltpu.SemaphoreType.DMA,
            pltpu.SemaphoreType.DMA,
            pltpu.SemaphoreType.DMA,
            pltpu.SemaphoreType.DMA,
            pltpu.SemaphoreType.DMA,
            pltpu.SemaphoreType.DMA,
        ],
    )
    def k(x_hbm, pos_hbm, o_hbm,
          xb0, xb1, pb0, pb1, ob0, ob1,
          sx0, sx1, sp0, sp1, so0, so1):
        wid = lax.axis_index("subcore") * 2 + lax.axis_index("core")
        base = wid * ROWS_PER_W
        pos_base = lax.rem(base, SEQ)

        xb = (xb0, xb1)
        pb = (pb0, pb1)
        ob = (ob0, ob1)
        sx = (sx0, sx1)
        sp = (sp0, sp1)
        so = (so0, so1)

        def start_in(g):
            p = g & 1
            r = base + g * CH
            q = pos_base + g * CH
            hx = pltpu.async_copy(x_hbm.at[pl.ds(r, CH), :], xb[p], sx[p])
            hp = pltpu.async_copy(pos_hbm.at[pl.ds(q, CH), :], pb[p], sp[p])
            return hx, hp

        def compute(p):
            @pl.loop(0, CH)
            def _(row):
                @pl.loop(0, D_MODEL, step=L * UNROLL)
                def _(c):
                    for u in range(UNROLL):
                        slc = (pl.ds(row, 1), pl.ds(c + u * L, L))
                        ob[p].at[*slc][...] = (
                            xb[p].at[*slc][...] + pb[p].at[*slc][...])

        in_flight = {0: start_in(0)}
        out_flight = {}
        for g in range(N_CH):
            p = g & 1
            if g + 1 < N_CH:
                in_flight[g + 1] = start_in(g + 1)
            hx, hp = in_flight.pop(g)
            hx.wait()
            hp.wait()
            if g >= 2:
                out_flight.pop(g - 2).wait()
            compute(p)
            r = base + g * CH
            out_flight[g] = pltpu.async_copy(ob[p], o_hbm.at[pl.ds(r, CH), :], so[p])
        out_flight.pop(N_CH - 2).wait()
        out_flight.pop(N_CH - 1).wait()

    return k(xf, pos_table).reshape(BATCH, SEQ, D_MODEL)

# --- scband reference (transcript-rebuilt; emitter-appended) ---
"""Pipeline reference for scband-add-positional-embedding-21706764714389 (READ-ONLY COPY).

The authoritative reference and input builder live on the scoring server;
editing this copy changes nothing except your own understanding.
"""

import jax, jax.numpy as jnp
import numpy as np

MAX_LEN = 2048
D_MODEL = 1024
BATCH = 4
SEQ = 2048

def setup_inputs(seed: int = 0) -> dict:
    key = jax.random.key(seed)
    k1, k2 = jax.random.split(key)
    x = jax.random.normal(k1, (BATCH, SEQ, D_MODEL), dtype=jnp.float32)
    # learned positional embedding table, per init_kwargs (max_len=2048, d_model=1024)
    pos_table = jax.random.normal(k2, (MAX_LEN, D_MODEL), dtype=jnp.float32) * 0.02
    return {"x": x, "pos_table": pos_table}

def reference(x, pos_table):
    seq_len = x.shape[1]
    positions = jnp.arange(seq_len)
    pos_emb = jnp.take(pos_table, positions, axis=0)  # gather -> embedding lookup
    pos_emb = jnp.expand_dims(pos_emb, axis=0)
    return x + pos_emb

if __name__ == "__main__":
    import jax
    _d = setup_inputs()
    print(jax.jit(kernel)(*tuple(_d.values())))

</pallas_src>

<mosaic_0001>
#map = affine_map<(d0, d1) -> (0, 0)>
module attributes {stable_mosaic.version = 14 : i64} {
  func.func @k(%arg0: i32, %arg1: i32, %arg2: memref<8192x1024xf32, #tpu.memory_space<hbm>>, %arg3: memref<2048x1024xf32, #tpu.memory_space<hbm>>, %arg4: memref<8192x1024xf32, #tpu.memory_space<hbm>>, %arg5: memref<16x1024xf32, #tpu.memory_space<vmem>>, %arg6: memref<16x1024xf32, #tpu.memory_space<vmem>>, %arg7: memref<16x1024xf32, #tpu.memory_space<vmem>>, %arg8: memref<16x1024xf32, #tpu.memory_space<vmem>>, %arg9: memref<16x1024xf32, #tpu.memory_space<vmem>>, %arg10: memref<16x1024xf32, #tpu.memory_space<vmem>>, %arg11: memref<!tpu.dma_semaphore, #tpu.memory_space<semaphore_mem>>, %arg12: memref<!tpu.dma_semaphore, #tpu.memory_space<semaphore_mem>>, %arg13: memref<!tpu.dma_semaphore, #tpu.memory_space<semaphore_mem>>, %arg14: memref<!tpu.dma_semaphore, #tpu.memory_space<semaphore_mem>>, %arg15: memref<!tpu.dma_semaphore, #tpu.memory_space<semaphore_mem>>, %arg16: memref<!tpu.dma_semaphore, #tpu.memory_space<semaphore_mem>>) attributes {dimension_semantics = [#tpu.dimension_semantics<core_parallel>, #tpu.dimension_semantics<subcore_parallel>], iteration_bounds = array<i64: 2, 16>, scalar_prefetch = 0 : i64, scratch_operands = 12 : i64, tpu.core_type = #tpu.core_type<sc_vector_subcore>, window_params = [{transform_indices = #map}, {transform_indices = #map}, {transform_indices = #map}]} {
    %mul3A = arith.constant 2 : i32
    %mul3A_0 = arith.muli %arg1, %mul3A : i32
    %add3A = arith.addi %mul3A_0, %arg0 : i32
    %mul3A_1 = arith.constant 256 : i32
    %mul3A_2 = arith.muli %add3A, %mul3A_1 : i32
    %rem3A = arith.constant 2048 : i32
    %rem3A_3 = arith.remsi %mul3A_2, %rem3A : i32
    %add3A_4 = arith.constant 0 : i32
    %add3A_5 = arith.addi %mul3A_2, %add3A_4 : i32
    %add3A_6 = arith.constant 0 : i32
    %add3A_7 = arith.addi %rem3A_3, %add3A_6 : i32
    %dma_start3A = arith.constant 0 : i32
    %dma_start3A_8 = tpu.memref_slice %arg2[%add3A_5, %dma_start3A] : memref<8192x1024xf32, #tpu.memory_space<hbm>> -> memref<16x1024xf32, #tpu.memory_space<hbm>>
    %dma_start3A_9 = arith.constant 0 : i32
    %dma_start3A_10 = tpu.memref_slice %arg2[%add3A_5, %dma_start3A_9] : memref<8192x1024xf32, #tpu.memory_space<hbm>> -> memref<16x1024xf32, #tpu.memory_space<hbm>>
    tpu.enqueue_dma source(%dma_start3A_10 : memref<16x1024xf32, #tpu.memory_space<hbm>>) target(%arg5 : memref<16x1024xf32, #tpu.memory_space<vmem>>) target_semaphore(%arg11 : memref<!tpu.dma_semaphore, #tpu.memory_space<semaphore_mem>>)
    %dma_start3A_11 = arith.constant 0 : i32
    %dma_start3A_12 = tpu.memref_slice %arg3[%add3A_7, %dma_start3A_11] : memref<2048x1024xf32, #tpu.memory_space<hbm>> -> memref<16x1024xf32, #tpu.memory_space<hbm>>
    %dma_start3A_13 = arith.constant 0 : i32
    %dma_start3A_14 = tpu.memref_slice %arg3[%add3A_7, %dma_start3A_13] : memref<2048x1024xf32, #tpu.memory_space<hbm>> -> memref<16x1024xf32, #tpu.memory_space<hbm>>
    tpu.enqueue_dma source(%dma_start3A_14 : memref<16x1024xf32, #tpu.memory_space<hbm>>) target(%arg7 : memref<16x1024xf32, #tpu.memory_space<vmem>>) target_semaphore(%arg13 : memref<!tpu.dma_semaphore, #tpu.memory_space<semaphore_mem>>)
    %add3A_15 = arith.constant 16 : i32
    %add3A_16 = arith.addi %mul3A_2, %add3A_15 : i32
    %add3A_17 = arith.constant 16 : i32
    %add3A_18 = arith.addi %rem3A_3, %add3A_17 : i32
    %dma_start3A_19 = arith.constant 0 : i32
    %dma_start3A_20 = tpu.memref_slice %arg2[%add3A_16, %dma_start3A_19] : memref<8192x1024xf32, #tpu.memory_space<hbm>> -> memref<16x1024xf32, #tpu.memory_space<hbm>>
    %dma_start3A_21 = arith.constant 0 : i32
    %dma_start3A_22 = tpu.memref_slice %arg2[%add3A_16, %dma_start3A_21] : memref<8192x1024xf32, #tpu.memory_space<hbm>> -> memref<16x1024xf32, #tpu.memory_space<hbm>>
    tpu.enqueue_dma source(%dma_start3A_22 : memref<16x1024xf32, #tpu.memory_space<hbm>>) target(%arg6 : memref<16x1024xf32, #tpu.memory_space<vmem>>) target_semaphore(%arg12 : memref<!tpu.dma_semaphore, #tpu.memory_space<semaphore_mem>>)
    %dma_start3A_23 = arith.constant 0 : i32
    %dma_start3A_24 = tpu.memref_slice %arg3[%add3A_18, %dma_start3A_23] : memref<2048x1024xf32, #tpu.memory_space<hbm>> -> memref<16x1024xf32, #tpu.memory_space<hbm>>
    %dma_start3A_25 = arith.constant 0 : i32
    %dma_start3A_26 = tpu.memref_slice %arg3[%add3A_18, %dma_start3A_25] : memref<2048x1024xf32, #tpu.memory_space<hbm>> -> memref<16x1024xf32, #tpu.memory_space<hbm>>
    tpu.enqueue_dma source(%dma_start3A_26 : memref<16x1024xf32, #tpu.memory_space<hbm>>) target(%arg8 : memref<16x1024xf32, #tpu.memory_space<vmem>>) target_semaphore(%arg14 : memref<!tpu.dma_semaphore, #tpu.memory_space<semaphore_mem>>)
    %dma_wait3A = arith.constant 0 : i32
    %dma_wait3A_27 = tpu.memref_slice %arg2[%add3A_5, %dma_wait3A] : memref<8192x1024xf32, #tpu.memory_space<hbm>> -> memref<16x1024xf32, #tpu.memory_space<hbm>>
    %dma_wait3A_28 = arith.constant 0 : i32
    %dma_wait3A_29 = tpu.memref_slice %arg2[%add3A_5, %dma_wait3A_28] : memref<8192x1024xf32, #tpu.memory_space<hbm>> -> memref<16x1024xf32, #tpu.memory_space<hbm>>
    tpu.wait_dma2 semaphore(%arg11 : memref<!tpu.dma_semaphore, #tpu.memory_space<semaphore_mem>>) src(%dma_wait3A_29 : memref<16x1024xf32, #tpu.memory_space<hbm>>) dst(%arg5 : memref<16x1024xf32, #tpu.memory_space<vmem>>)
    %dma_wait3A_30 = arith.constant 0 : i32
    %dma_wait3A_31 = tpu.memref_slice %arg3[%add3A_7, %dma_wait3A_30] : memref<2048x1024xf32, #tpu.memory_space<hbm>> -> memref<16x1024xf32, #tpu.memory_space<hbm>>
    %dma_wait3A_32 = arith.constant 0 : i32
    %dma_wait3A_33 = tpu.memref_slice %arg3[%add3A_7, %dma_wait3A_32] : memref<2048x1024xf32, #tpu.memory_space<hbm>> -> memref<16x1024xf32, #tpu.memory_space<hbm>>
    tpu.wait_dma2 semaphore(%arg13 : memref<!tpu.dma_semaphore, #tpu.memory_space<semaphore_mem>>) src(%dma_wait3A_33 : memref<16x1024xf32, #tpu.memory_space<hbm>>) dst(%arg7 : memref<16x1024xf32, #tpu.memory_space<vmem>>)
    %scan3A = arith.constant 0 : i32
    %scan3A_34 = arith.constant 16 : i32
    %scan3A_35 = arith.addi %scan3A, %scan3A_34 : i32
    %scan3A_36 = arith.constant 1 : i32
    scf.for %scan3A_561 = %scan3A to %scan3A_35 step %scan3A_36  : i32 {
      %mul3A_562 = arith.constant 1 : i32
      %mul3A_563 = arith.muli %scan3A_561, %mul3A_562 : i32
      %add3A_564 = arith.constant 0 : i32
      %add3A_565 = arith.addi %add3A_564, %mul3A_563 : i32
      %scan3A_566 = arith.constant 0 : i32
      %scan3A_567 = arith.constant 8 : i32
      %scan3A_568 = arith.addi %scan3A_566, %scan3A_567 : i32
      %scan3A_569 = arith.constant 1 : i32
      scf.for %scan3A_571 = %scan3A_566 to %scan3A_568 step %scan3A_569  : i32 {
        %mul3A_572 = arith.constant 128 : i32
        %mul3A_573 = arith.muli %scan3A_571, %mul3A_572 : i32
        %add3A_574 = arith.constant 0 : i32
        %add3A_575 = arith.addi %add3A_574, %mul3A_573 : i32
        %add3A_576 = arith.constant 0 : i32
        %add3A_577 = arith.addi %add3A_575, %add3A_576 : i32
        %get3A = arith.index_cast %add3A_565 : i32 to index
        %get3A_578 = arith.index_cast %add3A_577 : i32 to index
        %get3A_579 = tpu.vector_load %arg5[%get3A, %get3A_578] {strides = array<i32>} : memref<16x1024xf32, #tpu.memory_space<vmem>>, vector<1x16xf32>,
        %get3A_580 = vector.shape_cast %get3A_579 : vector<1x16xf32> to vector<1x16xf32>
        %get3A_581 = arith.index_cast %add3A_565 : i32 to index
        %get3A_582 = arith.index_cast %add3A_577 : i32 to index
        %get3A_583 = tpu.vector_load %arg7[%get3A_581, %get3A_582] {strides = array<i32>} : memref<16x1024xf32, #tpu.memory_space<vmem>>, vector<1x16xf32>,
        %get3A_584 = vector.shape_cast %get3A_583 : vector<1x16xf32> to vector<1x16xf32>
        %add3A_585 = arith.addf %get3A_580, %get3A_584 : vector<1x16xf32>
        %swap3A = arith.index_cast %add3A_565 : i32 to index
        %swap3A_586 = arith.index_cast %add3A_577 : i32 to index
        %swap3A_587 = tpu.vector_load %arg9[%swap3A, %swap3A_586] {strides = array<i32>} : memref<16x1024xf32, #tpu.memory_space<vmem>>, vector<1x16xf32>,
        %swap3A_588 = vector.shape_cast %swap3A_587 : vector<1x16xf32> to vector<1x16xf32>
        %swap3A_589 = vector.shape_cast %add3A_585 : vector<1x16xf32> to vector<1x16xf32>
        tpu.vector_store %arg9[%swap3A, %swap3A_586], %swap3A_589 {strides = array<i32>} : memref<16x1024xf32, #tpu.memory_space<vmem>>, vector<1x16xf32>,
        %add3A_590 = arith.constant 16 : i32
        %add3A_591 = arith.addi %add3A_575, %add3A_590 : i32
        %get3A_592 = arith.index_cast %add3A_565 : i32 to index
        %get3A_593 = arith.index_cast %add3A_591 : i32 to index
        %get3A_594 = tpu.vector_load %arg5[%get3A_592, %get3A_593] {strides = array<i32>} : memref<16x1024xf32, #tpu.memory_space<vmem>>, vector<1x16xf32>,
        %get3A_595 = vector.shape_cast %get3A_594 : vector<1x16xf32> to vector<1x16xf32>
        %get3A_596 = arith.index_cast %add3A_565 : i32 to index
        %get3A_597 = arith.index_cast %add3A_591 : i32 to index
        %get3A_598 = tpu.vector_load %arg7[%get3A_596, %get3A_597] {strides = array<i32>} : memref<16x1024xf32, #tpu.memory_space<vmem>>, vector<1x16xf32>,
        %get3A_599 = vector.shape_cast %get3A_598 : vector<1x16xf32> to vector<1x16xf32>
        %add3A_600 = arith.addf %get3A_595, %get3A_599 : vector<1x16xf32>
        %swap3A_601 = arith.index_cast %add3A_565 : i32 to index
        %swap3A_602 = arith.index_cast %add3A_591 : i32 to index
        %swap3A_603 = tpu.vector_load %arg9[%swap3A_601, %swap3A_602] {strides = array<i32>} : memref<16x1024xf32, #tpu.memory_space<vmem>>, vector<1x16xf32>,
        %swap3A_604 = vector.shape_cast %swap3A_603 : vector<1x16xf32> to vector<1x16xf32>
        %swap3A_605 = vector.shape_cast %add3A_600 : vector<1x16xf32> to vector<1x16xf32>
        tpu.vector_store %arg9[%swap3A_601, %swap3A_602], %swap3A_605 {strides = array<i32>} : memref<16x1024xf32, #tpu.memory_space<vmem>>, vector<1x16xf32>,
        %add3A_606 = arith.constant 32 : i32
        %add3A_607 = arith.addi %add3A_575, %add3A_606 : i32
        %get3A_608 = arith.index_cast %add3A_565 : i32 to index
        %get3A_609 = arith.index_cast %add3A_607 : i32 to index
        %get3A_610 = tpu.vector_load %arg5[%get3A_608, %get3A_609] {strides = array<i32>} : memref<16x1024xf32, #tpu.memory_space<vmem>>, vector<1x16xf32>,
        %get3A_611 = vector.shape_cast %get3A_610 : vector<1x16xf32> to vector<1x16xf32>
        %get3A_612 = arith.index_cast %add3A_565 : i32 to index
        %get3A_613 = arith.index_cast %add3A_607 : i32 to index
        %get3A_614 = tpu.vector_load %arg7[%get3A_612, %get3A_613] {strides = array<i32>} : memref<16x1024xf32, #tpu.memory_space<vmem>>, vector<1x16xf32>,
        %get3A_615 = vector.shape_cast %get3A_614 : vector<1x16xf32> to vector<1x16xf32>
        %add3A_616 = arith.addf %get3A_611, %get3A_615 : vector<1x16xf32>
        %swap3A_617 = arith.index_cast %add3A_565 : i32 to index
        %swap3A_618 = arith.index_cast %add3A_607 : i32 to index
        %swap3A_619 = tpu.vector_load %arg9[%swap3A_617, %swap3A_618] {strides = array<i32>} : memref<16x1024xf32, #tpu.memory_space<vmem>>, vector<1x16xf32>,
        %swap3A_620 = vector.shape_cast %swap3A_619 : vector<1x16xf32> to vector<1x16xf32>
        %swap3A_621 = vector.shape_cast %add3A_616 : vector<1x16xf32> to vector<1x16xf32>
        tpu.vector_store %arg9[%swap3A_617, %swap3A_618], %swap3A_621 {strides = array<i32>} : memref<16x1024xf32, #tpu.memory_space<vmem>>, vector<1x16xf32>,
        %add3A_622 = arith.constant 48 : i32
        %add3A_623 = arith.addi %add3A_575, %add3A_622 : i32
        %get3A_624 = arith.index_cast %add3A_565 : i32 to index
        %get3A_625 = arith.index_cast %add3A_623 : i32 to index
        %get3A_626 = tpu.vector_load %arg5[%get3A_624, %get3A_625] {strides = array<i32>} : memref<16x1024xf32, #tpu.memory_space<vmem>>, vector<1x16xf32>,
        %get3A_627 = vector.shape_cast %get3A_626 : vector<1x16xf32> to vector<1x16xf32>
        %get3A_628 = arith.index_cast %add3A_565 : i32 to index
        %get3A_629 = arith.index_cast %add3A_623 : i32 to index
        %get3A_630 = tpu.vector_load %arg7[%get3A_628, %get3A_629] {strides = array<i32>} : memref<16x1024xf32, #tpu.memory_space<vmem>>, vector<1x16xf32>,
        %get3A_631 = vector.shape_cast %get3A_630 : vector<1x16xf32> to vector<1x16xf32>
        %add3A_632 = arith.addf %get3A_627, %get3A_631 : vector<1x16xf32>
        %swap3A_633 = arith.index_cast %add3A_565 : i32 to index
        %swap3A_634 = arith.index_cast %add3A_623 : i32 to index
        %swap3A_635 = tpu.vector_load %arg9[%swap3A_633, %swap3A_634] {strides = array<i32>} : memref<16x1024xf32, #tpu.memory_space<vmem>>, vector<1x16xf32>,
        %swap3A_636 = vector.shape_cast %swap3A_635 : vector<1x16xf32> to vector<1x16xf32>
        %swap3A_637 = vector.shape_cast %add3A_632 : vector<1x16xf32> to vector<1x16xf32>
        tpu.vector_store %arg9[%swap3A_633, %swap3A_634], %swap3A_637 {strides = array<i32>} : memref<16x1024xf32, #tpu.memory_space<vmem>>, vector<1x16xf32>,
        %add3A_638 = arith.constant 64 : i32
        %add3A_639 = arith.addi %add3A_575, %add3A_638 : i32
        %get3A_640 = arith.index_cast %add3A_565 : i32 to index
        %get3A_641 = arith.index_cast %add3A_639 : i32 to index
        %get3A_642 = tpu.vector_load %arg5[%get3A_640, %get3A_641] {strides = array<i32>} : memref<16x1024xf32, #tpu.memory_space<vmem>>, vector<1x16xf32>,
        %get3A_643 = vector.shape_cast %get3A_642 : vector<1x16xf32> to vector<1x16xf32>
        %get3A_644 = arith.index_cast %add3A_565 : i32 to index
        %get3A_645 = arith.index_cast %add3A_639 : i32 to index
        %get3A_646 = tpu.vector_load %arg7[%get3A_644, %get3A_645] {strides = array<i32>} : memref<16x1024xf32, #tpu.memory_space<vmem>>, vector<1x16xf32>,
        %get3A_647 = vector.shape_cast %get3A_646 : vector<1x16xf32> to vector<1x16xf32>
        %add3A_648 = arith.addf %get3A_643, %get3A_647 : vector<1x16xf32>
        %swap3A_649 = arith.index_cast %add3A_565 : i32 to index
        %swap3A_650 = arith.index_cast %add3A_639 : i32 to index
        %swap3A_651 = tpu.vector_load %arg9[%swap3A_649, %swap3A_650] {strides = array<i32>} : memref<16x1024xf32, #tpu.memory_space<vmem>>, vector<1x16xf32>,
        %swap3A_652 = vector.shape_cast %swap3A_651 : vector<1x16xf32> to vector<1x16xf32>
        %swap3A_653 = vector.shape_cast %add3A_648 : vector<1x16xf32> to vector<1x16xf32>
        tpu.vector_store %arg9[%swap3A_649, %swap3A_650], %swap3A_653 {strides = array<i32>} : memref<16x1024xf32, #tpu.memory_space<vmem>>, vector<1x16xf32>,
        %add3A_654 = arith.constant 80 : i32
        %add3A_655 = arith.addi %add3A_575, %add3A_654 : i32
        %get3A_656 = arith.index_cast %add3A_565 : i32 to index
        %get3A_657 = arith.index_cast %add3A_655 : i32 to index
        %get3A_658 = tpu.vector_load %arg5[%get3A_656, %get3A_657] {strides = array<i32>} : memref<16x1024xf32, #tpu.memory_space<vmem>>, vector<1x16xf32>,
        %get3A_659 = vector.shape_cast %get3A_658 : vector<1x16xf32> to vector<1x16xf32>
        %get3A_660 = arith.index_cast %add3A_565 : i32 to index
        %get3A_661 = arith.index_cast %add3A_655 : i32 to index
        %get3A_662 = tpu.vector_load %arg7[%get3A_660, %get3A_661] {strides = array<i32>} : memref<16x1024xf32, #tpu.memory_space<vmem>>, vector<1x16xf32>,
        %get3A_663 = vector.shape_cast %get3A_662 : vector<1x16xf32> to vector<1x16xf32>
        %add3A_664 = arith.addf %get3A_659, %get3A_663 : vector<1x16xf32>
        %swap3A_665 = arith.index_cast %add3A_565 : i32 to index
        %swap3A_666 = arith.index_cast %add3A_655 : i32 to index
        %swap3A_667 = tpu.vector_load %arg9[%swap3A_665, %swap3A_666] {strides = array<i32>} : memref<16x1024xf32, #tpu.memory_space<vmem>>, vector<1x16xf32>,
        %swap3A_668 = vector.shape_cast %swap3A_667 : vector<1x16xf32> to vector<1x16xf32>
        %swap3A_669 = vector.shape_cast %add3A_664 : vector<1x16xf32> to vector<1x16xf32>
        tpu.vector_store %arg9[%swap3A_665, %swap3A_666], %swap3A_669 {strides = array<i32>} : memref<16x1024xf32, #tpu.memory_space<vmem>>, vector<1x16xf32>,
        %add3A_670 = arith.constant 96 : i32
        %add3A_671 = arith.addi %add3A_575, %add3A_670 : i32
        %get3A_672 = arith.index_cast %add3A_565 : i32 to index
        %get3A_673 = arith.index_cast %add3A_671 : i32 to index
        %get3A_674 = tpu.vector_load %arg5[%get3A_672, %get3A_673] {strides = array<i32>} : memref<16x1024xf32, #tpu.memory_space<vmem>>, vector<1x16xf32>,
        %get3A_675 = vector.shape_cast %get3A_674 : vector<1x16xf32> to vector<1x16xf32>
        %get3A_676 = arith.index_cast %add3A_565 : i32 to index
        %get3A_677 = arith.index_cast %add3A_671 : i32 to index
        %get3A_678 = tpu.vector_load %arg7[%get3A_676, %get3A_677] {strides = array<i32>} : memref<16x1024xf32, #tpu.memory_space<vmem>>, vector<1x16xf32>,
        %get3A_679 = vector.shape_cast %get3A_678 : vector<1x16xf32> to vector<1x16xf32>
        %add3A_680 = arith.addf %get3A_675, %get3A_679 : vector<1x16xf32>
        %swap3A_681 = arith.index_cast %add3A_565 : i32 to index
        %swap3A_682 = arith.index_cast %add3A_671 : i32 to index
        %swap3A_683 = tpu.vector_load %arg9[%swap3A_681, %swap3A_682] {strides = array<i32>} : memref<16x1024xf32, #tpu.memory_space<vmem>>, vector<1x16xf32>,
        %swap3A_684 = vector.shape_cast %swap3A_683 : vector<1x16xf32> to vector<1x16xf32>
        %swap3A_685 = vector.shape_cast %add3A_680 : vector<1x16xf32> to vector<1x16xf32>
        tpu.vector_store %arg9[%swap3A_681, %swap3A_682], %swap3A_685 {strides = array<i32>} : memref<16x1024xf32, #tpu.memory_space<vmem>>, vector<1x16xf32>,
        %add3A_686 = arith.constant 112 : i32
        %add3A_687 = arith.addi %add3A_575, %add3A_686 : i32
        %get3A_688 = arith.index_cast %add3A_565 : i32 to index
        %get3A_689 = arith.index_cast %add3A_687 : i32 to index
        %get3A_690 = tpu.vector_load %arg5[%get3A_688, %get3A_689] {strides = array<i32>} : memref<16x1024xf32, #tpu.memory_space<vmem>>, vector<1x16xf32>,
        %get3A_691 = vector.shape_cast %get3A_690 : vector<1x16xf32> to vector<1x16xf32>
        %get3A_692 = arith.index_cast %add3A_565 : i32 to index
        %get3A_693 = arith.index_cast %add3A_687 : i32 to index
        %get3A_694 = tpu.vector_load %arg7[%get3A_692, %get3A_693] {strides = array<i32>} : memref<16x1024xf32, #tpu.memory_space<vmem>>, vector<1x16xf32>,
        %get3A_695 = vector.shape_cast %get3A_694 : vector<1x16xf32> to vector<1x16xf32>
        %add3A_696 = arith.addf %get3A_691, %get3A_695 : vector<1x16xf32>
        %swap3A_697 = arith.index_cast %add3A_565 : i32 to index
        %swap3A_698 = arith.index_cast %add3A_687 : i32 to index
        %swap3A_699 = tpu.vector_load %arg9[%swap3A_697, %swap3A_698] {strides = array<i32>} : memref<16x1024xf32, #tpu.memory_space<vmem>>, vector<1x16xf32>,
        %swap3A_700 = vector.shape_cast %swap3A_699 : vector<1x16xf32> to vector<1x16xf32>
        %swap3A_701 = vector.shape_cast %add3A_696 : vector<1x16xf32> to vector<1x16xf32>
        tpu.vector_store %arg9[%swap3A_697, %swap3A_698], %swap3A_701 {strides = array<i32>} : memref<16x1024xf32, #tpu.memory_space<vmem>>, vector<1x16xf32>,
      }
      %scan3A_570 = arith.constant 8 : i32
    }
    %scan3A_37 = arith.constant 16 : i32
    %add3A_38 = arith.constant 0 : i32
    %add3A_39 = arith.addi %mul3A_2, %add3A_38 : i32
    %dma_start3A_40 = arith.constant 0 : i32
    %dma_start3A_41 = tpu.memref_slice %arg4[%add3A_39, %dma_start3A_40] : memref<8192x1024xf32, #tpu.memory_space<hbm>> -> memref<16x1024xf32, #tpu.memory_space<hbm>>
    %dma_start3A_42 = arith.constant 0 : i32
    %dma_start3A_43 = tpu.memref_slice %arg4[%add3A_39, %dma_start3A_42] : memref<8192x1024xf32, #tpu.memory_space<hbm>> -> memref<16x1024xf32, #tpu.memory_space<hbm>>
    tpu.enqueue_dma source(%arg9 : memref<16x1024xf32, #tpu.memory_space<vmem>>) target(%dma_start3A_43 : memref<16x1024xf32, #tpu.memory_space<hbm>>) target_semaphore(%arg15 : memref<!tpu.dma_semaphore, #tpu.memory_space<semaphore_mem>>)
    %add3A_44 = arith.constant 32 : i32
    %add3A_45 = arith.addi %mul3A_2, %add3A_44 : i32
    %add3A_46 = arith.constant 32 : i32
    %add3A_47 = arith.addi %rem3A_3, %add3A_46 : i32
    %dma_start3A_48 = arith.constant 0 : i32
    %dma_start3A_49 = tpu.memref_slice %arg2[%add3A_45, %dma_start3A_48] : memref<8192x1024xf32, #tpu.memory_space<hbm>> -> memref<16x1024xf32, #tpu.memory_space<hbm>>
    %dma_start3A_50 = arith.constant 0 : i32
    %dma_start3A_51 = tpu.memref_slice %arg2[%add3A_45, %dma_start3A_50] : memref<8192x1024xf32, #tpu.memory_space<hbm>> -> memref<16x1024xf32, #tpu.memory_space<hbm>>
    tpu.enqueue_dma source(%dma_start3A_51 : memref<16x1024xf32, #tpu.memory_space<hbm>>) target(%arg5 : memref<16x1024xf32, #tpu.memory_space<vmem>>) target_semaphore(%arg11 : memref<!tpu.dma_semaphore, #tpu.memory_space<semaphore_mem>>)
    %dma_start3A_52 = arith.constant 0 : i32
    %dma_start3A_53 = tpu.memref_slice %arg3[%add3A_47, %dma_start3A_52] : memref<2048x1024xf32, #tpu.memory_space<hbm>> -> memref<16x1024xf32, #tpu.memory_space<hbm>>
    %dma_start3A_54 = arith.constant 0 : i32
    %dma_start3A_55 = tpu.memref_slice %arg3[%add3A_47, %dma_start3A_54] : memref<2048x1024xf32, #tpu.memory_space<hbm>> -> memref<16x1024xf32, #tpu.memory_space<hbm>>
    tpu.enqueue_dma source(%dma_start3A_55 : memref<16x1024xf32, #tpu.memory_space<hbm>>) target(%arg7 : memref<16x1024xf32, #tpu.memory_space<vmem>>) target_semaphore(%arg13 : memref<!tpu.dma_semaphore, #tpu.memory_space<semaphore_mem>>)
    %dma_wait3A_56 = arith.constant 0 : i32
    %dma_wait3A_57 = tpu.memref_slice %arg2[%add3A_16, %dma_wait3A_56] : memref<8192x1024xf32, #tpu.memory_space<hbm>> -> memref<16x1024xf32, #tpu.memory_space<hbm>>
    %dma_wait3A_58 = arith.constant 0 : i32
    %dma_wait3A_59 = tpu.memref_slice %arg2[%add3A_16, %dma_wait3A_58] : memref<8192x1024xf32, #tpu.memory_space<hbm>> -> memref<16x1024xf32, #tpu.memory_space<hbm>>
    tpu.wait_dma2 semaphore(%arg12 : memref<!tpu.dma_semaphore, #tpu.memory_space<semaphore_mem>>) src(%dma_wait3A_59 : memref<16x1024xf32, #tpu.memory_space<hbm>>) dst(%arg6 : memref<16x1024xf32, #tpu.memory_space<vmem>>)
    %dma_wait3A_60 = arith.constant 0 : i32
    %dma_wait3A_61 = tpu.memref_slice %arg3[%add3A_18, %dma_wait3A_60] : memref<2048x1024xf32, #tpu.memory_space<hbm>> -> memref<16x1024xf32, #tpu.memory_space<hbm>>
    %dma_wait3A_62 = arith.constant 0 : i32
    %dma_wait3A_63 = tpu.memref_slice %arg3[%add3A_18, %dma_wait3A_62] : memref<2048x1024xf32, #tpu.memory_space<hbm>> -> memref<16x1024xf32, #tpu.memory_space<hbm>>
    tpu.wait_dma2 semaphore(%arg14 : memref<!tpu.dma_semaphore, #tpu.memory_space<semaphore_mem>>) src(%dma_wait3A_63 : memref<16x1024xf32, #tpu.memory_space<hbm>>) dst(%arg8 : memref<16x1024xf32, #tpu.memory_space<vmem>>)
    %scan3A_64 = arith.constant 0 : i32
    %scan3A_65 = arith.constant 16 : i32
    %scan3A_66 = arith.addi %scan3A_64, %scan3A_65 : i32
    %scan3A_67 = arith.constant 1 : i32
    scf.for %scan3A_561 = %scan3A_64 to %scan3A_66 step %scan3A_67  : i32 {
      %mul3A_562 = arith.constant 1 : i32
      %mul3A_563 = arith.muli %scan3A_561, %mul3A_562 : i32
      %add3A_564 = arith.constant 0 : i32
      %add3A_565 = arith.addi %add3A_564, %mul3A_563 : i32
      %scan3A_566 = arith.constant 0 : i32
      %scan3A_567 = arith.constant 8 : i32
      %scan3A_568 = arith.addi %scan3A_566, %scan3A_567 : i32
      %scan3A_569 = arith.constant 1 : i32
      scf.for %scan3A_571 = %scan3A_566 to %scan3A_568 step %scan3A_569  : i32 {
        %mul3A_572 = arith.constant 128 : i32
        %mul3A_573 = arith.muli %scan3A_571, %mul3A_572 : i32
        %add3A_574 = arith.constant 0 : i32
        %add3A_575 = arith.addi %add3A_574, %mul3A_573 : i32
        %add3A_576 = arith.constant 0 : i32
        %add3A_577 = arith.addi %add3A_575, %add3A_576 : i32
        %get3A = arith.index_cast %add3A_565 : i32 to index
        %get3A_578 = arith.index_cast %add3A_577 : i32 to index
        %get3A_579 = tpu.vector_load %arg6[%get3A, %get3A_578] {strides = array<i32>} : memref<16x1024xf32, #tpu.memory_space<vmem>>, vector<1x16xf32>,
        %get3A_580 = vector.shape_cast %get3A_579 : vector<1x16xf32> to vector<1x16xf32>
        %get3A_581 = arith.index_cast %add3A_565 : i32 to index
        %get3A_582 = arith.index_cast %add3A_577 : i32 to index
        %get3A_583 = tpu.vector_load %arg8[%get3A_581, %get3A_582] {strides = array<i32>} : memref<16x1024xf32, #tpu.memory_space<vmem>>, vector<1x16xf32>,
        %get3A_584 = vector.shape_cast %get3A_583 : vector<1x16xf32> to vector<1x16xf32>
        %add3A_585 = arith.addf %get3A_580, %get3A_584 : vector<1x16xf32>
        %swap3A = arith.index_cast %add3A_565 : i32 to index
        %swap3A_586 = arith.index_cast %add3A_577 : i32 to index
        %swap3A_587 = tpu.vector_load %arg10[%swap3A, %swap3A_586] {strides = array<i32>} : memref<16x1024xf32, #tpu.memory_space<vmem>>, vector<1x16xf32>,
        %swap3A_588 = vector.shape_cast %swap3A_587 : vector<1x16xf32> to vector<1x16xf32>
        %swap3A_589 = vector.shape_cast %add3A_585 : vector<1x16xf32> to vector<1x16xf32>
        tpu.vector_store %arg10[%swap3A, %swap3A_586], %swap3A_589 {strides = array<i32>} : memref<16x1024xf32, #tpu.memory_space<vmem>>, vector<1x16xf32>,
        %add3A_590 = arith.constant 16 : i32
        %add3A_591 = arith.addi %add3A_575, %add3A_590 : i32
        %get3A_592 = arith.index_cast %add3A_565 : i32 to index
        %get3A_593 = arith.index_cast %add3A_591 : i32 to index
        %get3A_594 = tpu.vector_load %arg6[%get3A_592, %get3A_593] {strides = array<i32>} : memref<16x1024xf32, #tpu.memory_space<vmem>>, vector<1x16xf32>,
        %get3A_595 = vector.shape_cast %get3A_594 : vector<1x16xf32> to vector<1x16xf32>
        %get3A_596 = arith.index_cast %add3A_565 : i32 to index
        %get3A_597 = arith.index_cast %add3A_591 : i32 to index
        %get3A_598 = tpu.vector_load %arg8[%get3A_596, %get3A_597] {strides = array<i32>} : memref<16x1024xf32, #tpu.memory_space<vmem>>, vector<1x16xf32>,
        %get3A_599 = vector.shape_cast %get3A_598 : vector<1x16xf32> to vector<1x16xf32>
        %add3A_600 = arith.addf %get3A_595, %get3A_599 : vector<1x16xf32>
        %swap3A_601 = arith.index_cast %add3A_565 : i32 to index
        %swap3A_602 = arith.index_cast %add3A_591 : i32 to index
        %swap3A_603 = tpu.vector_load %arg10[%swap3A_601, %swap3A_602] {strides = array<i32>} : memref<16x1024xf32, #tpu.memory_space<vmem>>, vector<1x16xf32>,
        %swap3A_604 = vector.shape_cast %swap3A_603 : vector<1x16xf32> to vector<1x16xf32>
        %swap3A_605 = vector.shape_cast %add3A_600 : vector<1x16xf32> to vector<1x16xf32>
        tpu.vector_store %arg10[%swap3A_601, %swap3A_602], %swap3A_605 {strides = array<i32>} : memref<16x1024xf32, #tpu.memory_space<vmem>>, vector<1x16xf32>,
        %add3A_606 = arith.constant 32 : i32
        %add3A_607 = arith.addi %add3A_575, %add3A_606 : i32
        %get3A_608 = arith.index_cast %add3A_565 : i32 to index
        %get3A_609 = arith.index_cast %add3A_607 : i32 to index
        %get3A_610 = tpu.vector_load %arg6[%get3A_608, %get3A_609] {strides = array<i32>} : memref<16x1024xf32, #tpu.memory_space<vmem>>, vector<1x16xf32>,
        %get3A_611 = vector.shape_cast %get3A_610 : vector<1x16xf32> to vector<1x16xf32>
        %get3A_612 = arith.index_cast %add3A_565 : i32 to index
        %get3A_613 = arith.index_cast %add3A_607 : i32 to index
        %get3A_614 = tpu.vector_load %arg8[%get3A_612, %get3A_613] {strides = array<i32>} : memref<16x1024xf32, #tpu.memory_space<vmem>>, vector<1x16xf32>,
        %get3A_615 = vector.shape_cast %get3A_614 : vector<1x16xf32> to vector<1x16xf32>
        %add3A_616 = arith.addf %get3A_611, %get3A_615 : vector<1x16xf32>
        %swap3A_617 = arith.index_cast %add3A_565 : i32 to index
        %swap3A_618 = arith.index_cast %add3A_607 : i32 to index
        %swap3A_619 = tpu.vector_load %arg10[%swap3A_617, %swap3A_618] {strides = array<i32>} : memref<16x1024xf32, #tpu.memory_space<vmem>>, vector<1x16xf32>,
        %swap3A_620 = vector.shape_cast %swap3A_619 : vector<1x16xf32> to vector<1x16xf32>
        %swap3A_621 = vector.shape_cast %add3A_616 : vector<1x16xf32> to vector<1x16xf32>
        tpu.vector_store %arg10[%swap3A_617, %swap3A_618], %swap3A_621 {strides = array<i32>} : memref<16x1024xf32, #tpu.memory_space<vmem>>, vector<1x16xf32>,
        %add3A_622 = arith.constant 48 : i32
        %add3A_623 = arith.addi %add3A_575, %add3A_622 : i32
        %get3A_624 = arith.index_cast %add3A_565 : i32 to index
        %get3A_625 = arith.index_cast %add3A_623 : i32 to index
        %get3A_626 = tpu.vector_load %arg6[%get3A_624, %get3A_625] {strides = array<i32>} : memref<16x1024xf32, #tpu.memory_space<vmem>>, vector<1x16xf32>,
        %get3A_627 = vector.shape_cast %get3A_626 : vector<1x16xf32> to vector<1x16xf32>
        %get3A_628 = arith.index_cast %add3A_565 : i32 to index
        %get3A_629 = arith.index_cast %add3A_623 : i32 to index
        %get3A_630 = tpu.vector_load %arg8[%get3A_628, %get3A_629] {strides = array<i32>} : memref<16x1024xf32, #tpu.memory_space<vmem>>, vector<1x16xf32>,
        %get3A_631 = vector.shape_cast %get3A_630 : vector<1x16xf32> to vector<1x16xf32>
        %add3A_632 = arith.addf %get3A_627, %get3A_631 : vector<1x16xf32>
        %swap3A_633 = arith.index_cast %add3A_565 : i32 to index
        %swap3A_634 = arith.index_cast %add3A_623 : i32 to index
        %swap3A_635 = tpu.vector_load %arg10[%swap3A_633, %swap3A_634] {strides = array<i32>} : memref<16x1024xf32, #tpu.memory_space<vmem>>, vector<1x16xf32>,
        %swap3A_636 = vector.shape_cast %swap3A_635 : vector<1x16xf32> to vector<1x16xf32>
        %swap3A_637 = vector.shape_cast %add3A_632 : vector<1x16xf32> to vector<1x16xf32>
        tpu.vector_store %arg10[%swap3A_633, %swap3A_634], %swap3A_637 {strides = array<i32>} : memref<16x1024xf32, #tpu.memory_space<vmem>>, vector<1x16xf32>,
        %add3A_638 = arith.constant 64 : i32
        %add3A_639 = arith.addi %add3A_575, %add3A_638 : i32
        %get3A_640 = arith.index_cast %add3A_565 : i32 to index
        %get3A_641 = arith.index_cast %add3A_639 : i32 to index
        %get3A_642 = tpu.vector_load %arg6[%get3A_640, %get3A_641] {strides = array<i32>} : memref<16x1024xf32, #tpu.memory_space<vmem>>, vector<1x16xf32>,
        %get3A_643 = vector.shape_cast %get3A_642 : vector<1x16xf32> to vector<1x16xf32>
        %get3A_644 = arith.index_cast %add3A_565 : i32 to index
        %get3A_645 = arith.index_cast %add3A_639 : i32 to index
        %get3A_646 = tpu.vector_load %arg8[%get3A_644, %get3A_645] {strides = array<i32>} : memref<16x1024xf32, #tpu.memory_space<vmem>>, vector<1x16xf32>,
        %get3A_647 = vector.shape_cast %get3A_646 : vector<1x16xf32> to vector<1x16xf32>
        %add3A_648 = arith.addf %get3A_643, %get3A_647 : vector<1x16xf32>
        %swap3A_649 = arith.index_cast %add3A_565 : i32 to index
        %swap3A_650 = arith.index_cast %add3A_639 : i32 to index
        %swap3A_651 = tpu.vector_load %arg10[%swap3A_649, %swap3A_650] {strides = array<i32>} : memref<16x1024xf32, #tpu.memory_space<vmem>>, vector<1x16xf32>,
        %swap3A_652 = vector.shape_cast %swap3A_651 : vector<1x16xf32> to vector<1x16xf32>
        %swap3A_653 = vector.shape_cast %add3A_648 : vector<1x16xf32> to vector<1x16xf32>
        tpu.vector_store %arg10[%swap3A_649, %swap3A_650], %swap3A_653 {strides = array<i32>} : memref<16x1024xf32, #tpu.memory_space<vmem>>, vector<1x16xf32>,
        %add3A_654 = arith.constant 80 : i32
        %add3A_655 = arith.addi %add3A_575, %add3A_654 : i32
        %get3A_656 = arith.index_cast %add3A_565 : i32 to index
        %get3A_657 = arith.index_cast %add3A_655 : i32 to index
        %get3A_658 = tpu.vector_load %arg6[%get3A_656, %get3A_657] {strides = array<i32>} : memref<16x1024xf32, #tpu.memory_space<vmem>>, vector<1x16xf32>,
        %get3A_659 = vector.shape_cast %get3A_658 : vector<1x16xf32> to vector<1x16xf32>
        %get3A_660 = arith.index_cast %add3A_565 : i32 to index
        %get3A_661 = arith.index_cast %add3A_655 : i32 to index
        %get3A_662 = tpu.vector_load %arg8[%get3A_660, %get3A_661] {strides = array<i32>} : memref<16x1024xf32, #tpu.memory_space<vmem>>, vector<1x16xf32>,
        %get3A_663 = vector.shape_cast %get3A_662 : vector<1x16xf32> to vector<1x16xf32>
        %add3A_664 = arith.addf %get3A_659, %get3A_663 : vector<1x16xf32>
        %swap3A_665 = arith.index_cast %add3A_565 : i32 to index
        %swap3A_666 = arith.index_cast %add3A_655 : i32 to index
        %swap3A_667 = tpu.vector_load %arg10[%swap3A_665, %swap3A_666] {strides = array<i32>} : memref<16x1024xf32, #tpu.memory_space<vmem>>, vector<1x16xf32>,
        %swap3A_668 = vector.shape_cast %swap3A_667 : vector<1x16xf32> to vector<1x16xf32>
        %swap3A_669 = vector.shape_cast %add3A_664 : vector<1x16xf32> to vector<1x16xf32>
        tpu.vector_store %arg10[%swap3A_665, %swap3A_666], %swap3A_669 {strides = array<i32>} : memref<16x1024xf32, #tpu.memory_space<vmem>>, vector<1x16xf32>,
        %add3A_670 = arith.constant 96 : i32
        %add3A_671 = arith.addi %add3A_575, %add3A_670 : i32
        %get3A_672 = arith.index_cast %add3A_565 : i32 to index
        %get3A_673 = arith.index_cast %add3A_671 : i32 to index
        %get3A_674 = tpu.vector_load %arg6[%get3A_672, %get3A_673] {strides = array<i32>} : memref<16x1024xf32, #tpu.memory_space<vmem>>, vector<1x16xf32>,
        %get3A_675 = vector.shape_cast %get3A_674 : vector<1x16xf32> to vector<1x16xf32>
        %get3A_676 = arith.index_cast %add3A_565 : i32 to index
        %get3A_677 = arith.index_cast %add3A_671 : i32 to index
        %get3A_678 = tpu.vector_load %arg8[%get3A_676, %get3A_677] {strides = array<i32>} : memref<16x1024xf32, #tpu.memory_space<vmem>>, vector<1x16xf32>,
        %get3A_679 = vector.shape_cast %get3A_678 : vector<1x16xf32> to vector<1x16xf32>
        %add3A_680 = arith.addf %get3A_675, %get3A_679 : vector<1x16xf32>
        %swap3A_681 = arith.index_cast %add3A_565 : i32 to index
        %swap3A_682 = arith.index_cast %add3A_671 : i32 to index
        %swap3A_683 = tpu.vector_load %arg10[%swap3A_681, %swap3A_682] {strides = array<i32>} : memref<16x1024xf32, #tpu.memory_space<vmem>>, vector<1x16xf32>,
        %swap3A_684 = vector.shape_cast %swap3A_683 : vector<1x16xf32> to vector<1x16xf32>
        %swap3A_685 = vector.shape_cast %add3A_680 : vector<1x16xf32> to vector<1x16xf32>
        tpu.vector_store %arg10[%swap3A_681, %swap3A_682], %swap3A_685 {strides = array<i32>} : memref<16x1024xf32, #tpu.memory_space<vmem>>, vector<1x16xf32>,
        %add3A_686 = arith.constant 112 : i32
        %add3A_687 = arith.addi %add3A_575, %add3A_686 : i32
        %get3A_688 = arith.index_cast %add3A_565 : i32 to index
        %get3A_689 = arith.index_cast %add3A_687 : i32 to index
        %get3A_690 = tpu.vector_load %arg6[%get3A_688, %get3A_689] {strides = array<i32>} : memref<16x1024xf32, #tpu.memory_space<vmem>>, vector<1x16xf32>,
        %get3A_691 = vector.shape_cast %get3A_690 : vector<1x16xf32> to vector<1x16xf32>
        %get3A_692 = arith.index_cast %add3A_565 : i32 to index
        %get3A_693 = arith.index_cast %add3A_687 : i32 to index
        %get3A_694 = tpu.vector_load %arg8[%get3A_692, %get3A_693] {strides = array<i32>} : memref<16x1024xf32, #tpu.memory_space<vmem>>, vector<1x16xf32>,
        %get3A_695 = vector.shape_cast %get3A_694 : vector<1x16xf32> to vector<1x16xf32>
        %add3A_696 = arith.addf %get3A_691, %get3A_695 : vector<1x16xf32>
        %swap3A_697 = arith.index_cast %add3A_565 : i32 to index
        %swap3A_698 = arith.index_cast %add3A_687 : i32 to index
        %swap3A_699 = tpu.vector_load %arg10[%swap3A_697, %swap3A_698] {strides = array<i32>} : memref<16x1024xf32, #tpu.memory_space<vmem>>, vector<1x16xf32>,
        %swap3A_700 = vector.shape_cast %swap3A_699 : vector<1x16xf32> to vector<1x16xf32>
        %swap3A_701 = vector.shape_cast %add3A_696 : vector<1x16xf32> to vector<1x16xf32>
        tpu.vector_store %arg10[%swap3A_697, %swap3A_698], %swap3A_701 {strides = array<i32>} : memref<16x1024xf32, #tpu.memory_space<vmem>>, vector<1x16xf32>,
      }
      %scan3A_570 = arith.constant 8 : i32
    }
    %scan3A_68 = arith.constant 16 : i32
    %add3A_69 = arith.constant 16 : i32
    %add3A_70 = arith.addi %mul3A_2, %add3A_69 : i32
    %dma_start3A_71 = arith.constant 0 : i32
    %dma_start3A_72 = tpu.memref_slice %arg4[%add3A_70, %dma_start3A_71] : memref<8192x1024xf32, #tpu.memory_space<hbm>> -> memref<16x1024xf32, #tpu.memory_space<hbm>>
    %dma_start3A_73 = arith.constant 0 : i32
    %dma_start3A_74 = tpu.memref_slice %arg4[%add3A_70, %dma_start3A_73] : memref<8192x1024xf32, #tpu.memory_space<hbm>> -> memref<16x1024xf32, #tpu.memory_space<hbm>>
    tpu.enqueue_dma source(%arg10 : memref<16x1024xf32, #tpu.memory_space<vmem>>) target(%dma_start3A_74 : memref<16x1024xf32, #tpu.memory_space<hbm>>) target_semaphore(%arg16 : memref<!tpu.dma_semaphore, #tpu.memory_space<semaphore_mem>>)
    %add3A_75 = arith.constant 48 : i32
    %add3A_76 = arith.addi %mul3A_2, %add3A_75 : i32
    %add3A_77 = arith.constant 48 : i32
    %add3A_78 = arith.addi %rem3A_3, %add3A_77 : i32
    %dma_start3A_79 = arith.constant 0 : i32
    %dma_start3A_80 = tpu.memref_slice %arg2[%add3A_76, %dma_start3A_79] : memref<8192x1024xf32, #tpu.memory_space<hbm>> -> memref<16x1024xf32, #tpu.memory_space<hbm>>
    %dma_start3A_81 = arith.constant 0 : i32
    %dma_start3A_82 = tpu.memref_slice %arg2[%add3A_76, %dma_start3A_81] : memref<8192x1024xf32, #tpu.memory_space<hbm>> -> memref<16x1024xf32, #tpu.memory_space<hbm>>
    tpu.enqueue_dma source(%dma_start3A_82 : memref<16x1024xf32, #tpu.memory_space<hbm>>) target(%arg6 : memref<16x1024xf32, #tpu.memory_space<vmem>>) target_semaphore(%arg12 : memref<!tpu.dma_semaphore, #tpu.memory_space<semaphore_mem>>)
    %dma_start3A_83 = arith.constant 0 : i32
    %dma_start3A_84 = tpu.memref_slice %arg3[%add3A_78, %dma_start3A_83] : memref<2048x1024xf32, #tpu.memory_space<hbm>> -> memref<16x1024xf32, #tpu.memory_space<hbm>>
    %dma_start3A_85 = arith.constant 0 : i32
    %dma_start3A_86 = tpu.memref_slice %arg3[%add3A_78, %dma_start3A_85] : memref<2048x1024xf32, #tpu.memory_space<hbm>> -> memref<16x1024xf32, #tpu.memory_space<hbm>>
    tpu.enqueue_dma source(%dma_start3A_86 : memref<16x1024xf32, #tpu.memory_space<hbm>>) target(%arg8 : memref<16x1024xf32, #tpu.memory_space<vmem>>) target_semaphore(%arg14 : memref<!tpu.dma_semaphore, #tpu.memory_space<semaphore_mem>>)
    %dma_wait3A_87 = arith.constant 0 : i32
    %dma_wait3A_88 = tpu.memref_slice %arg2[%add3A_45, %dma_wait3A_87] : memref<8192x1024xf32, #tpu.memory_space<hbm>> -> memref<16x1024xf32, #tpu.memory_space<hbm>>
    %dma_wait3A_89 = arith.constant 0 : i32
    %dma_wait3A_90 = tpu.memref_slice %arg2[%add3A_45, %dma_wait3A_89] : memref<8192x1024xf32, #tpu.memory_space<hbm>> -> memref<16x1024xf32, #tpu.memory_space<hbm>>
    tpu.wait_dma2 semaphore(%arg11 : memref<!tpu.dma_semaphore, #tpu.memory_space<semaphore_mem>>) src(%dma_wait3A_90 : memref<16x1024xf32, #tpu.memory_space<hbm>>) dst(%arg5 : memref<16x1024xf32, #tpu.memory_space<vmem>>)
    %dma_wait3A_91 = arith.constant 0 : i32
    %dma_wait3A_92 = tpu.memref_slice %arg3[%add3A_47, %dma_wait3A_91] : memref<2048x1024xf32, #tpu.memory_space<hbm>> -> memref<16x1024xf32, #tpu.memory_space<hbm>>
    %dma_wait3A_93 = arith.constant 0 : i32
    %dma_wait3A_94 = tpu.memref_slice %arg3[%add3A_47, %dma_wait3A_93] : memref<2048x1024xf32, #tpu.memory_space<hbm>> -> memref<16x1024xf32, #tpu.memory_space<hbm>>
    tpu.wait_dma2 semaphore(%arg13 : memref<!tpu.dma_semaphore, #tpu.memory_space<semaphore_mem>>) src(%dma_wait3A_94 : memref<16x1024xf32, #tpu.memory_space<hbm>>) dst(%arg7 : memref<16x1024xf32, #tpu.memory_space<vmem>>)
    %dma_wait3A_95 = arith.constant 0 : i32
    %dma_wait3A_96 = tpu.memref_slice %arg4[%add3A_39, %dma_wait3A_95] : memref<8192x1024xf32, #tpu.memory_space<hbm>> -> memref<16x1024xf32, #tpu.memory_space<hbm>>
    %dma_wait3A_97 = arith.constant 0 : i32
    %dma_wait3A_98 = tpu.memref_slice %arg4[%add3A_39, %dma_wait3A_97] : memref<8192x1024xf32, #tpu.memory_space<hbm>> -> memref<16x1024xf32, #tpu.memory_space<hbm>>
    tpu.wait_dma2 semaphore(%arg15 : memref<!tpu.dma_semaphore, #tpu.memory_space<semaphore_mem>>) src(%arg9 : memref<16x1024xf32, #tpu.memory_space<vmem>>) dst(%dma_wait3A_98 : memref<16x1024xf32, #tpu.memory_space<hbm>>)
    %scan3A_99 = arith.constant 0 : i32
    %scan3A_100 = arith.constant 16 : i32
    %scan3A_101 = arith.addi %scan3A_99, %scan3A_100 : i32
    %scan3A_102 = arith.constant 1 : i32
    scf.for %scan3A_561 = %scan3A_99 to %scan3A_101 step %scan3A_102  : i32 {
      %mul3A_562 = arith.constant 1 : i32
      %mul3A_563 = arith.muli %scan3A_561, %mul3A_562 : i32
      %add3A_564 = arith.constant 0 : i32
      %add3A_565 = arith.addi %add3A_564, %mul3A_563 : i32
      %scan3A_566 = arith.constant 0 : i32
      %scan3A_567 = arith.constant 8 : i32
      %scan3A_568 = arith.addi %scan3A_566, %scan3A_567 : i32
      %scan3A_569 = arith.constant 1 : i32
      scf.for %scan3A_571 = %scan3A_566 to %scan3A_568 step %scan3A_569  : i32 {
        %mul3A_572 = arith.constant 128 : i32
        %mul3A_573 = arith.muli %scan3A_571, %mul3A_572 : i32
        %add3A_574 = arith.constant 0 : i32
        %add3A_575 = arith.addi %add3A_574, %mul3A_573 : i32
        %add3A_576 = arith.constant 0 : i32
        %add3A_577 = arith.addi %add3A_575, %add3A_576 : i32
        %get3A = arith.index_cast %add3A_565 : i32 to index
        %get3A_578 = arith.index_cast %add3A_577 : i32 to index
        %get3A_579 = tpu.vector_load %arg5[%get3A, %get3A_578] {strides = array<i32>} : memref<16x1024xf32, #tpu.memory_space<vmem>>, vector<1x16xf32>,
        %get3A_580 = vector.shape_cast %get3A_579 : vector<1x16xf32> to vector<1x16xf32>
        %get3A_581 = arith.index_cast %add3A_565 : i32 to index
        %get3A_582 = arith.index_cast %add3A_577 : i32 to index
        %get3A_583 = tpu.vector_load %arg7[%get3A_581, %get3A_582] {strides = array<i32>} : memref<16x1024xf32, #tpu.memory_space<vmem>>, vector<1x16xf32>,
        %get3A_584 = vector.shape_cast %get3A_583 : vector<1x16xf32> to vector<1x16xf32>
        %add3A_585 = arith.addf %get3A_580, %get3A_584 : vector<1x16xf32>
        %swap3A = arith.index_cast %add3A_565 : i32 to index
        %swap3A_586 = arith.index_cast %add3A_577 : i32 to index
        %swap3A_587 = tpu.vector_load %arg9[%swap3A, %swap3A_586] {strides = array<i32>} : memref<16x1024xf32, #tpu.memory_space<vmem>>, vector<1x16xf32>,
        %swap3A_588 = vector.shape_cast %swap3A_587 : vector<1x16xf32> to vector<1x16xf32>
        %swap3A_589 = vector.shape_cast %add3A_585 : vector<1x16xf32> to vector<1x16xf32>
        tpu.vector_store %arg9[%swap3A, %swap3A_586], %swap3A_589 {strides = array<i32>} : memref<16x1024xf32, #tpu.memory_space<vmem>>, vector<1x16xf32>,
        %add3A_590 = arith.constant 16 : i32
        %add3A_591 = arith.addi %add3A_575, %add3A_590 : i32
        %get3A_592 = arith.index_cast %add3A_565 : i32 to index
        %get3A_593 = arith.index_cast %add3A_591 : i32 to index
        %get3A_594 = tpu.vector_load %arg5[%get3A_592, %get3A_593] {strides = array<i32>} : memref<16x1024xf32, #tpu.memory_space<vmem>>, vector<1x16xf32>,
        %get3A_595 = vector.shape_cast %get3A_594 : vector<1x16xf32> to vector<1x16xf32>
        %get3A_596 = arith.index_cast %add3A_565 : i32 to index
        %get3A_597 = arith.index_cast %add3A_591 : i32 to index
        %get3A_598 = tpu.vector_load %arg7[%get3A_596, %get3A_597] {strides = array<i32>} : memref<16x1024xf32, #tpu.memory_space<vmem>>, vector<1x16xf32>,
        %get3A_599 = vector.shape_cast %get3A_598 : vector<1x16xf32> to vector<1x16xf32>
        %add3A_600 = arith.addf %get3A_595, %get3A_599 : vector<1x16xf32>
        %swap3A_601 = arith.index_cast %add3A_565 : i32 to index
        %swap3A_602 = arith.index_cast %add3A_591 : i32 to index
        %swap3A_603 = tpu.vector_load %arg9[%swap3A_601, %swap3A_602] {strides = array<i32>} : memref<16x1024xf32, #tpu.memory_space<vmem>>, vector<1x16xf32>,
        %swap3A_604 = vector.shape_cast %swap3A_603 : vector<1x16xf32> to vector<1x16xf32>
        %swap3A_605 = vector.shape_cast %add3A_600 : vector<1x16xf32> to vector<1x16xf32>
        tpu.vector_store %arg9[%swap3A_601, %swap3A_602], %swap3A_605 {strides = array<i32>} : memref<16x1024xf32, #tpu.memory_space<vmem>>, vector<1x16xf32>,
        %add3A_606 = arith.constant 32 : i32
        %add3A_607 = arith.addi %add3A_575, %add3A_606 : i32
        %get3A_608 = arith.index_cast %add3A_565 : i32 to index
        %get3A_609 = arith.index_cast %add3A_607 : i32 to index
        %get3A_610 = tpu.vector_load %arg5[%get3A_608, %get3A_609] {strides = array<i32>} : memref<16x1024xf32, #tpu.memory_space<vmem>>, vector<1x16xf32>,
        %get3A_611 = vector.shape_cast %get3A_610 : vector<1x16xf32> to vector<1x16xf32>
        %get3A_612 = arith.index_cast %add3A_565 : i32 to index
        %get3A_613 = arith.index_cast %add3A_607 : i32 to index
        %get3A_614 = tpu.vector_load %arg7[%get3A_612, %get3A_613] {strides = array<i32>} : memref<16x1024xf32, #tpu.memory_space<vmem>>, vector<1x16xf32>,
        %get3A_615 = vector.shape_cast %get3A_614 : vector<1x16xf32> to vector<1x16xf32>
        %add3A_616 = arith.addf %get3A_611, %get3A_615 : vector<1x16xf32>
        %swap3A_617 = arith.index_cast %add3A_565 : i32 to index
        %swap3A_618 = arith.index_cast %add3A_607 : i32 to index
        %swap3A_619 = tpu.vector_load %arg9[%swap3A_617, %swap3A_618] {strides = array<i32>} : memref<16x1024xf32, #tpu.memory_space<vmem>>, vector<1x16xf32>,
        %swap3A_620 = vector.shape_cast %swap3A_619 : vector<1x16xf32> to vector<1x16xf32>
        %swap3A_621 = vector.shape_cast %add3A_616 : vector<1x16xf32> to vector<1x16xf32>
        tpu.vector_store %arg9[%swap3A_617, %swap3A_618], %swap3A_621 {strides = array<i32>} : memref<16x1024xf32, #tpu.memory_space<vmem>>, vector<1x16xf32>,
        %add3A_622 = arith.constant 48 : i32
        %add3A_623 = arith.addi %add3A_575, %add3A_622 : i32
        %get3A_624 = arith.index_cast %add3A_565 : i32 to index
        %get3A_625 = arith.index_cast %add3A_623 : i32 to index
        %get3A_626 = tpu.vector_load %arg5[%get3A_624, %get3A_625] {strides = array<i32>} : memref<16x1024xf32, #tpu.memory_space<vmem>>, vector<1x16xf32>,
        %get3A_627 = vector.shape_cast %get3A_626 : vector<1x16xf32> to vector<1x16xf32>
        %get3A_628 = arith.index_cast %add3A_565 : i32 to index
        %get3A_629 = arith.index_cast %add3A_623 : i32 to index
        %get3A_630 = tpu.vector_load %arg7[%get3A_628, %get3A_629] {strides = array<i32>} : memref<16x1024xf32, #tpu.memory_space<vmem>>, vector<1x16xf32>,
        %get3A_631 = vector.shape_cast %get3A_630 : vector<1x16xf32> to vector<1x16xf32>
        %add3A_632 = arith.addf %get3A_627, %get3A_631 : vector<1x16xf32>
        %swap3A_633 = arith.index_cast %add3A_565 : i32 to index
        %swap3A_634 = arith.index_cast %add3A_623 : i32 to index
        %swap3A_635 = tpu.vector_load %arg9[%swap3A_633, %swap3A_634] {strides = array<i32>} : memref<16x1024xf32, #tpu.memory_space<vmem>>, vector<1x16xf32>,
        %swap3A_636 = vector.shape_cast %swap3A_635 : vector<1x16xf32> to vector<1x16xf32>
        %swap3A_637 = vector.shape_cast %add3A_632 : vector<1x16xf32> to vector<1x16xf32>
        tpu.vector_store %arg9[%swap3A_633, %swap3A_634], %swap3A_637 {strides = array<i32>} : memref<16x1024xf32, #tpu.memory_space<vmem>>, vector<1x16xf32>,
        %add3A_638 = arith.constant 64 : i32
        %add3A_639 = arith.addi %add3A_575, %add3A_638 : i32
        %get3A_640 = arith.index_cast %add3A_565 : i32 to index
        %get3A_641 = arith.index_cast %add3A_639 : i32 to index
        %get3A_642 = tpu.vector_load %arg5[%get3A_640, %get3A_641] {strides = array<i32>} : memref<16x1024xf32, #tpu.memory_space<vmem>>, vector<1x16xf32>,
        %get3A_643 = vector.shape_cast %get3A_642 : vector<1x16xf32> to vector<1x16xf32>
        %get3A_644 = arith.index_cast %add3A_565 : i32 to index
        %get3A_645 = arith.index_cast %add3A_639 : i32 to index
        %get3A_646 = tpu.vector_load %arg7[%get3A_644, %get3A_645] {strides = array<i32>} : memref<16x1024xf32, #tpu.memory_space<vmem>>, vector<1x16xf32>,
        %get3A_647 = vector.shape_cast %get3A_646 : vector<1x16xf32> to vector<1x16xf32>
        %add3A_648 = arith.addf %get3A_643, %get3A_647 : vector<1x16xf32>
        %swap3A_649 = arith.index_cast %add3A_565 : i32 to index
        %swap3A_650 = arith.index_cast %add3A_639 : i32 to index
        %swap3A_651 = tpu.vector_load %arg9[%swap3A_649, %swap3A_650] {strides = array<i32>} : memref<16x1024xf32, #tpu.memory_space<vmem>>, vector<1x16xf32>,
        %swap3A_652 = vector.shape_cast %swap3A_651 : vector<1x16xf32> to vector<1x16xf32>
        %swap3A_653 = vector.shape_cast %add3A_648 : vector<1x16xf32> to vector<1x16xf32>
        tpu.vector_store %arg9[%swap3A_649, %swap3A_650], %swap3A_653 {strides = array<i32>} : memref<16x1024xf32, #tpu.memory_space<vmem>>, vector<1x16xf32>,
        %add3A_654 = arith.constant 80 : i32
        %add3A_655 = arith.addi %add3A_575, %add3A_654 : i32
        %get3A_656 = arith.index_cast %add3A_565 : i32 to index
        %get3A_657 = arith.index_cast %add3A_655 : i32 to index
        %get3A_658 = tpu.vector_load %arg5[%get3A_656, %get3A_657] {strides = array<i32>} : memref<16x1024xf32, #tpu.memory_space<vmem>>, vector<1x16xf32>,
        %get3A_659 = vector.shape_cast %get3A_658 : vector<1x16xf32> to vector<1x16xf32>
        %get3A_660 = arith.index_cast %add3A_565 : i32 to index
        %get3A_661 = arith.index_cast %add3A_655 : i32 to index
        %get3A_662 = tpu.vector_load %arg7[%get3A_660, %get3A_661] {strides = array<i32>} : memref<16x1024xf32, #tpu.memory_space<vmem>>, vector<1x16xf32>,
        %get3A_663 = vector.shape_cast %get3A_662 : vector<1x16xf32> to vector<1x16xf32>
        %add3A_664 = arith.addf %get3A_659, %get3A_663 : vector<1x16xf32>
        %swap3A_665 = arith.index_cast %add3A_565 : i32 to index
        %swap3A_666 = arith.index_cast %add3A_655 : i32 to index
        %swap3A_667 = tpu.vector_load %arg9[%swap3A_665, %swap3A_666] {strides = array<i32>} : memref<16x1024xf32, #tpu.memory_space<vmem>>, vector<1x16xf32>,
        %swap3A_668 = vector.shape_cast %swap3A_667 : vector<1x16xf32> to vector<1x16xf32>
        %swap3A_669 = vector.shape_cast %add3A_664 : vector<1x16xf32> to vector<1x16xf32>
        tpu.vector_store %arg9[%swap3A_665, %swap3A_666], %swap3A_669 {strides = array<i32>} : memref<16x1024xf32, #tpu.memory_space<vmem>>, vector<1x16xf32>,
        %add3A_670 = arith.constant 96 : i32
        %add3A_671 = arith.addi %add3A_575, %add3A_670 : i32
        %get3A_672 = arith.index_cast %add3A_565 : i32 to index
        %get3A_673 = arith.index_cast %add3A_671 : i32 to index
        %get3A_674 = tpu.vector_load %arg5[%get3A_672, %get3A_673] {strides = array<i32>} : memref<16x1024xf32, #tpu.memory_space<vmem>>, vector<1x16xf32>,
        %get3A_675 = vector.shape_cast %get3A_674 : vector<1x16xf32> to vector<1x16xf32>
        %get3A_676 = arith.index_cast %add3A_565 : i32 to index
        %get3A_677 = arith.index_cast %add3A_671 : i32 to index
        %get3A_678 = tpu.vector_load %arg7[%get3A_676, %get3A_677] {strides = array<i32>} : memref<16x1024xf32, #tpu.memory_space<vmem>>, vector<1x16xf32>,
        %get3A_679 = vector.shape_cast %get3A_678 : vector<1x16xf32> to vector<1x16xf32>
        %add3A_680 = arith.addf %get3A_675, %get3A_679 : vector<1x16xf32>
        %swap3A_681 = arith.index_cast %add3A_565 : i32 to index
        %swap3A_682 = arith.index_cast %add3A_671 : i32 to index
        %swap3A_683 = tpu.vector_load %arg9[%swap3A_681, %swap3A_682] {strides = array<i32>} : memref<16x1024xf32, #tpu.memory_space<vmem>>, vector<1x16xf32>,
        %swap3A_684 = vector.shape_cast %swap3A_683 : vector<1x16xf32> to vector<1x16xf32>
        %swap3A_685 = vector.shape_cast %add3A_680 : vector<1x16xf32> to vector<1x16xf32>
        tpu.vector_store %arg9[%swap3A_681, %swap3A_682], %swap3A_685 {strides = array<i32>} : memref<16x1024xf32, #tpu.memory_space<vmem>>, vector<1x16xf32>,
        %add3A_686 = arith.constant 112 : i32
        %add3A_687 = arith.addi %add3A_575, %add3A_686 : i32
        %get3A_688 = arith.index_cast %add3A_565 : i32 to index
        %get3A_689 = arith.index_cast %add3A_687 : i32 to index
        %get3A_690 = tpu.vector_load %arg5[%get3A_688, %get3A_689] {strides = array<i32>} : memref<16x1024xf32, #tpu.memory_space<vmem>>, vector<1x16xf32>,
        %get3A_691 = vector.shape_cast %get3A_690 : vector<1x16xf32> to vector<1x16xf32>
        %get3A_692 = arith.index_cast %add3A_565 : i32 to index
        %get3A_693 = arith.index_cast %add3A_687 : i32 to index
        %get3A_694 = tpu.vector_load %arg7[%get3A_692, %get3A_693] {strides = array<i32>} : memref<16x1024xf32, #tpu.memory_space<vmem>>, vector<1x16xf32>,
        %get3A_695 = vector.shape_cast %get3A_694 : vector<1x16xf32> to vector<1x16xf32>
        %add3A_696 = arith.addf %get3A_691, %get3A_695 : vector<1x16xf32>
        %swap3A_697 = arith.index_cast %add3A_565 : i32 to index
        %swap3A_698 = arith.index_cast %add3A_687 : i32 to index
        %swap3A_699 = tpu.vector_load %arg9[%swap3A_697, %swap3A_698] {strides = array<i32>} : memref<16x1024xf32, #tpu.memory_space<vmem>>, vector<1x16xf32>,
        %swap3A_700 = vector.shape_cast %swap3A_699 : vector<1x16xf32> to vector<1x16xf32>
        %swap3A_701 = vector.shape_cast %add3A_696 : vector<1x16xf32> to vector<1x16xf32>
        tpu.vector_store %arg9[%swap3A_697, %swap3A_698], %swap3A_701 {strides = array<i32>} : memref<16x1024xf32, #tpu.memory_space<vmem>>, vector<1x16xf32>,
      }
      %scan3A_570 = arith.constant 8 : i32
    }
    %scan3A_103 = arith.constant 16 : i32
    %add3A_104 = arith.constant 32 : i32
    %add3A_105 = arith.addi %mul3A_2, %add3A_104 : i32
    %dma_start3A_106 = arith.constant 0 : i32
    %dma_start3A_107 = tpu.memref_slice %arg4[%add3A_105, %dma_start3A_106] : memref<8192x1024xf32, #tpu.memory_space<hbm>> -> memref<16x1024xf32, #tpu.memory_space<hbm>>
    %dma_start3A_108 = arith.constant 0 : i32
    %dma_start3A_109 = tpu.memref_slice %arg4[%add3A_105, %dma_start3A_108] : memref<8192x1024xf32, #tpu.memory_space<hbm>> -> memref<16x1024xf32, #tpu.memory_space<hbm>>
    tpu.enqueue_dma source(%arg9 : memref<16x1024xf32, #tpu.memory_space<vmem>>) target(%dma_start3A_109 : memref<16x1024xf32, #tpu.memory_space<hbm>>) target_semaphore(%arg15 : memref<!tpu.dma_semaphore, #tpu.memory_space<semaphore_mem>>)
    %add3A_110 = arith.constant 64 : i32
    %add3A_111 = arith.addi %mul3A_2, %add3A_110 : i32
    %add3A_112 = arith.constant 64 : i32
    %add3A_113 = arith.addi %rem3A_3, %add3A_112 : i32
    %dma_start3A_114 = arith.constant 0 : i32
    %dma_start3A_115 = tpu.memref_slice %arg2[%add3A_111, %dma_start3A_114] : memref<8192x1024xf32, #tpu.memory_space<hbm>> -> memref<16x1024xf32, #tpu.memory_space<hbm>>
    %dma_start3A_116 = arith.constant 0 : i32
    %dma_start3A_117 = tpu.memref_slice %arg2[%add3A_111, %dma_start3A_116] : memref<8192x1024xf32, #tpu.memory_space<hbm>> -> memref<16x1024xf32, #tpu.memory_space<hbm>>
    tpu.enqueue_dma source(%dma_start3A_117 : memref<16x1024xf32, #tpu.memory_space<hbm>>) target(%arg5 : memref<16x1024xf32, #tpu.memory_space<vmem>>) target_semaphore(%arg11 : memref<!tpu.dma_semaphore, #tpu.memory_space<semaphore_mem>>)
    %dma_start3A_118 = arith.constant 0 : i32
    %dma_start3A_119 = tpu.memref_slice %arg3[%add3A_113, %dma_start3A_118] : memref<2048x1024xf32, #tpu.memory_space<hbm>> -> memref<16x1024xf32, #tpu.memory_space<hbm>>
    %dma_start3A_120 = arith.constant 0 : i32
    %dma_start3A_121 = tpu.memref_slice %arg3[%add3A_113, %dma_start3A_120] : memref<2048x1024xf32, #tpu.memory_space<hbm>> -> memref<16x1024xf32, #tpu.memory_space<hbm>>
    tpu.enqueue_dma source(%dma_start3A_121 : memref<16x1024xf32, #tpu.memory_space<hbm>>) target(%arg7 : memref<16x1024xf32, #tpu.memory_space<vmem>>) target_semaphore(%arg13 : memref<!tpu.dma_semaphore, #tpu.memory_space<semaphore_mem>>)
    %dma_wait3A_122 = arith.constant 0 : i32
    %dma_wait3A_123 = tpu.memref_slice %arg2[%add3A_76, %dma_wait3A_122] : memref<8192x1024xf32, #tpu.memory_space<hbm>> -> memref<16x1024xf32, #tpu.memory_space<hbm>>
    %dma_wait3A_124 = arith.constant 0 : i32
    %dma_wait3A_125 = tpu.memref_slice %arg2[%add3A_76, %dma_wait3A_124] : memref<8192x1024xf32, #tpu.memory_space<hbm>> -> memref<16x1024xf32, #tpu.memory_space<hbm>>
    tpu.wait_dma2 semaphore(%arg12 : memref<!tpu.dma_semaphore, #tpu.memory_space<semaphore_mem>>) src(%dma_wait3A_125 : memref<16x1024xf32, #tpu.memory_space<hbm>>) dst(%arg6 : memref<16x1024xf32, #tpu.memory_space<vmem>>)
    %dma_wait3A_126 = arith.constant 0 : i32
    %dma_wait3A_127 = tpu.memref_slice %arg3[%add3A_78, %dma_wait3A_126] : memref<2048x1024xf32, #tpu.memory_space<hbm>> -> memref<16x1024xf32, #tpu.memory_space<hbm>>
    %dma_wait3A_128 = arith.constant 0 : i32
    %dma_wait3A_129 = tpu.memref_slice %arg3[%add3A_78, %dma_wait3A_128] : memref<2048x1024xf32, #tpu.memory_space<hbm>> -> memref<16x1024xf32, #tpu.memory_space<hbm>>
    tpu.wait_dma2 semaphore(%arg14 : memref<!tpu.dma_semaphore, #tpu.memory_space<semaphore_mem>>) src(%dma_wait3A_129 : memref<16x1024xf32, #tpu.memory_space<hbm>>) dst(%arg8 : memref<16x1024xf32, #tpu.memory_space<vmem>>)
    %dma_wait3A_130 = arith.constant 0 : i32
    %dma_wait3A_131 = tpu.memref_slice %arg4[%add3A_70, %dma_wait3A_130] : memref<8192x1024xf32, #tpu.memory_space<hbm>> -> memref<16x1024xf32, #tpu.memory_space<hbm>>
    %dma_wait3A_132 = arith.constant 0 : i32
    %dma_wait3A_133 = tpu.memref_slice %arg4[%add3A_70, %dma_wait3A_132] : memref<8192x1024xf32, #tpu.memory_space<hbm>> -> memref<16x1024xf32, #tpu.memory_space<hbm>>
    tpu.wait_dma2 semaphore(%arg16 : memref<!tpu.dma_semaphore, #tpu.memory_space<semaphore_mem>>) src(%arg10 : memref<16x1024xf32, #tpu.memory_space<vmem>>) dst(%dma_wait3A_133 : memref<16x1024xf32, #tpu.memory_space<hbm>>)
    %scan3A_134 = arith.constant 0 : i32
    %scan3A_135 = arith.constant 16 : i32
    %scan3A_136 = arith.addi %scan3A_134, %scan3A_135 : i32
    %scan3A_137 = arith.constant 1 : i32
    scf.for %scan3A_561 = %scan3A_134 to %scan3A_136 step %scan3A_137  : i32 {
      %mul3A_562 = arith.constant 1 : i32
      %mul3A_563 = arith.muli %scan3A_561, %mul3A_562 : i32
      %add3A_564 = arith.constant 0 : i32
      %add3A_565 = arith.addi %add3A_564, %mul3A_563 : i32
      %scan3A_566 = arith.constant 0 : i32
      %scan3A_567 = arith.constant 8 : i32
      %scan3A_568 = arith.addi %scan3A_566, %scan3A_567 : i32
      %scan3A_569 = arith.constant 1 : i32
      scf.for %scan3A_571 = %scan3A_566 to %scan3A_568 step %scan3A_569  : i32 {
        %mul3A_572 = arith.constant 128 : i32
        %mul3A_573 = arith.muli %scan3A_571, %mul3A_572 : i32
        %add3A_574 = arith.constant 0 : i32
        %add3A_575 = arith.addi %add3A_574, %mul3A_573 : i32
        %add3A_576 = arith.constant 0 : i32
        %add3A_577 = arith.addi %add3A_575, %add3A_576 : i32
        %get3A = arith.index_cast %add3A_565 : i32 to index
        %get3A_578 = arith.index_cast %add3A_577 : i32 to index
        %get3A_579 = tpu.vector_load %arg6[%get3A, %get3A_578] {strides = array<i32>} : memref<16x1024xf32, #tpu.memory_space<vmem>>, vector<1x16xf32>,
        %get3A_580 = vector.shape_cast %get3A_579 : vector<1x16xf32> to vector<1x16xf32>
        %get3A_581 = arith.index_cast %add3A_565 : i32 to index
        %get3A_582 = arith.index_cast %add3A_577 : i32 to index
        %get3A_583 = tpu.vector_load %arg8[%get3A_581, %get3A_582] {strides = array<i32>} : memref<16x1024xf32, #tpu.memory_space<vmem>>, vector<1x16xf32>,
        %get3A_584 = vector.shape_cast %get3A_583 : vector<1x16xf32> to vector<1x16xf32>
        %add3A_585 = arith.addf %get3A_580, %get3A_584 : vector<1x16xf32>
        %swap3A = arith.index_cast %add3A_565 : i32 to index
        %swap3A_586 = arith.index_cast %add3A_577 : i32 to index
        %swap3A_587 = tpu.vector_load %arg10[%swap3A, %swap3A_586] {strides = array<i32>} : memref<16x1024xf32, #tpu.memory_space<vmem>>, vector<1x16xf32>,
        %swap3A_588 = vector.shape_cast %swap3A_587 : vector<1x16xf32> to vector<1x16xf32>
        %swap3A_589 = vector.shape_cast %add3A_585 : vector<1x16xf32> to vector<1x16xf32>
        tpu.vector_store %arg10[%swap3A, %swap3A_586], %swap3A_589 {strides = array<i32>} : memref<16x1024xf32, #tpu.memory_space<vmem>>, vector<1x16xf32>,
        %add3A_590 = arith.constant 16 : i32
        %add3A_591 = arith.addi %add3A_575, %add3A_590 : i32
        %get3A_592 = arith.index_cast %add3A_565 : i32 to index
        %get3A_593 = arith.index_cast %add3A_591 : i32 to index
        %get3A_594 = tpu.vector_load %arg6[%get3A_592, %get3A_593] {strides = array<i32>} : memref<16x1024xf32, #tpu.memory_space<vmem>>, vector<1x16xf32>,
        %get3A_595 = vector.shape_cast %get3A_594 : vector<1x16xf32> to vector<1x16xf32>
        %get3A_596 = arith.index_cast %add3A_565 : i32 to index
        %get3A_597 = arith.index_cast %add3A_591 : i32 to index
        %get3A_598 = tpu.vector_load %arg8[%get3A_596, %get3A_597] {strides = array<i32>} : memref<16x1024xf32, #tpu.memory_space<vmem>>, vector<1x16xf32>,
        %get3A_599 = vector.shape_cast %get3A_598 : vector<1x16xf32> to vector<1x16xf32>
        %add3A_600 = arith.addf %get3A_595, %get3A_599 : vector<1x16xf32>
        %swap3A_601 = arith.index_cast %add3A_565 : i32 to index
        %swap3A_602 = arith.index_cast %add3A_591 : i32 to index
        %swap3A_603 = tpu.vector_load %arg10[%swap3A_601, %swap3A_602] {strides = array<i32>} : memref<16x1024xf32, #tpu.memory_space<vmem>>, vector<1x16xf32>,
        %swap3A_604 = vector.shape_cast %swap3A_603 : vector<1x16xf32> to vector<1x16xf32>
        %swap3A_605 = vector.shape_cast %add3A_600 : vector<1x16xf32> to vector<1x16xf32>
        tpu.vector_store %arg10[%swap3A_601, %swap3A_602], %swap3A_605 {strides = array<i32>} : memref<16x1024xf32, #tpu.memory_space<vmem>>, vector<1x16xf32>,
        %add3A_606 = arith.constant 32 : i32
        %add3A_607 = arith.addi %add3A_575, %add3A_606 : i32
        %get3A_608 = arith.index_cast %add3A_565 : i32 to index
        %get3A_609 = arith.index_cast %add3A_607 : i32 to index
        %get3A_610 = tpu.vector_load %arg6[%get3A_608, %get3A_609] {strides = array<i32>} : memref<16x1024xf32, #tpu.memory_space<vmem>>, vector<1x16xf32>,
        %get3A_611 = vector.shape_cast %get3A_610 : vector<1x16xf32> to vector<1x16xf32>
        %get3A_612 = arith.index_cast %add3A_565 : i32 to index
        %get3A_613 = arith.index_cast %add3A_607 : i32 to index
        %get3A_614 = tpu.vector_load %arg8[%get3A_612, %get3A_613] {strides = array<i32>} : memref<16x1024xf32, #tpu.memory_space<vmem>>, vector<1x16xf32>,
        %get3A_615 = vector.shape_cast %get3A_614 : vector<1x16xf32> to vector<1x16xf32>
        %add3A_616 = arith.addf %get3A_611, %get3A_615 : vector<1x16xf32>
        %swap3A_617 = arith.index_cast %add3A_565 : i32 to index
        %swap3A_618 = arith.index_cast %add3A_607 : i32 to index
        %swap3A_619 = tpu.vector_load %arg10[%swap3A_617, %swap3A_618] {strides = array<i32>} : memref<16x1024xf32, #tpu.memory_space<vmem>>, vector<1x16xf32>,
        %swap3A_620 = vector.shape_cast %swap3A_619 : vector<1x16xf32> to vector<1x16xf32>
        %swap3A_621 = vector.shape_cast %add3A_616 : vector<1x16xf32> to vector<1x16xf32>
        tpu.vector_store %arg10[%swap3A_617, %swap3A_618], %swap3A_621 {strides = array<i32>} : memref<16x1024xf32, #tpu.memory_space<vmem>>, vector<1x16xf32>,
        %add3A_622 = arith.constant 48 : i32
        %add3A_623 = arith.addi %add3A_575, %add3A_622 : i32
        %get3A_624 = arith.index_cast %add3A_565 : i32 to index
        %get3A_625 = arith.index_cast %add3A_623 : i32 to index
        %get3A_626 = tpu.vector_load %arg6[%get3A_624, %get3A_625] {strides = array<i32>} : memref<16x1024xf32, #tpu.memory_space<vmem>>, vector<1x16xf32>,
        %get3A_627 = vector.shape_cast %get3A_626 : vector<1x16xf32> to vector<1x16xf32>
        %get3A_628 = arith.index_cast %add3A_565 : i32 to index
        %get3A_629 = arith.index_cast %add3A_623 : i32 to index
        %get3A_630 = tpu.vector_load %arg8[%get3A_628, %get3A_629] {strides = array<i32>} : memref<16x1024xf32, #tpu.memory_space<vmem>>, vector<1x16xf32>,
        %get3A_631 = vector.shape_cast %get3A_630 : vector<1x16xf32> to vector<1x16xf32>
        %add3A_632 = arith.addf %get3A_627, %get3A_631 : vector<1x16xf32>
        %swap3A_633 = arith.index_cast %add3A_565 : i32 to index
        %swap3A_634 = arith.index_cast %add3A_623 : i32 to index
        %swap3A_635 = tpu.vector_load %arg10[%swap3A_633, %swap3A_634] {strides = array<i32>} : memref<16x1024xf32, #tpu.memory_space<vmem>>, vector<1x16xf32>,
        %swap3A_636 = vector.shape_cast %swap3A_635 : vector<1x16xf32> to vector<1x16xf32>
        %swap3A_637 = vector.shape_cast %add3A_632 : vector<1x16xf32> to vector<1x16xf32>
        tpu.vector_store %arg10[%swap3A_633, %swap3A_634], %swap3A_637 {strides = array<i32>} : memref<16x1024xf32, #tpu.memory_space<vmem>>, vector<1x16xf32>,
        %add3A_638 = arith.constant 64 : i32
        %add3A_639 = arith.addi %add3A_575, %add3A_638 : i32
        %get3A_640 = arith.index_cast %add3A_565 : i32 to index
        %get3A_641 = arith.index_cast %add3A_639 : i32 to index
        %get3A_642 = tpu.vector_load %arg6[%get3A_640, %get3A_641] {strides = array<i32>} : memref<16x1024xf32, #tpu.memory_space<vmem>>, vector<1x16xf32>,
        %get3A_643 = vector.shape_cast %get3A_642 : vector<1x16xf32> to vector<1x16xf32>
        %get3A_644 = arith.index_cast %add3A_565 : i32 to index
        %get3A_645 = arith.index_cast %add3A_639 : i32 to index
        %get3A_646 = tpu.vector_load %arg8[%get3A_644, %get3A_645] {strides = array<i32>} : memref<16x1024xf32, #tpu.memory_space<vmem>>, vector<1x16xf32>,
        %get3A_647 = vector.shape_cast %get3A_646 : vector<1x16xf32> to vector<1x16xf32>
        %add3A_648 = arith.addf %get3A_643, %get3A_647 : vector<1x16xf32>
        %swap3A_649 = arith.index_cast %add3A_565 : i32 to index
        %swap3A_650 = arith.index_cast %add3A_639 : i32 to index
        %swap3A_651 = tpu.vector_load %arg10[%swap3A_649, %swap3A_650] {strides = array<i32>} : memref<16x1024xf32, #tpu.memory_space<vmem>>, vector<1x16xf32>,
        %swap3A_652 = vector.shape_cast %swap3A_651 : vector<1x16xf32> to vector<1x16xf32>
        %swap3A_653 = vector.shape_cast %add3A_648 : vector<1x16xf32> to vector<1x16xf32>
        tpu.vector_store %arg10[%swap3A_649, %swap3A_650], %swap3A_653 {strides = array<i32>} : memref<16x1024xf32, #tpu.memory_space<vmem>>, vector<1x16xf32>,
        %add3A_654 = arith.constant 80 : i32
        %add3A_655 = arith.addi %add3A_575, %add3A_654 : i32
        %get3A_656 = arith.index_cast %add3A_565 : i32 to index
        %get3A_657 = arith.index_cast %add3A_655 : i32 to index
        %get3A_658 = tpu.vector_load %arg6[%get3A_656, %get3A_657] {strides = array<i32>} : memref<16x1024xf32, #tpu.memory_space<vmem>>, vector<1x16xf32>,
        %get3A_659 = vector.shape_cast %get3A_658 : vector<1x16xf32> to vector<1x16xf32>
        %get3A_660 = arith.index_cast %add3A_565 : i32 to index
        %get3A_661 = arith.index_cast %add3A_655 : i32 to index
        %get3A_662 = tpu.vector_load %arg8[%get3A_660, %get3A_661] {strides = array<i32>} : memref<16x1024xf32, #tpu.memory_space<vmem>>, vector<1x16xf32>,
        %get3A_663 = vector.shape_cast %get3A_662 : vector<1x16xf32> to vector<1x16xf32>
        %add3A_664 = arith.addf %get3A_659, %get3A_663 : vector<1x16xf32>
        %swap3A_665 = arith.index_cast %add3A_565 : i32 to index
        %swap3A_666 = arith.index_cast %add3A_655 : i32 to index
        %swap3A_667 = tpu.vector_load %arg10[%swap3A_665, %swap3A_666] {strides = array<i32>} : memref<16x1024xf32, #tpu.memory_space<vmem>>, vector<1x16xf32>,
        %swap3A_668 = vector.shape_cast %swap3A_667 : vector<1x16xf32> to vector<1x16xf32>
        %swap3A_669 = vector.shape_cast %add3A_664 : vector<1x16xf32> to vector<1x16xf32>
        tpu.vector_store %arg10[%swap3A_665, %swap3A_666], %swap3A_669 {strides = array<i32>} : memref<16x1024xf32, #tpu.memory_space<vmem>>, vector<1x16xf32>,
        %add3A_670 = arith.constant 96 : i32
        %add3A_671 = arith.addi %add3A_575, %add3A_670 : i32
        %get3A_672 = arith.index_cast %add3A_565 : i32 to index
        %get3A_673 = arith.index_cast %add3A_671 : i32 to index
        %get3A_674 = tpu.vector_load %arg6[%get3A_672, %get3A_673] {strides = array<i32>} : memref<16x1024xf32, #tpu.memory_space<vmem>>, vector<1x16xf32>,
        %get3A_675 = vector.shape_cast %get3A_674 : vector<1x16xf32> to vector<1x16xf32>
        %get3A_676 = arith.index_cast %add3A_565 : i32 to index
        %get3A_677 = arith.index_cast %add3A_671 : i32 to index
        %get3A_678 = tpu.vector_load %arg8[%get3A_676, %get3A_677] {strides = array<i32>} : memref<16x1024xf32, #tpu.memory_space<vmem>>, vector<1x16xf32>,
        %get3A_679 = vector.shape_cast %get3A_678 : vector<1x16xf32> to vector<1x16xf32>
        %add3A_680 = arith.addf %get3A_675, %get3A_679 : vector<1x16xf32>
        %swap3A_681 = arith.index_cast %add3A_565 : i32 to index
        %swap3A_682 = arith.index_cast %add3A_671 : i32 to index
        %swap3A_683 = tpu.vector_load %arg10[%swap3A_681, %swap3A_682] {strides = array<i32>} : memref<16x1024xf32, #tpu.memory_space<vmem>>, vector<1x16xf32>,
        %swap3A_684 = vector.shape_cast %swap3A_683 : vector<1x16xf32> to vector<1x16xf32>
        %swap3A_685 = vector.shape_cast %add3A_680 : vector<1x16xf32> to vector<1x16xf32>
        tpu.vector_store %arg10[%swap3A_681, %swap3A_682], %swap3A_685 {strides = array<i32>} : memref<16x1024xf32, #tpu.memory_space<vmem>>, vector<1x16xf32>,
        %add3A_686 = arith.constant 112 : i32
        %add3A_687 = arith.addi %add3A_575, %add3A_686 : i32
        %get3A_688 = arith.index_cast %add3A_565 : i32 to index
        %get3A_689 = arith.index_cast %add3A_687 : i32 to index
        %get3A_690 = tpu.vector_load %arg6[%get3A_688, %get3A_689] {strides = array<i32>} : memref<16x1024xf32, #tpu.memory_space<vmem>>, vector<1x16xf32>,
        %get3A_691 = vector.shape_cast %get3A_690 : vector<1x16xf32> to vector<1x16xf32>
        %get3A_692 = arith.index_cast %add3A_565 : i32 to index
        %get3A_693 = arith.index_cast %add3A_687 : i32 to index
        %get3A_694 = tpu.vector_load %arg8[%get3A_692, %get3A_693] {strides = array<i32>} : memref<16x1024xf32, #tpu.memory_space<vmem>>, vector<1x16xf32>,
        %get3A_695 = vector.shape_cast %get3A_694 : vector<1x16xf32> to vector<1x16xf32>
        %add3A_696 = arith.addf %get3A_691, %get3A_695 : vector<1x16xf32>
        %swap3A_697 = arith.index_cast %add3A_565 : i32 to index
        %swap3A_698 = arith.index_cast %add3A_687 : i32 to index
        %swap3A_699 = tpu.vector_load %arg10[%swap3A_697, %swap3A_698] {strides = array<i32>} : memref<16x1024xf32, #tpu.memory_space<vmem>>, vector<1x16xf32>,
        %swap3A_700 = vector.shape_cast %swap3A_699 : vector<1x16xf32> to vector<1x16xf32>
        %swap3A_701 = vector.shape_cast %add3A_696 : vector<1x16xf32> to vector<1x16xf32>
        tpu.vector_store %arg10[%swap3A_697, %swap3A_698], %swap3A_701 {strides = array<i32>} : memref<16x1024xf32, #tpu.memory_space<vmem>>, vector<1x16xf32>,
      }
      %scan3A_570 = arith.constant 8 : i32
    }
    %scan3A_138 = arith.constant 16 : i32
    %add3A_139 = arith.constant 48 : i32
    %add3A_140 = arith.addi %mul3A_2, %add3A_139 : i32
    %dma_start3A_141 = arith.constant 0 : i32
    %dma_start3A_142 = tpu.memref_slice %arg4[%add3A_140, %dma_start3A_141] : memref<8192x1024xf32, #tpu.memory_space<hbm>> -> memref<16x1024xf32, #tpu.memory_space<hbm>>
    %dma_start3A_143 = arith.constant 0 : i32
    %dma_start3A_144 = tpu.memref_slice %arg4[%add3A_140, %dma_start3A_143] : memref<8192x1024xf32, #tpu.memory_space<hbm>> -> memref<16x1024xf32, #tpu.memory_space<hbm>>
    tpu.enqueue_dma source(%arg10 : memref<16x1024xf32, #tpu.memory_space<vmem>>) target(%dma_start3A_144 : memref<16x1024xf32, #tpu.memory_space<hbm>>) target_semaphore(%arg16 : memref<!tpu.dma_semaphore, #tpu.memory_space<semaphore_mem>>)
    %add3A_145 = arith.constant 80 : i32
    %add3A_146 = arith.addi %mul3A_2, %add3A_145 : i32
    %add3A_147 = arith.constant 80 : i32
    %add3A_148 = arith.addi %rem3A_3, %add3A_147 : i32
    %dma_start3A_149 = arith.constant 0 : i32
    %dma_start3A_150 = tpu.memref_slice %arg2[%add3A_146, %dma_start3A_149] : memref<8192x1024xf32, #tpu.memory_space<hbm>> -> memref<16x1024xf32, #tpu.memory_space<hbm>>
    %dma_start3A_151 = arith.constant 0 : i32
    %dma_start3A_152 = tpu.memref_slice %arg2[%add3A_146, %dma_start3A_151] : memref<8192x1024xf32, #tpu.memory_space<hbm>> -> memref<16x1024xf32, #tpu.memory_space<hbm>>
    tpu.enqueue_dma source(%dma_start3A_152 : memref<16x1024xf32, #tpu.memory_space<hbm>>) target(%arg6 : memref<16x1024xf32, #tpu.memory_space<vmem>>) target_semaphore(%arg12 : memref<!tpu.dma_semaphore, #tpu.memory_space<semaphore_mem>>)
    %dma_start3A_153 = arith.constant 0 : i32
    %dma_start3A_154 = tpu.memref_slice %arg3[%add3A_148, %dma_start3A_153] : memref<2048x1024xf32, #tpu.memory_space<hbm>> -> memref<16x1024xf32, #tpu.memory_space<hbm>>
    %dma_start3A_155 = arith.constant 0 : i32
    %dma_start3A_156 = tpu.memref_slice %arg3[%add3A_148, %dma_start3A_155] : memref<2048x1024xf32, #tpu.memory_space<hbm>> -> memref<16x1024xf32, #tpu.memory_space<hbm>>
    tpu.enqueue_dma source(%dma_start3A_156 : memref<16x1024xf32, #tpu.memory_space<hbm>>) target(%arg8 : memref<16x1024xf32, #tpu.memory_space<vmem>>) target_semaphore(%arg14 : memref<!tpu.dma_semaphore, #tpu.memory_space<semaphore_mem>>)
    %dma_wait3A_157 = arith.constant 0 : i32
    %dma_wait3A_158 = tpu.memref_slice %arg2[%add3A_111, %dma_wait3A_157] : memref<8192x1024xf32, #tpu.memory_space<hbm>> -> memref<16x1024xf32, #tpu.memory_space<hbm>>
    %dma_wait3A_159 = arith.constant 0 : i32
    %dma_wait3A_160 = tpu.memref_slice %arg2[%add3A_111, %dma_wait3A_159] : memref<8192x1024xf32, #tpu.memory_space<hbm>> -> memref<16x1024xf32, #tpu.memory_space<hbm>>
    tpu.wait_dma2 semaphore(%arg11 : memref<!tpu.dma_semaphore, #tpu.memory_space<semaphore_mem>>) src(%dma_wait3A_160 : memref<16x1024xf32, #tpu.memory_space<hbm>>) dst(%arg5 : memref<16x1024xf32, #tpu.memory_space<vmem>>)
    %dma_wait3A_161 = arith.constant 0 : i32
    %dma_wait3A_162 = tpu.memref_slice %arg3[%add3A_113, %dma_wait3A_161] : memref<2048x1024xf32, #tpu.memory_space<hbm>> -> memref<16x1024xf32, #tpu.memory_space<hbm>>
    %dma_wait3A_163 = arith.constant 0 : i32
    %dma_wait3A_164 = tpu.memref_slice %arg3[%add3A_113, %dma_wait3A_163] : memref<2048x1024xf32, #tpu.memory_space<hbm>> -> memref<16x1024xf32, #tpu.memory_space<hbm>>
    tpu.wait_dma2 semaphore(%arg13 : memref<!tpu.dma_semaphore, #tpu.memory_space<semaphore_mem>>) src(%dma_wait3A_164 : memref<16x1024xf32, #tpu.memory_space<hbm>>) dst(%arg7 : memref<16x1024xf32, #tpu.memory_space<vmem>>)
    %dma_wait3A_165 = arith.constant 0 : i32
    %dma_wait3A_166 = tpu.memref_slice %arg4[%add3A_105, %dma_wait3A_165] : memref<8192x1024xf32, #tpu.memory_space<hbm>> -> memref<16x1024xf32, #tpu.memory_space<hbm>>
    %dma_wait3A_167 = arith.constant 0 : i32
    %dma_wait3A_168 = tpu.memref_slice %arg4[%add3A_105, %dma_wait3A_167] : memref<8192x1024xf32, #tpu.memory_space<hbm>> -> memref<16x1024xf32, #tpu.memory_space<hbm>>
    tpu.wait_dma2 semaphore(%arg15 : memref<!tpu.dma_semaphore, #tpu.memory_space<semaphore_mem>>) src(%arg9 : memref<16x1024xf32, #tpu.memory_space<vmem>>) dst(%dma_wait3A_168 : memref<16x1024xf32, #tpu.memory_space<hbm>>)
    %scan3A_169 = arith.constant 0 : i32
    %scan3A_170 = arith.constant 16 : i32
    %scan3A_171 = arith.addi %scan3A_169, %scan3A_170 : i32
    %scan3A_172 = arith.constant 1 : i32
    scf.for %scan3A_561 = %scan3A_169 to %scan3A_171 step %scan3A_172  : i32 {
      %mul3A_562 = arith.constant 1 : i32
      %mul3A_563 = arith.muli %scan3A_561, %mul3A_562 : i32
      %add3A_564 = arith.constant 0 : i32
      %add3A_565 = arith.addi %add3A_564, %mul3A_563 : i32
      %scan3A_566 = arith.constant 0 : i32
      %scan3A_567 = arith.constant 8 : i32
      %scan3A_568 = arith.addi %scan3A_566, %scan3A_567 : i32
      %scan3A_569 = arith.constant 1 : i32
      scf.for %scan3A_571 = %scan3A_566 to %scan3A_568 step %scan3A_569  : i32 {
        %mul3A_572 = arith.constant 128 : i32
        %mul3A_573 = arith.muli %scan3A_571, %mul3A_572 : i32
        %add3A_574 = arith.constant 0 : i32
        %add3A_575 = arith.addi %add3A_574, %mul3A_573 : i32
        %add3A_576 = arith.constant 0 : i32
        %add3A_577 = arith.addi %add3A_575, %add3A_576 : i32
        %get3A = arith.index_cast %add3A_565 : i32 to index
        %get3A_578 = arith.index_cast %add3A_577 : i32 to index
        %get3A_579 = tpu.vector_load %arg5[%get3A, %get3A_578] {strides = array<i32>} : memref<16x1024xf32, #tpu.memory_space<vmem>>, vector<1x16xf32>,
        %get3A_580 = vector.shape_cast %get3A_579 : vector<1x16xf32> to vector<1x16xf32>
        %get3A_581 = arith.index_cast %add3A_565 : i32 to index
        %get3A_582 = arith.index_cast %add3A_577 : i32 to index
        %get3A_583 = tpu.vector_load %arg7[%get3A_581, %get3A_582] {strides = array<i32>} : memref<16x1024xf32, #tpu.memory_space<vmem>>, vector<1x16xf32>,
        %get3A_584 = vector.shape_cast %get3A_583 : vector<1x16xf32> to vector<1x16xf32>
        %add3A_585 = arith.addf %get3A_580, %get3A_584 : vector<1x16xf32>
        %swap3A = arith.index_cast %add3A_565 : i32 to index
        %swap3A_586 = arith.index_cast %add3A_577 : i32 to index
        %swap3A_587 = tpu.vector_load %arg9[%swap3A, %swap3A_586] {strides = array<i32>} : memref<16x1024xf32, #tpu.memory_space<vmem>>, vector<1x16xf32>,
        %swap3A_588 = vector.shape_cast %swap3A_587 : vector<1x16xf32> to vector<1x16xf32>
        %swap3A_589 = vector.shape_cast %add3A_585 : vector<1x16xf32> to vector<1x16xf32>
        tpu.vector_store %arg9[%swap3A, %swap3A_586], %swap3A_589 {strides = array<i32>} : memref<16x1024xf32, #tpu.memory_space<vmem>>, vector<1x16xf32>,
        %add3A_590 = arith.constant 16 : i32
        %add3A_591 = arith.addi %add3A_575, %add3A_590 : i32
        %get3A_592 = arith.index_cast %add3A_565 : i32 to index
        %get3A_593 = arith.index_cast %add3A_591 : i32 to index
        %get3A_594 = tpu.vector_load %arg5[%get3A_592, %get3A_593] {strides = array<i32>} : memref<16x1024xf32, #tpu.memory_space<vmem>>, vector<1x16xf32>,
        %get3A_595 = vector.shape_cast %get3A_594 : vector<1x16xf32> to vector<1x16xf32>
        %get3A_596 = arith.index_cast %add3A_565 : i32 to index
        %get3A_597 = arith.index_cast %add3A_591 : i32 to index
        %get3A_598 = tpu.vector_load %arg7[%get3A_596, %get3A_597] {strides = array<i32>} : memref<16x1024xf32, #tpu.memory_space<vmem>>, vector<1x16xf32>,
        %get3A_599 = vector.shape_cast %get3A_598 : vector<1x16xf32> to vector<1x16xf32>
        %add3A_600 = arith.addf %get3A_595, %get3A_599 : vector<1x16xf32>
        %swap3A_601 = arith.index_cast %add3A_565 : i32 to index
        %swap3A_602 = arith.index_cast %add3A_591 : i32 to index
        %swap3A_603 = tpu.vector_load %arg9[%swap3A_601, %swap3A_602] {strides = array<i32>} : memref<16x1024xf32, #tpu.memory_space<vmem>>, vector<1x16xf32>,
        %swap3A_604 = vector.shape_cast %swap3A_603 : vector<1x16xf32> to vector<1x16xf32>
        %swap3A_605 = vector.shape_cast %add3A_600 : vector<1x16xf32> to vector<1x16xf32>
        tpu.vector_store %arg9[%swap3A_601, %swap3A_602], %swap3A_605 {strides = array<i32>} : memref<16x1024xf32, #tpu.memory_space<vmem>>, vector<1x16xf32>,
        %add3A_606 = arith.constant 32 : i32
        %add3A_607 = arith.addi %add3A_575, %add3A_606 : i32
        %get3A_608 = arith.index_cast %add3A_565 : i32 to index
        %get3A_609 = arith.index_cast %add3A_607 : i32 to index
        %get3A_610 = tpu.vector_load %arg5[%get3A_608, %get3A_609] {strides = array<i32>} : memref<16x1024xf32, #tpu.memory_space<vmem>>, vector<1x16xf32>,
        %get3A_611 = vector.shape_cast %get3A_610 : vector<1x16xf32> to vector<1x16xf32>
        %get3A_612 = arith.index_cast %add3A_565 : i32 to index
        %get3A_613 = arith.index_cast %add3A_607 : i32 to index
        %get3A_614 = tpu.vector_load %arg7[%get3A_612, %get3A_613] {strides = array<i32>} : memref<16x1024xf32, #tpu.memory_space<vmem>>, vector<1x16xf32>,
        %get3A_615 = vector.shape_cast %get3A_614 : vector<1x16xf32> to vector<1x16xf32>
        %add3A_616 = arith.addf %get3A_611, %get3A_615 : vector<1x16xf32>
        %swap3A_617 = arith.index_cast %add3A_565 : i32 to index
        %swap3A_618 = arith.index_cast %add3A_607 : i32 to index
        %swap3A_619 = tpu.vector_load %arg9[%swap3A_617, %swap3A_618] {strides = array<i32>} : memref<16x1024xf32, #tpu.memory_space<vmem>>, vector<1x16xf32>,
        %swap3A_620 = vector.shape_cast %swap3A_619 : vector<1x16xf32> to vector<1x16xf32>
        %swap3A_621 = vector.shape_cast %add3A_616 : vector<1x16xf32> to vector<1x16xf32>
        tpu.vector_store %arg9[%swap3A_617, %swap3A_618], %swap3A_621 {strides = array<i32>} : memref<16x1024xf32, #tpu.memory_space<vmem>>, vector<1x16xf32>,
        %add3A_622 = arith.constant 48 : i32
        %add3A_623 = arith.addi %add3A_575, %add3A_622 : i32
        %get3A_624 = arith.index_cast %add3A_565 : i32 to index
        %get3A_625 = arith.index_cast %add3A_623 : i32 to index
        %get3A_626 = tpu.vector_load %arg5[%get3A_624, %get3A_625] {strides = array<i32>} : memref<16x1024xf32, #tpu.memory_space<vmem>>, vector<1x16xf32>,
        %get3A_627 = vector.shape_cast %get3A_626 : vector<1x16xf32> to vector<1x16xf32>
        %get3A_628 = arith.index_cast %add3A_565 : i32 to index
        %get3A_629 = arith.index_cast %add3A_623 : i32 to index
        %get3A_630 = tpu.vector_load %arg7[%get3A_628, %get3A_629] {strides = array<i32>} : memref<16x1024xf32, #tpu.memory_space<vmem>>, vector<1x16xf32>,
        %get3A_631 = vector.shape_cast %get3A_630 : vector<1x16xf32> to vector<1x16xf32>
        %add3A_632 = arith.addf %get3A_627, %get3A_631 : vector<1x16xf32>
        %swap3A_633 = arith.index_cast %add3A_565 : i32 to index
        %swap3A_634 = arith.index_cast %add3A_623 : i32 to index
        %swap3A_635 = tpu.vector_load %arg9[%swap3A_633, %swap3A_634] {strides = array<i32>} : memref<16x1024xf32, #tpu.memory_space<vmem>>, vector<1x16xf32>,
        %swap3A_636 = vector.shape_cast %swap3A_635 : vector<1x16xf32> to vector<1x16xf32>
        %swap3A_637 = vector.shape_cast %add3A_632 : vector<1x16xf32> to vector<1x16xf32>
        tpu.vector_store %arg9[%swap3A_633, %swap3A_634], %swap3A_637 {strides = array<i32>} : memref<16x1024xf32, #tpu.memory_space<vmem>>, vector<1x16xf32>,
        %add3A_638 = arith.constant 64 : i32
        %add3A_639 = arith.addi %add3A_575, %add3A_638 : i32
        %get3A_640 = arith.index_cast %add3A_565 : i32 to index
        %get3A_641 = arith.index_cast %add3A_639 : i32 to index
        %get3A_642 = tpu.vector_load %arg5[%get3A_640, %get3A_641] {strides = array<i32>} : memref<16x1024xf32, #tpu.memory_space<vmem>>, vector<1x16xf32>,
        %get3A_643 = vector.shape_cast %get3A_642 : vector<1x16xf32> to vector<1x16xf32>
        %get3A_644 = arith.index_cast %add3A_565 : i32 to index
        %get3A_645 = arith.index_cast %add3A_639 : i32 to index
        %get3A_646 = tpu.vector_load %arg7[%get3A_644, %get3A_645] {strides = array<i32>} : memref<16x1024xf32, #tpu.memory_space<vmem>>, vector<1x16xf32>,
        %get3A_647 = vector.shape_cast %get3A_646 : vector<1x16xf32> to vector<1x16xf32>
        %add3A_648 = arith.addf %get3A_643, %get3A_647 : vector<1x16xf32>
        %swap3A_649 = arith.index_cast %add3A_565 : i32 to index
        %swap3A_650 = arith.index_cast %add3A_639 : i32 to index
        %swap3A_651 = tpu.vector_load %arg9[%swap3A_649, %swap3A_650] {strides = array<i32>} : memref<16x1024xf32, #tpu.memory_space<vmem>>, vector<1x16xf32>,
        %swap3A_652 = vector.shape_cast %swap3A_651 : vector<1x16xf32> to vector<1x16xf32>
        %swap3A_653 = vector.shape_cast %add3A_648 : vector<1x16xf32> to vector<1x16xf32>
        tpu.vector_store %arg9[%swap3A_649, %swap3A_650], %swap3A_653 {strides = array<i32>} : memref<16x1024xf32, #tpu.memory_space<vmem>>, vector<1x16xf32>,
        %add3A_654 = arith.constant 80 : i32
        %add3A_655 = arith.addi %add3A_575, %add3A_654 : i32
        %get3A_656 = arith.index_cast %add3A_565 : i32 to index
        %get3A_657 = arith.index_cast %add3A_655 : i32 to index
        %get3A_658 = tpu.vector_load %arg5[%get3A_656, %get3A_657] {strides = array<i32>} : memref<16x1024xf32, #tpu.memory_space<vmem>>, vector<1x16xf32>,
        %get3A_659 = vector.shape_cast %get3A_658 : vector<1x16xf32> to vector<1x16xf32>
        %get3A_660 = arith.index_cast %add3A_565 : i32 to index
        %get3A_661 = arith.index_cast %add3A_655 : i32 to index
        %get3A_662 = tpu.vector_load %arg7[%get3A_660, %get3A_661] {strides = array<i32>} : memref<16x1024xf32, #tpu.memory_space<vmem>>, vector<1x16xf32>,
        %get3A_663 = vector.shape_cast %get3A_662 : vector<1x16xf32> to vector<1x16xf32>
        %add3A_664 = arith.addf %get3A_659, %get3A_663 : vector<1x16xf32>
        %swap3A_665 = arith.index_cast %add3A_565 : i32 to index
        %swap3A_666 = arith.index_cast %add3A_655 : i32 to index
        %swap3A_667 = tpu.vector_load %arg9[%swap3A_665, %swap3A_666] {strides = array<i32>} : memref<16x1024xf32, #tpu.memory_space<vmem>>, vector<1x16xf32>,
        %swap3A_668 = vector.shape_cast %swap3A_667 : vector<1x16xf32> to vector<1x16xf32>
        %swap3A_669 = vector.shape_cast %add3A_664 : vector<1x16xf32> to vector<1x16xf32>
        tpu.vector_store %arg9[%swap3A_665, %swap3A_666], %swap3A_669 {strides = array<i32>} : memref<16x1024xf32, #tpu.memory_space<vmem>>, vector<1x16xf32>,
        %add3A_670 = arith.constant 96 : i32
        %add3A_671 = arith.addi %add3A_575, %add3A_670 : i32
        %get3A_672 = arith.index_cast %add3A_565 : i32 to index
        %get3A_673 = arith.index_cast %add3A_671 : i32 to index
        %get3A_674 = tpu.vector_load %arg5[%get3A_672, %get3A_673] {strides = array<i32>} : memref<16x1024xf32, #tpu.memory_space<vmem>>, vector<1x16xf32>,
        %get3A_675 = vector.shape_cast %get3A_674 : vector<1x16xf32> to vector<1x16xf32>
        %get3A_676 = arith.index_cast %add3A_565 : i32 to index
        %get3A_677 = arith.index_cast %add3A_671 : i32 to index
        %get3A_678 = tpu.vector_load %arg7[%get3A_676, %get3A_677] {strides = array<i32>} : memref<16x1024xf32, #tpu.memory_space<vmem>>, vector<1x16xf32>,
        %get3A_679 = vector.shape_cast %get3A_678 : vector<1x16xf32> to vector<1x16xf32>
        %add3A_680 = arith.addf %get3A_675, %get3A_679 : vector<1x16xf32>
        %swap3A_681 = arith.index_cast %add3A_565 : i32 to index
        %swap3A_682 = arith.index_cast %add3A_671 : i32 to index
        %swap3A_683 = tpu.vector_load %arg9[%swap3A_681, %swap3A_682] {strides = array<i32>} : memref<16x1024xf32, #tpu.memory_space<vmem>>, vector<1x16xf32>,
        %swap3A_684 = vector.shape_cast %swap3A_683 : vector<1x16xf32> to vector<1x16xf32>
        %swap3A_685 = vector.shape_cast %add3A_680 : vector<1x16xf32> to vector<1x16xf32>
        tpu.vector_store %arg9[%swap3A_681, %swap3A_682], %swap3A_685 {strides = array<i32>} : memref<16x1024xf32, #tpu.memory_space<vmem>>, vector<1x16xf32>,
        %add3A_686 = arith.constant 112 : i32
        %add3A_687 = arith.addi %add3A_575, %add3A_686 : i32
        %get3A_688 = arith.index_cast %add3A_565 : i32 to index
        %get3A_689 = arith.index_cast %add3A_687 : i32 to index
        %get3A_690 = tpu.vector_load %arg5[%get3A_688, %get3A_689] {strides = array<i32>} : memref<16x1024xf32, #tpu.memory_space<vmem>>, vector<1x16xf32>,
        %get3A_691 = vector.shape_cast %get3A_690 : vector<1x16xf32> to vector<1x16xf32>
        %get3A_692 = arith.index_cast %add3A_565 : i32 to index
        %get3A_693 = arith.index_cast %add3A_687 : i32 to index
        %get3A_694 = tpu.vector_load %arg7[%get3A_692, %get3A_693] {strides = array<i32>} : memref<16x1024xf32, #tpu.memory_space<vmem>>, vector<1x16xf32>,
        %get3A_695 = vector.shape_cast %get3A_694 : vector<1x16xf32> to vector<1x16xf32>
        %add3A_696 = arith.addf %get3A_691, %get3A_695 : vector<1x16xf32>
        %swap3A_697 = arith.index_cast %add3A_565 : i32 to index
        %swap3A_698 = arith.index_cast %add3A_687 : i32 to index
        %swap3A_699 = tpu.vector_load %arg9[%swap3A_697, %swap3A_698] {strides = array<i32>} : memref<16x1024xf32, #tpu.memory_space<vmem>>, vector<1x16xf32>,
        %swap3A_700 = vector.shape_cast %swap3A_699 : vector<1x16xf32> to vector<1x16xf32>
        %swap3A_701 = vector.shape_cast %add3A_696 : vector<1x16xf32> to vector<1x16xf32>
        tpu.vector_store %arg9[%swap3A_697, %swap3A_698], %swap3A_701 {strides = array<i32>} : memref<16x1024xf32, #tpu.memory_space<vmem>>, vector<1x16xf32>,
      }
      %scan3A_570 = arith.constant 8 : i32
    }
    %scan3A_173 = arith.constant 16 : i32
    %add3A_174 = arith.constant 64 : i32
    %add3A_175 = arith.addi %mul3A_2, %add3A_174 : i32
    %dma_start3A_176 = arith.constant 0 : i32
    %dma_start3A_177 = tpu.memref_slice %arg4[%add3A_175, %dma_start3A_176] : memref<8192x1024xf32, #tpu.memory_space<hbm>> -> memref<16x1024xf32, #tpu.memory_space<hbm>>
    %dma_start3A_178 = arith.constant 0 : i32
    %dma_start3A_179 = tpu.memref_slice %arg4[%add3A_175, %dma_start3A_178] : memref<8192x1024xf32, #tpu.memory_space<hbm>> -> memref<16x1024xf32, #tpu.memory_space<hbm>>
    tpu.enqueue_dma source(%arg9 : memref<16x1024xf32, #tpu.memory_space<vmem>>) target(%dma_start3A_179 : memref<16x1024xf32, #tpu.memory_space<hbm>>) target_semaphore(%arg15 : memref<!tpu.dma_semaphore, #tpu.memory_space<semaphore_mem>>)
    %add3A_180 = arith.constant 96 : i32
    %add3A_181 = arith.addi %mul3A_2, %add3A_180 : i32
    %add3A_182 = arith.constant 96 : i32
    %add3A_183 = arith.addi %rem3A_3, %add3A_182 : i32
    %dma_start3A_184 = arith.constant 0 : i32
    %dma_start3A_185 = tpu.memref_slice %arg2[%add3A_181, %dma_start3A_184] : memref<8192x1024xf32, #tpu.memory_space<hbm>> -> memref<16x1024xf32, #tpu.memory_space<hbm>>
    %dma_start3A_186 = arith.constant 0 : i32
    %dma_start3A_187 = tpu.memref_slice %arg2[%add3A_181, %dma_start3A_186] : memref<8192x1024xf32, #tpu.memory_space<hbm>> -> memref<16x1024xf32, #tpu.memory_space<hbm>>
    tpu.enqueue_dma source(%dma_start3A_187 : memref<16x1024xf32, #tpu.memory_space<hbm>>) target(%arg5 : memref<16x1024xf32, #tpu.memory_space<vmem>>) target_semaphore(%arg11 : memref<!tpu.dma_semaphore, #tpu.memory_space<semaphore_mem>>)
    %dma_start3A_188 = arith.constant 0 : i32
    %dma_start3A_189 = tpu.memref_slice %arg3[%add3A_183, %dma_start3A_188] : memref<2048x1024xf32, #tpu.memory_space<hbm>> -> memref<16x1024xf32, #tpu.memory_space<hbm>>
    %dma_start3A_190 = arith.constant 0 : i32
    %dma_start3A_191 = tpu.memref_slice %arg3[%add3A_183, %dma_start3A_190] : memref<2048x1024xf32, #tpu.memory_space<hbm>> -> memref<16x1024xf32, #tpu.memory_space<hbm>>
    tpu.enqueue_dma source(%dma_start3A_191 : memref<16x1024xf32, #tpu.memory_space<hbm>>) target(%arg7 : memref<16x1024xf32, #tpu.memory_space<vmem>>) target_semaphore(%arg13 : memref<!tpu.dma_semaphore, #tpu.memory_space<semaphore_mem>>)
    %dma_wait3A_192 = arith.constant 0 : i32
    %dma_wait3A_193 = tpu.memref_slice %arg2[%add3A_146, %dma_wait3A_192] : memref<8192x1024xf32, #tpu.memory_space<hbm>> -> memref<16x1024xf32, #tpu.memory_space<hbm>>
    %dma_wait3A_194 = arith.constant 0 : i32
    %dma_wait3A_195 = tpu.memref_slice %arg2[%add3A_146, %dma_wait3A_194] : memref<8192x1024xf32, #tpu.memory_space<hbm>> -> memref<16x1024xf32, #tpu.memory_space<hbm>>
    tpu.wait_dma2 semaphore(%arg12 : memref<!tpu.dma_semaphore, #tpu.memory_space<semaphore_mem>>) src(%dma_wait3A_195 : memref<16x1024xf32, #tpu.memory_space<hbm>>) dst(%arg6 : memref<16x1024xf32, #tpu.memory_space<vmem>>)
    %dma_wait3A_196 = arith.constant 0 : i32
    %dma_wait3A_197 = tpu.memref_slice %arg3[%add3A_148, %dma_wait3A_196] : memref<2048x1024xf32, #tpu.memory_space<hbm>> -> memref<16x1024xf32, #tpu.memory_space<hbm>>
    %dma_wait3A_198 = arith.constant 0 : i32
    %dma_wait3A_199 = tpu.memref_slice %arg3[%add3A_148, %dma_wait3A_198] : memref<2048x1024xf32, #tpu.memory_space<hbm>> -> memref<16x1024xf32, #tpu.memory_space<hbm>>
    tpu.wait_dma2 semaphore(%arg14 : memref<!tpu.dma_semaphore, #tpu.memory_space<semaphore_mem>>) src(%dma_wait3A_199 : memref<16x1024xf32, #tpu.memory_space<hbm>>) dst(%arg8 : memref<16x1024xf32, #tpu.memory_space<vmem>>)
    %dma_wait3A_200 = arith.constant 0 : i32
    %dma_wait3A_201 = tpu.memref_slice %arg4[%add3A_140, %dma_wait3A_200] : memref<8192x1024xf32, #tpu.memory_space<hbm>> -> memref<16x1024xf32, #tpu.memory_space<hbm>>
    %dma_wait3A_202 = arith.constant 0 : i32
    %dma_wait3A_203 = tpu.memref_slice %arg4[%add3A_140, %dma_wait3A_202] : memref<8192x1024xf32, #tpu.memory_space<hbm>> -> memref<16x1024xf32, #tpu.memory_space<hbm>>
    tpu.wait_dma2 semaphore(%arg16 : memref<!tpu.dma_semaphore, #tpu.memory_space<semaphore_mem>>) src(%arg10 : memref<16x1024xf32, #tpu.memory_space<vmem>>) dst(%dma_wait3A_203 : memref<16x1024xf32, #tpu.memory_space<hbm>>)
    %scan3A_204 = arith.constant 0 : i32
    %scan3A_205 = arith.constant 16 : i32
    %scan3A_206 = arith.addi %scan3A_204, %scan3A_205 : i32
    %scan3A_207 = arith.constant 1 : i32
    scf.for %scan3A_561 = %scan3A_204 to %scan3A_206 step %scan3A_207  : i32 {
      %mul3A_562 = arith.constant 1 : i32
      %mul3A_563 = arith.muli %scan3A_561, %mul3A_562 : i32
      %add3A_564 = arith.constant 0 : i32
      %add3A_565 = arith.addi %add3A_564, %mul3A_563 : i32
      %scan3A_566 = arith.constant 0 : i32
      %scan3A_567 = arith.constant 8 : i32
      %scan3A_568 = arith.addi %scan3A_566, %scan3A_567 : i32
      %scan3A_569 = arith.constant 1 : i32
      scf.for %scan3A_571 = %scan3A_566 to %scan3A_568 step %scan3A_569  : i32 {
        %mul3A_572 = arith.constant 128 : i32
        %mul3A_573 = arith.muli %scan3A_571, %mul3A_572 : i32
        %add3A_574 = arith.constant 0 : i32
        %add3A_575 = arith.addi %add3A_574, %mul3A_573 : i32
        %add3A_576 = arith.constant 0 : i32
        %add3A_577 = arith.addi %add3A_575, %add3A_576 : i32
        %get3A = arith.index_cast %add3A_565 : i32 to index
        %get3A_578 = arith.index_cast %add3A_577 : i32 to index
        %get3A_579 = tpu.vector_load %arg6[%get3A, %get3A_578] {strides = array<i32>} : memref<16x1024xf32, #tpu.memory_space<vmem>>, vector<1x16xf32>,
        %get3A_580 = vector.shape_cast %get3A_579 : vector<1x16xf32> to vector<1x16xf32>
        %get3A_581 = arith.index_cast %add3A_565 : i32 to index
        %get3A_582 = arith.index_cast %add3A_577 : i32 to index
        %get3A_583 = tpu.vector_load %arg8[%get3A_581, %get3A_582] {strides = array<i32>} : memref<16x1024xf32, #tpu.memory_space<vmem>>, vector<1x16xf32>,
        %get3A_584 = vector.shape_cast %get3A_583 : vector<1x16xf32> to vector<1x16xf32>
        %add3A_585 = arith.addf %get3A_580, %get3A_584 : vector<1x16xf32>
        %swap3A = arith.index_cast %add3A_565 : i32 to index
        %swap3A_586 = arith.index_cast %add3A_577 : i32 to index
        %swap3A_587 = tpu.vector_load %arg10[%swap3A, %swap3A_586] {strides = array<i32>} : memref<16x1024xf32, #tpu.memory_space<vmem>>, vector<1x16xf32>,
        %swap3A_588 = vector.shape_cast %swap3A_587 : vector<1x16xf32> to vector<1x16xf32>
        %swap3A_589 = vector.shape_cast %add3A_585 : vector<1x16xf32> to vector<1x16xf32>
        tpu.vector_store %arg10[%swap3A, %swap3A_586], %swap3A_589 {strides = array<i32>} : memref<16x1024xf32, #tpu.memory_space<vmem>>, vector<1x16xf32>,
        %add3A_590 = arith.constant 16 : i32
        %add3A_591 = arith.addi %add3A_575, %add3A_590 : i32
        %get3A_592 = arith.index_cast %add3A_565 : i32 to index
        %get3A_593 = arith.index_cast %add3A_591 : i32 to index
        %get3A_594 = tpu.vector_load %arg6[%get3A_592, %get3A_593] {strides = array<i32>} : memref<16x1024xf32, #tpu.memory_space<vmem>>, vector<1x16xf32>,
        %get3A_595 = vector.shape_cast %get3A_594 : vector<1x16xf32> to vector<1x16xf32>
        %get3A_596 = arith.index_cast %add3A_565 : i32 to index
        %get3A_597 = arith.index_cast %add3A_591 : i32 to index
        %get3A_598 = tpu.vector_load %arg8[%get3A_596, %get3A_597] {strides = array<i32>} : memref<16x1024xf32, #tpu.memory_space<vmem>>, vector<1x16xf32>,
        %get3A_599 = vector.shape_cast %get3A_598 : vector<1x16xf32> to vector<1x16xf32>
        %add3A_600 = arith.addf %get3A_595, %get3A_599 : vector<1x16xf32>
        %swap3A_601 = arith.index_cast %add3A_565 : i32 to index
        %swap3A_602 = arith.index_cast %add3A_591 : i32 to index
        %swap3A_603 = tpu.vector_load %arg10[%swap3A_601, %swap3A_602] {strides = array<i32>} : memref<16x1024xf32, #tpu.memory_space<vmem>>, vector<1x16xf32>,
        %swap3A_604 = vector.shape_cast %swap3A_603 : vector<1x16xf32> to vector<1x16xf32>
        %swap3A_605 = vector.shape_cast %add3A_600 : vector<1x16xf32> to vector<1x16xf32>
        tpu.vector_store %arg10[%swap3A_601, %swap3A_602], %swap3A_605 {strides = array<i32>} : memref<16x1024xf32, #tpu.memory_space<vmem>>, vector<1x16xf32>,
        %add3A_606 = arith.constant 32 : i32
        %add3A_607 = arith.addi %add3A_575, %add3A_606 : i32
        %get3A_608 = arith.index_cast %add3A_565 : i32 to index
        %get3A_609 = arith.index_cast %add3A_607 : i32 to index
        %get3A_610 = tpu.vector_load %arg6[%get3A_608, %get3A_609] {strides = array<i32>} : memref<16x1024xf32, #tpu.memory_space<vmem>>, vector<1x16xf32>,
        %get3A_611 = vector.shape_cast %get3A_610 : vector<1x16xf32> to vector<1x16xf32>
        %get3A_612 = arith.index_cast %add3A_565 : i32 to index
        %get3A_613 = arith.index_cast %add3A_607 : i32 to index
        %get3A_614 = tpu.vector_load %arg8[%get3A_612, %get3A_613] {strides = array<i32>} : memref<16x1024xf32, #tpu.memory_space<vmem>>, vector<1x16xf32>,
        %get3A_615 = vector.shape_cast %get3A_614 : vector<1x16xf32> to vector<1x16xf32>
        %add3A_616 = arith.addf %get3A_611, %get3A_615 : vector<1x16xf32>
        %swap3A_617 = arith.index_cast %add3A_565 : i32 to index
        %swap3A_618 = arith.index_cast %add3A_607 : i32 to index
        %swap3A_619 = tpu.vector_load %arg10[%swap3A_617, %swap3A_618] {strides = array<i32>} : memref<16x1024xf32, #tpu.memory_space<vmem>>, vector<1x16xf32>,
        %swap3A_620 = vector.shape_cast %swap3A_619 : vector<1x16xf32> to vector<1x16xf32>
        %swap3A_621 = vector.shape_cast %add3A_616 : vector<1x16xf32> to vector<1x16xf32>
        tpu.vector_store %arg10[%swap3A_617, %swap3A_618], %swap3A_621 {strides = array<i32>} : memref<16x1024xf32, #tpu.memory_space<vmem>>, vector<1x16xf32>,
        %add3A_622 = arith.constant 48 : i32
        %add3A_623 = arith.addi %add3A_575, %add3A_622 : i32
        %get3A_624 = arith.index_cast %add3A_565 : i32 to index
        %get3A_625 = arith.index_cast %add3A_623 : i32 to index
        %get3A_626 = tpu.vector_load %arg6[%get3A_624, %get3A_625] {strides = array<i32>} : memref<16x1024xf32, #tpu.memory_space<vmem>>, vector<1x16xf32>,
        %get3A_627 = vector.shape_cast %get3A_626 : vector<1x16xf32> to vector<1x16xf32>
        %get3A_628 = arith.index_cast %add3A_565 : i32 to index
        %get3A_629 = arith.index_cast %add3A_623 : i32 to index
        %get3A_630 = tpu.vector_load %arg8[%get3A_628, %get3A_629] {strides = array<i32>} : memref<16x1024xf32, #tpu.memory_space<vmem>>, vector<1x16xf32>,
        %get3A_631 = vector.shape_cast %get3A_630 : vector<1x16xf32> to vector<1x16xf32>
        %add3A_632 = arith.addf %get3A_627, %get3A_631 : vector<1x16xf32>
        %swap3A_633 = arith.index_cast %add3A_565 : i32 to index
        %swap3A_634 = arith.index_cast %add3A_623 : i32 to index
        %swap3A_635 = tpu.vector_load %arg10[%swap3A_633, %swap3A_634] {strides = array<i32>} : memref<16x1024xf32, #tpu.memory_space<vmem>>, vector<1x16xf32>,
        %swap3A_636 = vector.shape_cast %swap3A_635 : vector<1x16xf32> to vector<1x16xf32>
        %swap3A_637 = vector.shape_cast %add3A_632 : vector<1x16xf32> to vector<1x16xf32>
        tpu.vector_store %arg10[%swap3A_633, %swap3A_634], %swap3A_637 {strides = array<i32>} : memref<16x1024xf32, #tpu.memory_space<vmem>>, vector<1x16xf32>,
        %add3A_638 = arith.constant 64 : i32
        %add3A_639 = arith.addi %add3A_575, %add3A_638 : i32
        %get3A_640 = arith.index_cast %add3A_565 : i32 to index
        %get3A_641 = arith.index_cast %add3A_639 : i32 to index
        %get3A_642 = tpu.vector_load %arg6[%get3A_640, %get3A_641] {strides = array<i32>} : memref<16x1024xf32, #tpu.memory_space<vmem>>, vector<1x16xf32>,
        %get3A_643 = vector.shape_cast %get3A_642 : vector<1x16xf32> to vector<1x16xf32>
        %get3A_644 = arith.index_cast %add3A_565 : i32 to index
        %get3A_645 = arith.index_cast %add3A_639 : i32 to index
        %get3A_646 = tpu.vector_load %arg8[%get3A_644, %get3A_645] {strides = array<i32>} : memref<16x1024xf32, #tpu.memory_space<vmem>>, vector<1x16xf32>,
        %get3A_647 = vector.shape_cast %get3A_646 : vector<1x16xf32> to vector<1x16xf32>
        %add3A_648 = arith.addf %get3A_643, %get3A_647 : vector<1x16xf32>
        %swap3A_649 = arith.index_cast %add3A_565 : i32 to index
        %swap3A_650 = arith.index_cast %add3A_639 : i32 to index
        %swap3A_651 = tpu.vector_load %arg10[%swap3A_649, %swap3A_650] {strides = array<i32>} : memref<16x1024xf32, #tpu.memory_space<vmem>>, vector<1x16xf32>,
        %swap3A_652 = vector.shape_cast %swap3A_651 : vector<1x16xf32> to vector<1x16xf32>
        %swap3A_653 = vector.shape_cast %add3A_648 : vector<1x16xf32> to vector<1x16xf32>
        tpu.vector_store %arg10[%swap3A_649, %swap3A_650], %swap3A_653 {strides = array<i32>} : memref<16x1024xf32, #tpu.memory_space<vmem>>, vector<1x16xf32>,
        %add3A_654 = arith.constant 80 : i32
        %add3A_655 = arith.addi %add3A_575, %add3A_654 : i32
        %get3A_656 = arith.index_cast %add3A_565 : i32 to index
        %get3A_657 = arith.index_cast %add3A_655 : i32 to index
        %get3A_658 = tpu.vector_load %arg6[%get3A_656, %get3A_657] {strides = array<i32>} : memref<16x1024xf32, #tpu.memory_space<vmem>>, vector<1x16xf32>,
        %get3A_659 = vector.shape_cast %get3A_658 : vector<1x16xf32> to vector<1x16xf32>
        %get3A_660 = arith.index_cast %add3A_565 : i32 to index
        %get3A_661 = arith.index_cast %add3A_655 : i32 to index
        %get3A_662 = tpu.vector_load %arg8[%get3A_660, %get3A_661] {strides = array<i32>} : memref<16x1024xf32, #tpu.memory_space<vmem>>, vector<1x16xf32>,
        %get3A_663 = vector.shape_cast %get3A_662 : vector<1x16xf32> to vector<1x16xf32>
        %add3A_664 = arith.addf %get3A_659, %get3A_663 : vector<1x16xf32>
        %swap3A_665 = arith.index_cast %add3A_565 : i32 to index
        %swap3A_666 = arith.index_cast %add3A_655 : i32 to index
        %swap3A_667 = tpu.vector_load %arg10[%swap3A_665, %swap3A_666] {strides = array<i32>} : memref<16x1024xf32, #tpu.memory_space<vmem>>, vector<1x16xf32>,
        %swap3A_668 = vector.shape_cast %swap3A_667 : vector<1x16xf32> to vector<1x16xf32>
        %swap3A_669 = vector.shape_cast %add3A_664 : vector<1x16xf32> to vector<1x16xf32>
        tpu.vector_store %arg10[%swap3A_665, %swap3A_666], %swap3A_669 {strides = array<i32>} : memref<16x1024xf32, #tpu.memory_space<vmem>>, vector<1x16xf32>,
        %add3A_670 = arith.constant 96 : i32
        %add3A_671 = arith.addi %add3A_575, %add3A_670 : i32
        %get3A_672 = arith.index_cast %add3A_565 : i32 to index
        %get3A_673 = arith.index_cast %add3A_671 : i32 to index
        %get3A_674 = tpu.vector_load %arg6[%get3A_672, %get3A_673] {strides = array<i32>} : memref<16x1024xf32, #tpu.memory_space<vmem>>, vector<1x16xf32>,
        %get3A_675 = vector.shape_cast %get3A_674 : vector<1x16xf32> to vector<1x16xf32>
        %get3A_676 = arith.index_cast %add3A_565 : i32 to index
        %get3A_677 = arith.index_cast %add3A_671 : i32 to index
        %get3A_678 = tpu.vector_load %arg8[%get3A_676, %get3A_677] {strides = array<i32>} : memref<16x1024xf32, #tpu.memory_space<vmem>>, vector<1x16xf32>,
        %get3A_679 = vector.shape_cast %get3A_678 : vector<1x16xf32> to vector<1x16xf32>
        %add3A_680 = arith.addf %get3A_675, %get3A_679 : vector<1x16xf32>
        %swap3A_681 = arith.index_cast %add3A_565 : i32 to index
        %swap3A_682 = arith.index_cast %add3A_671 : i32 to index
        %swap3A_683 = tpu.vector_load %arg10[%swap3A_681, %swap3A_682] {strides = array<i32>} : memref<16x1024xf32, #tpu.memory_space<vmem>>, vector<1x16xf32>,
        %swap3A_684 = vector.shape_cast %swap3A_683 : vector<1x16xf32> to vector<1x16xf32>
        %swap3A_685 = vector.shape_cast %add3A_680 : vector<1x16xf32> to vector<1x16xf32>
        tpu.vector_store %arg10[%swap3A_681, %swap3A_682], %swap3A_685 {strides = array<i32>} : memref<16x1024xf32, #tpu.memory_space<vmem>>, vector<1x16xf32>,
        %add3A_686 = arith.constant 112 : i32
        %add3A_687 = arith.addi %add3A_575, %add3A_686 : i32
        %get3A_688 = arith.index_cast %add3A_565 : i32 to index
        %get3A_689 = arith.index_cast %add3A_687 : i32 to index
        %get3A_690 = tpu.vector_load %arg6[%get3A_688, %get3A_689] {strides = array<i32>} : memref<16x1024xf32, #tpu.memory_space<vmem>>, vector<1x16xf32>,
        %get3A_691 = vector.shape_cast %get3A_690 : vector<1x16xf32> to vector<1x16xf32>
        %get3A_692 = arith.index_cast %add3A_565 : i32 to index
        %get3A_693 = arith.index_cast %add3A_687 : i32 to index
        %get3A_694 = tpu.vector_load %arg8[%get3A_692, %get3A_693] {strides = array<i32>} : memref<16x1024xf32, #tpu.memory_space<vmem>>, vector<1x16xf32>,
        %get3A_695 = vector.shape_cast %get3A_694 : vector<1x16xf32> to vector<1x16xf32>
        %add3A_696 = arith.addf %get3A_691, %get3A_695 : vector<1x16xf32>
        %swap3A_697 = arith.index_cast %add3A_565 : i32 to index
        %swap3A_698 = arith.index_cast %add3A_687 : i32 to index
        %swap3A_699 = tpu.vector_load %arg10[%swap3A_697, %swap3A_698] {strides = array<i32>} : memref<16x1024xf32, #tpu.memory_space<vmem>>, vector<1x16xf32>,
        %swap3A_700 = vector.shape_cast %swap3A_699 : vector<1x16xf32> to vector<1x16xf32>
        %swap3A_701 = vector.shape_cast %add3A_696 : vector<1x16xf32> to vector<1x16xf32>
        tpu.vector_store %arg10[%swap3A_697, %swap3A_698], %swap3A_701 {strides = array<i32>} : memref<16x1024xf32, #tpu.memory_space<vmem>>, vector<1x16xf32>,
      }
      %scan3A_570 = arith.constant 8 : i32
    }
    %scan3A_208 = arith.constant 16 : i32
    %add3A_209 = arith.constant 80 : i32
    %add3A_210 = arith.addi %mul3A_2, %add3A_209 : i32
    %dma_start3A_211 = arith.constant 0 : i32
    %dma_start3A_212 = tpu.memref_slice %arg4[%add3A_210, %dma_start3A_211] : memref<8192x1024xf32, #tpu.memory_space<hbm>> -> memref<16x1024xf32, #tpu.memory_space<hbm>>
    %dma_start3A_213 = arith.constant 0 : i32
    %dma_start3A_214 = tpu.memref_slice %arg4[%add3A_210, %dma_start3A_213] : memref<8192x1024xf32, #tpu.memory_space<hbm>> -> memref<16x1024xf32, #tpu.memory_space<hbm>>
    tpu.enqueue_dma source(%arg10 : memref<16x1024xf32, #tpu.memory_space<vmem>>) target(%dma_start3A_214 : memref<16x1024xf32, #tpu.memory_space<hbm>>) target_semaphore(%arg16 : memref<!tpu.dma_semaphore, #tpu.memory_space<semaphore_mem>>)
    %add3A_215 = arith.constant 112 : i32
    %add3A_216 = arith.addi %mul3A_2, %add3A_215 : i32
    %add3A_217 = arith.constant 112 : i32
    %add3A_218 = arith.addi %rem3A_3, %add3A_217 : i32
    %dma_start3A_219 = arith.constant 0 : i32
    %dma_start3A_220 = tpu.memref_slice %arg2[%add3A_216, %dma_start3A_219] : memref<8192x1024xf32, #tpu.memory_space<hbm>> -> memref<16x1024xf32, #tpu.memory_space<hbm>>
    %dma_start3A_221 = arith.constant 0 : i32
    %dma_start3A_222 = tpu.memref_slice %arg2[%add3A_216, %dma_start3A_221] : memref<8192x1024xf32, #tpu.memory_space<hbm>> -> memref<16x1024xf32, #tpu.memory_space<hbm>>
    tpu.enqueue_dma source(%dma_start3A_222 : memref<16x1024xf32, #tpu.memory_space<hbm>>) target(%arg6 : memref<16x1024xf32, #tpu.memory_space<vmem>>) target_semaphore(%arg12 : memref<!tpu.dma_semaphore, #tpu.memory_space<semaphore_mem>>)
    %dma_start3A_223 = arith.constant 0 : i32
    %dma_start3A_224 = tpu.memref_slice %arg3[%add3A_218, %dma_start3A_223] : memref<2048x1024xf32, #tpu.memory_space<hbm>> -> memref<16x1024xf32, #tpu.memory_space<hbm>>
    %dma_start3A_225 = arith.constant 0 : i32
    %dma_start3A_226 = tpu.memref_slice %arg3[%add3A_218, %dma_start3A_225] : memref<2048x1024xf32, #tpu.memory_space<hbm>> -> memref<16x1024xf32, #tpu.memory_space<hbm>>
    tpu.enqueue_dma source(%dma_start3A_226 : memref<16x1024xf32, #tpu.memory_space<hbm>>) target(%arg8 : memref<16x1024xf32, #tpu.memory_space<vmem>>) target_semaphore(%arg14 : memref<!tpu.dma_semaphore, #tpu.memory_space<semaphore_mem>>)
    %dma_wait3A_227 = arith.constant 0 : i32
    %dma_wait3A_228 = tpu.memref_slice %arg2[%add3A_181, %dma_wait3A_227] : memref<8192x1024xf32, #tpu.memory_space<hbm>> -> memref<16x1024xf32, #tpu.memory_space<hbm>>
    %dma_wait3A_229 = arith.constant 0 : i32
    %dma_wait3A_230 = tpu.memref_slice %arg2[%add3A_181, %dma_wait3A_229] : memref<8192x1024xf32, #tpu.memory_space<hbm>> -> memref<16x1024xf32, #tpu.memory_space<hbm>>
    tpu.wait_dma2 semaphore(%arg11 : memref<!tpu.dma_semaphore, #tpu.memory_space<semaphore_mem>>) src(%dma_wait3A_230 : memref<16x1024xf32, #tpu.memory_space<hbm>>) dst(%arg5 : memref<16x1024xf32, #tpu.memory_space<vmem>>)
    %dma_wait3A_231 = arith.constant 0 : i32
    %dma_wait3A_232 = tpu.memref_slice %arg3[%add3A_183, %dma_wait3A_231] : memref<2048x1024xf32, #tpu.memory_space<hbm>> -> memref<16x1024xf32, #tpu.memory_space<hbm>>
    %dma_wait3A_233 = arith.constant 0 : i32
    %dma_wait3A_234 = tpu.memref_slice %arg3[%add3A_183, %dma_wait3A_233] : memref<2048x1024xf32, #tpu.memory_space<hbm>> -> memref<16x1024xf32, #tpu.memory_space<hbm>>
    tpu.wait_dma2 semaphore(%arg13 : memref<!tpu.dma_semaphore, #tpu.memory_space<semaphore_mem>>) src(%dma_wait3A_234 : memref<16x1024xf32, #tpu.memory_space<hbm>>) dst(%arg7 : memref<16x1024xf32, #tpu.memory_space<vmem>>)
    %dma_wait3A_235 = arith.constant 0 : i32
    %dma_wait3A_236 = tpu.memref_slice %arg4[%add3A_175, %dma_wait3A_235] : memref<8192x1024xf32, #tpu.memory_space<hbm>> -> memref<16x1024xf32, #tpu.memory_space<hbm>>
    %dma_wait3A_237 = arith.constant 0 : i32
    %dma_wait3A_238 = tpu.memref_slice %arg4[%add3A_175, %dma_wait3A_237] : memref<8192x1024xf32, #tpu.memory_space<hbm>> -> memref<16x1024xf32, #tpu.memory_space<hbm>>
    tpu.wait_dma2 semaphore(%arg15 : memref<!tpu.dma_semaphore, #tpu.memory_space<semaphore_mem>>) src(%arg9 : memref<16x1024xf32, #tpu.memory_space<vmem>>) dst(%dma_wait3A_238 : memref<16x1024xf32, #tpu.memory_space<hbm>>)
    %scan3A_239 = arith.constant 0 : i32
    %scan3A_240 = arith.constant 16 : i32
    %scan3A_241 = arith.addi %scan3A_239, %scan3A_240 : i32
    %scan3A_242 = arith.constant 1 : i32
    scf.for %scan3A_561 = %scan3A_239 to %scan3A_241 step %scan3A_242  : i32 {
      %mul3A_562 = arith.constant 1 : i32
      %mul3A_563 = arith.muli %scan3A_561, %mul3A_562 : i32
      %add3A_564 = arith.constant 0 : i32
      %add3A_565 = arith.addi %add3A_564, %mul3A_563 : i32
      %scan3A_566 = arith.constant 0 : i32
      %scan3A_567 = arith.constant 8 : i32
      %scan3A_568 = arith.addi %scan3A_566, %scan3A_567 : i32
      %scan3A_569 = arith.constant 1 : i32
      scf.for %scan3A_571 = %scan3A_566 to %scan3A_568 step %scan3A_569  : i32 {
        %mul3A_572 = arith.constant 128 : i32
        %mul3A_573 = arith.muli %scan3A_571, %mul3A_572 : i32
        %add3A_574 = arith.constant 0 : i32
        %add3A_575 = arith.addi %add3A_574, %mul3A_573 : i32
        %add3A_576 = arith.constant 0 : i32
        %add3A_577 = arith.addi %add3A_575, %add3A_576 : i32
        %get3A = arith.index_cast %add3A_565 : i32 to index
        %get3A_578 = arith.index_cast %add3A_577 : i32 to index
        %get3A_579 = tpu.vector_load %arg5[%get3A, %get3A_578] {strides = array<i32>} : memref<16x1024xf32, #tpu.memory_space<vmem>>, vector<1x16xf32>,
        %get3A_580 = vector.shape_cast %get3A_579 : vector<1x16xf32> to vector<1x16xf32>
        %get3A_581 = arith.index_cast %add3A_565 : i32 to index
        %get3A_582 = arith.index_cast %add3A_577 : i32 to index
        %get3A_583 = tpu.vector_load %arg7[%get3A_581, %get3A_582] {strides = array<i32>} : memref<16x1024xf32, #tpu.memory_space<vmem>>, vector<1x16xf32>,
        %get3A_584 = vector.shape_cast %get3A_583 : vector<1x16xf32> to vector<1x16xf32>
        %add3A_585 = arith.addf %get3A_580, %get3A_584 : vector<1x16xf32>
        %swap3A = arith.index_cast %add3A_565 : i32 to index
        %swap3A_586 = arith.index_cast %add3A_577 : i32 to index
        %swap3A_587 = tpu.vector_load %arg9[%swap3A, %swap3A_586] {strides = array<i32>} : memref<16x1024xf32, #tpu.memory_space<vmem>>, vector<1x16xf32>,
        %swap3A_588 = vector.shape_cast %swap3A_587 : vector<1x16xf32> to vector<1x16xf32>
        %swap3A_589 = vector.shape_cast %add3A_585 : vector<1x16xf32> to vector<1x16xf32>
        tpu.vector_store %arg9[%swap3A, %swap3A_586], %swap3A_589 {strides = array<i32>} : memref<16x1024xf32, #tpu.memory_space<vmem>>, vector<1x16xf32>,
        %add3A_590 = arith.constant 16 : i32
        %add3A_591 = arith.addi %add3A_575, %add3A_590 : i32
        %get3A_592 = arith.index_cast %add3A_565 : i32 to index
        %get3A_593 = arith.index_cast %add3A_591 : i32 to index
        %get3A_594 = tpu.vector_load %arg5[%get3A_592, %get3A_593] {strides = array<i32>} : memref<16x1024xf32, #tpu.memory_space<vmem>>, vector<1x16xf32>,
        %get3A_595 = vector.shape_cast %get3A_594 : vector<1x16xf32> to vector<1x16xf32>
        %get3A_596 = arith.index_cast %add3A_565 : i32 to index
        %get3A_597 = arith.index_cast %add3A_591 : i32 to index
        %get3A_598 = tpu.vector_load %arg7[%get3A_596, %get3A_597] {strides = array<i32>} : memref<16x1024xf32, #tpu.memory_space<vmem>>, vector<1x16xf32>,
        %get3A_599 = vector.shape_cast %get3A_598 : vector<1x16xf32> to vector<1x16xf32>
        %add3A_600 = arith.addf %get3A_595, %get3A_599 : vector<1x16xf32>
        %swap3A_601 = arith.index_cast %add3A_565 : i32 to index
        %swap3A_602 = arith.index_cast %add3A_591 : i32 to index
        %swap3A_603 = tpu.vector_load %arg9[%swap3A_601, %swap3A_602] {strides = array<i32>} : memref<16x1024xf32, #tpu.memory_space<vmem>>, vector<1x16xf32>,
        %swap3A_604 = vector.shape_cast %swap3A_603 : vector<1x16xf32> to vector<1x16xf32>
        %swap3A_605 = vector.shape_cast %add3A_600 : vector<1x16xf32> to vector<1x16xf32>
        tpu.vector_store %arg9[%swap3A_601, %swap3A_602], %swap3A_605 {strides = array<i32>} : memref<16x1024xf32, #tpu.memory_space<vmem>>, vector<1x16xf32>,
        %add3A_606 = arith.constant 32 : i32
        %add3A_607 = arith.addi %add3A_575, %add3A_606 : i32
        %get3A_608 = arith.index_cast %add3A_565 : i32 to index
        %get3A_609 = arith.index_cast %add3A_607 : i32 to index
        %get3A_610 = tpu.vector_load %arg5[%get3A_608, %get3A_609] {strides = array<i32>} : memref<16x1024xf32, #tpu.memory_space<vmem>>, vector<1x16xf32>,
        %get3A_611 = vector.shape_cast %get3A_610 : vector<1x16xf32> to vector<1x16xf32>
        %get3A_612 = arith.index_cast %add3A_565 : i32 to index
        %get3A_613 = arith.index_cast %add3A_607 : i32 to index
        %get3A_614 = tpu.vector_load %arg7[%get3A_612, %get3A_613] {strides = array<i32>} : memref<16x1024xf32, #tpu.memory_space<vmem>>, vector<1x16xf32>,
        %get3A_615 = vector.shape_cast %get3A_614 : vector<1x16xf32> to vector<1x16xf32>
        %add3A_616 = arith.addf %get3A_611, %get3A_615 : vector<1x16xf32>
        %swap3A_617 = arith.index_cast %add3A_565 : i32 to index
        %swap3A_618 = arith.index_cast %add3A_607 : i32 to index
        %swap3A_619 = tpu.vector_load %arg9[%swap3A_617, %swap3A_618] {strides = array<i32>} : memref<16x1024xf32, #tpu.memory_space<vmem>>, vector<1x16xf32>,
        %swap3A_620 = vector.shape_cast %swap3A_619 : vector<1x16xf32> to vector<1x16xf32>
        %swap3A_621 = vector.shape_cast %add3A_616 : vector<1x16xf32> to vector<1x16xf32>
        tpu.vector_store %arg9[%swap3A_617, %swap3A_618], %swap3A_621 {strides = array<i32>} : memref<16x1024xf32, #tpu.memory_space<vmem>>, vector<1x16xf32>,
        %add3A_622 = arith.constant 48 : i32
        %add3A_623 = arith.addi %add3A_575, %add3A_622 : i32
        %get3A_624 = arith.index_cast %add3A_565 : i32 to index
        %get3A_625 = arith.index_cast %add3A_623 : i32 to index
        %get3A_626 = tpu.vector_load %arg5[%get3A_624, %get3A_625] {strides = array<i32>} : memref<16x1024xf32, #tpu.memory_space<vmem>>, vector<1x16xf32>,
        %get3A_627 = vector.shape_cast %get3A_626 : vector<1x16xf32> to vector<1x16xf32>
        %get3A_628 = arith.index_cast %add3A_565 : i32 to index
        %get3A_629 = arith.index_cast %add3A_623 : i32 to index
        %get3A_630 = tpu.vector_load %arg7[%get3A_628, %get3A_629] {strides = array<i32>} : memref<16x1024xf32, #tpu.memory_space<vmem>>, vector<1x16xf32>,
        %get3A_631 = vector.shape_cast %get3A_630 : vector<1x16xf32> to vector<1x16xf32>
        %add3A_632 = arith.addf %get3A_627, %get3A_631 : vector<1x16xf32>
        %swap3A_633 = arith.index_cast %add3A_565 : i32 to index
        %swap3A_634 = arith.index_cast %add3A_623 : i32 to index
        %swap3A_635 = tpu.vector_load %arg9[%swap3A_633, %swap3A_634] {strides = array<i32>} : memref<16x1024xf32, #tpu.memory_space<vmem>>, vector<1x16xf32>,
        %swap3A_636 = vector.shape_cast %swap3A_635 : vector<1x16xf32> to vector<1x16xf32>
        %swap3A_637 = vector.shape_cast %add3A_632 : vector<1x16xf32> to vector<1x16xf32>
        tpu.vector_store %arg9[%swap3A_633, %swap3A_634], %swap3A_637 {strides = array<i32>} : memref<16x1024xf32, #tpu.memory_space<vmem>>, vector<1x16xf32>,
        %add3A_638 = arith.constant 64 : i32
        %add3A_639 = arith.addi %add3A_575, %add3A_638 : i32
        %get3A_640 = arith.index_cast %add3A_565 : i32 to index
        %get3A_641 = arith.index_cast %add3A_639 : i32 to index
        %get3A_642 = tpu.vector_load %arg5[%get3A_640, %get3A_641] {strides = array<i32>} : memref<16x1024xf32, #tpu.memory_space<vmem>>, vector<1x16xf32>,
        %get3A_643 = vector.shape_cast %get3A_642 : vector<1x16xf32> to vector<1x16xf32>
        %get3A_644 = arith.index_cast %add3A_565 : i32 to index
        %get3A_645 = arith.index_cast %add3A_639 : i32 to index
        %get3A_646 = tpu.vector_load %arg7[%get3A_644, %get3A_645] {strides = array<i32>} : memref<16x1024xf32, #tpu.memory_space<vmem>>, vector<1x16xf32>,
        %get3A_647 = vector.shape_cast %get3A_646 : vector<1x16xf32> to vector<1x16xf32>
        %add3A_648 = arith.addf %get3A_643, %get3A_647 : vector<1x16xf32>
        %swap3A_649 = arith.index_cast %add3A_565 : i32 to index
        %swap3A_650 = arith.index_cast %add3A_639 : i32 to index
        %swap3A_651 = tpu.vector_load %arg9[%swap3A_649, %swap3A_650] {strides = array<i32>} : memref<16x1024xf32, #tpu.memory_space<vmem>>, vector<1x16xf32>,
        %swap3A_652 = vector.shape_cast %swap3A_651 : vector<1x16xf32> to vector<1x16xf32>
        %swap3A_653 = vector.shape_cast %add3A_648 : vector<1x16xf32> to vector<1x16xf32>
        tpu.vector_store %arg9[%swap3A_649, %swap3A_650], %swap3A_653 {strides = array<i32>} : memref<16x1024xf32, #tpu.memory_space<vmem>>, vector<1x16xf32>,
        %add3A_654 = arith.constant 80 : i32
        %add3A_655 = arith.addi %add3A_575, %add3A_654 : i32
        %get3A_656 = arith.index_cast %add3A_565 : i32 to index
        %get3A_657 = arith.index_cast %add3A_655 : i32 to index
        %get3A_658 = tpu.vector_load %arg5[%get3A_656, %get3A_657] {strides = array<i32>} : memref<16x1024xf32, #tpu.memory_space<vmem>>, vector<1x16xf32>,
        %get3A_659 = vector.shape_cast %get3A_658 : vector<1x16xf32> to vector<1x16xf32>
        %get3A_660 = arith.index_cast %add3A_565 : i32 to index
        %get3A_661 = arith.index_cast %add3A_655 : i32 to index
        %get3A_662 = tpu.vector_load %arg7[%get3A_660, %get3A_661] {strides = array<i32>} : memref<16x1024xf32, #tpu.memory_space<vmem>>, vector<1x16xf32>,
        %get3A_663 = vector.shape_cast %get3A_662 : vector<1x16xf32> to vector<1x16xf32>
        %add3A_664 = arith.addf %get3A_659, %get3A_663 : vector<1x16xf32>
        %swap3A_665 = arith.index_cast %add3A_565 : i32 to index
        %swap3A_666 = arith.index_cast %add3A_655 : i32 to index
        %swap3A_667 = tpu.vector_load %arg9[%swap3A_665, %swap3A_666] {strides = array<i32>} : memref<16x1024xf32, #tpu.memory_space<vmem>>, vector<1x16xf32>,
        %swap3A_668 = vector.shape_cast %swap3A_667 : vector<1x16xf32> to vector<1x16xf32>
        %swap3A_669 = vector.shape_cast %add3A_664 : vector<1x16xf32> to vector<1x16xf32>
        tpu.vector_store %arg9[%swap3A_665, %swap3A_666], %swap3A_669 {strides = array<i32>} : memref<16x1024xf32, #tpu.memory_space<vmem>>, vector<1x16xf32>,
        %add3A_670 = arith.constant 96 : i32
        %add3A_671 = arith.addi %add3A_575, %add3A_670 : i32
        %get3A_672 = arith.index_cast %add3A_565 : i32 to index
        %get3A_673 = arith.index_cast %add3A_671 : i32 to index
        %get3A_674 = tpu.vector_load %arg5[%get3A_672, %get3A_673] {strides = array<i32>} : memref<16x1024xf32, #tpu.memory_space<vmem>>, vector<1x16xf32>,
        %get3A_675 = vector.shape_cast %get3A_674 : vector<1x16xf32> to vector<1x16xf32>
        %get3A_676 = arith.index_cast %add3A_565 : i32 to index
        %get3A_677 = arith.index_cast %add3A_671 : i32 to index
        %get3A_678 = tpu.vector_load %arg7[%get3A_676, %get3A_677] {strides = array<i32>} : memref<16x1024xf32, #tpu.memory_space<vmem>>, vector<1x16xf32>,
        %get3A_679 = vector.shape_cast %get3A_678 : vector<1x16xf32> to vector<1x16xf32>
        %add3A_680 = arith.addf %get3A_675, %get3A_679 : vector<1x16xf32>
        %swap3A_681 = arith.index_cast %add3A_565 : i32 to index
        %swap3A_682 = arith.index_cast %add3A_671 : i32 to index
        %swap3A_683 = tpu.vector_load %arg9[%swap3A_681, %swap3A_682] {strides = array<i32>} : memref<16x1024xf32, #tpu.memory_space<vmem>>, vector<1x16xf32>,
        %swap3A_684 = vector.shape_cast %swap3A_683 : vector<1x16xf32> to vector<1x16xf32>
        %swap3A_685 = vector.shape_cast %add3A_680 : vector<1x16xf32> to vector<1x16xf32>
        tpu.vector_store %arg9[%swap3A_681, %swap3A_682], %swap3A_685 {strides = array<i32>} : memref<16x1024xf32, #tpu.memory_space<vmem>>, vector<1x16xf32>,
        %add3A_686 = arith.constant 112 : i32
        %add3A_687 = arith.addi %add3A_575, %add3A_686 : i32
        %get3A_688 = arith.index_cast %add3A_565 : i32 to index
        %get3A_689 = arith.index_cast %add3A_687 : i32 to index
        %get3A_690 = tpu.vector_load %arg5[%get3A_688, %get3A_689] {strides = array<i32>} : memref<16x1024xf32, #tpu.memory_space<vmem>>, vector<1x16xf32>,
        %get3A_691 = vector.shape_cast %get3A_690 : vector<1x16xf32> to vector<1x16xf32>
        %get3A_692 = arith.index_cast %add3A_565 : i32 to index
        %get3A_693 = arith.index_cast %add3A_687 : i32 to index
        %get3A_694 = tpu.vector_load %arg7[%get3A_692, %get3A_693] {strides = array<i32>} : memref<16x1024xf32, #tpu.memory_space<vmem>>, vector<1x16xf32>,
        %get3A_695 = vector.shape_cast %get3A_694 : vector<1x16xf32> to vector<1x16xf32>
        %add3A_696 = arith.addf %get3A_691, %get3A_695 : vector<1x16xf32>
        %swap3A_697 = arith.index_cast %add3A_565 : i32 to index
        %swap3A_698 = arith.index_cast %add3A_687 : i32 to index
        %swap3A_699 = tpu.vector_load %arg9[%swap3A_697, %swap3A_698] {strides = array<i32>} : memref<16x1024xf32, #tpu.memory_space<vmem>>, vector<1x16xf32>,
        %swap3A_700 = vector.shape_cast %swap3A_699 : vector<1x16xf32> to vector<1x16xf32>
        %swap3A_701 = vector.shape_cast %add3A_696 : vector<1x16xf32> to vector<1x16xf32>
        tpu.vector_store %arg9[%swap3A_697, %swap3A_698], %swap3A_701 {strides = array<i32>} : memref<16x1024xf32, #tpu.memory_space<vmem>>, vector<1x16xf32>,
      }
      %scan3A_570 = arith.constant 8 : i32
    }
    %scan3A_243 = arith.constant 16 : i32
    %add3A_244 = arith.constant 96 : i32
    %add3A_245 = arith.addi %mul3A_2, %add3A_244 : i32
    %dma_start3A_246 = arith.constant 0 : i32
    %dma_start3A_247 = tpu.memref_slice %arg4[%add3A_245, %dma_start3A_246] : memref<8192x1024xf32, #tpu.memory_space<hbm>> -> memref<16x1024xf32, #tpu.memory_space<hbm>>
    %dma_start3A_248 = arith.constant 0 : i32
    %dma_start3A_249 = tpu.memref_slice %arg4[%add3A_245, %dma_start3A_248] : memref<8192x1024xf32, #tpu.memory_space<hbm>> -> memref<16x1024xf32, #tpu.memory_space<hbm>>
    tpu.enqueue_dma source(%arg9 : memref<16x1024xf32, #tpu.memory_space<vmem>>) target(%dma_start3A_249 : memref<16x1024xf32, #tpu.memory_space<hbm>>) target_semaphore(%arg15 : memref<!tpu.dma_semaphore, #tpu.memory_space<semaphore_mem>>)
    %add3A_250 = arith.constant 128 : i32
    %add3A_251 = arith.addi %mul3A_2, %add3A_250 : i32
    %add3A_252 = arith.constant 128 : i32
    %add3A_253 = arith.addi %rem3A_3, %add3A_252 : i32
    %dma_start3A_254 = arith.constant 0 : i32
    %dma_start3A_255 = tpu.memref_slice %arg2[%add3A_251, %dma_start3A_254] : memref<8192x1024xf32, #tpu.memory_space<hbm>> -> memref<16x1024xf32, #tpu.memory_space<hbm>>
    %dma_start3A_256 = arith.constant 0 : i32
    %dma_start3A_257 = tpu.memref_slice %arg2[%add3A_251, %dma_start3A_256] : memref<8192x1024xf32, #tpu.memory_space<hbm>> -> memref<16x1024xf32, #tpu.memory_space<hbm>>
    tpu.enqueue_dma source(%dma_start3A_257 : memref<16x1024xf32, #tpu.memory_space<hbm>>) target(%arg5 : memref<16x1024xf32, #tpu.memory_space<vmem>>) target_semaphore(%arg11 : memref<!tpu.dma_semaphore, #tpu.memory_space<semaphore_mem>>)
    %dma_start3A_258 = arith.constant 0 : i32
    %dma_start3A_259 = tpu.memref_slice %arg3[%add3A_253, %dma_start3A_258] : memref<2048x1024xf32, #tpu.memory_space<hbm>> -> memref<16x1024xf32, #tpu.memory_space<hbm>>
    %dma_start3A_260 = arith.constant 0 : i32
    %dma_start3A_261 = tpu.memref_slice %arg3[%add3A_253, %dma_start3A_260] : memref<2048x1024xf32, #tpu.memory_space<hbm>> -> memref<16x1024xf32, #tpu.memory_space<hbm>>
    tpu.enqueue_dma source(%dma_start3A_261 : memref<16x1024xf32, #tpu.memory_space<hbm>>) target(%arg7 : memref<16x1024xf32, #tpu.memory_space<vmem>>) target_semaphore(%arg13 : memref<!tpu.dma_semaphore, #tpu.memory_space<semaphore_mem>>)
    %dma_wait3A_262 = arith.constant 0 : i32
    %dma_wait3A_263 = tpu.memref_slice %arg2[%add3A_216, %dma_wait3A_262] : memref<8192x1024xf32, #tpu.memory_space<hbm>> -> memref<16x1024xf32, #tpu.memory_space<hbm>>
    %dma_wait3A_264 = arith.constant 0 : i32
    %dma_wait3A_265 = tpu.memref_slice %arg2[%add3A_216, %dma_wait3A_264] : memref<8192x1024xf32, #tpu.memory_space<hbm>> -> memref<16x1024xf32, #tpu.memory_space<hbm>>
    tpu.wait_dma2 semaphore(%arg12 : memref<!tpu.dma_semaphore, #tpu.memory_space<semaphore_mem>>) src(%dma_wait3A_265 : memref<16x1024xf32, #tpu.memory_space<hbm>>) dst(%arg6 : memref<16x1024xf32, #tpu.memory_space<vmem>>)
    %dma_wait3A_266 = arith.constant 0 : i32
    %dma_wait3A_267 = tpu.memref_slice %arg3[%add3A_218, %dma_wait3A_266] : memref<2048x1024xf32, #tpu.memory_space<hbm>> -> memref<16x1024xf32, #tpu.memory_space<hbm>>
    %dma_wait3A_268 = arith.constant 0 : i32
    %dma_wait3A_269 = tpu.memref_slice %arg3[%add3A_218, %dma_wait3A_268] : memref<2048x1024xf32, #tpu.memory_space<hbm>> -> memref<16x1024xf32, #tpu.memory_space<hbm>>
    tpu.wait_dma2 semaphore(%arg14 : memref<!tpu.dma_semaphore, #tpu.memory_space<semaphore_mem>>) src(%dma_wait3A_269 : memref<16x1024xf32, #tpu.memory_space<hbm>>) dst(%arg8 : memref<16x1024xf32, #tpu.memory_space<vmem>>)
    %dma_wait3A_270 = arith.constant 0 : i32
    %dma_wait3A_271 = tpu.memref_slice %arg4[%add3A_210, %dma_wait3A_270] : memref<8192x1024xf32, #tpu.memory_space<hbm>> -> memref<16x1024xf32, #tpu.memory_space<hbm>>
    %dma_wait3A_272 = arith.constant 0 : i32
    %dma_wait3A_273 = tpu.memref_slice %arg4[%add3A_210, %dma_wait3A_272] : memref<8192x1024xf32, #tpu.memory_space<hbm>> -> memref<16x1024xf32, #tpu.memory_space<hbm>>
    tpu.wait_dma2 semaphore(%arg16 : memref<!tpu.dma_semaphore, #tpu.memory_space<semaphore_mem>>) src(%arg10 : memref<16x1024xf32, #tpu.memory_space<vmem>>) dst(%dma_wait3A_273 : memref<16x1024xf32, #tpu.memory_space<hbm>>)
    %scan3A_274 = arith.constant 0 : i32
    %scan3A_275 = arith.constant 16 : i32
    %scan3A_276 = arith.addi %scan3A_274, %scan3A_275 : i32
    %scan3A_277 = arith.constant 1 : i32
    scf.for %scan3A_561 = %scan3A_274 to %scan3A_276 step %scan3A_277  : i32 {
      %mul3A_562 = arith.constant 1 : i32
      %mul3A_563 = arith.muli %scan3A_561, %mul3A_562 : i32
      %add3A_564 = arith.constant 0 : i32
      %add3A_565 = arith.addi %add3A_564, %mul3A_563 : i32
      %scan3A_566 = arith.constant 0 : i32
      %scan3A_567 = arith.constant 8 : i32
      %scan3A_568 = arith.addi %scan3A_566, %scan3A_567 : i32
      %scan3A_569 = arith.constant 1 : i32
      scf.for %scan3A_571 = %scan3A_566 to %scan3A_568 step %scan3A_569  : i32 {
        %mul3A_572 = arith.constant 128 : i32
        %mul3A_573 = arith.muli %scan3A_571, %mul3A_572 : i32
        %add3A_574 = arith.constant 0 : i32
        %add3A_575 = arith.addi %add3A_574, %mul3A_573 : i32
        %add3A_576 = arith.constant 0 : i32
        %add3A_577 = arith.addi %add3A_575, %add3A_576 : i32
        %get3A = arith.index_cast %add3A_565 : i32 to index
        %get3A_578 = arith.index_cast %add3A_577 : i32 to index
        %get3A_579 = tpu.vector_load %arg6[%get3A, %get3A_578] {strides = array<i32>} : memref<16x1024xf32, #tpu.memory_space<vmem>>, vector<1x16xf32>,
        %get3A_580 = vector.shape_cast %get3A_579 : vector<1x16xf32> to vector<1x16xf32>
        %get3A_581 = arith.index_cast %add3A_565 : i32 to index
        %get3A_582 = arith.index_cast %add3A_577 : i32 to index
        %get3A_583 = tpu.vector_load %arg8[%get3A_581, %get3A_582] {strides = array<i32>} : memref<16x1024xf32, #tpu.memory_space<vmem>>, vector<1x16xf32>,
        %get3A_584 = vector.shape_cast %get3A_583 : vector<1x16xf32> to vector<1x16xf32>
        %add3A_585 = arith.addf %get3A_580, %get3A_584 : vector<1x16xf32>
        %swap3A = arith.index_cast %add3A_565 : i32 to index
        %swap3A_586 = arith.index_cast %add3A_577 : i32 to index
        %swap3A_587 = tpu.vector_load %arg10[%swap3A, %swap3A_586] {strides = array<i32>} : memref<16x1024xf32, #tpu.memory_space<vmem>>, vector<1x16xf32>,
        %swap3A_588 = vector.shape_cast %swap3A_587 : vector<1x16xf32> to vector<1x16xf32>
        %swap3A_589 = vector.shape_cast %add3A_585 : vector<1x16xf32> to vector<1x16xf32>
        tpu.vector_store %arg10[%swap3A, %swap3A_586], %swap3A_589 {strides = array<i32>} : memref<16x1024xf32, #tpu.memory_space<vmem>>, vector<1x16xf32>,
        %add3A_590 = arith.constant 16 : i32
        %add3A_591 = arith.addi %add3A_575, %add3A_590 : i32
        %get3A_592 = arith.index_cast %add3A_565 : i32 to index
        %get3A_593 = arith.index_cast %add3A_591 : i32 to index
        %get3A_594 = tpu.vector_load %arg6[%get3A_592, %get3A_593] {strides = array<i32>} : memref<16x1024xf32, #tpu.memory_space<vmem>>, vector<1x16xf32>,
        %get3A_595 = vector.shape_cast %get3A_594 : vector<1x16xf32> to vector<1x16xf32>
        %get3A_596 = arith.index_cast %add3A_565 : i32 to index
        %get3A_597 = arith.index_cast %add3A_591 : i32 to index
        %get3A_598 = tpu.vector_load %arg8[%get3A_596, %get3A_597] {strides = array<i32>} : memref<16x1024xf32, #tpu.memory_space<vmem>>, vector<1x16xf32>,
        %get3A_599 = vector.shape_cast %get3A_598 : vector<1x16xf32> to vector<1x16xf32>
        %add3A_600 = arith.addf %get3A_595, %get3A_599 : vector<1x16xf32>
        %swap3A_601 = arith.index_cast %add3A_565 : i32 to index
        %swap3A_602 = arith.index_cast %add3A_591 : i32 to index
        %swap3A_603 = tpu.vector_load %arg10[%swap3A_601, %swap3A_602] {strides = array<i32>} : memref<16x1024xf32, #tpu.memory_space<vmem>>, vector<1x16xf32>,
        %swap3A_604 = vector.shape_cast %swap3A_603 : vector<1x16xf32> to vector<1x16xf32>
        %swap3A_605 = vector.shape_cast %add3A_600 : vector<1x16xf32> to vector<1x16xf32>
        tpu.vector_store %arg10[%swap3A_601, %swap3A_602], %swap3A_605 {strides = array<i32>} : memref<16x1024xf32, #tpu.memory_space<vmem>>, vector<1x16xf32>,
        %add3A_606 = arith.constant 32 : i32
        %add3A_607 = arith.addi %add3A_575, %add3A_606 : i32
        %get3A_608 = arith.index_cast %add3A_565 : i32 to index
        %get3A_609 = arith.index_cast %add3A_607 : i32 to index
        %get3A_610 = tpu.vector_load %arg6[%get3A_608, %get3A_609] {strides = array<i32>} : memref<16x1024xf32, #tpu.memory_space<vmem>>, vector<1x16xf32>,
        %get3A_611 = vector.shape_cast %get3A_610 : vector<1x16xf32> to vector<1x16xf32>
        %get3A_612 = arith.index_cast %add3A_565 : i32 to index
        %get3A_613 = arith.index_cast %add3A_607 : i32 to index
        %get3A_614 = tpu.vector_load %arg8[%get3A_612, %get3A_613] {strides = array<i32>} : memref<16x1024xf32, #tpu.memory_space<vmem>>, vector<1x16xf32>,
        %get3A_615 = vector.shape_cast %get3A_614 : vector<1x16xf32> to vector<1x16xf32>
        %add3A_616 = arith.addf %get3A_611, %get3A_615 : vector<1x16xf32>
        %swap3A_617 = arith.index_cast %add3A_565 : i32 to index
        %swap3A_618 = arith.index_cast %add3A_607 : i32 to index
        %swap3A_619 = tpu.vector_load %arg10[%swap3A_617, %swap3A_618] {strides = array<i32>} : memref<16x1024xf32, #tpu.memory_space<vmem>>, vector<1x16xf32>,
        %swap3A_620 = vector.shape_cast %swap3A_619 : vector<1x16xf32> to vector<1x16xf32>
        %swap3A_621 = vector.shape_cast %add3A_616 : vector<1x16xf32> to vector<1x16xf32>
        tpu.vector_store %arg10[%swap3A_617, %swap3A_618], %swap3A_621 {strides = array<i32>} : memref<16x1024xf32, #tpu.memory_space<vmem>>, vector<1x16xf32>,
        %add3A_622 = arith.constant 48 : i32
        %add3A_623 = arith.addi %add3A_575, %add3A_622 : i32
        %get3A_624 = arith.index_cast %add3A_565 : i32 to index
        %get3A_625 = arith.index_cast %add3A_623 : i32 to index
        %get3A_626 = tpu.vector_load %arg6[%get3A_624, %get3A_625] {strides = array<i32>} : memref<16x1024xf32, #tpu.memory_space<vmem>>, vector<1x16xf32>,
        %get3A_627 = vector.shape_cast %get3A_626 : vector<1x16xf32> to vector<1x16xf32>
        %get3A_628 = arith.index_cast %add3A_565 : i32 to index
        %get3A_629 = arith.index_cast %add3A_623 : i32 to index
        %get3A_630 = tpu.vector_load %arg8[%get3A_628, %get3A_629] {strides = array<i32>} : memref<16x1024xf32, #tpu.memory_space<vmem>>, vector<1x16xf32>,
        %get3A_631 = vector.shape_cast %get3A_630 : vector<1x16xf32> to vector<1x16xf32>
        %add3A_632 = arith.addf %get3A_627, %get3A_631 : vector<1x16xf32>
        %swap3A_633 = arith.index_cast %add3A_565 : i32 to index
        %swap3A_634 = arith.index_cast %add3A_623 : i32 to index
        %swap3A_635 = tpu.vector_load %arg10[%swap3A_633, %swap3A_634] {strides = array<i32>} : memref<16x1024xf32, #tpu.memory_space<vmem>>, vector<1x16xf32>,
        %swap3A_636 = vector.shape_cast %swap3A_635 : vector<1x16xf32> to vector<1x16xf32>
        %swap3A_637 = vector.shape_cast %add3A_632 : vector<1x16xf32> to vector<1x16xf32>
        tpu.vector_store %arg10[%swap3A_633, %swap3A_634], %swap3A_637 {strides = array<i32>} : memref<16x1024xf32, #tpu.memory_space<vmem>>, vector<1x16xf32>,
        %add3A_638 = arith.constant 64 : i32
        %add3A_639 = arith.addi %add3A_575, %add3A_638 : i32
        %get3A_640 = arith.index_cast %add3A_565 : i32 to index
        %get3A_641 = arith.index_cast %add3A_639 : i32 to index
        %get3A_642 = tpu.vector_load %arg6[%get3A_640, %get3A_641] {strides = array<i32>} : memref<16x1024xf32, #tpu.memory_space<vmem>>, vector<1x16xf32>,
        %get3A_643 = vector.shape_cast %get3A_642 : vector<1x16xf32> to vector<1x16xf32>
        %get3A_644 = arith.index_cast %add3A_565 : i32 to index
        %get3A_645 = arith.index_cast %add3A_639 : i32 to index
        %get3A_646 = tpu.vector_load %arg8[%get3A_644, %get3A_645] {strides = array<i32>} : memref<16x1024xf32, #tpu.memory_space<vmem>>, vector<1x16xf32>,
        %get3A_647 = vector.shape_cast %get3A_646 : vector<1x16xf32> to vector<1x16xf32>
        %add3A_648 = arith.addf %get3A_643, %get3A_647 : vector<1x16xf32>
        %swap3A_649 = arith.index_cast %add3A_565 : i32 to index
        %swap3A_650 = arith.index_cast %add3A_639 : i32 to index
        %swap3A_651 = tpu.vector_load %arg10[%swap3A_649, %swap3A_650] {strides = array<i32>} : memref<16x1024xf32, #tpu.memory_space<vmem>>, vector<1x16xf32>,
        %swap3A_652 = vector.shape_cast %swap3A_651 : vector<1x16xf32> to vector<1x16xf32>
        %swap3A_653 = vector.shape_cast %add3A_648 : vector<1x16xf32> to vector<1x16xf32>
        tpu.vector_store %arg10[%swap3A_649, %swap3A_650], %swap3A_653 {strides = array<i32>} : memref<16x1024xf32, #tpu.memory_space<vmem>>, vector<1x16xf32>,
        %add3A_654 = arith.constant 80 : i32
        %add3A_655 = arith.addi %add3A_575, %add3A_654 : i32
        %get3A_656 = arith.index_cast %add3A_565 : i32 to index
        %get3A_657 = arith.index_cast %add3A_655 : i32 to index
        %get3A_658 = tpu.vector_load %arg6[%get3A_656, %get3A_657] {strides = array<i32>} : memref<16x1024xf32, #tpu.memory_space<vmem>>, vector<1x16xf32>,
        %get3A_659 = vector.shape_cast %get3A_658 : vector<1x16xf32> to vector<1x16xf32>
        %get3A_660 = arith.index_cast %add3A_565 : i32 to index
        %get3A_661 = arith.index_cast %add3A_655 : i32 to index
        %get3A_662 = tpu.vector_load %arg8[%get3A_660, %get3A_661] {strides = array<i32>} : memref<16x1024xf32, #tpu.memory_space<vmem>>, vector<1x16xf32>,
        %get3A_663 = vector.shape_cast %get3A_662 : vector<1x16xf32> to vector<1x16xf32>
        %add3A_664 = arith.addf %get3A_659, %get3A_663 : vector<1x16xf32>
        %swap3A_665 = arith.index_cast %add3A_565 : i32 to index
        %swap3A_666 = arith.index_cast %add3A_655 : i32 to index
        %swap3A_667 = tpu.vector_load %arg10[%swap3A_665, %swap3A_666] {strides = array<i32>} : memref<16x1024xf32, #tpu.memory_space<vmem>>, vector<1x16xf32>,
        %swap3A_668 = vector.shape_cast %swap3A_667 : vector<1x16xf32> to vector<1x16xf32>
        %swap3A_669 = vector.shape_cast %add3A_664 : vector<1x16xf32> to vector<1x16xf32>
        tpu.vector_store %arg10[%swap3A_665, %swap3A_666], %swap3A_669 {strides = array<i32>} : memref<16x1024xf32, #tpu.memory_space<vmem>>, vector<1x16xf32>,
        %add3A_670 = arith.constant 96 : i32
        %add3A_671 = arith.addi %add3A_575, %add3A_670 : i32
        %get3A_672 = arith.index_cast %add3A_565 : i32 to index
        %get3A_673 = arith.index_cast %add3A_671 : i32 to index
        %get3A_674 = tpu.vector_load %arg6[%get3A_672, %get3A_673] {strides = array<i32>} : memref<16x1024xf32, #tpu.memory_space<vmem>>, vector<1x16xf32>,
        %get3A_675 = vector.shape_cast %get3A_674 : vector<1x16xf32> to vector<1x16xf32>
        %get3A_676 = arith.index_cast %add3A_565 : i32 to index
        %get3A_677 = arith.index_cast %add3A_671 : i32 to index
        %get3A_678 = tpu.vector_load %arg8[%get3A_676, %get3A_677] {strides = array<i32>} : memref<16x1024xf32, #tpu.memory_space<vmem>>, vector<1x16xf32>,
        %get3A_679 = vector.shape_cast %get3A_678 : vector<1x16xf32> to vector<1x16xf32>
        %add3A_680 = arith.addf %get3A_675, %get3A_679 : vector<1x16xf32>
        %swap3A_681 = arith.index_cast %add3A_565 : i32 to index
        %swap3A_682 = arith.index_cast %add3A_671 : i32 to index
        %swap3A_683 = tpu.vector_load %arg10[%swap3A_681, %swap3A_682] {strides = array<i32>} : memref<16x1024xf32, #tpu.memory_space<vmem>>, vector<1x16xf32>,
        %swap3A_684 = vector.shape_cast %swap3A_683 : vector<1x16xf32> to vector<1x16xf32>
        %swap3A_685 = vector.shape_cast %add3A_680 : vector<1x16xf32> to vector<1x16xf32>
        tpu.vector_store %arg10[%swap3A_681, %swap3A_682], %swap3A_685 {strides = array<i32>} : memref<16x1024xf32, #tpu.memory_space<vmem>>, vector<1x16xf32>,
        %add3A_686 = arith.constant 112 : i32
        %add3A_687 = arith.addi %add3A_575, %add3A_686 : i32
        %get3A_688 = arith.index_cast %add3A_565 : i32 to index
        %get3A_689 = arith.index_cast %add3A_687 : i32 to index
        %get3A_690 = tpu.vector_load %arg6[%get3A_688, %get3A_689] {strides = array<i32>} : memref<16x1024xf32, #tpu.memory_space<vmem>>, vector<1x16xf32>,
        %get3A_691 = vector.shape_cast %get3A_690 : vector<1x16xf32> to vector<1x16xf32>
        %get3A_692 = arith.index_cast %add3A_565 : i32 to index
        %get3A_693 = arith.index_cast %add3A_687 : i32 to index
        %get3A_694 = tpu.vector_load %arg8[%get3A_692, %get3A_693] {strides = array<i32>} : memref<16x1024xf32, #tpu.memory_space<vmem>>, vector<1x16xf32>,
        %get3A_695 = vector.shape_cast %get3A_694 : vector<1x16xf32> to vector<1x16xf32>
        %add3A_696 = arith.addf %get3A_691, %get3A_695 : vector<1x16xf32>
        %swap3A_697 = arith.index_cast %add3A_565 : i32 to index
        %swap3A_698 = arith.index_cast %add3A_687 : i32 to index
        %swap3A_699 = tpu.vector_load %arg10[%swap3A_697, %swap3A_698] {strides = array<i32>} : memref<16x1024xf32, #tpu.memory_space<vmem>>, vector<1x16xf32>,
        %swap3A_700 = vector.shape_cast %swap3A_699 : vector<1x16xf32> to vector<1x16xf32>
        %swap3A_701 = vector.shape_cast %add3A_696 : vector<1x16xf32> to vector<1x16xf32>
        tpu.vector_store %arg10[%swap3A_697, %swap3A_698], %swap3A_701 {strides = array<i32>} : memref<16x1024xf32, #tpu.memory_space<vmem>>, vector<1x16xf32>,
      }
      %scan3A_570 = arith.constant 8 : i32
    }
    %scan3A_278 = arith.constant 16 : i32
    %add3A_279 = arith.constant 112 : i32
    %add3A_280 = arith.addi %mul3A_2, %add3A_279 : i32
    %dma_start3A_281 = arith.constant 0 : i32
    %dma_start3A_282 = tpu.memref_slice %arg4[%add3A_280, %dma_start3A_281] : memref<8192x1024xf32, #tpu.memory_space<hbm>> -> memref<16x1024xf32, #tpu.memory_space<hbm>>
    %dma_start3A_283 = arith.constant 0 : i32
    %dma_start3A_284 = tpu.memref_slice %arg4[%add3A_280, %dma_start3A_283] : memref<8192x1024xf32, #tpu.memory_space<hbm>> -> memref<16x1024xf32, #tpu.memory_space<hbm>>
    tpu.enqueue_dma source(%arg10 : memref<16x1024xf32, #tpu.memory_space<vmem>>) target(%dma_start3A_284 : memref<16x1024xf32, #tpu.memory_space<hbm>>) target_semaphore(%arg16 : memref<!tpu.dma_semaphore, #tpu.memory_space<semaphore_mem>>)
    %add3A_285 = arith.constant 144 : i32
    %add3A_286 = arith.addi %mul3A_2, %add3A_285 : i32
    %add3A_287 = arith.constant 144 : i32
    %add3A_288 = arith.addi %rem3A_3, %add3A_287 : i32
    %dma_start3A_289 = arith.constant 0 : i32
    %dma_start3A_290 = tpu.memref_slice %arg2[%add3A_286, %dma_start3A_289] : memref<8192x1024xf32, #tpu.memory_space<hbm>> -> memref<16x1024xf32, #tpu.memory_space<hbm>>
    %dma_start3A_291 = arith.constant 0 : i32
    %dma_start3A_292 = tpu.memref_slice %arg2[%add3A_286, %dma_start3A_291] : memref<8192x1024xf32, #tpu.memory_space<hbm>> -> memref<16x1024xf32, #tpu.memory_space<hbm>>
    tpu.enqueue_dma source(%dma_start3A_292 : memref<16x1024xf32, #tpu.memory_space<hbm>>) target(%arg6 : memref<16x1024xf32, #tpu.memory_space<vmem>>) target_semaphore(%arg12 : memref<!tpu.dma_semaphore, #tpu.memory_space<semaphore_mem>>)
    %dma_start3A_293 = arith.constant 0 : i32
    %dma_start3A_294 = tpu.memref_slice %arg3[%add3A_288, %dma_start3A_293] : memref<2048x1024xf32, #tpu.memory_space<hbm>> -> memref<16x1024xf32, #tpu.memory_space<hbm>>
    %dma_start3A_295 = arith.constant 0 : i32
    %dma_start3A_296 = tpu.memref_slice %arg3[%add3A_288, %dma_start3A_295] : memref<2048x1024xf32, #tpu.memory_space<hbm>> -> memref<16x1024xf32, #tpu.memory_space<hbm>>
    tpu.enqueue_dma source(%dma_start3A_296 : memref<16x1024xf32, #tpu.memory_space<hbm>>) target(%arg8 : memref<16x1024xf32, #tpu.memory_space<vmem>>) target_semaphore(%arg14 : memref<!tpu.dma_semaphore, #tpu.memory_space<semaphore_mem>>)
    %dma_wait3A_297 = arith.constant 0 : i32
    %dma_wait3A_298 = tpu.memref_slice %arg2[%add3A_251, %dma_wait3A_297] : memref<8192x1024xf32, #tpu.memory_space<hbm>> -> memref<16x1024xf32, #tpu.memory_space<hbm>>
    %dma_wait3A_299 = arith.constant 0 : i32
    %dma_wait3A_300 = tpu.memref_slice %arg2[%add3A_251, %dma_wait3A_299] : memref<8192x1024xf32, #tpu.memory_space<hbm>> -> memref<16x1024xf32, #tpu.memory_space<hbm>>
    tpu.wait_dma2 semaphore(%arg11 : memref<!tpu.dma_semaphore, #tpu.memory_space<semaphore_mem>>) src(%dma_wait3A_300 : memref<16x1024xf32, #tpu.memory_space<hbm>>) dst(%arg5 : memref<16x1024xf32, #tpu.memory_space<vmem>>)
    %dma_wait3A_301 = arith.constant 0 : i32
    %dma_wait3A_302 = tpu.memref_slice %arg3[%add3A_253, %dma_wait3A_301] : memref<2048x1024xf32, #tpu.memory_space<hbm>> -> memref<16x1024xf32, #tpu.memory_space<hbm>>
    %dma_wait3A_303 = arith.constant 0 : i32
    %dma_wait3A_304 = tpu.memref_slice %arg3[%add3A_253, %dma_wait3A_303] : memref<2048x1024xf32, #tpu.memory_space<hbm>> -> memref<16x1024xf32, #tpu.memory_space<hbm>>
    tpu.wait_dma2 semaphore(%arg13 : memref<!tpu.dma_semaphore, #tpu.memory_space<semaphore_mem>>) src(%dma_wait3A_304 : memref<16x1024xf32, #tpu.memory_space<hbm>>) dst(%arg7 : memref<16x1024xf32, #tpu.memory_space<vmem>>)
    %dma_wait3A_305 = arith.constant 0 : i32
    %dma_wait3A_306 = tpu.memref_slice %arg4[%add3A_245, %dma_wait3A_305] : memref<8192x1024xf32, #tpu.memory_space<hbm>> -> memref<16x1024xf32, #tpu.memory_space<hbm>>
    %dma_wait3A_307 = arith.constant 0 : i32
    %dma_wait3A_308 = tpu.memref_slice %arg4[%add3A_245, %dma_wait3A_307] : memref<8192x1024xf32, #tpu.memory_space<hbm>> -> memref<16x1024xf32, #tpu.memory_space<hbm>>
    tpu.wait_dma2 semaphore(%arg15 : memref<!tpu.dma_semaphore, #tpu.memory_space<semaphore_mem>>) src(%arg9 : memref<16x1024xf32, #tpu.memory_space<vmem>>) dst(%dma_wait3A_308 : memref<16x1024xf32, #tpu.memory_space<hbm>>)
    %scan3A_309 = arith.constant 0 : i32
    %scan3A_310 = arith.constant 16 : i32
    %scan3A_311 = arith.addi %scan3A_309, %scan3A_310 : i32
    %scan3A_312 = arith.constant 1 : i32
    scf.for %scan3A_561 = %scan3A_309 to %scan3A_311 step %scan3A_312  : i32 {
      %mul3A_562 = arith.constant 1 : i32
      %mul3A_563 = arith.muli %scan3A_561, %mul3A_562 : i32
      %add3A_564 = arith.constant 0 : i32
      %add3A_565 = arith.addi %add3A_564, %mul3A_563 : i32
      %scan3A_566 = arith.constant 0 : i32
      %scan3A_567 = arith.constant 8 : i32
      %scan3A_568 = arith.addi %scan3A_566, %scan3A_567 : i32
      %scan3A_569 = arith.constant 1 : i32
      scf.for %scan3A_571 = %scan3A_566 to %scan3A_568 step %scan3A_569  : i32 {
        %mul3A_572 = arith.constant 128 : i32
        %mul3A_573 = arith.muli %scan3A_571, %mul3A_572 : i32
        %add3A_574 = arith.constant 0 : i32
        %add3A_575 = arith.addi %add3A_574, %mul3A_573 : i32
        %add3A_576 = arith.constant 0 : i32
        %add3A_577 = arith.addi %add3A_575, %add3A_576 : i32
        %get3A = arith.index_cast %add3A_565 : i32 to index
        %get3A_578 = arith.index_cast %add3A_577 : i32 to index
        %get3A_579 = tpu.vector_load %arg5[%get3A, %get3A_578] {strides = array<i32>} : memref<16x1024xf32, #tpu.memory_space<vmem>>, vector<1x16xf32>,
        %get3A_580 = vector.shape_cast %get3A_579 : vector<1x16xf32> to vector<1x16xf32>
        %get3A_581 = arith.index_cast %add3A_565 : i32 to index
        %get3A_582 = arith.index_cast %add3A_577 : i32 to index
        %get3A_583 = tpu.vector_load %arg7[%get3A_581, %get3A_582] {strides = array<i32>} : memref<16x1024xf32, #tpu.memory_space<vmem>>, vector<1x16xf32>,
        %get3A_584 = vector.shape_cast %get3A_583 : vector<1x16xf32> to vector<1x16xf32>
        %add3A_585 = arith.addf %get3A_580, %get3A_584 : vector<1x16xf32>
        %swap3A = arith.index_cast %add3A_565 : i32 to index
        %swap3A_586 = arith.index_cast %add3A_577 : i32 to index
        %swap3A_587 = tpu.vector_load %arg9[%swap3A, %swap3A_586] {strides = array<i32>} : memref<16x1024xf32, #tpu.memory_space<vmem>>, vector<1x16xf32>,
        %swap3A_588 = vector.shape_cast %swap3A_587 : vector<1x16xf32> to vector<1x16xf32>
        %swap3A_589 = vector.shape_cast %add3A_585 : vector<1x16xf32> to vector<1x16xf32>
        tpu.vector_store %arg9[%swap3A, %swap3A_586], %swap3A_589 {strides = array<i32>} : memref<16x1024xf32, #tpu.memory_space<vmem>>, vector<1x16xf32>,
        %add3A_590 = arith.constant 16 : i32
        %add3A_591 = arith.addi %add3A_575, %add3A_590 : i32
        %get3A_592 = arith.index_cast %add3A_565 : i32 to index
        %get3A_593 = arith.index_cast %add3A_591 : i32 to index
        %get3A_594 = tpu.vector_load %arg5[%get3A_592, %get3A_593] {strides = array<i32>} : memref<16x1024xf32, #tpu.memory_space<vmem>>, vector<1x16xf32>,
        %get3A_595 = vector.shape_cast %get3A_594 : vector<1x16xf32> to vector<1x16xf32>
        %get3A_596 = arith.index_cast %add3A_565 : i32 to index
        %get3A_597 = arith.index_cast %add3A_591 : i32 to index
        %get3A_598 = tpu.vector_load %arg7[%get3A_596, %get3A_597] {strides = array<i32>} : memref<16x1024xf32, #tpu.memory_space<vmem>>, vector<1x16xf32>,
        %get3A_599 = vector.shape_cast %get3A_598 : vector<1x16xf32> to vector<1x16xf32>
        %add3A_600 = arith.addf %get3A_595, %get3A_599 : vector<1x16xf32>
        %swap3A_601 = arith.index_cast %add3A_565 : i32 to index
        %swap3A_602 = arith.index_cast %add3A_591 : i32 to index
        %swap3A_603 = tpu.vector_load %arg9[%swap3A_601, %swap3A_602] {strides = array<i32>} : memref<16x1024xf32, #tpu.memory_space<vmem>>, vector<1x16xf32>,
        %swap3A_604 = vector.shape_cast %swap3A_603 : vector<1x16xf32> to vector<1x16xf32>
        %swap3A_605 = vector.shape_cast %add3A_600 : vector<1x16xf32> to vector<1x16xf32>
        tpu.vector_store %arg9[%swap3A_601, %swap3A_602], %swap3A_605 {strides = array<i32>} : memref<16x1024xf32, #tpu.memory_space<vmem>>, vector<1x16xf32>,
        %add3A_606 = arith.constant 32 : i32
        %add3A_607 = arith.addi %add3A_575, %add3A_606 : i32
        %get3A_608 = arith.index_cast %add3A_565 : i32 to index
        %get3A_609 = arith.index_cast %add3A_607 : i32 to index
        %get3A_610 = tpu.vector_load %arg5[%get3A_608, %get3A_609] {strides = array<i32>} : memref<16x1024xf32, #tpu.memory_space<vmem>>, vector<1x16xf32>,
        %get3A_611 = vector.shape_cast %get3A_610 : vector<1x16xf32> to vector<1x16xf32>
        %get3A_612 = arith.index_cast %add3A_565 : i32 to index
        %get3A_613 = arith.index_cast %add3A_607 : i32 to index
        %get3A_614 = tpu.vector_load %arg7[%get3A_612, %get3A_613] {strides = array<i32>} : memref<16x1024xf32, #tpu.memory_space<vmem>>, vector<1x16xf32>,
        %get3A_615 = vector.shape_cast %get3A_614 : vector<1x16xf32> to vector<1x16xf32>
        %add3A_616 = arith.addf %get3A_611, %get3A_615 : vector<1x16xf32>
        %swap3A_617 = arith.index_cast %add3A_565 : i32 to index
        %swap3A_618 = arith.index_cast %add3A_607 : i32 to index
        %swap3A_619 = tpu.vector_load %arg9[%swap3A_617, %swap3A_618] {strides = array<i32>} : memref<16x1024xf32, #tpu.memory_space<vmem>>, vector<1x16xf32>,
        %swap3A_620 = vector.shape_cast %swap3A_619 : vector<1x16xf32> to vector<1x16xf32>
        %swap3A_621 = vector.shape_cast %add3A_616 : vector<1x16xf32> to vector<1x16xf32>
        tpu.vector_store %arg9[%swap3A_617, %swap3A_618], %swap3A_621 {strides = array<i32>} : memref<16x1024xf32, #tpu.memory_space<vmem>>, vector<1x16xf32>,
        %add3A_622 = arith.constant 48 : i32
        %add3A_623 = arith.addi %add3A_575, %add3A_622 : i32
        %get3A_624 = arith.index_cast %add3A_565 : i32 to index
        %get3A_625 = arith.index_cast %add3A_623 : i32 to index
        %get3A_626 = tpu.vector_load %arg5[%get3A_624, %get3A_625] {strides = array<i32>} : memref<16x1024xf32, #tpu.memory_space<vmem>>, vector<1x16xf32>,
        %get3A_627 = vector.shape_cast %get3A_626 : vector<1x16xf32> to vector<1x16xf32>
        %get3A_628 = arith.index_cast %add3A_565 : i32 to index
        %get3A_629 = arith.index_cast %add3A_623 : i32 to index
        %get3A_630 = tpu.vector_load %arg7[%get3A_628, %get3A_629] {strides = array<i32>} : memref<16x1024xf32, #tpu.memory_space<vmem>>, vector<1x16xf32>,
        %get3A_631 = vector.shape_cast %get3A_630 : vector<1x16xf32> to vector<1x16xf32>
        %add3A_632 = arith.addf %get3A_627, %get3A_631 : vector<1x16xf32>
        %swap3A_633 = arith.index_cast %add3A_565 : i32 to index
        %swap3A_634 = arith.index_cast %add3A_623 : i32 to index
        %swap3A_635 = tpu.vector_load %arg9[%swap3A_633, %swap3A_634] {strides = array<i32>} : memref<16x1024xf32, #tpu.memory_space<vmem>>, vector<1x16xf32>,
        %swap3A_636 = vector.shape_cast %swap3A_635 : vector<1x16xf32> to vector<1x16xf32>
        %swap3A_637 = vector.shape_cast %add3A_632 : vector<1x16xf32> to vector<1x16xf32>
        tpu.vector_store %arg9[%swap3A_633, %swap3A_634], %swap3A_637 {strides = array<i32>} : memref<16x1024xf32, #tpu.memory_space<vmem>>, vector<1x16xf32>,
        %add3A_638 = arith.constant 64 : i32
        %add3A_639 = arith.addi %add3A_575, %add3A_638 : i32
        %get3A_640 = arith.index_cast %add3A_565 : i32 to index
        %get3A_641 = arith.index_cast %add3A_639 : i32 to index
        %get3A_642 = tpu.vector_load %arg5[%get3A_640, %get3A_641] {strides = array<i32>} : memref<16x1024xf32, #tpu.memory_space<vmem>>, vector<1x16xf32>,
        %get3A_643 = vector.shape_cast %get3A_642 : vector<1x16xf32> to vector<1x16xf32>
        %get3A_644 = arith.index_cast %add3A_565 : i32 to index
        %get3A_645 = arith.index_cast %add3A_639 : i32 to index
        %get3A_646 = tpu.vector_load %arg7[%get3A_644, %get3A_645] {strides = array<i32>} : memref<16x1024xf32, #tpu.memory_space<vmem>>, vector<1x16xf32>,
        %get3A_647 = vector.shape_cast %get3A_646 : vector<1x16xf32> to vector<1x16xf32>
        %add3A_648 = arith.addf %get3A_643, %get3A_647 : vector<1x16xf32>
        %swap3A_649 = arith.index_cast %add3A_565 : i32 to index
        %swap3A_650 = arith.index_cast %add3A_639 : i32 to index
        %swap3A_651 = tpu.vector_load %arg9[%swap3A_649, %swap3A_650] {strides = array<i32>} : memref<16x1024xf32, #tpu.memory_space<vmem>>, vector<1x16xf32>,
        %swap3A_652 = vector.shape_cast %swap3A_651 : vector<1x16xf32> to vector<1x16xf32>
        %swap3A_653 = vector.shape_cast %add3A_648 : vector<1x16xf32> to vector<1x16xf32>
        tpu.vector_store %arg9[%swap3A_649, %swap3A_650], %swap3A_653 {strides = array<i32>} : memref<16x1024xf32, #tpu.memory_space<vmem>>, vector<1x16xf32>,
        %add3A_654 = arith.constant 80 : i32
        %add3A_655 = arith.addi %add3A_575, %add3A_654 : i32
        %get3A_656 = arith.index_cast %add3A_565 : i32 to index
        %get3A_657 = arith.index_cast %add3A_655 : i32 to index
        %get3A_658 = tpu.vector_load %arg5[%get3A_656, %get3A_657] {strides = array<i32>} : memref<16x1024xf32, #tpu.memory_space<vmem>>, vector<1x16xf32>,
        %get3A_659 = vector.shape_cast %get3A_658 : vector<1x16xf32> to vector<1x16xf32>
        %get3A_660 = arith.index_cast %add3A_565 : i32 to index
        %get3A_661 = arith.index_cast %add3A_655 : i32 to index
        %get3A_662 = tpu.vector_load %arg7[%get3A_660, %get3A_661] {strides = array<i32>} : memref<16x1024xf32, #tpu.memory_space<vmem>>, vector<1x16xf32>,
        %get3A_663 = vector.shape_cast %get3A_662 : vector<1x16xf32> to vector<1x16xf32>
        %add3A_664 = arith.addf %get3A_659, %get3A_663 : vector<1x16xf32>
        %swap3A_665 = arith.index_cast %add3A_565 : i32 to index
        %swap3A_666 = arith.index_cast %add3A_655 : i32 to index
        %swap3A_667 = tpu.vector_load %arg9[%swap3A_665, %swap3A_666] {strides = array<i32>} : memref<16x1024xf32, #tpu.memory_space<vmem>>, vector<1x16xf32>,
        %swap3A_668 = vector.shape_cast %swap3A_667 : vector<1x16xf32> to vector<1x16xf32>
        %swap3A_669 = vector.shape_cast %add3A_664 : vector<1x16xf32> to vector<1x16xf32>
        tpu.vector_store %arg9[%swap3A_665, %swap3A_666], %swap3A_669 {strides = array<i32>} : memref<16x1024xf32, #tpu.memory_space<vmem>>, vector<1x16xf32>,
        %add3A_670 = arith.constant 96 : i32
        %add3A_671 = arith.addi %add3A_575, %add3A_670 : i32
        %get3A_672 = arith.index_cast %add3A_565 : i32 to index
        %get3A_673 = arith.index_cast %add3A_671 : i32 to index
        %get3A_674 = tpu.vector_load %arg5[%get3A_672, %get3A_673] {strides = array<i32>} : memref<16x1024xf32, #tpu.memory_space<vmem>>, vector<1x16xf32>,
        %get3A_675 = vector.shape_cast %get3A_674 : vector<1x16xf32> to vector<1x16xf32>
        %get3A_676 = arith.index_cast %add3A_565 : i32 to index
        %get3A_677 = arith.index_cast %add3A_671 : i32 to index
        %get3A_678 = tpu.vector_load %arg7[%get3A_676, %get3A_677] {strides = array<i32>} : memref<16x1024xf32, #tpu.memory_space<vmem>>, vector<1x16xf32>,
        %get3A_679 = vector.shape_cast %get3A_678 : vector<1x16xf32> to vector<1x16xf32>
        %add3A_680 = arith.addf %get3A_675, %get3A_679 : vector<1x16xf32>
        %swap3A_681 = arith.index_cast %add3A_565 : i32 to index
        %swap3A_682 = arith.index_cast %add3A_671 : i32 to index
        %swap3A_683 = tpu.vector_load %arg9[%swap3A_681, %swap3A_682] {strides = array<i32>} : memref<16x1024xf32, #tpu.memory_space<vmem>>, vector<1x16xf32>,
        %swap3A_684 = vector.shape_cast %swap3A_683 : vector<1x16xf32> to vector<1x16xf32>
        %swap3A_685 = vector.shape_cast %add3A_680 : vector<1x16xf32> to vector<1x16xf32>
        tpu.vector_store %arg9[%swap3A_681, %swap3A_682], %swap3A_685 {strides = array<i32>} : memref<16x1024xf32, #tpu.memory_space<vmem>>, vector<1x16xf32>,
        %add3A_686 = arith.constant 112 : i32
        %add3A_687 = arith.addi %add3A_575, %add3A_686 : i32
        %get3A_688 = arith.index_cast %add3A_565 : i32 to index
        %get3A_689 = arith.index_cast %add3A_687 : i32 to index
        %get3A_690 = tpu.vector_load %arg5[%get3A_688, %get3A_689] {strides = array<i32>} : memref<16x1024xf32, #tpu.memory_space<vmem>>, vector<1x16xf32>,
        %get3A_691 = vector.shape_cast %get3A_690 : vector<1x16xf32> to vector<1x16xf32>
        %get3A_692 = arith.index_cast %add3A_565 : i32 to index
        %get3A_693 = arith.index_cast %add3A_687 : i32 to index
        %get3A_694 = tpu.vector_load %arg7[%get3A_692, %get3A_693] {strides = array<i32>} : memref<16x1024xf32, #tpu.memory_space<vmem>>, vector<1x16xf32>,
        %get3A_695 = vector.shape_cast %get3A_694 : vector<1x16xf32> to vector<1x16xf32>
        %add3A_696 = arith.addf %get3A_691, %get3A_695 : vector<1x16xf32>
        %swap3A_697 = arith.index_cast %add3A_565 : i32 to index
        %swap3A_698 = arith.index_cast %add3A_687 : i32 to index
        %swap3A_699 = tpu.vector_load %arg9[%swap3A_697, %swap3A_698] {strides = array<i32>} : memref<16x1024xf32, #tpu.memory_space<vmem>>, vector<1x16xf32>,
        %swap3A_700 = vector.shape_cast %swap3A_699 : vector<1x16xf32> to vector<1x16xf32>
        %swap3A_701 = vector.shape_cast %add3A_696 : vector<1x16xf32> to vector<1x16xf32>
        tpu.vector_store %arg9[%swap3A_697, %swap3A_698], %swap3A_701 {strides = array<i32>} : memref<16x1024xf32, #tpu.memory_space<vmem>>, vector<1x16xf32>,
      }
      %scan3A_570 = arith.constant 8 : i32
    }
    %scan3A_313 = arith.constant 16 : i32
    %add3A_314 = arith.constant 128 : i32
    %add3A_315 = arith.addi %mul3A_2, %add3A_314 : i32
    %dma_start3A_316 = arith.constant 0 : i32
    %dma_start3A_317 = tpu.memref_slice %arg4[%add3A_315, %dma_start3A_316] : memref<8192x1024xf32, #tpu.memory_space<hbm>> -> memref<16x1024xf32, #tpu.memory_space<hbm>>
    %dma_start3A_318 = arith.constant 0 : i32
    %dma_start3A_319 = tpu.memref_slice %arg4[%add3A_315, %dma_start3A_318] : memref<8192x1024xf32, #tpu.memory_space<hbm>> -> memref<16x1024xf32, #tpu.memory_space<hbm>>
    tpu.enqueue_dma source(%arg9 : memref<16x1024xf32, #tpu.memory_space<vmem>>) target(%dma_start3A_319 : memref<16x1024xf32, #tpu.memory_space<hbm>>) target_semaphore(%arg15 : memref<!tpu.dma_semaphore, #tpu.memory_space<semaphore_mem>>)
    %add3A_320 = arith.constant 160 : i32
    %add3A_321 = arith.addi %mul3A_2, %add3A_320 : i32
    %add3A_322 = arith.constant 160 : i32
    %add3A_323 = arith.addi %rem3A_3, %add3A_322 : i32
    %dma_start3A_324 = arith.constant 0 : i32
    %dma_start3A_325 = tpu.memref_slice %arg2[%add3A_321, %dma_start3A_324] : memref<8192x1024xf32, #tpu.memory_space<hbm>> -> memref<16x1024xf32, #tpu.memory_space<hbm>>
    %dma_start3A_326 = arith.constant 0 : i32
    %dma_start3A_327 = tpu.memref_slice %arg2[%add3A_321, %dma_start3A_326] : memref<8192x1024xf32, #tpu.memory_space<hbm>> -> memref<16x1024xf32, #tpu.memory_space<hbm>>
    tpu.enqueue_dma source(%dma_start3A_327 : memref<16x1024xf32, #tpu.memory_space<hbm>>) target(%arg5 : memref<16x1024xf32, #tpu.memory_space<vmem>>) target_semaphore(%arg11 : memref<!tpu.dma_semaphore, #tpu.memory_space<semaphore_mem>>)
    %dma_start3A_328 = arith.constant 0 : i32
    %dma_start3A_329 = tpu.memref_slice %arg3[%add3A_323, %dma_start3A_328] : memref<2048x1024xf32, #tpu.memory_space<hbm>> -> memref<16x1024xf32, #tpu.memory_space<hbm>>
    %dma_start3A_330 = arith.constant 0 : i32
    %dma_start3A_331 = tpu.memref_slice %arg3[%add3A_323, %dma_start3A_330] : memref<2048x1024xf32, #tpu.memory_space<hbm>> -> memref<16x1024xf32, #tpu.memory_space<hbm>>
    tpu.enqueue_dma source(%dma_start3A_331 : memref<16x1024xf32, #tpu.memory_space<hbm>>) target(%arg7 : memref<16x1024xf32, #tpu.memory_space<vmem>>) target_semaphore(%arg13 : memref<!tpu.dma_semaphore, #tpu.memory_space<semaphore_mem>>)
    %dma_wait3A_332 = arith.constant 0 : i32
    %dma_wait3A_333 = tpu.memref_slice %arg2[%add3A_286, %dma_wait3A_332] : memref<8192x1024xf32, #tpu.memory_space<hbm>> -> memref<16x1024xf32, #tpu.memory_space<hbm>>
    %dma_wait3A_334 = arith.constant 0 : i32
    %dma_wait3A_335 = tpu.memref_slice %arg2[%add3A_286, %dma_wait3A_334] : memref<8192x1024xf32, #tpu.memory_space<hbm>> -> memref<16x1024xf32, #tpu.memory_space<hbm>>
    tpu.wait_dma2 semaphore(%arg12 : memref<!tpu.dma_semaphore, #tpu.memory_space<semaphore_mem>>) src(%dma_wait3A_335 : memref<16x1024xf32, #tpu.memory_space<hbm>>) dst(%arg6 : memref<16x1024xf32, #tpu.memory_space<vmem>>)
    %dma_wait3A_336 = arith.constant 0 : i32
    %dma_wait3A_337 = tpu.memref_slice %arg3[%add3A_288, %dma_wait3A_336] : memref<2048x1024xf32, #tpu.memory_space<hbm>> -> memref<16x1024xf32, #tpu.memory_space<hbm>>
    %dma_wait3A_338 = arith.constant 0 : i32
    %dma_wait3A_339 = tpu.memref_slice %arg3[%add3A_288, %dma_wait3A_338] : memref<2048x1024xf32, #tpu.memory_space<hbm>> -> memref<16x1024xf32, #tpu.memory_space<hbm>>
    tpu.wait_dma2 semaphore(%arg14 : memref<!tpu.dma_semaphore, #tpu.memory_space<semaphore_mem>>) src(%dma_wait3A_339 : memref<16x1024xf32, #tpu.memory_space<hbm>>) dst(%arg8 : memref<16x1024xf32, #tpu.memory_space<vmem>>)
    %dma_wait3A_340 = arith.constant 0 : i32
    %dma_wait3A_341 = tpu.memref_slice %arg4[%add3A_280, %dma_wait3A_340] : memref<8192x1024xf32, #tpu.memory_space<hbm>> -> memref<16x1024xf32, #tpu.memory_space<hbm>>
    %dma_wait3A_342 = arith.constant 0 : i32
    %dma_wait3A_343 = tpu.memref_slice %arg4[%add3A_280, %dma_wait3A_342] : memref<8192x1024xf32, #tpu.memory_space<hbm>> -> memref<16x1024xf32, #tpu.memory_space<hbm>>
    tpu.wait_dma2 semaphore(%arg16 : memref<!tpu.dma_semaphore, #tpu.memory_space<semaphore_mem>>) src(%arg10 : memref<16x1024xf32, #tpu.memory_space<vmem>>) dst(%dma_wait3A_343 : memref<16x1024xf32, #tpu.memory_space<hbm>>)
    %scan3A_344 = arith.constant 0 : i32
    %scan3A_345 = arith.constant 16 : i32
    %scan3A_346 = arith.addi %scan3A_344, %scan3A_345 : i32
    %scan3A_347 = arith.constant 1 : i32
    scf.for %scan3A_561 = %scan3A_344 to %scan3A_346 step %scan3A_347  : i32 {
      %mul3A_562 = arith.constant 1 : i32
      %mul3A_563 = arith.muli %scan3A_561, %mul3A_562 : i32
      %add3A_564 = arith.constant 0 : i32
      %add3A_565 = arith.addi %add3A_564, %mul3A_563 : i32
      %scan3A_566 = arith.constant 0 : i32
      %scan3A_567 = arith.constant 8 : i32
      %scan3A_568 = arith.addi %scan3A_566, %scan3A_567 : i32
      %scan3A_569 = arith.constant 1 : i32
      scf.for %scan3A_571 = %scan3A_566 to %scan3A_568 step %scan3A_569  : i32 {
        %mul3A_572 = arith.constant 128 : i32
        %mul3A_573 = arith.muli %scan3A_571, %mul3A_572 : i32
        %add3A_574 = arith.constant 0 : i32
        %add3A_575 = arith.addi %add3A_574, %mul3A_573 : i32
        %add3A_576 = arith.constant 0 : i32
        %add3A_577 = arith.addi %add3A_575, %add3A_576 : i32
        %get3A = arith.index_cast %add3A_565 : i32 to index
        %get3A_578 = arith.index_cast %add3A_577 : i32 to index
        %get3A_579 = tpu.vector_load %arg6[%get3A, %get3A_578] {strides = array<i32>} : memref<16x1024xf32, #tpu.memory_space<vmem>>, vector<1x16xf32>,
        %get3A_580 = vector.shape_cast %get3A_579 : vector<1x16xf32> to vector<1x16xf32>
        %get3A_581 = arith.index_cast %add3A_565 : i32 to index
        %get3A_582 = arith.index_cast %add3A_577 : i32 to index
        %get3A_583 = tpu.vector_load %arg8[%get3A_581, %get3A_582] {strides = array<i32>} : memref<16x1024xf32, #tpu.memory_space<vmem>>, vector<1x16xf32>,
        %get3A_584 = vector.shape_cast %get3A_583 : vector<1x16xf32> to vector<1x16xf32>
        %add3A_585 = arith.addf %get3A_580, %get3A_584 : vector<1x16xf32>
        %swap3A = arith.index_cast %add3A_565 : i32 to index
        %swap3A_586 = arith.index_cast %add3A_577 : i32 to index
        %swap3A_587 = tpu.vector_load %arg10[%swap3A, %swap3A_586] {strides = array<i32>} : memref<16x1024xf32, #tpu.memory_space<vmem>>, vector<1x16xf32>,
        %swap3A_588 = vector.shape_cast %swap3A_587 : vector<1x16xf32> to vector<1x16xf32>
        %swap3A_589 = vector.shape_cast %add3A_585 : vector<1x16xf32> to vector<1x16xf32>
        tpu.vector_store %arg10[%swap3A, %swap3A_586], %swap3A_589 {strides = array<i32>} : memref<16x1024xf32, #tpu.memory_space<vmem>>, vector<1x16xf32>,
        %add3A_590 = arith.constant 16 : i32
        %add3A_591 = arith.addi %add3A_575, %add3A_590 : i32
        %get3A_592 = arith.index_cast %add3A_565 : i32 to index
        %get3A_593 = arith.index_cast %add3A_591 : i32 to index
        %get3A_594 = tpu.vector_load %arg6[%get3A_592, %get3A_593] {strides = array<i32>} : memref<16x1024xf32, #tpu.memory_space<vmem>>, vector<1x16xf32>,
        %get3A_595 = vector.shape_cast %get3A_594 : vector<1x16xf32> to vector<1x16xf32>
        %get3A_596 = arith.index_cast %add3A_565 : i32 to index
        %get3A_597 = arith.index_cast %add3A_591 : i32 to index
        %get3A_598 = tpu.vector_load %arg8[%get3A_596, %get3A_597] {strides = array<i32>} : memref<16x1024xf32, #tpu.memory_space<vmem>>, vector<1x16xf32>,
        %get3A_599 = vector.shape_cast %get3A_598 : vector<1x16xf32> to vector<1x16xf32>
        %add3A_600 = arith.addf %get3A_595, %get3A_599 : vector<1x16xf32>
        %swap3A_601 = arith.index_cast %add3A_565 : i32 to index
        %swap3A_602 = arith.index_cast %add3A_591 : i32 to index
        %swap3A_603 = tpu.vector_load %arg10[%swap3A_601, %swap3A_602] {strides = array<i32>} : memref<16x1024xf32, #tpu.memory_space<vmem>>, vector<1x16xf32>,
        %swap3A_604 = vector.shape_cast %swap3A_603 : vector<1x16xf32> to vector<1x16xf32>
        %swap3A_605 = vector.shape_cast %add3A_600 : vector<1x16xf32> to vector<1x16xf32>
        tpu.vector_store %arg10[%swap3A_601, %swap3A_602], %swap3A_605 {strides = array<i32>} : memref<16x1024xf32, #tpu.memory_space<vmem>>, vector<1x16xf32>,
        %add3A_606 = arith.constant 32 : i32
        %add3A_607 = arith.addi %add3A_575, %add3A_606 : i32
        %get3A_608 = arith.index_cast %add3A_565 : i32 to index
        %get3A_609 = arith.index_cast %add3A_607 : i32 to index
        %get3A_610 = tpu.vector_load %arg6[%get3A_608, %get3A_609] {strides = array<i32>} : memref<16x1024xf32, #tpu.memory_space<vmem>>, vector<1x16xf32>,
        %get3A_611 = vector.shape_cast %get3A_610 : vector<1x16xf32> to vector<1x16xf32>
        %get3A_612 = arith.index_cast %add3A_565 : i32 to index
        %get3A_613 = arith.index_cast %add3A_607 : i32 to index
        %get3A_614 = tpu.vector_load %arg8[%get3A_612, %get3A_613] {strides = array<i32>} : memref<16x1024xf32, #tpu.memory_space<vmem>>, vector<1x16xf32>,
        %get3A_615 = vector.shape_cast %get3A_614 : vector<1x16xf32> to vector<1x16xf32>
        %add3A_616 = arith.addf %get3A_611, %get3A_615 : vector<1x16xf32>
        %swap3A_617 = arith.index_cast %add3A_565 : i32 to index
        %swap3A_618 = arith.index_cast %add3A_607 : i32 to index
        %swap3A_619 = tpu.vector_load %arg10[%swap3A_617, %swap3A_618] {strides = array<i32>} : memref<16x1024xf32, #tpu.memory_space<vmem>>, vector<1x16xf32>,
        %swap3A_620 = vector.shape_cast %swap3A_619 : vector<1x16xf32> to vector<1x16xf32>
        %swap3A_621 = vector.shape_cast %add3A_616 : vector<1x16xf32> to vector<1x16xf32>
        tpu.vector_store %arg10[%swap3A_617, %swap3A_618], %swap3A_621 {strides = array<i32>} : memref<16x1024xf32, #tpu.memory_space<vmem>>, vector<1x16xf32>,
        %add3A_622 = arith.constant 48 : i32
        %add3A_623 = arith.addi %add3A_575, %add3A_622 : i32
        %get3A_624 = arith.index_cast %add3A_565 : i32 to index
        %get3A_625 = arith.index_cast %add3A_623 : i32 to index
        %get3A_626 = tpu.vector_load %arg6[%get3A_624, %get3A_625] {strides = array<i32>} : memref<16x1024xf32, #tpu.memory_space<vmem>>, vector<1x16xf32>,
        %get3A_627 = vector.shape_cast %get3A_626 : vector<1x16xf32> to vector<1x16xf32>
        %get3A_628 = arith.index_cast %add3A_565 : i32 to index
        %get3A_629 = arith.index_cast %add3A_623 : i32 to index
        %get3A_630 = tpu.vector_load %arg8[%get3A_628, %get3A_629] {strides = array<i32>} : memref<16x1024xf32, #tpu.memory_space<vmem>>, vector<1x16xf32>,
        %get3A_631 = vector.shape_cast %get3A_630 : vector<1x16xf32> to vector<1x16xf32>
        %add3A_632 = arith.addf %get3A_627, %get3A_631 : vector<1x16xf32>
        %swap3A_633 = arith.index_cast %add3A_565 : i32 to index
        %swap3A_634 = arith.index_cast %add3A_623 : i32 to index
        %swap3A_635 = tpu.vector_load %arg10[%swap3A_633, %swap3A_634] {strides = array<i32>} : memref<16x1024xf32, #tpu.memory_space<vmem>>, vector<1x16xf32>,
        %swap3A_636 = vector.shape_cast %swap3A_635 : vector<1x16xf32> to vector<1x16xf32>
        %swap3A_637 = vector.shape_cast %add3A_632 : vector<1x16xf32> to vector<1x16xf32>
        tpu.vector_store %arg10[%swap3A_633, %swap3A_634], %swap3A_637 {strides = array<i32>} : memref<16x1024xf32, #tpu.memory_space<vmem>>, vector<1x16xf32>,
        %add3A_638 = arith.constant 64 : i32
        %add3A_639 = arith.addi %add3A_575, %add3A_638 : i32
        %get3A_640 = arith.index_cast %add3A_565 : i32 to index
        %get3A_641 = arith.index_cast %add3A_639 : i32 to index
        %get3A_642 = tpu.vector_load %arg6[%get3A_640, %get3A_641] {strides = array<i32>} : memref<16x1024xf32, #tpu.memory_space<vmem>>, vector<1x16xf32>,
        %get3A_643 = vector.shape_cast %get3A_642 : vector<1x16xf32> to vector<1x16xf32>
        %get3A_644 = arith.index_cast %add3A_565 : i32 to index
        %get3A_645 = arith.index_cast %add3A_639 : i32 to index
        %get3A_646 = tpu.vector_load %arg8[%get3A_644, %get3A_645] {strides = array<i32>} : memref<16x1024xf32, #tpu.memory_space<vmem>>, vector<1x16xf32>,
        %get3A_647 = vector.shape_cast %get3A_646 : vector<1x16xf32> to vector<1x16xf32>
        %add3A_648 = arith.addf %get3A_643, %get3A_647 : vector<1x16xf32>
        %swap3A_649 = arith.index_cast %add3A_565 : i32 to index
        %swap3A_650 = arith.index_cast %add3A_639 : i32 to index
        %swap3A_651 = tpu.vector_load %arg10[%swap3A_649, %swap3A_650] {strides = array<i32>} : memref<16x1024xf32, #tpu.memory_space<vmem>>, vector<1x16xf32>,
        %swap3A_652 = vector.shape_cast %swap3A_651 : vector<1x16xf32> to vector<1x16xf32>
        %swap3A_653 = vector.shape_cast %add3A_648 : vector<1x16xf32> to vector<1x16xf32>
        tpu.vector_store %arg10[%swap3A_649, %swap3A_650], %swap3A_653 {strides = array<i32>} : memref<16x1024xf32, #tpu.memory_space<vmem>>, vector<1x16xf32>,
        %add3A_654 = arith.constant 80 : i32
        %add3A_655 = arith.addi %add3A_575, %add3A_654 : i32
        %get3A_656 = arith.index_cast %add3A_565 : i32 to index
        %get3A_657 = arith.index_cast %add3A_655 : i32 to index
        %get3A_658 = tpu.vector_load %arg6[%get3A_656, %get3A_657] {strides = array<i32>} : memref<16x1024xf32, #tpu.memory_space<vmem>>, vector<1x16xf32>,
        %get3A_659 = vector.shape_cast %get3A_658 : vector<1x16xf32> to vector<1x16xf32>
        %get3A_660 = arith.index_cast %add3A_565 : i32 to index
        %get3A_661 = arith.index_cast %add3A_655 : i32 to index
        %get3A_662 = tpu.vector_load %arg8[%get3A_660, %get3A_661] {strides = array<i32>} : memref<16x1024xf32, #tpu.memory_space<vmem>>, vector<1x16xf32>,
        %get3A_663 = vector.shape_cast %get3A_662 : vector<1x16xf32> to vector<1x16xf32>
        %add3A_664 = arith.addf %get3A_659, %get3A_663 : vector<1x16xf32>
        %swap3A_665 = arith.index_cast %add3A_565 : i32 to index
        %swap3A_666 = arith.index_cast %add3A_655 : i32 to index
        %swap3A_667 = tpu.vector_load %arg10[%swap3A_665, %swap3A_666] {strides = array<i32>} : memref<16x1024xf32, #tpu.memory_space<vmem>>, vector<1x16xf32>,
        %swap3A_668 = vector.shape_cast %swap3A_667 : vector<1x16xf32> to vector<1x16xf32>
        %swap3A_669 = vector.shape_cast %add3A_664 : vector<1x16xf32> to vector<1x16xf32>
        tpu.vector_store %arg10[%swap3A_665, %swap3A_666], %swap3A_669 {strides = array<i32>} : memref<16x1024xf32, #tpu.memory_space<vmem>>, vector<1x16xf32>,
        %add3A_670 = arith.constant 96 : i32
        %add3A_671 = arith.addi %add3A_575, %add3A_670 : i32
        %get3A_672 = arith.index_cast %add3A_565 : i32 to index
        %get3A_673 = arith.index_cast %add3A_671 : i32 to index
        %get3A_674 = tpu.vector_load %arg6[%get3A_672, %get3A_673] {strides = array<i32>} : memref<16x1024xf32, #tpu.memory_space<vmem>>, vector<1x16xf32>,
        %get3A_675 = vector.shape_cast %get3A_674 : vector<1x16xf32> to vector<1x16xf32>
        %get3A_676 = arith.index_cast %add3A_565 : i32 to index
        %get3A_677 = arith.index_cast %add3A_671 : i32 to index
        %get3A_678 = tpu.vector_load %arg8[%get3A_676, %get3A_677] {strides = array<i32>} : memref<16x1024xf32, #tpu.memory_space<vmem>>, vector<1x16xf32>,
        %get3A_679 = vector.shape_cast %get3A_678 : vector<1x16xf32> to vector<1x16xf32>
        %add3A_680 = arith.addf %get3A_675, %get3A_679 : vector<1x16xf32>
        %swap3A_681 = arith.index_cast %add3A_565 : i32 to index
        %swap3A_682 = arith.index_cast %add3A_671 : i32 to index
        %swap3A_683 = tpu.vector_load %arg10[%swap3A_681, %swap3A_682] {strides = array<i32>} : memref<16x1024xf32, #tpu.memory_space<vmem>>, vector<1x16xf32>,
        %swap3A_684 = vector.shape_cast %swap3A_683 : vector<1x16xf32> to vector<1x16xf32>
        %swap3A_685 = vector.shape_cast %add3A_680 : vector<1x16xf32> to vector<1x16xf32>
        tpu.vector_store %arg10[%swap3A_681, %swap3A_682], %swap3A_685 {strides = array<i32>} : memref<16x1024xf32, #tpu.memory_space<vmem>>, vector<1x16xf32>,
        %add3A_686 = arith.constant 112 : i32
        %add3A_687 = arith.addi %add3A_575, %add3A_686 : i32
        %get3A_688 = arith.index_cast %add3A_565 : i32 to index
        %get3A_689 = arith.index_cast %add3A_687 : i32 to index
        %get3A_690 = tpu.vector_load %arg6[%get3A_688, %get3A_689] {strides = array<i32>} : memref<16x1024xf32, #tpu.memory_space<vmem>>, vector<1x16xf32>,
        %get3A_691 = vector.shape_cast %get3A_690 : vector<1x16xf32> to vector<1x16xf32>
        %get3A_692 = arith.index_cast %add3A_565 : i32 to index
        %get3A_693 = arith.index_cast %add3A_687 : i32 to index
        %get3A_694 = tpu.vector_load %arg8[%get3A_692, %get3A_693] {strides = array<i32>} : memref<16x1024xf32, #tpu.memory_space<vmem>>, vector<1x16xf32>,
        %get3A_695 = vector.shape_cast %get3A_694 : vector<1x16xf32> to vector<1x16xf32>
        %add3A_696 = arith.addf %get3A_691, %get3A_695 : vector<1x16xf32>
        %swap3A_697 = arith.index_cast %add3A_565 : i32 to index
        %swap3A_698 = arith.index_cast %add3A_687 : i32 to index
        %swap3A_699 = tpu.vector_load %arg10[%swap3A_697, %swap3A_698] {strides = array<i32>} : memref<16x1024xf32, #tpu.memory_space<vmem>>, vector<1x16xf32>,
        %swap3A_700 = vector.shape_cast %swap3A_699 : vector<1x16xf32> to vector<1x16xf32>
        %swap3A_701 = vector.shape_cast %add3A_696 : vector<1x16xf32> to vector<1x16xf32>
        tpu.vector_store %arg10[%swap3A_697, %swap3A_698], %swap3A_701 {strides = array<i32>} : memref<16x1024xf32, #tpu.memory_space<vmem>>, vector<1x16xf32>,
      }
      %scan3A_570 = arith.constant 8 : i32
    }
    %scan3A_348 = arith.constant 16 : i32
    %add3A_349 = arith.constant 144 : i32
    %add3A_350 = arith.addi %mul3A_2, %add3A_349 : i32
    %dma_start3A_351 = arith.constant 0 : i32
    %dma_start3A_352 = tpu.memref_slice %arg4[%add3A_350, %dma_start3A_351] : memref<8192x1024xf32, #tpu.memory_space<hbm>> -> memref<16x1024xf32, #tpu.memory_space<hbm>>
    %dma_start3A_353 = arith.constant 0 : i32
    %dma_start3A_354 = tpu.memref_slice %arg4[%add3A_350, %dma_start3A_353] : memref<8192x1024xf32, #tpu.memory_space<hbm>> -> memref<16x1024xf32, #tpu.memory_space<hbm>>
    tpu.enqueue_dma source(%arg10 : memref<16x1024xf32, #tpu.memory_space<vmem>>) target(%dma_start3A_354 : memref<16x1024xf32, #tpu.memory_space<hbm>>) target_semaphore(%arg16 : memref<!tpu.dma_semaphore, #tpu.memory_space<semaphore_mem>>)
    %add3A_355 = arith.constant 176 : i32
    %add3A_356 = arith.addi %mul3A_2, %add3A_355 : i32
    %add3A_357 = arith.constant 176 : i32
    %add3A_358 = arith.addi %rem3A_3, %add3A_357 : i32
    %dma_start3A_359 = arith.constant 0 : i32
    %dma_start3A_360 = tpu.memref_slice %arg2[%add3A_356, %dma_start3A_359] : memref<8192x1024xf32, #tpu.memory_space<hbm>> -> memref<16x1024xf32, #tpu.memory_space<hbm>>
    %dma_start3A_361 = arith.constant 0 : i32
    %dma_start3A_362 = tpu.memref_slice %arg2[%add3A_356, %dma_start3A_361] : memref<8192x1024xf32, #tpu.memory_space<hbm>> -> memref<16x1024xf32, #tpu.memory_space<hbm>>
    tpu.enqueue_dma source(%dma_start3A_362 : memref<16x1024xf32, #tpu.memory_space<hbm>>) target(%arg6 : memref<16x1024xf32, #tpu.memory_space<vmem>>) target_semaphore(%arg12 : memref<!tpu.dma_semaphore, #tpu.memory_space<semaphore_mem>>)
    %dma_start3A_363 = arith.constant 0 : i32
    %dma_start3A_364 = tpu.memref_slice %arg3[%add3A_358, %dma_start3A_363] : memref<2048x1024xf32, #tpu.memory_space<hbm>> -> memref<16x1024xf32, #tpu.memory_space<hbm>>
    %dma_start3A_365 = arith.constant 0 : i32
    %dma_start3A_366 = tpu.memref_slice %arg3[%add3A_358, %dma_start3A_365] : memref<2048x1024xf32, #tpu.memory_space<hbm>> -> memref<16x1024xf32, #tpu.memory_space<hbm>>
    tpu.enqueue_dma source(%dma_start3A_366 : memref<16x1024xf32, #tpu.memory_space<hbm>>) target(%arg8 : memref<16x1024xf32, #tpu.memory_space<vmem>>) target_semaphore(%arg14 : memref<!tpu.dma_semaphore, #tpu.memory_space<semaphore_mem>>)
    %dma_wait3A_367 = arith.constant 0 : i32
    %dma_wait3A_368 = tpu.memref_slice %arg2[%add3A_321, %dma_wait3A_367] : memref<8192x1024xf32, #tpu.memory_space<hbm>> -> memref<16x1024xf32, #tpu.memory_space<hbm>>
    %dma_wait3A_369 = arith.constant 0 : i32
    %dma_wait3A_370 = tpu.memref_slice %arg2[%add3A_321, %dma_wait3A_369] : memref<8192x1024xf32, #tpu.memory_space<hbm>> -> memref<16x1024xf32, #tpu.memory_space<hbm>>
    tpu.wait_dma2 semaphore(%arg11 : memref<!tpu.dma_semaphore, #tpu.memory_space<semaphore_mem>>) src(%dma_wait3A_370 : memref<16x1024xf32, #tpu.memory_space<hbm>>) dst(%arg5 : memref<16x1024xf32, #tpu.memory_space<vmem>>)
    %dma_wait3A_371 = arith.constant 0 : i32
    %dma_wait3A_372 = tpu.memref_slice %arg3[%add3A_323, %dma_wait3A_371] : memref<2048x1024xf32, #tpu.memory_space<hbm>> -> memref<16x1024xf32, #tpu.memory_space<hbm>>
    %dma_wait3A_373 = arith.constant 0 : i32
    %dma_wait3A_374 = tpu.memref_slice %arg3[%add3A_323, %dma_wait3A_373] : memref<2048x1024xf32, #tpu.memory_space<hbm>> -> memref<16x1024xf32, #tpu.memory_space<hbm>>
    tpu.wait_dma2 semaphore(%arg13 : memref<!tpu.dma_semaphore, #tpu.memory_space<semaphore_mem>>) src(%dma_wait3A_374 : memref<16x1024xf32, #tpu.memory_space<hbm>>) dst(%arg7 : memref<16x1024xf32, #tpu.memory_space<vmem>>)
    %dma_wait3A_375 = arith.constant 0 : i32
    %dma_wait3A_376 = tpu.memref_slice %arg4[%add3A_315, %dma_wait3A_375] : memref<8192x1024xf32, #tpu.memory_space<hbm>> -> memref<16x1024xf32, #tpu.memory_space<hbm>>
    %dma_wait3A_377 = arith.constant 0 : i32
    %dma_wait3A_378 = tpu.memref_slice %arg4[%add3A_315, %dma_wait3A_377] : memref<8192x1024xf32, #tpu.memory_space<hbm>> -> memref<16x1024xf32, #tpu.memory_space<hbm>>
    tpu.wait_dma2 semaphore(%arg15 : memref<!tpu.dma_semaphore, #tpu.memory_space<semaphore_mem>>) src(%arg9 : memref<16x1024xf32, #tpu.memory_space<vmem>>) dst(%dma_wait3A_378 : memref<16x1024xf32, #tpu.memory_space<hbm>>)
    %scan3A_379 = arith.constant 0 : i32
    %scan3A_380 = arith.constant 16 : i32
    %scan3A_381 = arith.addi %scan3A_379, %scan3A_380 : i32
    %scan3A_382 = arith.constant 1 : i32
    scf.for %scan3A_561 = %scan3A_379 to %scan3A_381 step %scan3A_382  : i32 {
      %mul3A_562 = arith.constant 1 : i32
      %mul3A_563 = arith.muli %scan3A_561, %mul3A_562 : i32
      %add3A_564 = arith.constant 0 : i32
      %add3A_565 = arith.addi %add3A_564, %mul3A_563 : i32
      %scan3A_566 = arith.constant 0 : i32
      %scan3A_567 = arith.constant 8 : i32
      %scan3A_568 = arith.addi %scan3A_566, %scan3A_567 : i32
      %scan3A_569 = arith.constant 1 : i32
      scf.for %scan3A_571 = %scan3A_566 to %scan3A_568 step %scan3A_569  : i32 {
        %mul3A_572 = arith.constant 128 : i32
        %mul3A_573 = arith.muli %scan3A_571, %mul3A_572 : i32
        %add3A_574 = arith.constant 0 : i32
        %add3A_575 = arith.addi %add3A_574, %mul3A_573 : i32
        %add3A_576 = arith.constant 0 : i32
        %add3A_577 = arith.addi %add3A_575, %add3A_576 : i32
        %get3A = arith.index_cast %add3A_565 : i32 to index
        %get3A_578 = arith.index_cast %add3A_577 : i32 to index
        %get3A_579 = tpu.vector_load %arg5[%get3A, %get3A_578] {strides = array<i32>} : memref<16x1024xf32, #tpu.memory_space<vmem>>, vector<1x16xf32>,
        %get3A_580 = vector.shape_cast %get3A_579 : vector<1x16xf32> to vector<1x16xf32>
        %get3A_581 = arith.index_cast %add3A_565 : i32 to index
        %get3A_582 = arith.index_cast %add3A_577 : i32 to index
        %get3A_583 = tpu.vector_load %arg7[%get3A_581, %get3A_582] {strides = array<i32>} : memref<16x1024xf32, #tpu.memory_space<vmem>>, vector<1x16xf32>,
        %get3A_584 = vector.shape_cast %get3A_583 : vector<1x16xf32> to vector<1x16xf32>
        %add3A_585 = arith.addf %get3A_580, %get3A_584 : vector<1x16xf32>
        %swap3A = arith.index_cast %add3A_565 : i32 to index
        %swap3A_586 = arith.index_cast %add3A_577 : i32 to index
        %swap3A_587 = tpu.vector_load %arg9[%swap3A, %swap3A_586] {strides = array<i32>} : memref<16x1024xf32, #tpu.memory_space<vmem>>, vector<1x16xf32>,
        %swap3A_588 = vector.shape_cast %swap3A_587 : vector<1x16xf32> to vector<1x16xf32>
        %swap3A_589 = vector.shape_cast %add3A_585 : vector<1x16xf32> to vector<1x16xf32>
        tpu.vector_store %arg9[%swap3A, %swap3A_586], %swap3A_589 {strides = array<i32>} : memref<16x1024xf32, #tpu.memory_space<vmem>>, vector<1x16xf32>,
        %add3A_590 = arith.constant 16 : i32
        %add3A_591 = arith.addi %add3A_575, %add3A_590 : i32
        %get3A_592 = arith.index_cast %add3A_565 : i32 to index
        %get3A_593 = arith.index_cast %add3A_591 : i32 to index
        %get3A_594 = tpu.vector_load %arg5[%get3A_592, %get3A_593] {strides = array<i32>} : memref<16x1024xf32, #tpu.memory_space<vmem>>, vector<1x16xf32>,
        %get3A_595 = vector.shape_cast %get3A_594 : vector<1x16xf32> to vector<1x16xf32>
        %get3A_596 = arith.index_cast %add3A_565 : i32 to index
        %get3A_597 = arith.index_cast %add3A_591 : i32 to index
        %get3A_598 = tpu.vector_load %arg7[%get3A_596, %get3A_597] {strides = array<i32>} : memref<16x1024xf32, #tpu.memory_space<vmem>>, vector<1x16xf32>,
        %get3A_599 = vector.shape_cast %get3A_598 : vector<1x16xf32> to vector<1x16xf32>
        %add3A_600 = arith.addf %get3A_595, %get3A_599 : vector<1x16xf32>
        %swap3A_601 = arith.index_cast %add3A_565 : i32 to index
        %swap3A_602 = arith.index_cast %add3A_591 : i32 to index
        %swap3A_603 = tpu.vector_load %arg9[%swap3A_601, %swap3A_602] {strides = array<i32>} : memref<16x1024xf32, #tpu.memory_space<vmem>>, vector<1x16xf32>,
        %swap3A_604 = vector.shape_cast %swap3A_603 : vector<1x16xf32> to vector<1x16xf32>
        %swap3A_605 = vector.shape_cast %add3A_600 : vector<1x16xf32> to vector<1x16xf32>
        tpu.vector_store %arg9[%swap3A_601, %swap3A_602], %swap3A_605 {strides = array<i32>} : memref<16x1024xf32, #tpu.memory_space<vmem>>, vector<1x16xf32>,
        %add3A_606 = arith.constant 32 : i32
        %add3A_607 = arith.addi %add3A_575, %add3A_606 : i32
        %get3A_608 = arith.index_cast %add3A_565 : i32 to index
        %get3A_609 = arith.index_cast %add3A_607 : i32 to index
        %get3A_610 = tpu.vector_load %arg5[%get3A_608, %get3A_609] {strides = array<i32>} : memref<16x1024xf32, #tpu.memory_space<vmem>>, vector<1x16xf32>,
        %get3A_611 = vector.shape_cast %get3A_610 : vector<1x16xf32> to vector<1x16xf32>
        %get3A_612 = arith.index_cast %add3A_565 : i32 to index
        %get3A_613 = arith.index_cast %add3A_607 : i32 to index
        %get3A_614 = tpu.vector_load %arg7[%get3A_612, %get3A_613] {strides = array<i32>} : memref<16x1024xf32, #tpu.memory_space<vmem>>, vector<1x16xf32>,
        %get3A_615 = vector.shape_cast %get3A_614 : vector<1x16xf32> to vector<1x16xf32>
        %add3A_616 = arith.addf %get3A_611, %get3A_615 : vector<1x16xf32>
        %swap3A_617 = arith.index_cast %add3A_565 : i32 to index
        %swap3A_618 = arith.index_cast %add3A_607 : i32 to index
        %swap3A_619 = tpu.vector_load %arg9[%swap3A_617, %swap3A_618] {strides = array<i32>} : memref<16x1024xf32, #tpu.memory_space<vmem>>, vector<1x16xf32>,
        %swap3A_620 = vector.shape_cast %swap3A_619 : vector<1x16xf32> to vector<1x16xf32>
        %swap3A_621 = vector.shape_cast %add3A_616 : vector<1x16xf32> to vector<1x16xf32>
        tpu.vector_store %arg9[%swap3A_617, %swap3A_618], %swap3A_621 {strides = array<i32>} : memref<16x1024xf32, #tpu.memory_space<vmem>>, vector<1x16xf32>,
        %add3A_622 = arith.constant 48 : i32
        %add3A_623 = arith.addi %add3A_575, %add3A_622 : i32
        %get3A_624 = arith.index_cast %add3A_565 : i32 to index
        %get3A_625 = arith.index_cast %add3A_623 : i32 to index
        %get3A_626 = tpu.vector_load %arg5[%get3A_624, %get3A_625] {strides = array<i32>} : memref<16x1024xf32, #tpu.memory_space<vmem>>, vector<1x16xf32>,
        %get3A_627 = vector.shape_cast %get3A_626 : vector<1x16xf32> to vector<1x16xf32>
        %get3A_628 = arith.index_cast %add3A_565 : i32 to index
        %get3A_629 = arith.index_cast %add3A_623 : i32 to index
        %get3A_630 = tpu.vector_load %arg7[%get3A_628, %get3A_629] {strides = array<i32>} : memref<16x1024xf32, #tpu.memory_space<vmem>>, vector<1x16xf32>,
        %get3A_631 = vector.shape_cast %get3A_630 : vector<1x16xf32> to vector<1x16xf32>
        %add3A_632 = arith.addf %get3A_627, %get3A_631 : vector<1x16xf32>
        %swap3A_633 = arith.index_cast %add3A_565 : i32 to index
        %swap3A_634 = arith.index_cast %add3A_623 : i32 to index
        %swap3A_635 = tpu.vector_load %arg9[%swap3A_633, %swap3A_634] {strides = array<i32>} : memref<16x1024xf32, #tpu.memory_space<vmem>>, vector<1x16xf32>,
        %swap3A_636 = vector.shape_cast %swap3A_635 : vector<1x16xf32> to vector<1x16xf32>
        %swap3A_637 = vector.shape_cast %add3A_632 : vector<1x16xf32> to vector<1x16xf32>
        tpu.vector_store %arg9[%swap3A_633, %swap3A_634], %swap3A_637 {strides = array<i32>} : memref<16x1024xf32, #tpu.memory_space<vmem>>, vector<1x16xf32>,
        %add3A_638 = arith.constant 64 : i32
        %add3A_639 = arith.addi %add3A_575, %add3A_638 : i32
        %get3A_640 = arith.index_cast %add3A_565 : i32 to index
        %get3A_641 = arith.index_cast %add3A_639 : i32 to index
        %get3A_642 = tpu.vector_load %arg5[%get3A_640, %get3A_641] {strides = array<i32>} : memref<16x1024xf32, #tpu.memory_space<vmem>>, vector<1x16xf32>,
        %get3A_643 = vector.shape_cast %get3A_642 : vector<1x16xf32> to vector<1x16xf32>
        %get3A_644 = arith.index_cast %add3A_565 : i32 to index
        %get3A_645 = arith.index_cast %add3A_639 : i32 to index
        %get3A_646 = tpu.vector_load %arg7[%get3A_644, %get3A_645] {strides = array<i32>} : memref<16x1024xf32, #tpu.memory_space<vmem>>, vector<1x16xf32>,
        %get3A_647 = vector.shape_cast %get3A_646 : vector<1x16xf32> to vector<1x16xf32>
        %add3A_648 = arith.addf %get3A_643, %get3A_647 : vector<1x16xf32>
        %swap3A_649 = arith.index_cast %add3A_565 : i32 to index
        %swap3A_650 = arith.index_cast %add3A_639 : i32 to index
        %swap3A_651 = tpu.vector_load %arg9[%swap3A_649, %swap3A_650] {strides = array<i32>} : memref<16x1024xf32, #tpu.memory_space<vmem>>, vector<1x16xf32>,
        %swap3A_652 = vector.shape_cast %swap3A_651 : vector<1x16xf32> to vector<1x16xf32>
        %swap3A_653 = vector.shape_cast %add3A_648 : vector<1x16xf32> to vector<1x16xf32>
        tpu.vector_store %arg9[%swap3A_649, %swap3A_650], %swap3A_653 {strides = array<i32>} : memref<16x1024xf32, #tpu.memory_space<vmem>>, vector<1x16xf32>,
        %add3A_654 = arith.constant 80 : i32
        %add3A_655 = arith.addi %add3A_575, %add3A_654 : i32
        %get3A_656 = arith.index_cast %add3A_565 : i32 to index
        %get3A_657 = arith.index_cast %add3A_655 : i32 to index
        %get3A_658 = tpu.vector_load %arg5[%get3A_656, %get3A_657] {strides = array<i32>} : memref<16x1024xf32, #tpu.memory_space<vmem>>, vector<1x16xf32>,
        %get3A_659 = vector.shape_cast %get3A_658 : vector<1x16xf32> to vector<1x16xf32>
        %get3A_660 = arith.index_cast %add3A_565 : i32 to index
        %get3A_661 = arith.index_cast %add3A_655 : i32 to index
        %get3A_662 = tpu.vector_load %arg7[%get3A_660, %get3A_661] {strides = array<i32>} : memref<16x1024xf32, #tpu.memory_space<vmem>>, vector<1x16xf32>,
        %get3A_663 = vector.shape_cast %get3A_662 : vector<1x16xf32> to vector<1x16xf32>
        %add3A_664 = arith.addf %get3A_659, %get3A_663 : vector<1x16xf32>
        %swap3A_665 = arith.index_cast %add3A_565 : i32 to index
        %swap3A_666 = arith.index_cast %add3A_655 : i32 to index
        %swap3A_667 = tpu.vector_load %arg9[%swap3A_665, %swap3A_666] {strides = array<i32>} : memref<16x1024xf32, #tpu.memory_space<vmem>>, vector<1x16xf32>,
        %swap3A_668 = vector.shape_cast %swap3A_667 : vector<1x16xf32> to vector<1x16xf32>
        %swap3A_669 = vector.shape_cast %add3A_664 : vector<1x16xf32> to vector<1x16xf32>
        tpu.vector_store %arg9[%swap3A_665, %swap3A_666], %swap3A_669 {strides = array<i32>} : memref<16x1024xf32, #tpu.memory_space<vmem>>, vector<1x16xf32>,
        %add3A_670 = arith.constant 96 : i32
        %add3A_671 = arith.addi %add3A_575, %add3A_670 : i32
        %get3A_672 = arith.index_cast %add3A_565 : i32 to index
        %get3A_673 = arith.index_cast %add3A_671 : i32 to index
        %get3A_674 = tpu.vector_load %arg5[%get3A_672, %get3A_673] {strides = array<i32>} : memref<16x1024xf32, #tpu.memory_space<vmem>>, vector<1x16xf32>,
        %get3A_675 = vector.shape_cast %get3A_674 : vector<1x16xf32> to vector<1x16xf32>
        %get3A_676 = arith.index_cast %add3A_565 : i32 to index
        %get3A_677 = arith.index_cast %add3A_671 : i32 to index
        %get3A_678 = tpu.vector_load %arg7[%get3A_676, %get3A_677] {strides = array<i32>} : memref<16x1024xf32, #tpu.memory_space<vmem>>, vector<1x16xf32>,
        %get3A_679 = vector.shape_cast %get3A_678 : vector<1x16xf32> to vector<1x16xf32>
        %add3A_680 = arith.addf %get3A_675, %get3A_679 : vector<1x16xf32>
        %swap3A_681 = arith.index_cast %add3A_565 : i32 to index
        %swap3A_682 = arith.index_cast %add3A_671 : i32 to index
        %swap3A_683 = tpu.vector_load %arg9[%swap3A_681, %swap3A_682] {strides = array<i32>} : memref<16x1024xf32, #tpu.memory_space<vmem>>, vector<1x16xf32>,
        %swap3A_684 = vector.shape_cast %swap3A_683 : vector<1x16xf32> to vector<1x16xf32>
        %swap3A_685 = vector.shape_cast %add3A_680 : vector<1x16xf32> to vector<1x16xf32>
        tpu.vector_store %arg9[%swap3A_681, %swap3A_682], %swap3A_685 {strides = array<i32>} : memref<16x1024xf32, #tpu.memory_space<vmem>>, vector<1x16xf32>,
        %add3A_686 = arith.constant 112 : i32
        %add3A_687 = arith.addi %add3A_575, %add3A_686 : i32
        %get3A_688 = arith.index_cast %add3A_565 : i32 to index
        %get3A_689 = arith.index_cast %add3A_687 : i32 to index
        %get3A_690 = tpu.vector_load %arg5[%get3A_688, %get3A_689] {strides = array<i32>} : memref<16x1024xf32, #tpu.memory_space<vmem>>, vector<1x16xf32>,
        %get3A_691 = vector.shape_cast %get3A_690 : vector<1x16xf32> to vector<1x16xf32>
        %get3A_692 = arith.index_cast %add3A_565 : i32 to index
        %get3A_693 = arith.index_cast %add3A_687 : i32 to index
        %get3A_694 = tpu.vector_load %arg7[%get3A_692, %get3A_693] {strides = array<i32>} : memref<16x1024xf32, #tpu.memory_space<vmem>>, vector<1x16xf32>,
        %get3A_695 = vector.shape_cast %get3A_694 : vector<1x16xf32> to vector<1x16xf32>
        %add3A_696 = arith.addf %get3A_691, %get3A_695 : vector<1x16xf32>
        %swap3A_697 = arith.index_cast %add3A_565 : i32 to index
        %swap3A_698 = arith.index_cast %add3A_687 : i32 to index
        %swap3A_699 = tpu.vector_load %arg9[%swap3A_697, %swap3A_698] {strides = array<i32>} : memref<16x1024xf32, #tpu.memory_space<vmem>>, vector<1x16xf32>,
        %swap3A_700 = vector.shape_cast %swap3A_699 : vector<1x16xf32> to vector<1x16xf32>
        %swap3A_701 = vector.shape_cast %add3A_696 : vector<1x16xf32> to vector<1x16xf32>
        tpu.vector_store %arg9[%swap3A_697, %swap3A_698], %swap3A_701 {strides = array<i32>} : memref<16x1024xf32, #tpu.memory_space<vmem>>, vector<1x16xf32>,
      }
      %scan3A_570 = arith.constant 8 : i32
    }
    %scan3A_383 = arith.constant 16 : i32
    %add3A_384 = arith.constant 160 : i32
    %add3A_385 = arith.addi %mul3A_2, %add3A_384 : i32
    %dma_start3A_386 = arith.constant 0 : i32
    %dma_start3A_387 = tpu.memref_slice %arg4[%add3A_385, %dma_start3A_386] : memref<8192x1024xf32, #tpu.memory_space<hbm>> -> memref<16x1024xf32, #tpu.memory_space<hbm>>
    %dma_start3A_388 = arith.constant 0 : i32
    %dma_start3A_389 = tpu.memref_slice %arg4[%add3A_385, %dma_start3A_388] : memref<8192x1024xf32, #tpu.memory_space<hbm>> -> memref<16x1024xf32, #tpu.memory_space<hbm>>
    tpu.enqueue_dma source(%arg9 : memref<16x1024xf32, #tpu.memory_space<vmem>>) target(%dma_start3A_389 : memref<16x1024xf32, #tpu.memory_space<hbm>>) target_semaphore(%arg15 : memref<!tpu.dma_semaphore, #tpu.memory_space<semaphore_mem>>)
    %add3A_390 = arith.constant 192 : i32
    %add3A_391 = arith.addi %mul3A_2, %add3A_390 : i32
    %add3A_392 = arith.constant 192 : i32
    %add3A_393 = arith.addi %rem3A_3, %add3A_392 : i32
    %dma_start3A_394 = arith.constant 0 : i32
    %dma_start3A_395 = tpu.memref_slice %arg2[%add3A_391, %dma_start3A_394] : memref<8192x1024xf32, #tpu.memory_space<hbm>> -> memref<16x1024xf32, #tpu.memory_space<hbm>>
    %dma_start3A_396 = arith.constant 0 : i32
    %dma_start3A_397 = tpu.memref_slice %arg2[%add3A_391, %dma_start3A_396] : memref<8192x1024xf32, #tpu.memory_space<hbm>> -> memref<16x1024xf32, #tpu.memory_space<hbm>>
    tpu.enqueue_dma source(%dma_start3A_397 : memref<16x1024xf32, #tpu.memory_space<hbm>>) target(%arg5 : memref<16x1024xf32, #tpu.memory_space<vmem>>) target_semaphore(%arg11 : memref<!tpu.dma_semaphore, #tpu.memory_space<semaphore_mem>>)
    %dma_start3A_398 = arith.constant 0 : i32
    %dma_start3A_399 = tpu.memref_slice %arg3[%add3A_393, %dma_start3A_398] : memref<2048x1024xf32, #tpu.memory_space<hbm>> -> memref<16x1024xf32, #tpu.memory_space<hbm>>
    %dma_start3A_400 = arith.constant 0 : i32
    %dma_start3A_401 = tpu.memref_slice %arg3[%add3A_393, %dma_start3A_400] : memref<2048x1024xf32, #tpu.memory_space<hbm>> -> memref<16x1024xf32, #tpu.memory_space<hbm>>
    tpu.enqueue_dma source(%dma_start3A_401 : memref<16x1024xf32, #tpu.memory_space<hbm>>) target(%arg7 : memref<16x1024xf32, #tpu.memory_space<vmem>>) target_semaphore(%arg13 : memref<!tpu.dma_semaphore, #tpu.memory_space<semaphore_mem>>)
    %dma_wait3A_402 = arith.constant 0 : i32
    %dma_wait3A_403 = tpu.memref_slice %arg2[%add3A_356, %dma_wait3A_402] : memref<8192x1024xf32, #tpu.memory_space<hbm>> -> memref<16x1024xf32, #tpu.memory_space<hbm>>
    %dma_wait3A_404 = arith.constant 0 : i32
    %dma_wait3A_405 = tpu.memref_slice %arg2[%add3A_356, %dma_wait3A_404] : memref<8192x1024xf32, #tpu.memory_space<hbm>> -> memref<16x1024xf32, #tpu.memory_space<hbm>>
    tpu.wait_dma2 semaphore(%arg12 : memref<!tpu.dma_semaphore, #tpu.memory_space<semaphore_mem>>) src(%dma_wait3A_405 : memref<16x1024xf32, #tpu.memory_space<hbm>>) dst(%arg6 : memref<16x1024xf32, #tpu.memory_space<vmem>>)
    %dma_wait3A_406 = arith.constant 0 : i32
    %dma_wait3A_407 = tpu.memref_slice %arg3[%add3A_358, %dma_wait3A_406] : memref<2048x1024xf32, #tpu.memory_space<hbm>> -> memref<16x1024xf32, #tpu.memory_space<hbm>>
    %dma_wait3A_408 = arith.constant 0 : i32
    %dma_wait3A_409 = tpu.memref_slice %arg3[%add3A_358, %dma_wait3A_408] : memref<2048x1024xf32, #tpu.memory_space<hbm>> -> memref<16x1024xf32, #tpu.memory_space<hbm>>
    tpu.wait_dma2 semaphore(%arg14 : memref<!tpu.dma_semaphore, #tpu.memory_space<semaphore_mem>>) src(%dma_wait3A_409 : memref<16x1024xf32, #tpu.memory_space<hbm>>) dst(%arg8 : memref<16x1024xf32, #tpu.memory_space<vmem>>)
    %dma_wait3A_410 = arith.constant 0 : i32
    %dma_wait3A_411 = tpu.memref_slice %arg4[%add3A_350, %dma_wait3A_410] : memref<8192x1024xf32, #tpu.memory_space<hbm>> -> memref<16x1024xf32, #tpu.memory_space<hbm>>
    %dma_wait3A_412 = arith.constant 0 : i32
    %dma_wait3A_413 = tpu.memref_slice %arg4[%add3A_350, %dma_wait3A_412] : memref<8192x1024xf32, #tpu.memory_space<hbm>> -> memref<16x1024xf32, #tpu.memory_space<hbm>>
    tpu.wait_dma2 semaphore(%arg16 : memref<!tpu.dma_semaphore, #tpu.memory_space<semaphore_mem>>) src(%arg10 : memref<16x1024xf32, #tpu.memory_space<vmem>>) dst(%dma_wait3A_413 : memref<16x1024xf32, #tpu.memory_space<hbm>>)
    %scan3A_414 = arith.constant 0 : i32
    %scan3A_415 = arith.constant 16 : i32
    %scan3A_416 = arith.addi %scan3A_414, %scan3A_415 : i32
    %scan3A_417 = arith.constant 1 : i32
    scf.for %scan3A_561 = %scan3A_414 to %scan3A_416 step %scan3A_417  : i32 {
      %mul3A_562 = arith.constant 1 : i32
      %mul3A_563 = arith.muli %scan3A_561, %mul3A_562 : i32
      %add3A_564 = arith.constant 0 : i32
      %add3A_565 = arith.addi %add3A_564, %mul3A_563 : i32
      %scan3A_566 = arith.constant 0 : i32
      %scan3A_567 = arith.constant 8 : i32
      %scan3A_568 = arith.addi %scan3A_566, %scan3A_567 : i32
      %scan3A_569 = arith.constant 1 : i32
      scf.for %scan3A_571 = %scan3A_566 to %scan3A_568 step %scan3A_569  : i32 {
        %mul3A_572 = arith.constant 128 : i32
        %mul3A_573 = arith.muli %scan3A_571, %mul3A_572 : i32
        %add3A_574 = arith.constant 0 : i32
        %add3A_575 = arith.addi %add3A_574, %mul3A_573 : i32
        %add3A_576 = arith.constant 0 : i32
        %add3A_577 = arith.addi %add3A_575, %add3A_576 : i32
        %get3A = arith.index_cast %add3A_565 : i32 to index
        %get3A_578 = arith.index_cast %add3A_577 : i32 to index
        %get3A_579 = tpu.vector_load %arg6[%get3A, %get3A_578] {strides = array<i32>} : memref<16x1024xf32, #tpu.memory_space<vmem>>, vector<1x16xf32>,
        %get3A_580 = vector.shape_cast %get3A_579 : vector<1x16xf32> to vector<1x16xf32>
        %get3A_581 = arith.index_cast %add3A_565 : i32 to index
        %get3A_582 = arith.index_cast %add3A_577 : i32 to index
        %get3A_583 = tpu.vector_load %arg8[%get3A_581, %get3A_582] {strides = array<i32>} : memref<16x1024xf32, #tpu.memory_space<vmem>>, vector<1x16xf32>,
        %get3A_584 = vector.shape_cast %get3A_583 : vector<1x16xf32> to vector<1x16xf32>
        %add3A_585 = arith.addf %get3A_580, %get3A_584 : vector<1x16xf32>
        %swap3A = arith.index_cast %add3A_565 : i32 to index
        %swap3A_586 = arith.index_cast %add3A_577 : i32 to index
        %swap3A_587 = tpu.vector_load %arg10[%swap3A, %swap3A_586] {strides = array<i32>} : memref<16x1024xf32, #tpu.memory_space<vmem>>, vector<1x16xf32>,
        %swap3A_588 = vector.shape_cast %swap3A_587 : vector<1x16xf32> to vector<1x16xf32>
        %swap3A_589 = vector.shape_cast %add3A_585 : vector<1x16xf32> to vector<1x16xf32>
        tpu.vector_store %arg10[%swap3A, %swap3A_586], %swap3A_589 {strides = array<i32>} : memref<16x1024xf32, #tpu.memory_space<vmem>>, vector<1x16xf32>,
        %add3A_590 = arith.constant 16 : i32
        %add3A_591 = arith.addi %add3A_575, %add3A_590 : i32
        %get3A_592 = arith.index_cast %add3A_565 : i32 to index
        %get3A_593 = arith.index_cast %add3A_591 : i32 to index
        %get3A_594 = tpu.vector_load %arg6[%get3A_592, %get3A_593] {strides = array<i32>} : memref<16x1024xf32, #tpu.memory_space<vmem>>, vector<1x16xf32>,
        %get3A_595 = vector.shape_cast %get3A_594 : vector<1x16xf32> to vector<1x16xf32>
        %get3A_596 = arith.index_cast %add3A_565 : i32 to index
        %get3A_597 = arith.index_cast %add3A_591 : i32 to index
        %get3A_598 = tpu.vector_load %arg8[%get3A_596, %get3A_597] {strides = array<i32>} : memref<16x1024xf32, #tpu.memory_space<vmem>>, vector<1x16xf32>,
        %get3A_599 = vector.shape_cast %get3A_598 : vector<1x16xf32> to vector<1x16xf32>
        %add3A_600 = arith.addf %get3A_595, %get3A_599 : vector<1x16xf32>
        %swap3A_601 = arith.index_cast %add3A_565 : i32 to index
        %swap3A_602 = arith.index_cast %add3A_591 : i32 to index
        %swap3A_603 = tpu.vector_load %arg10[%swap3A_601, %swap3A_602] {strides = array<i32>} : memref<16x1024xf32, #tpu.memory_space<vmem>>, vector<1x16xf32>,
        %swap3A_604 = vector.shape_cast %swap3A_603 : vector<1x16xf32> to vector<1x16xf32>
        %swap3A_605 = vector.shape_cast %add3A_600 : vector<1x16xf32> to vector<1x16xf32>
        tpu.vector_store %arg10[%swap3A_601, %swap3A_602], %swap3A_605 {strides = array<i32>} : memref<16x1024xf32, #tpu.memory_space<vmem>>, vector<1x16xf32>,
        %add3A_606 = arith.constant 32 : i32
        %add3A_607 = arith.addi %add3A_575, %add3A_606 : i32
        %get3A_608 = arith.index_cast %add3A_565 : i32 to index
        %get3A_609 = arith.index_cast %add3A_607 : i32 to index
        %get3A_610 = tpu.vector_load %arg6[%get3A_608, %get3A_609] {strides = array<i32>} : memref<16x1024xf32, #tpu.memory_space<vmem>>, vector<1x16xf32>,
        %get3A_611 = vector.shape_cast %get3A_610 : vector<1x16xf32> to vector<1x16xf32>
        %get3A_612 = arith.index_cast %add3A_565 : i32 to index
        %get3A_613 = arith.index_cast %add3A_607 : i32 to index
        %get3A_614 = tpu.vector_load %arg8[%get3A_612, %get3A_613] {strides = array<i32>} : memref<16x1024xf32, #tpu.memory_space<vmem>>, vector<1x16xf32>,
        %get3A_615 = vector.shape_cast %get3A_614 : vector<1x16xf32> to vector<1x16xf32>
        %add3A_616 = arith.addf %get3A_611, %get3A_615 : vector<1x16xf32>
        %swap3A_617 = arith.index_cast %add3A_565 : i32 to index
        %swap3A_618 = arith.index_cast %add3A_607 : i32 to index
        %swap3A_619 = tpu.vector_load %arg10[%swap3A_617, %swap3A_618] {strides = array<i32>} : memref<16x1024xf32, #tpu.memory_space<vmem>>, vector<1x16xf32>,
        %swap3A_620 = vector.shape_cast %swap3A_619 : vector<1x16xf32> to vector<1x16xf32>
        %swap3A_621 = vector.shape_cast %add3A_616 : vector<1x16xf32> to vector<1x16xf32>
        tpu.vector_store %arg10[%swap3A_617, %swap3A_618], %swap3A_621 {strides = array<i32>} : memref<16x1024xf32, #tpu.memory_space<vmem>>, vector<1x16xf32>,
        %add3A_622 = arith.constant 48 : i32
        %add3A_623 = arith.addi %add3A_575, %add3A_622 : i32
        %get3A_624 = arith.index_cast %add3A_565 : i32 to index
        %get3A_625 = arith.index_cast %add3A_623 : i32 to index
        %get3A_626 = tpu.vector_load %arg6[%get3A_624, %get3A_625] {strides = array<i32>} : memref<16x1024xf32, #tpu.memory_space<vmem>>, vector<1x16xf32>,
        %get3A_627 = vector.shape_cast %get3A_626 : vector<1x16xf32> to vector<1x16xf32>
        %get3A_628 = arith.index_cast %add3A_565 : i32 to index
        %get3A_629 = arith.index_cast %add3A_623 : i32 to index
        %get3A_630 = tpu.vector_load %arg8[%get3A_628, %get3A_629] {strides = array<i32>} : memref<16x1024xf32, #tpu.memory_space<vmem>>, vector<1x16xf32>,
        %get3A_631 = vector.shape_cast %get3A_630 : vector<1x16xf32> to vector<1x16xf32>
        %add3A_632 = arith.addf %get3A_627, %get3A_631 : vector<1x16xf32>
        %swap3A_633 = arith.index_cast %add3A_565 : i32 to index
        %swap3A_634 = arith.index_cast %add3A_623 : i32 to index
        %swap3A_635 = tpu.vector_load %arg10[%swap3A_633, %swap3A_634] {strides = array<i32>} : memref<16x1024xf32, #tpu.memory_space<vmem>>, vector<1x16xf32>,
        %swap3A_636 = vector.shape_cast %swap3A_635 : vector<1x16xf32> to vector<1x16xf32>
        %swap3A_637 = vector.shape_cast %add3A_632 : vector<1x16xf32> to vector<1x16xf32>
        tpu.vector_store %arg10[%swap3A_633, %swap3A_634], %swap3A_637 {strides = array<i32>} : memref<16x1024xf32, #tpu.memory_space<vmem>>, vector<1x16xf32>,
        %add3A_638 = arith.constant 64 : i32
        %add3A_639 = arith.addi %add3A_575, %add3A_638 : i32
        %get3A_640 = arith.index_cast %add3A_565 : i32 to index
        %get3A_641 = arith.index_cast %add3A_639 : i32 to index
        %get3A_642 = tpu.vector_load %arg6[%get3A_640, %get3A_641] {strides = array<i32>} : memref<16x1024xf32, #tpu.memory_space<vmem>>, vector<1x16xf32>,
        %get3A_643 = vector.shape_cast %get3A_642 : vector<1x16xf32> to vector<1x16xf32>
        %get3A_644 = arith.index_cast %add3A_565 : i32 to index
        %get3A_645 = arith.index_cast %add3A_639 : i32 to index
        %get3A_646 = tpu.vector_load %arg8[%get3A_644, %get3A_645] {strides = array<i32>} : memref<16x1024xf32, #tpu.memory_space<vmem>>, vector<1x16xf32>,
        %get3A_647 = vector.shape_cast %get3A_646 : vector<1x16xf32> to vector<1x16xf32>
        %add3A_648 = arith.addf %get3A_643, %get3A_647 : vector<1x16xf32>
        %swap3A_649 = arith.index_cast %add3A_565 : i32 to index
        %swap3A_650 = arith.index_cast %add3A_639 : i32 to index
        %swap3A_651 = tpu.vector_load %arg10[%swap3A_649, %swap3A_650] {strides = array<i32>} : memref<16x1024xf32, #tpu.memory_space<vmem>>, vector<1x16xf32>,
        %swap3A_652 = vector.shape_cast %swap3A_651 : vector<1x16xf32> to vector<1x16xf32>
        %swap3A_653 = vector.shape_cast %add3A_648 : vector<1x16xf32> to vector<1x16xf32>
        tpu.vector_store %arg10[%swap3A_649, %swap3A_650], %swap3A_653 {strides = array<i32>} : memref<16x1024xf32, #tpu.memory_space<vmem>>, vector<1x16xf32>,
        %add3A_654 = arith.constant 80 : i32
        %add3A_655 = arith.addi %add3A_575, %add3A_654 : i32
        %get3A_656 = arith.index_cast %add3A_565 : i32 to index
        %get3A_657 = arith.index_cast %add3A_655 : i32 to index
        %get3A_658 = tpu.vector_load %arg6[%get3A_656, %get3A_657] {strides = array<i32>} : memref<16x1024xf32, #tpu.memory_space<vmem>>, vector<1x16xf32>,
        %get3A_659 = vector.shape_cast %get3A_658 : vector<1x16xf32> to vector<1x16xf32>
        %get3A_660 = arith.index_cast %add3A_565 : i32 to index
        %get3A_661 = arith.index_cast %add3A_655 : i32 to index
        %get3A_662 = tpu.vector_load %arg8[%get3A_660, %get3A_661] {strides = array<i32>} : memref<16x1024xf32, #tpu.memory_space<vmem>>, vector<1x16xf32>,
        %get3A_663 = vector.shape_cast %get3A_662 : vector<1x16xf32> to vector<1x16xf32>
        %add3A_664 = arith.addf %get3A_659, %get3A_663 : vector<1x16xf32>
        %swap3A_665 = arith.index_cast %add3A_565 : i32 to index
        %swap3A_666 = arith.index_cast %add3A_655 : i32 to index
        %swap3A_667 = tpu.vector_load %arg10[%swap3A_665, %swap3A_666] {strides = array<i32>} : memref<16x1024xf32, #tpu.memory_space<vmem>>, vector<1x16xf32>,
        %swap3A_668 = vector.shape_cast %swap3A_667 : vector<1x16xf32> to vector<1x16xf32>
        %swap3A_669 = vector.shape_cast %add3A_664 : vector<1x16xf32> to vector<1x16xf32>
        tpu.vector_store %arg10[%swap3A_665, %swap3A_666], %swap3A_669 {strides = array<i32>} : memref<16x1024xf32, #tpu.memory_space<vmem>>, vector<1x16xf32>,
        %add3A_670 = arith.constant 96 : i32
        %add3A_671 = arith.addi %add3A_575, %add3A_670 : i32
        %get3A_672 = arith.index_cast %add3A_565 : i32 to index
        %get3A_673 = arith.index_cast %add3A_671 : i32 to index
        %get3A_674 = tpu.vector_load %arg6[%get3A_672, %get3A_673] {strides = array<i32>} : memref<16x1024xf32, #tpu.memory_space<vmem>>, vector<1x16xf32>,
        %get3A_675 = vector.shape_cast %get3A_674 : vector<1x16xf32> to vector<1x16xf32>
        %get3A_676 = arith.index_cast %add3A_565 : i32 to index
        %get3A_677 = arith.index_cast %add3A_671 : i32 to index
        %get3A_678 = tpu.vector_load %arg8[%get3A_676, %get3A_677] {strides = array<i32>} : memref<16x1024xf32, #tpu.memory_space<vmem>>, vector<1x16xf32>,
        %get3A_679 = vector.shape_cast %get3A_678 : vector<1x16xf32> to vector<1x16xf32>
        %add3A_680 = arith.addf %get3A_675, %get3A_679 : vector<1x16xf32>
        %swap3A_681 = arith.index_cast %add3A_565 : i32 to index
        %swap3A_682 = arith.index_cast %add3A_671 : i32 to index
        %swap3A_683 = tpu.vector_load %arg10[%swap3A_681, %swap3A_682] {strides = array<i32>} : memref<16x1024xf32, #tpu.memory_space<vmem>>, vector<1x16xf32>,
        %swap3A_684 = vector.shape_cast %swap3A_683 : vector<1x16xf32> to vector<1x16xf32>
        %swap3A_685 = vector.shape_cast %add3A_680 : vector<1x16xf32> to vector<1x16xf32>
        tpu.vector_store %arg10[%swap3A_681, %swap3A_682], %swap3A_685 {strides = array<i32>} : memref<16x1024xf32, #tpu.memory_space<vmem>>, vector<1x16xf32>,
        %add3A_686 = arith.constant 112 : i32
        %add3A_687 = arith.addi %add3A_575, %add3A_686 : i32
        %get3A_688 = arith.index_cast %add3A_565 : i32 to index
        %get3A_689 = arith.index_cast %add3A_687 : i32 to index
        %get3A_690 = tpu.vector_load %arg6[%get3A_688, %get3A_689] {strides = array<i32>} : memref<16x1024xf32, #tpu.memory_space<vmem>>, vector<1x16xf32>,
        %get3A_691 = vector.shape_cast %get3A_690 : vector<1x16xf32> to vector<1x16xf32>
        %get3A_692 = arith.index_cast %add3A_565 : i32 to index
        %get3A_693 = arith.index_cast %add3A_687 : i32 to index
        %get3A_694 = tpu.vector_load %arg8[%get3A_692, %get3A_693] {strides = array<i32>} : memref<16x1024xf32, #tpu.memory_space<vmem>>, vector<1x16xf32>,
        %get3A_695 = vector.shape_cast %get3A_694 : vector<1x16xf32> to vector<1x16xf32>
        %add3A_696 = arith.addf %get3A_691, %get3A_695 : vector<1x16xf32>
        %swap3A_697 = arith.index_cast %add3A_565 : i32 to index
        %swap3A_698 = arith.index_cast %add3A_687 : i32 to index
        %swap3A_699 = tpu.vector_load %arg10[%swap3A_697, %swap3A_698] {strides = array<i32>} : memref<16x1024xf32, #tpu.memory_space<vmem>>, vector<1x16xf32>,
        %swap3A_700 = vector.shape_cast %swap3A_699 : vector<1x16xf32> to vector<1x16xf32>
        %swap3A_701 = vector.shape_cast %add3A_696 : vector<1x16xf32> to vector<1x16xf32>
        tpu.vector_store %arg10[%swap3A_697, %swap3A_698], %swap3A_701 {strides = array<i32>} : memref<16x1024xf32, #tpu.memory_space<vmem>>, vector<1x16xf32>,
      }
      %scan3A_570 = arith.constant 8 : i32
    }
    %scan3A_418 = arith.constant 16 : i32
    %add3A_419 = arith.constant 176 : i32
    %add3A_420 = arith.addi %mul3A_2, %add3A_419 : i32
    %dma_start3A_421 = arith.constant 0 : i32
    %dma_start3A_422 = tpu.memref_slice %arg4[%add3A_420, %dma_start3A_421] : memref<8192x1024xf32, #tpu.memory_space<hbm>> -> memref<16x1024xf32, #tpu.memory_space<hbm>>
    %dma_start3A_423 = arith.constant 0 : i32
    %dma_start3A_424 = tpu.memref_slice %arg4[%add3A_420, %dma_start3A_423] : memref<8192x1024xf32, #tpu.memory_space<hbm>> -> memref<16x1024xf32, #tpu.memory_space<hbm>>
    tpu.enqueue_dma source(%arg10 : memref<16x1024xf32, #tpu.memory_space<vmem>>) target(%dma_start3A_424 : memref<16x1024xf32, #tpu.memory_space<hbm>>) target_semaphore(%arg16 : memref<!tpu.dma_semaphore, #tpu.memory_space<semaphore_mem>>)
    %add3A_425 = arith.constant 208 : i32
    %add3A_426 = arith.addi %mul3A_2, %add3A_425 : i32
    %add3A_427 = arith.constant 208 : i32
    %add3A_428 = arith.addi %rem3A_3, %add3A_427 : i32
    %dma_start3A_429 = arith.constant 0 : i32
    %dma_start3A_430 = tpu.memref_slice %arg2[%add3A_426, %dma_start3A_429] : memref<8192x1024xf32, #tpu.memory_space<hbm>> -> memref<16x1024xf32, #tpu.memory_space<hbm>>
    %dma_start3A_431 = arith.constant 0 : i32
    %dma_start3A_432 = tpu.memref_slice %arg2[%add3A_426, %dma_start3A_431] : memref<8192x1024xf32, #tpu.memory_space<hbm>> -> memref<16x1024xf32, #tpu.memory_space<hbm>>
    tpu.enqueue_dma source(%dma_start3A_432 : memref<16x1024xf32, #tpu.memory_space<hbm>>) target(%arg6 : memref<16x1024xf32, #tpu.memory_space<vmem>>) target_semaphore(%arg12 : memref<!tpu.dma_semaphore, #tpu.memory_space<semaphore_mem>>)
    %dma_start3A_433 = arith.constant 0 : i32
    %dma_start3A_434 = tpu.memref_slice %arg3[%add3A_428, %dma_start3A_433] : memref<2048x1024xf32, #tpu.memory_space<hbm>> -> memref<16x1024xf32, #tpu.memory_space<hbm>>
    %dma_start3A_435 = arith.constant 0 : i32
    %dma_start3A_436 = tpu.memref_slice %arg3[%add3A_428, %dma_start3A_435] : memref<2048x1024xf32, #tpu.memory_space<hbm>> -> memref<16x1024xf32, #tpu.memory_space<hbm>>
    tpu.enqueue_dma source(%dma_start3A_436 : memref<16x1024xf32, #tpu.memory_space<hbm>>) target(%arg8 : memref<16x1024xf32, #tpu.memory_space<vmem>>) target_semaphore(%arg14 : memref<!tpu.dma_semaphore, #tpu.memory_space<semaphore_mem>>)
    %dma_wait3A_437 = arith.constant 0 : i32
    %dma_wait3A_438 = tpu.memref_slice %arg2[%add3A_391, %dma_wait3A_437] : memref<8192x1024xf32, #tpu.memory_space<hbm>> -> memref<16x1024xf32, #tpu.memory_space<hbm>>
    %dma_wait3A_439 = arith.constant 0 : i32
    %dma_wait3A_440 = tpu.memref_slice %arg2[%add3A_391, %dma_wait3A_439] : memref<8192x1024xf32, #tpu.memory_space<hbm>> -> memref<16x1024xf32, #tpu.memory_space<hbm>>
    tpu.wait_dma2 semaphore(%arg11 : memref<!tpu.dma_semaphore, #tpu.memory_space<semaphore_mem>>) src(%dma_wait3A_440 : memref<16x1024xf32, #tpu.memory_space<hbm>>) dst(%arg5 : memref<16x1024xf32, #tpu.memory_space<vmem>>)
    %dma_wait3A_441 = arith.constant 0 : i32
    %dma_wait3A_442 = tpu.memref_slice %arg3[%add3A_393, %dma_wait3A_441] : memref<2048x1024xf32, #tpu.memory_space<hbm>> -> memref<16x1024xf32, #tpu.memory_space<hbm>>
    %dma_wait3A_443 = arith.constant 0 : i32
    %dma_wait3A_444 = tpu.memref_slice %arg3[%add3A_393, %dma_wait3A_443] : memref<2048x1024xf32, #tpu.memory_space<hbm>> -> memref<16x1024xf32, #tpu.memory_space<hbm>>
    tpu.wait_dma2 semaphore(%arg13 : memref<!tpu.dma_semaphore, #tpu.memory_space<semaphore_mem>>) src(%dma_wait3A_444 : memref<16x1024xf32, #tpu.memory_space<hbm>>) dst(%arg7 : memref<16x1024xf32, #tpu.memory_space<vmem>>)
    %dma_wait3A_445 = arith.constant 0 : i32
    %dma_wait3A_446 = tpu.memref_slice %arg4[%add3A_385, %dma_wait3A_445] : memref<8192x1024xf32, #tpu.memory_space<hbm>> -> memref<16x1024xf32, #tpu.memory_space<hbm>>
    %dma_wait3A_447 = arith.constant 0 : i32
    %dma_wait3A_448 = tpu.memref_slice %arg4[%add3A_385, %dma_wait3A_447] : memref<8192x1024xf32, #tpu.memory_space<hbm>> -> memref<16x1024xf32, #tpu.memory_space<hbm>>
    tpu.wait_dma2 semaphore(%arg15 : memref<!tpu.dma_semaphore, #tpu.memory_space<semaphore_mem>>) src(%arg9 : memref<16x1024xf32, #tpu.memory_space<vmem>>) dst(%dma_wait3A_448 : memref<16x1024xf32, #tpu.memory_space<hbm>>)
    %scan3A_449 = arith.constant 0 : i32
    %scan3A_450 = arith.constant 16 : i32
    %scan3A_451 = arith.addi %scan3A_449, %scan3A_450 : i32
    %scan3A_452 = arith.constant 1 : i32
    scf.for %scan3A_561 = %scan3A_449 to %scan3A_451 step %scan3A_452  : i32 {
      %mul3A_562 = arith.constant 1 : i32
      %mul3A_563 = arith.muli %scan3A_561, %mul3A_562 : i32
      %add3A_564 = arith.constant 0 : i32
      %add3A_565 = arith.addi %add3A_564, %mul3A_563 : i32
      %scan3A_566 = arith.constant 0 : i32
      %scan3A_567 = arith.constant 8 : i32
      %scan3A_568 = arith.addi %scan3A_566, %scan3A_567 : i32
      %scan3A_569 = arith.constant 1 : i32
      scf.for %scan3A_571 = %scan3A_566 to %scan3A_568 step %scan3A_569  : i32 {
        %mul3A_572 = arith.constant 128 : i32
        %mul3A_573 = arith.muli %scan3A_571, %mul3A_572 : i32
        %add3A_574 = arith.constant 0 : i32
        %add3A_575 = arith.addi %add3A_574, %mul3A_573 : i32
        %add3A_576 = arith.constant 0 : i32
        %add3A_577 = arith.addi %add3A_575, %add3A_576 : i32
        %get3A = arith.index_cast %add3A_565 : i32 to index
        %get3A_578 = arith.index_cast %add3A_577 : i32 to index
        %get3A_579 = tpu.vector_load %arg5[%get3A, %get3A_578] {strides = array<i32>} : memref<16x1024xf32, #tpu.memory_space<vmem>>, vector<1x16xf32>,
        %get3A_580 = vector.shape_cast %get3A_579 : vector<1x16xf32> to vector<1x16xf32>
        %get3A_581 = arith.index_cast %add3A_565 : i32 to index
        %get3A_582 = arith.index_cast %add3A_577 : i32 to index
        %get3A_583 = tpu.vector_load %arg7[%get3A_581, %get3A_582] {strides = array<i32>} : memref<16x1024xf32, #tpu.memory_space<vmem>>, vector<1x16xf32>,
        %get3A_584 = vector.shape_cast %get3A_583 : vector<1x16xf32> to vector<1x16xf32>
        %add3A_585 = arith.addf %get3A_580, %get3A_584 : vector<1x16xf32>
        %swap3A = arith.index_cast %add3A_565 : i32 to index
        %swap3A_586 = arith.index_cast %add3A_577 : i32 to index
        %swap3A_587 = tpu.vector_load %arg9[%swap3A, %swap3A_586] {strides = array<i32>} : memref<16x1024xf32, #tpu.memory_space<vmem>>, vector<1x16xf32>,
        %swap3A_588 = vector.shape_cast %swap3A_587 : vector<1x16xf32> to vector<1x16xf32>
        %swap3A_589 = vector.shape_cast %add3A_585 : vector<1x16xf32> to vector<1x16xf32>
        tpu.vector_store %arg9[%swap3A, %swap3A_586], %swap3A_589 {strides = array<i32>} : memref<16x1024xf32, #tpu.memory_space<vmem>>, vector<1x16xf32>,
        %add3A_590 = arith.constant 16 : i32
        %add3A_591 = arith.addi %add3A_575, %add3A_590 : i32
        %get3A_592 = arith.index_cast %add3A_565 : i32 to index
        %get3A_593 = arith.index_cast %add3A_591 : i32 to index
        %get3A_594 = tpu.vector_load %arg5[%get3A_592, %get3A_593] {strides = array<i32>} : memref<16x1024xf32, #tpu.memory_space<vmem>>, vector<1x16xf32>,
        %get3A_595 = vector.shape_cast %get3A_594 : vector<1x16xf32> to vector<1x16xf32>
        %get3A_596 = arith.index_cast %add3A_565 : i32 to index
        %get3A_597 = arith.index_cast %add3A_591 : i32 to index
        %get3A_598 = tpu.vector_load %arg7[%get3A_596, %get3A_597] {strides = array<i32>} : memref<16x1024xf32, #tpu.memory_space<vmem>>, vector<1x16xf32>,
        %get3A_599 = vector.shape_cast %get3A_598 : vector<1x16xf32> to vector<1x16xf32>
        %add3A_600 = arith.addf %get3A_595, %get3A_599 : vector<1x16xf32>
        %swap3A_601 = arith.index_cast %add3A_565 : i32 to index
        %swap3A_602 = arith.index_cast %add3A_591 : i32 to index
        %swap3A_603 = tpu.vector_load %arg9[%swap3A_601, %swap3A_602] {strides = array<i32>} : memref<16x1024xf32, #tpu.memory_space<vmem>>, vector<1x16xf32>,
        %swap3A_604 = vector.shape_cast %swap3A_603 : vector<1x16xf32> to vector<1x16xf32>
        %swap3A_605 = vector.shape_cast %add3A_600 : vector<1x16xf32> to vector<1x16xf32>
        tpu.vector_store %arg9[%swap3A_601, %swap3A_602], %swap3A_605 {strides = array<i32>} : memref<16x1024xf32, #tpu.memory_space<vmem>>, vector<1x16xf32>,
        %add3A_606 = arith.constant 32 : i32
        %add3A_607 = arith.addi %add3A_575, %add3A_606 : i32
        %get3A_608 = arith.index_cast %add3A_565 : i32 to index
        %get3A_609 = arith.index_cast %add3A_607 : i32 to index
        %get3A_610 = tpu.vector_load %arg5[%get3A_608, %get3A_609] {strides = array<i32>} : memref<16x1024xf32, #tpu.memory_space<vmem>>, vector<1x16xf32>,
        %get3A_611 = vector.shape_cast %get3A_610 : vector<1x16xf32> to vector<1x16xf32>
        %get3A_612 = arith.index_cast %add3A_565 : i32 to index
        %get3A_613 = arith.index_cast %add3A_607 : i32 to index
        %get3A_614 = tpu.vector_load %arg7[%get3A_612, %get3A_613] {strides = array<i32>} : memref<16x1024xf32, #tpu.memory_space<vmem>>, vector<1x16xf32>,
        %get3A_615 = vector.shape_cast %get3A_614 : vector<1x16xf32> to vector<1x16xf32>
        %add3A_616 = arith.addf %get3A_611, %get3A_615 : vector<1x16xf32>
        %swap3A_617 = arith.index_cast %add3A_565 : i32 to index
        %swap3A_618 = arith.index_cast %add3A_607 : i32 to index
        %swap3A_619 = tpu.vector_load %arg9[%swap3A_617, %swap3A_618] {strides = array<i32>} : memref<16x1024xf32, #tpu.memory_space<vmem>>, vector<1x16xf32>,
        %swap3A_620 = vector.shape_cast %swap3A_619 : vector<1x16xf32> to vector<1x16xf32>
        %swap3A_621 = vector.shape_cast %add3A_616 : vector<1x16xf32> to vector<1x16xf32>
        tpu.vector_store %arg9[%swap3A_617, %swap3A_618], %swap3A_621 {strides = array<i32>} : memref<16x1024xf32, #tpu.memory_space<vmem>>, vector<1x16xf32>,
        %add3A_622 = arith.constant 48 : i32
        %add3A_623 = arith.addi %add3A_575, %add3A_622 : i32
        %get3A_624 = arith.index_cast %add3A_565 : i32 to index
        %get3A_625 = arith.index_cast %add3A_623 : i32 to index
        %get3A_626 = tpu.vector_load %arg5[%get3A_624, %get3A_625] {strides = array<i32>} : memref<16x1024xf32, #tpu.memory_space<vmem>>, vector<1x16xf32>,
        %get3A_627 = vector.shape_cast %get3A_626 : vector<1x16xf32> to vector<1x16xf32>
        %get3A_628 = arith.index_cast %add3A_565 : i32 to index
        %get3A_629 = arith.index_cast %add3A_623 : i32 to index
        %get3A_630 = tpu.vector_load %arg7[%get3A_628, %get3A_629] {strides = array<i32>} : memref<16x1024xf32, #tpu.memory_space<vmem>>, vector<1x16xf32>,
        %get3A_631 = vector.shape_cast %get3A_630 : vector<1x16xf32> to vector<1x16xf32>
        %add3A_632 = arith.addf %get3A_627, %get3A_631 : vector<1x16xf32>
        %swap3A_633 = arith.index_cast %add3A_565 : i32 to index
        %swap3A_634 = arith.index_cast %add3A_623 : i32 to index
        %swap3A_635 = tpu.vector_load %arg9[%swap3A_633, %swap3A_634] {strides = array<i32>} : memref<16x1024xf32, #tpu.memory_space<vmem>>, vector<1x16xf32>,
        %swap3A_636 = vector.shape_cast %swap3A_635 : vector<1x16xf32> to vector<1x16xf32>
        %swap3A_637 = vector.shape_cast %add3A_632 : vector<1x16xf32> to vector<1x16xf32>
        tpu.vector_store %arg9[%swap3A_633, %swap3A_634], %swap3A_637 {strides = array<i32>} : memref<16x1024xf32, #tpu.memory_space<vmem>>, vector<1x16xf32>,
        %add3A_638 = arith.constant 64 : i32
        %add3A_639 = arith.addi %add3A_575, %add3A_638 : i32
        %get3A_640 = arith.index_cast %add3A_565 : i32 to index
        %get3A_641 = arith.index_cast %add3A_639 : i32 to index
        %get3A_642 = tpu.vector_load %arg5[%get3A_640, %get3A_641] {strides = array<i32>} : memref<16x1024xf32, #tpu.memory_space<vmem>>, vector<1x16xf32>,
        %get3A_643 = vector.shape_cast %get3A_642 : vector<1x16xf32> to vector<1x16xf32>
        %get3A_644 = arith.index_cast %add3A_565 : i32 to index
        %get3A_645 = arith.index_cast %add3A_639 : i32 to index
        %get3A_646 = tpu.vector_load %arg7[%get3A_644, %get3A_645] {strides = array<i32>} : memref<16x1024xf32, #tpu.memory_space<vmem>>, vector<1x16xf32>,
        %get3A_647 = vector.shape_cast %get3A_646 : vector<1x16xf32> to vector<1x16xf32>
        %add3A_648 = arith.addf %get3A_643, %get3A_647 : vector<1x16xf32>
        %swap3A_649 = arith.index_cast %add3A_565 : i32 to index
        %swap3A_650 = arith.index_cast %add3A_639 : i32 to index
        %swap3A_651 = tpu.vector_load %arg9[%swap3A_649, %swap3A_650] {strides = array<i32>} : memref<16x1024xf32, #tpu.memory_space<vmem>>, vector<1x16xf32>,
        %swap3A_652 = vector.shape_cast %swap3A_651 : vector<1x16xf32> to vector<1x16xf32>
        %swap3A_653 = vector.shape_cast %add3A_648 : vector<1x16xf32> to vector<1x16xf32>
        tpu.vector_store %arg9[%swap3A_649, %swap3A_650], %swap3A_653 {strides = array<i32>} : memref<16x1024xf32, #tpu.memory_space<vmem>>, vector<1x16xf32>,
        %add3A_654 = arith.constant 80 : i32
        %add3A_655 = arith.addi %add3A_575, %add3A_654 : i32
        %get3A_656 = arith.index_cast %add3A_565 : i32 to index
        %get3A_657 = arith.index_cast %add3A_655 : i32 to index
        %get3A_658 = tpu.vector_load %arg5[%get3A_656, %get3A_657] {strides = array<i32>} : memref<16x1024xf32, #tpu.memory_space<vmem>>, vector<1x16xf32>,
        %get3A_659 = vector.shape_cast %get3A_658 : vector<1x16xf32> to vector<1x16xf32>
        %get3A_660 = arith.index_cast %add3A_565 : i32 to index
        %get3A_661 = arith.index_cast %add3A_655 : i32 to index
        %get3A_662 = tpu.vector_load %arg7[%get3A_660, %get3A_661] {strides = array<i32>} : memref<16x1024xf32, #tpu.memory_space<vmem>>, vector<1x16xf32>,
        %get3A_663 = vector.shape_cast %get3A_662 : vector<1x16xf32> to vector<1x16xf32>
        %add3A_664 = arith.addf %get3A_659, %get3A_663 : vector<1x16xf32>
        %swap3A_665 = arith.index_cast %add3A_565 : i32 to index
        %swap3A_666 = arith.index_cast %add3A_655 : i32 to index
        %swap3A_667 = tpu.vector_load %arg9[%swap3A_665, %swap3A_666] {strides = array<i32>} : memref<16x1024xf32, #tpu.memory_space<vmem>>, vector<1x16xf32>,
        %swap3A_668 = vector.shape_cast %swap3A_667 : vector<1x16xf32> to vector<1x16xf32>
        %swap3A_669 = vector.shape_cast %add3A_664 : vector<1x16xf32> to vector<1x16xf32>
        tpu.vector_store %arg9[%swap3A_665, %swap3A_666], %swap3A_669 {strides = array<i32>} : memref<16x1024xf32, #tpu.memory_space<vmem>>, vector<1x16xf32>,
        %add3A_670 = arith.constant 96 : i32
        %add3A_671 = arith.addi %add3A_575, %add3A_670 : i32
        %get3A_672 = arith.index_cast %add3A_565 : i32 to index
        %get3A_673 = arith.index_cast %add3A_671 : i32 to index
        %get3A_674 = tpu.vector_load %arg5[%get3A_672, %get3A_673] {strides = array<i32>} : memref<16x1024xf32, #tpu.memory_space<vmem>>, vector<1x16xf32>,
        %get3A_675 = vector.shape_cast %get3A_674 : vector<1x16xf32> to vector<1x16xf32>
        %get3A_676 = arith.index_cast %add3A_565 : i32 to index
        %get3A_677 = arith.index_cast %add3A_671 : i32 to index
        %get3A_678 = tpu.vector_load %arg7[%get3A_676, %get3A_677] {strides = array<i32>} : memref<16x1024xf32, #tpu.memory_space<vmem>>, vector<1x16xf32>,
        %get3A_679 = vector.shape_cast %get3A_678 : vector<1x16xf32> to vector<1x16xf32>
        %add3A_680 = arith.addf %get3A_675, %get3A_679 : vector<1x16xf32>
        %swap3A_681 = arith.index_cast %add3A_565 : i32 to index
        %swap3A_682 = arith.index_cast %add3A_671 : i32 to index
        %swap3A_683 = tpu.vector_load %arg9[%swap3A_681, %swap3A_682] {strides = array<i32>} : memref<16x1024xf32, #tpu.memory_space<vmem>>, vector<1x16xf32>,
        %swap3A_684 = vector.shape_cast %swap3A_683 : vector<1x16xf32> to vector<1x16xf32>
        %swap3A_685 = vector.shape_cast %add3A_680 : vector<1x16xf32> to vector<1x16xf32>
        tpu.vector_store %arg9[%swap3A_681, %swap3A_682], %swap3A_685 {strides = array<i32>} : memref<16x1024xf32, #tpu.memory_space<vmem>>, vector<1x16xf32>,
        %add3A_686 = arith.constant 112 : i32
        %add3A_687 = arith.addi %add3A_575, %add3A_686 : i32
        %get3A_688 = arith.index_cast %add3A_565 : i32 to index
        %get3A_689 = arith.index_cast %add3A_687 : i32 to index
        %get3A_690 = tpu.vector_load %arg5[%get3A_688, %get3A_689] {strides = array<i32>} : memref<16x1024xf32, #tpu.memory_space<vmem>>, vector<1x16xf32>,
        %get3A_691 = vector.shape_cast %get3A_690 : vector<1x16xf32> to vector<1x16xf32>
        %get3A_692 = arith.index_cast %add3A_565 : i32 to index
        %get3A_693 = arith.index_cast %add3A_687 : i32 to index
        %get3A_694 = tpu.vector_load %arg7[%get3A_692, %get3A_693] {strides = array<i32>} : memref<16x1024xf32, #tpu.memory_space<vmem>>, vector<1x16xf32>,
        %get3A_695 = vector.shape_cast %get3A_694 : vector<1x16xf32> to vector<1x16xf32>
        %add3A_696 = arith.addf %get3A_691, %get3A_695 : vector<1x16xf32>
        %swap3A_697 = arith.index_cast %add3A_565 : i32 to index
        %swap3A_698 = arith.index_cast %add3A_687 : i32 to index
        %swap3A_699 = tpu.vector_load %arg9[%swap3A_697, %swap3A_698] {strides = array<i32>} : memref<16x1024xf32, #tpu.memory_space<vmem>>, vector<1x16xf32>,
        %swap3A_700 = vector.shape_cast %swap3A_699 : vector<1x16xf32> to vector<1x16xf32>
        %swap3A_701 = vector.shape_cast %add3A_696 : vector<1x16xf32> to vector<1x16xf32>
        tpu.vector_store %arg9[%swap3A_697, %swap3A_698], %swap3A_701 {strides = array<i32>} : memref<16x1024xf32, #tpu.memory_space<vmem>>, vector<1x16xf32>,
      }
      %scan3A_570 = arith.constant 8 : i32
    }
    %scan3A_453 = arith.constant 16 : i32
    %add3A_454 = arith.constant 192 : i32
    %add3A_455 = arith.addi %mul3A_2, %add3A_454 : i32
    %dma_start3A_456 = arith.constant 0 : i32
    %dma_start3A_457 = tpu.memref_slice %arg4[%add3A_455, %dma_start3A_456] : memref<8192x1024xf32, #tpu.memory_space<hbm>> -> memref<16x1024xf32, #tpu.memory_space<hbm>>
    %dma_start3A_458 = arith.constant 0 : i32
    %dma_start3A_459 = tpu.memref_slice %arg4[%add3A_455, %dma_start3A_458] : memref<8192x1024xf32, #tpu.memory_space<hbm>> -> memref<16x1024xf32, #tpu.memory_space<hbm>>
    tpu.enqueue_dma source(%arg9 : memref<16x1024xf32, #tpu.memory_space<vmem>>) target(%dma_start3A_459 : memref<16x1024xf32, #tpu.memory_space<hbm>>) target_semaphore(%arg15 : memref<!tpu.dma_semaphore, #tpu.memory_space<semaphore_mem>>)
    %add3A_460 = arith.constant 224 : i32
    %add3A_461 = arith.addi %mul3A_2, %add3A_460 : i32
    %add3A_462 = arith.constant 224 : i32
    %add3A_463 = arith.addi %rem3A_3, %add3A_462 : i32
    %dma_start3A_464 = arith.constant 0 : i32
    %dma_start3A_465 = tpu.memref_slice %arg2[%add3A_461, %dma_start3A_464] : memref<8192x1024xf32, #tpu.memory_space<hbm>> -> memref<16x1024xf32, #tpu.memory_space<hbm>>
    %dma_start3A_466 = arith.constant 0 : i32
    %dma_start3A_467 = tpu.memref_slice %arg2[%add3A_461, %dma_start3A_466] : memref<8192x1024xf32, #tpu.memory_space<hbm>> -> memref<16x1024xf32, #tpu.memory_space<hbm>>
    tpu.enqueue_dma source(%dma_start3A_467 : memref<16x1024xf32, #tpu.memory_space<hbm>>) target(%arg5 : memref<16x1024xf32, #tpu.memory_space<vmem>>) target_semaphore(%arg11 : memref<!tpu.dma_semaphore, #tpu.memory_space<semaphore_mem>>)
    %dma_start3A_468 = arith.constant 0 : i32
    %dma_start3A_469 = tpu.memref_slice %arg3[%add3A_463, %dma_start3A_468] : memref<2048x1024xf32, #tpu.memory_space<hbm>> -> memref<16x1024xf32, #tpu.memory_space<hbm>>
    %dma_start3A_470 = arith.constant 0 : i32
    %dma_start3A_471 = tpu.memref_slice %arg3[%add3A_463, %dma_start3A_470] : memref<2048x1024xf32, #tpu.memory_space<hbm>> -> memref<16x1024xf32, #tpu.memory_space<hbm>>
    tpu.enqueue_dma source(%dma_start3A_471 : memref<16x1024xf32, #tpu.memory_space<hbm>>) target(%arg7 : memref<16x1024xf32, #tpu.memory_space<vmem>>) target_semaphore(%arg13 : memref<!tpu.dma_semaphore, #tpu.memory_space<semaphore_mem>>)
    %dma_wait3A_472 = arith.constant 0 : i32
    %dma_wait3A_473 = tpu.memref_slice %arg2[%add3A_426, %dma_wait3A_472] : memref<8192x1024xf32, #tpu.memory_space<hbm>> -> memref<16x1024xf32, #tpu.memory_space<hbm>>
    %dma_wait3A_474 = arith.constant 0 : i32
    %dma_wait3A_475 = tpu.memref_slice %arg2[%add3A_426, %dma_wait3A_474] : memref<8192x1024xf32, #tpu.memory_space<hbm>> -> memref<16x1024xf32, #tpu.memory_space<hbm>>
    tpu.wait_dma2 semaphore(%arg12 : memref<!tpu.dma_semaphore, #tpu.memory_space<semaphore_mem>>) src(%dma_wait3A_475 : memref<16x1024xf32, #tpu.memory_space<hbm>>) dst(%arg6 : memref<16x1024xf32, #tpu.memory_space<vmem>>)
    %dma_wait3A_476 = arith.constant 0 : i32
    %dma_wait3A_477 = tpu.memref_slice %arg3[%add3A_428, %dma_wait3A_476] : memref<2048x1024xf32, #tpu.memory_space<hbm>> -> memref<16x1024xf32, #tpu.memory_space<hbm>>
    %dma_wait3A_478 = arith.constant 0 : i32
    %dma_wait3A_479 = tpu.memref_slice %arg3[%add3A_428, %dma_wait3A_478] : memref<2048x1024xf32, #tpu.memory_space<hbm>> -> memref<16x1024xf32, #tpu.memory_space<hbm>>
    tpu.wait_dma2 semaphore(%arg14 : memref<!tpu.dma_semaphore, #tpu.memory_space<semaphore_mem>>) src(%dma_wait3A_479 : memref<16x1024xf32, #tpu.memory_space<hbm>>) dst(%arg8 : memref<16x1024xf32, #tpu.memory_space<vmem>>)
    %dma_wait3A_480 = arith.constant 0 : i32
    %dma_wait3A_481 = tpu.memref_slice %arg4[%add3A_420, %dma_wait3A_480] : memref<8192x1024xf32, #tpu.memory_space<hbm>> -> memref<16x1024xf32, #tpu.memory_space<hbm>>
    %dma_wait3A_482 = arith.constant 0 : i32
    %dma_wait3A_483 = tpu.memref_slice %arg4[%add3A_420, %dma_wait3A_482] : memref<8192x1024xf32, #tpu.memory_space<hbm>> -> memref<16x1024xf32, #tpu.memory_space<hbm>>
    tpu.wait_dma2 semaphore(%arg16 : memref<!tpu.dma_semaphore, #tpu.memory_space<semaphore_mem>>) src(%arg10 : memref<16x1024xf32, #tpu.memory_space<vmem>>) dst(%dma_wait3A_483 : memref<16x1024xf32, #tpu.memory_space<hbm>>)
    %scan3A_484 = arith.constant 0 : i32
    %scan3A_485 = arith.constant 16 : i32
    %scan3A_486 = arith.addi %scan3A_484, %scan3A_485 : i32
    %scan3A_487 = arith.constant 1 : i32
    scf.for %scan3A_561 = %scan3A_484 to %scan3A_486 step %scan3A_487  : i32 {
      %mul3A_562 = arith.constant 1 : i32
      %mul3A_563 = arith.muli %scan3A_561, %mul3A_562 : i32
      %add3A_564 = arith.constant 0 : i32
      %add3A_565 = arith.addi %add3A_564, %mul3A_563 : i32
      %scan3A_566 = arith.constant 0 : i32
      %scan3A_567 = arith.constant 8 : i32
      %scan3A_568 = arith.addi %scan3A_566, %scan3A_567 : i32
      %scan3A_569 = arith.constant 1 : i32
      scf.for %scan3A_571 = %scan3A_566 to %scan3A_568 step %scan3A_569  : i32 {
        %mul3A_572 = arith.constant 128 : i32
        %mul3A_573 = arith.muli %scan3A_571, %mul3A_572 : i32
        %add3A_574 = arith.constant 0 : i32
        %add3A_575 = arith.addi %add3A_574, %mul3A_573 : i32
        %add3A_576 = arith.constant 0 : i32
        %add3A_577 = arith.addi %add3A_575, %add3A_576 : i32
        %get3A = arith.index_cast %add3A_565 : i32 to index
        %get3A_578 = arith.index_cast %add3A_577 : i32 to index
        %get3A_579 = tpu.vector_load %arg6[%get3A, %get3A_578] {strides = array<i32>} : memref<16x1024xf32, #tpu.memory_space<vmem>>, vector<1x16xf32>,
        %get3A_580 = vector.shape_cast %get3A_579 : vector<1x16xf32> to vector<1x16xf32>
        %get3A_581 = arith.index_cast %add3A_565 : i32 to index
        %get3A_582 = arith.index_cast %add3A_577 : i32 to index
        %get3A_583 = tpu.vector_load %arg8[%get3A_581, %get3A_582] {strides = array<i32>} : memref<16x1024xf32, #tpu.memory_space<vmem>>, vector<1x16xf32>,
        %get3A_584 = vector.shape_cast %get3A_583 : vector<1x16xf32> to vector<1x16xf32>
        %add3A_585 = arith.addf %get3A_580, %get3A_584 : vector<1x16xf32>
        %swap3A = arith.index_cast %add3A_565 : i32 to index
        %swap3A_586 = arith.index_cast %add3A_577 : i32 to index
        %swap3A_587 = tpu.vector_load %arg10[%swap3A, %swap3A_586] {strides = array<i32>} : memref<16x1024xf32, #tpu.memory_space<vmem>>, vector<1x16xf32>,
        %swap3A_588 = vector.shape_cast %swap3A_587 : vector<1x16xf32> to vector<1x16xf32>
        %swap3A_589 = vector.shape_cast %add3A_585 : vector<1x16xf32> to vector<1x16xf32>
        tpu.vector_store %arg10[%swap3A, %swap3A_586], %swap3A_589 {strides = array<i32>} : memref<16x1024xf32, #tpu.memory_space<vmem>>, vector<1x16xf32>,
        %add3A_590 = arith.constant 16 : i32
        %add3A_591 = arith.addi %add3A_575, %add3A_590 : i32
        %get3A_592 = arith.index_cast %add3A_565 : i32 to index
        %get3A_593 = arith.index_cast %add3A_591 : i32 to index
        %get3A_594 = tpu.vector_load %arg6[%get3A_592, %get3A_593] {strides = array<i32>} : memref<16x1024xf32, #tpu.memory_space<vmem>>, vector<1x16xf32>,
        %get3A_595 = vector.shape_cast %get3A_594 : vector<1x16xf32> to vector<1x16xf32>
        %get3A_596 = arith.index_cast %add3A_565 : i32 to index
        %get3A_597 = arith.index_cast %add3A_591 : i32 to index
        %get3A_598 = tpu.vector_load %arg8[%get3A_596, %get3A_597] {strides = array<i32>} : memref<16x1024xf32, #tpu.memory_space<vmem>>, vector<1x16xf32>,
        %get3A_599 = vector.shape_cast %get3A_598 : vector<1x16xf32> to vector<1x16xf32>
        %add3A_600 = arith.addf %get3A_595, %get3A_599 : vector<1x16xf32>
        %swap3A_601 = arith.index_cast %add3A_565 : i32 to index
        %swap3A_602 = arith.index_cast %add3A_591 : i32 to index
        %swap3A_603 = tpu.vector_load %arg10[%swap3A_601, %swap3A_602] {strides = array<i32>} : memref<16x1024xf32, #tpu.memory_space<vmem>>, vector<1x16xf32>,
        %swap3A_604 = vector.shape_cast %swap3A_603 : vector<1x16xf32> to vector<1x16xf32>
        %swap3A_605 = vector.shape_cast %add3A_600 : vector<1x16xf32> to vector<1x16xf32>
        tpu.vector_store %arg10[%swap3A_601, %swap3A_602], %swap3A_605 {strides = array<i32>} : memref<16x1024xf32, #tpu.memory_space<vmem>>, vector<1x16xf32>,
        %add3A_606 = arith.constant 32 : i32
        %add3A_607 = arith.addi %add3A_575, %add3A_606 : i32
        %get3A_608 = arith.index_cast %add3A_565 : i32 to index
        %get3A_609 = arith.index_cast %add3A_607 : i32 to index
        %get3A_610 = tpu.vector_load %arg6[%get3A_608, %get3A_609] {strides = array<i32>} : memref<16x1024xf32, #tpu.memory_space<vmem>>, vector<1x16xf32>,
        %get3A_611 = vector.shape_cast %get3A_610 : vector<1x16xf32> to vector<1x16xf32>
        %get3A_612 = arith.index_cast %add3A_565 : i32 to index
        %get3A_613 = arith.index_cast %add3A_607 : i32 to index
        %get3A_614 = tpu.vector_load %arg8[%get3A_612, %get3A_613] {strides = array<i32>} : memref<16x1024xf32, #tpu.memory_space<vmem>>, vector<1x16xf32>,
        %get3A_615 = vector.shape_cast %get3A_614 : vector<1x16xf32> to vector<1x16xf32>
        %add3A_616 = arith.addf %get3A_611, %get3A_615 : vector<1x16xf32>
        %swap3A_617 = arith.index_cast %add3A_565 : i32 to index
        %swap3A_618 = arith.index_cast %add3A_607 : i32 to index
        %swap3A_619 = tpu.vector_load %arg10[%swap3A_617, %swap3A_618] {strides = array<i32>} : memref<16x1024xf32, #tpu.memory_space<vmem>>, vector<1x16xf32>,
        %swap3A_620 = vector.shape_cast %swap3A_619 : vector<1x16xf32> to vector<1x16xf32>
        %swap3A_621 = vector.shape_cast %add3A_616 : vector<1x16xf32> to vector<1x16xf32>
        tpu.vector_store %arg10[%swap3A_617, %swap3A_618], %swap3A_621 {strides = array<i32>} : memref<16x1024xf32, #tpu.memory_space<vmem>>, vector<1x16xf32>,
        %add3A_622 = arith.constant 48 : i32
        %add3A_623 = arith.addi %add3A_575, %add3A_622 : i32
        %get3A_624 = arith.index_cast %add3A_565 : i32 to index
        %get3A_625 = arith.index_cast %add3A_623 : i32 to index
        %get3A_626 = tpu.vector_load %arg6[%get3A_624, %get3A_625] {strides = array<i32>} : memref<16x1024xf32, #tpu.memory_space<vmem>>, vector<1x16xf32>,
        %get3A_627 = vector.shape_cast %get3A_626 : vector<1x16xf32> to vector<1x16xf32>
        %get3A_628 = arith.index_cast %add3A_565 : i32 to index
        %get3A_629 = arith.index_cast %add3A_623 : i32 to index
        %get3A_630 = tpu.vector_load %arg8[%get3A_628, %get3A_629] {strides = array<i32>} : memref<16x1024xf32, #tpu.memory_space<vmem>>, vector<1x16xf32>,
        %get3A_631 = vector.shape_cast %get3A_630 : vector<1x16xf32> to vector<1x16xf32>
        %add3A_632 = arith.addf %get3A_627, %get3A_631 : vector<1x16xf32>
        %swap3A_633 = arith.index_cast %add3A_565 : i32 to index
        %swap3A_634 = arith.index_cast %add3A_623 : i32 to index
        %swap3A_635 = tpu.vector_load %arg10[%swap3A_633, %swap3A_634] {strides = array<i32>} : memref<16x1024xf32, #tpu.memory_space<vmem>>, vector<1x16xf32>,
        %swap3A_636 = vector.shape_cast %swap3A_635 : vector<1x16xf32> to vector<1x16xf32>
        %swap3A_637 = vector.shape_cast %add3A_632 : vector<1x16xf32> to vector<1x16xf32>
        tpu.vector_store %arg10[%swap3A_633, %swap3A_634], %swap3A_637 {strides = array<i32>} : memref<16x1024xf32, #tpu.memory_space<vmem>>, vector<1x16xf32>,
        %add3A_638 = arith.constant 64 : i32
        %add3A_639 = arith.addi %add3A_575, %add3A_638 : i32
        %get3A_640 = arith.index_cast %add3A_565 : i32 to index
        %get3A_641 = arith.index_cast %add3A_639 : i32 to index
        %get3A_642 = tpu.vector_load %arg6[%get3A_640, %get3A_641] {strides = array<i32>} : memref<16x1024xf32, #tpu.memory_space<vmem>>, vector<1x16xf32>,
        %get3A_643 = vector.shape_cast %get3A_642 : vector<1x16xf32> to vector<1x16xf32>
        %get3A_644 = arith.index_cast %add3A_565 : i32 to index
        %get3A_645 = arith.index_cast %add3A_639 : i32 to index
        %get3A_646 = tpu.vector_load %arg8[%get3A_644, %get3A_645] {strides = array<i32>} : memref<16x1024xf32, #tpu.memory_space<vmem>>, vector<1x16xf32>,
        %get3A_647 = vector.shape_cast %get3A_646 : vector<1x16xf32> to vector<1x16xf32>
        %add3A_648 = arith.addf %get3A_643, %get3A_647 : vector<1x16xf32>
        %swap3A_649 = arith.index_cast %add3A_565 : i32 to index
        %swap3A_650 = arith.index_cast %add3A_639 : i32 to index
        %swap3A_651 = tpu.vector_load %arg10[%swap3A_649, %swap3A_650] {strides = array<i32>} : memref<16x1024xf32, #tpu.memory_space<vmem>>, vector<1x16xf32>,
        %swap3A_652 = vector.shape_cast %swap3A_651 : vector<1x16xf32> to vector<1x16xf32>
        %swap3A_653 = vector.shape_cast %add3A_648 : vector<1x16xf32> to vector<1x16xf32>
        tpu.vector_store %arg10[%swap3A_649, %swap3A_650], %swap3A_653 {strides = array<i32>} : memref<16x1024xf32, #tpu.memory_space<vmem>>, vector<1x16xf32>,
        %add3A_654 = arith.constant 80 : i32
        %add3A_655 = arith.addi %add3A_575, %add3A_654 : i32
        %get3A_656 = arith.index_cast %add3A_565 : i32 to index
        %get3A_657 = arith.index_cast %add3A_655 : i32 to index
        %get3A_658 = tpu.vector_load %arg6[%get3A_656, %get3A_657] {strides = array<i32>} : memref<16x1024xf32, #tpu.memory_space<vmem>>, vector<1x16xf32>,
        %get3A_659 = vector.shape_cast %get3A_658 : vector<1x16xf32> to vector<1x16xf32>
        %get3A_660 = arith.index_cast %add3A_565 : i32 to index
        %get3A_661 = arith.index_cast %add3A_655 : i32 to index
        %get3A_662 = tpu.vector_load %arg8[%get3A_660, %get3A_661] {strides = array<i32>} : memref<16x1024xf32, #tpu.memory_space<vmem>>, vector<1x16xf32>,
        %get3A_663 = vector.shape_cast %get3A_662 : vector<1x16xf32> to vector<1x16xf32>
        %add3A_664 = arith.addf %get3A_659, %get3A_663 : vector<1x16xf32>
        %swap3A_665 = arith.index_cast %add3A_565 : i32 to index
        %swap3A_666 = arith.index_cast %add3A_655 : i32 to index
        %swap3A_667 = tpu.vector_load %arg10[%swap3A_665, %swap3A_666] {strides = array<i32>} : memref<16x1024xf32, #tpu.memory_space<vmem>>, vector<1x16xf32>,
        %swap3A_668 = vector.shape_cast %swap3A_667 : vector<1x16xf32> to vector<1x16xf32>
        %swap3A_669 = vector.shape_cast %add3A_664 : vector<1x16xf32> to vector<1x16xf32>
        tpu.vector_store %arg10[%swap3A_665, %swap3A_666], %swap3A_669 {strides = array<i32>} : memref<16x1024xf32, #tpu.memory_space<vmem>>, vector<1x16xf32>,
        %add3A_670 = arith.constant 96 : i32
        %add3A_671 = arith.addi %add3A_575, %add3A_670 : i32
        %get3A_672 = arith.index_cast %add3A_565 : i32 to index
        %get3A_673 = arith.index_cast %add3A_671 : i32 to index
        %get3A_674 = tpu.vector_load %arg6[%get3A_672, %get3A_673] {strides = array<i32>} : memref<16x1024xf32, #tpu.memory_space<vmem>>, vector<1x16xf32>,
        %get3A_675 = vector.shape_cast %get3A_674 : vector<1x16xf32> to vector<1x16xf32>
        %get3A_676 = arith.index_cast %add3A_565 : i32 to index
        %get3A_677 = arith.index_cast %add3A_671 : i32 to index
        %get3A_678 = tpu.vector_load %arg8[%get3A_676, %get3A_677] {strides = array<i32>} : memref<16x1024xf32, #tpu.memory_space<vmem>>, vector<1x16xf32>,
        %get3A_679 = vector.shape_cast %get3A_678 : vector<1x16xf32> to vector<1x16xf32>
        %add3A_680 = arith.addf %get3A_675, %get3A_679 : vector<1x16xf32>
        %swap3A_681 = arith.index_cast %add3A_565 : i32 to index
        %swap3A_682 = arith.index_cast %add3A_671 : i32 to index
        %swap3A_683 = tpu.vector_load %arg10[%swap3A_681, %swap3A_682] {strides = array<i32>} : memref<16x1024xf32, #tpu.memory_space<vmem>>, vector<1x16xf32>,
        %swap3A_684 = vector.shape_cast %swap3A_683 : vector<1x16xf32> to vector<1x16xf32>
        %swap3A_685 = vector.shape_cast %add3A_680 : vector<1x16xf32> to vector<1x16xf32>
        tpu.vector_store %arg10[%swap3A_681, %swap3A_682], %swap3A_685 {strides = array<i32>} : memref<16x1024xf32, #tpu.memory_space<vmem>>, vector<1x16xf32>,
        %add3A_686 = arith.constant 112 : i32
        %add3A_687 = arith.addi %add3A_575, %add3A_686 : i32
        %get3A_688 = arith.index_cast %add3A_565 : i32 to index
        %get3A_689 = arith.index_cast %add3A_687 : i32 to index
        %get3A_690 = tpu.vector_load %arg6[%get3A_688, %get3A_689] {strides = array<i32>} : memref<16x1024xf32, #tpu.memory_space<vmem>>, vector<1x16xf32>,
        %get3A_691 = vector.shape_cast %get3A_690 : vector<1x16xf32> to vector<1x16xf32>
        %get3A_692 = arith.index_cast %add3A_565 : i32 to index
        %get3A_693 = arith.index_cast %add3A_687 : i32 to index
        %get3A_694 = tpu.vector_load %arg8[%get3A_692, %get3A_693] {strides = array<i32>} : memref<16x1024xf32, #tpu.memory_space<vmem>>, vector<1x16xf32>,
        %get3A_695 = vector.shape_cast %get3A_694 : vector<1x16xf32> to vector<1x16xf32>
        %add3A_696 = arith.addf %get3A_691, %get3A_695 : vector<1x16xf32>
        %swap3A_697 = arith.index_cast %add3A_565 : i32 to index
        %swap3A_698 = arith.index_cast %add3A_687 : i32 to index
        %swap3A_699 = tpu.vector_load %arg10[%swap3A_697, %swap3A_698] {strides = array<i32>} : memref<16x1024xf32, #tpu.memory_space<vmem>>, vector<1x16xf32>,
        %swap3A_700 = vector.shape_cast %swap3A_699 : vector<1x16xf32> to vector<1x16xf32>
        %swap3A_701 = vector.shape_cast %add3A_696 : vector<1x16xf32> to vector<1x16xf32>
        tpu.vector_store %arg10[%swap3A_697, %swap3A_698], %swap3A_701 {strides = array<i32>} : memref<16x1024xf32, #tpu.memory_space<vmem>>, vector<1x16xf32>,
      }
      %scan3A_570 = arith.constant 8 : i32
    }
    %scan3A_488 = arith.constant 16 : i32
    %add3A_489 = arith.constant 208 : i32
    %add3A_490 = arith.addi %mul3A_2, %add3A_489 : i32
    %dma_start3A_491 = arith.constant 0 : i32
    %dma_start3A_492 = tpu.memref_slice %arg4[%add3A_490, %dma_start3A_491] : memref<8192x1024xf32, #tpu.memory_space<hbm>> -> memref<16x1024xf32, #tpu.memory_space<hbm>>
    %dma_start3A_493 = arith.constant 0 : i32
    %dma_start3A_494 = tpu.memref_slice %arg4[%add3A_490, %dma_start3A_493] : memref<8192x1024xf32, #tpu.memory_space<hbm>> -> memref<16x1024xf32, #tpu.memory_space<hbm>>
    tpu.enqueue_dma source(%arg10 : memref<16x1024xf32, #tpu.memory_space<vmem>>) target(%dma_start3A_494 : memref<16x1024xf32, #tpu.memory_space<hbm>>) target_semaphore(%arg16 : memref<!tpu.dma_semaphore, #tpu.memory_space<semaphore_mem>>)
    %add3A_495 = arith.constant 240 : i32
    %add3A_496 = arith.addi %mul3A_2, %add3A_495 : i32
    %add3A_497 = arith.constant 240 : i32
    %add3A_498 = arith.addi %rem3A_3, %add3A_497 : i32
    %dma_start3A_499 = arith.constant 0 : i32
    %dma_start3A_500 = tpu.memref_slice %arg2[%add3A_496, %dma_start3A_499] : memref<8192x1024xf32, #tpu.memory_space<hbm>> -> memref<16x1024xf32, #tpu.memory_space<hbm>>
    %dma_start3A_501 = arith.constant 0 : i32
    %dma_start3A_502 = tpu.memref_slice %arg2[%add3A_496, %dma_start3A_501] : memref<8192x1024xf32, #tpu.memory_space<hbm>> -> memref<16x1024xf32, #tpu.memory_space<hbm>>
    tpu.enqueue_dma source(%dma_start3A_502 : memref<16x1024xf32, #tpu.memory_space<hbm>>) target(%arg6 : memref<16x1024xf32, #tpu.memory_space<vmem>>) target_semaphore(%arg12 : memref<!tpu.dma_semaphore, #tpu.memory_space<semaphore_mem>>)
    %dma_start3A_503 = arith.constant 0 : i32
    %dma_start3A_504 = tpu.memref_slice %arg3[%add3A_498, %dma_start3A_503] : memref<2048x1024xf32, #tpu.memory_space<hbm>> -> memref<16x1024xf32, #tpu.memory_space<hbm>>
    %dma_start3A_505 = arith.constant 0 : i32
    %dma_start3A_506 = tpu.memref_slice %arg3[%add3A_498, %dma_start3A_505] : memref<2048x1024xf32, #tpu.memory_space<hbm>> -> memref<16x1024xf32, #tpu.memory_space<hbm>>
    tpu.enqueue_dma source(%dma_start3A_506 : memref<16x1024xf32, #tpu.memory_space<hbm>>) target(%arg8 : memref<16x1024xf32, #tpu.memory_space<vmem>>) target_semaphore(%arg14 : memref<!tpu.dma_semaphore, #tpu.memory_space<semaphore_mem>>)
    %dma_wait3A_507 = arith.constant 0 : i32
    %dma_wait3A_508 = tpu.memref_slice %arg2[%add3A_461, %dma_wait3A_507] : memref<8192x1024xf32, #tpu.memory_space<hbm>> -> memref<16x1024xf32, #tpu.memory_space<hbm>>
    %dma_wait3A_509 = arith.constant 0 : i32
    %dma_wait3A_510 = tpu.memref_slice %arg2[%add3A_461, %dma_wait3A_509] : memref<8192x1024xf32, #tpu.memory_space<hbm>> -> memref<16x1024xf32, #tpu.memory_space<hbm>>
    tpu.wait_dma2 semaphore(%arg11 : memref<!tpu.dma_semaphore, #tpu.memory_space<semaphore_mem>>) src(%dma_wait3A_510 : memref<16x1024xf32, #tpu.memory_space<hbm>>) dst(%arg5 : memref<16x1024xf32, #tpu.memory_space<vmem>>)
    %dma_wait3A_511 = arith.constant 0 : i32
    %dma_wait3A_512 = tpu.memref_slice %arg3[%add3A_463, %dma_wait3A_511] : memref<2048x1024xf32, #tpu.memory_space<hbm>> -> memref<16x1024xf32, #tpu.memory_space<hbm>>
    %dma_wait3A_513 = arith.constant 0 : i32
    %dma_wait3A_514 = tpu.memref_slice %arg3[%add3A_463, %dma_wait3A_513] : memref<2048x1024xf32, #tpu.memory_space<hbm>> -> memref<16x1024xf32, #tpu.memory_space<hbm>>
    tpu.wait_dma2 semaphore(%arg13 : memref<!tpu.dma_semaphore, #tpu.memory_space<semaphore_mem>>) src(%dma_wait3A_514 : memref<16x1024xf32, #tpu.memory_space<hbm>>) dst(%arg7 : memref<16x1024xf32, #tpu.memory_space<vmem>>)
    %dma_wait3A_515 = arith.constant 0 : i32
    %dma_wait3A_516 = tpu.memref_slice %arg4[%add3A_455, %dma_wait3A_515] : memref<8192x1024xf32, #tpu.memory_space<hbm>> -> memref<16x1024xf32, #tpu.memory_space<hbm>>
    %dma_wait3A_517 = arith.constant 0 : i32
    %dma_wait3A_518 = tpu.memref_slice %arg4[%add3A_455, %dma_wait3A_517] : memref<8192x1024xf32, #tpu.memory_space<hbm>> -> memref<16x1024xf32, #tpu.memory_space<hbm>>
    tpu.wait_dma2 semaphore(%arg15 : memref<!tpu.dma_semaphore, #tpu.memory_space<semaphore_mem>>) src(%arg9 : memref<16x1024xf32, #tpu.memory_space<vmem>>) dst(%dma_wait3A_518 : memref<16x1024xf32, #tpu.memory_space<hbm>>)
    %scan3A_519 = arith.constant 0 : i32
    %scan3A_520 = arith.constant 16 : i32
    %scan3A_521 = arith.addi %scan3A_519, %scan3A_520 : i32
    %scan3A_522 = arith.constant 1 : i32
    scf.for %scan3A_561 = %scan3A_519 to %scan3A_521 step %scan3A_522  : i32 {
      %mul3A_562 = arith.constant 1 : i32
      %mul3A_563 = arith.muli %scan3A_561, %mul3A_562 : i32
      %add3A_564 = arith.constant 0 : i32
      %add3A_565 = arith.addi %add3A_564, %mul3A_563 : i32
      %scan3A_566 = arith.constant 0 : i32
      %scan3A_567 = arith.constant 8 : i32
      %scan3A_568 = arith.addi %scan3A_566, %scan3A_567 : i32
      %scan3A_569 = arith.constant 1 : i32
      scf.for %scan3A_571 = %scan3A_566 to %scan3A_568 step %scan3A_569  : i32 {
        %mul3A_572 = arith.constant 128 : i32
        %mul3A_573 = arith.muli %scan3A_571, %mul3A_572 : i32
        %add3A_574 = arith.constant 0 : i32
        %add3A_575 = arith.addi %add3A_574, %mul3A_573 : i32
        %add3A_576 = arith.constant 0 : i32
        %add3A_577 = arith.addi %add3A_575, %add3A_576 : i32
        %get3A = arith.index_cast %add3A_565 : i32 to index
        %get3A_578 = arith.index_cast %add3A_577 : i32 to index
        %get3A_579 = tpu.vector_load %arg5[%get3A, %get3A_578] {strides = array<i32>} : memref<16x1024xf32, #tpu.memory_space<vmem>>, vector<1x16xf32>,
        %get3A_580 = vector.shape_cast %get3A_579 : vector<1x16xf32> to vector<1x16xf32>
        %get3A_581 = arith.index_cast %add3A_565 : i32 to index
        %get3A_582 = arith.index_cast %add3A_577 : i32 to index
        %get3A_583 = tpu.vector_load %arg7[%get3A_581, %get3A_582] {strides = array<i32>} : memref<16x1024xf32, #tpu.memory_space<vmem>>, vector<1x16xf32>,
        %get3A_584 = vector.shape_cast %get3A_583 : vector<1x16xf32> to vector<1x16xf32>
        %add3A_585 = arith.addf %get3A_580, %get3A_584 : vector<1x16xf32>
        %swap3A = arith.index_cast %add3A_565 : i32 to index
        %swap3A_586 = arith.index_cast %add3A_577 : i32 to index
        %swap3A_587 = tpu.vector_load %arg9[%swap3A, %swap3A_586] {strides = array<i32>} : memref<16x1024xf32, #tpu.memory_space<vmem>>, vector<1x16xf32>,
        %swap3A_588 = vector.shape_cast %swap3A_587 : vector<1x16xf32> to vector<1x16xf32>
        %swap3A_589 = vector.shape_cast %add3A_585 : vector<1x16xf32> to vector<1x16xf32>
        tpu.vector_store %arg9[%swap3A, %swap3A_586], %swap3A_589 {strides = array<i32>} : memref<16x1024xf32, #tpu.memory_space<vmem>>, vector<1x16xf32>,
        %add3A_590 = arith.constant 16 : i32
        %add3A_591 = arith.addi %add3A_575, %add3A_590 : i32
        %get3A_592 = arith.index_cast %add3A_565 : i32 to index
        %get3A_593 = arith.index_cast %add3A_591 : i32 to index
        %get3A_594 = tpu.vector_load %arg5[%get3A_592, %get3A_593] {strides = array<i32>} : memref<16x1024xf32, #tpu.memory_space<vmem>>, vector<1x16xf32>,
        %get3A_595 = vector.shape_cast %get3A_594 : vector<1x16xf32> to vector<1x16xf32>
        %get3A_596 = arith.index_cast %add3A_565 : i32 to index
        %get3A_597 = arith.index_cast %add3A_591 : i32 to index
        %get3A_598 = tpu.vector_load %arg7[%get3A_596, %get3A_597] {strides = array<i32>} : memref<16x1024xf32, #tpu.memory_space<vmem>>, vector<1x16xf32>,
        %get3A_599 = vector.shape_cast %get3A_598 : vector<1x16xf32> to vector<1x16xf32>
        %add3A_600 = arith.addf %get3A_595, %get3A_599 : vector<1x16xf32>
        %swap3A_601 = arith.index_cast %add3A_565 : i32 to index
        %swap3A_602 = arith.index_cast %add3A_591 : i32 to index
        %swap3A_603 = tpu.vector_load %arg9[%swap3A_601, %swap3A_602] {strides = array<i32>} : memref<16x1024xf32, #tpu.memory_space<vmem>>, vector<1x16xf32>,
        %swap3A_604 = vector.shape_cast %swap3A_603 : vector<1x16xf32> to vector<1x16xf32>
        %swap3A_605 = vector.shape_cast %add3A_600 : vector<1x16xf32> to vector<1x16xf32>
        tpu.vector_store %arg9[%swap3A_601, %swap3A_602], %swap3A_605 {strides = array<i32>} : memref<16x1024xf32, #tpu.memory_space<vmem>>, vector<1x16xf32>,
        %add3A_606 = arith.constant 32 : i32
        %add3A_607 = arith.addi %add3A_575, %add3A_606 : i32
        %get3A_608 = arith.index_cast %add3A_565 : i32 to index
        %get3A_609 = arith.index_cast %add3A_607 : i32 to index
        %get3A_610 = tpu.vector_load %arg5[%get3A_608, %get3A_609] {strides = array<i32>} : memref<16x1024xf32, #tpu.memory_space<vmem>>, vector<1x16xf32>,
        %get3A_611 = vector.shape_cast %get3A_610 : vector<1x16xf32> to vector<1x16xf32>
        %get3A_612 = arith.index_cast %add3A_565 : i32 to index
        %get3A_613 = arith.index_cast %add3A_607 : i32 to index
        %get3A_614 = tpu.vector_load %arg7[%get3A_612, %get3A_613] {strides = array<i32>} : memref<16x1024xf32, #tpu.memory_space<vmem>>, vector<1x16xf32>,
        %get3A_615 = vector.shape_cast %get3A_614 : vector<1x16xf32> to vector<1x16xf32>
        %add3A_616 = arith.addf %get3A_611, %get3A_615 : vector<1x16xf32>
        %swap3A_617 = arith.index_cast %add3A_565 : i32 to index
        %swap3A_618 = arith.index_cast %add3A_607 : i32 to index
        %swap3A_619 = tpu.vector_load %arg9[%swap3A_617, %swap3A_618] {strides = array<i32>} : memref<16x1024xf32, #tpu.memory_space<vmem>>, vector<1x16xf32>,
        %swap3A_620 = vector.shape_cast %swap3A_619 : vector<1x16xf32> to vector<1x16xf32>
        %swap3A_621 = vector.shape_cast %add3A_616 : vector<1x16xf32> to vector<1x16xf32>
        tpu.vector_store %arg9[%swap3A_617, %swap3A_618], %swap3A_621 {strides = array<i32>} : memref<16x1024xf32, #tpu.memory_space<vmem>>, vector<1x16xf32>,
        %add3A_622 = arith.constant 48 : i32
        %add3A_623 = arith.addi %add3A_575, %add3A_622 : i32
        %get3A_624 = arith.index_cast %add3A_565 : i32 to index
        %get3A_625 = arith.index_cast %add3A_623 : i32 to index
        %get3A_626 = tpu.vector_load %arg5[%get3A_624, %get3A_625] {strides = array<i32>} : memref<16x1024xf32, #tpu.memory_space<vmem>>, vector<1x16xf32>,
        %get3A_627 = vector.shape_cast %get3A_626 : vector<1x16xf32> to vector<1x16xf32>
        %get3A_628 = arith.index_cast %add3A_565 : i32 to index
        %get3A_629 = arith.index_cast %add3A_623 : i32 to index
        %get3A_630 = tpu.vector_load %arg7[%get3A_628, %get3A_629] {strides = array<i32>} : memref<16x1024xf32, #tpu.memory_space<vmem>>, vector<1x16xf32>,
        %get3A_631 = vector.shape_cast %get3A_630 : vector<1x16xf32> to vector<1x16xf32>
        %add3A_632 = arith.addf %get3A_627, %get3A_631 : vector<1x16xf32>
        %swap3A_633 = arith.index_cast %add3A_565 : i32 to index
        %swap3A_634 = arith.index_cast %add3A_623 : i32 to index
        %swap3A_635 = tpu.vector_load %arg9[%swap3A_633, %swap3A_634] {strides = array<i32>} : memref<16x1024xf32, #tpu.memory_space<vmem>>, vector<1x16xf32>,
        %swap3A_636 = vector.shape_cast %swap3A_635 : vector<1x16xf32> to vector<1x16xf32>
        %swap3A_637 = vector.shape_cast %add3A_632 : vector<1x16xf32> to vector<1x16xf32>
        tpu.vector_store %arg9[%swap3A_633, %swap3A_634], %swap3A_637 {strides = array<i32>} : memref<16x1024xf32, #tpu.memory_space<vmem>>, vector<1x16xf32>,
        %add3A_638 = arith.constant 64 : i32
        %add3A_639 = arith.addi %add3A_575, %add3A_638 : i32
        %get3A_640 = arith.index_cast %add3A_565 : i32 to index
        %get3A_641 = arith.index_cast %add3A_639 : i32 to index
        %get3A_642 = tpu.vector_load %arg5[%get3A_640, %get3A_641] {strides = array<i32>} : memref<16x1024xf32, #tpu.memory_space<vmem>>, vector<1x16xf32>,
        %get3A_643 = vector.shape_cast %get3A_642 : vector<1x16xf32> to vector<1x16xf32>
        %get3A_644 = arith.index_cast %add3A_565 : i32 to index
        %get3A_645 = arith.index_cast %add3A_639 : i32 to index
        %get3A_646 = tpu.vector_load %arg7[%get3A_644, %get3A_645] {strides = array<i32>} : memref<16x1024xf32, #tpu.memory_space<vmem>>, vector<1x16xf32>,
        %get3A_647 = vector.shape_cast %get3A_646 : vector<1x16xf32> to vector<1x16xf32>
        %add3A_648 = arith.addf %get3A_643, %get3A_647 : vector<1x16xf32>
        %swap3A_649 = arith.index_cast %add3A_565 : i32 to index
        %swap3A_650 = arith.index_cast %add3A_639 : i32 to index
        %swap3A_651 = tpu.vector_load %arg9[%swap3A_649, %swap3A_650] {strides = array<i32>} : memref<16x1024xf32, #tpu.memory_space<vmem>>, vector<1x16xf32>,
        %swap3A_652 = vector.shape_cast %swap3A_651 : vector<1x16xf32> to vector<1x16xf32>
        %swap3A_653 = vector.shape_cast %add3A_648 : vector<1x16xf32> to vector<1x16xf32>
        tpu.vector_store %arg9[%swap3A_649, %swap3A_650], %swap3A_653 {strides = array<i32>} : memref<16x1024xf32, #tpu.memory_space<vmem>>, vector<1x16xf32>,
        %add3A_654 = arith.constant 80 : i32
        %add3A_655 = arith.addi %add3A_575, %add3A_654 : i32
        %get3A_656 = arith.index_cast %add3A_565 : i32 to index
        %get3A_657 = arith.index_cast %add3A_655 : i32 to index
        %get3A_658 = tpu.vector_load %arg5[%get3A_656, %get3A_657] {strides = array<i32>} : memref<16x1024xf32, #tpu.memory_space<vmem>>, vector<1x16xf32>,
        %get3A_659 = vector.shape_cast %get3A_658 : vector<1x16xf32> to vector<1x16xf32>
        %get3A_660 = arith.index_cast %add3A_565 : i32 to index
        %get3A_661 = arith.index_cast %add3A_655 : i32 to index
        %get3A_662 = tpu.vector_load %arg7[%get3A_660, %get3A_661] {strides = array<i32>} : memref<16x1024xf32, #tpu.memory_space<vmem>>, vector<1x16xf32>,
        %get3A_663 = vector.shape_cast %get3A_662 : vector<1x16xf32> to vector<1x16xf32>
        %add3A_664 = arith.addf %get3A_659, %get3A_663 : vector<1x16xf32>
        %swap3A_665 = arith.index_cast %add3A_565 : i32 to index
        %swap3A_666 = arith.index_cast %add3A_655 : i32 to index
        %swap3A_667 = tpu.vector_load %arg9[%swap3A_665, %swap3A_666] {strides = array<i32>} : memref<16x1024xf32, #tpu.memory_space<vmem>>, vector<1x16xf32>,
        %swap3A_668 = vector.shape_cast %swap3A_667 : vector<1x16xf32> to vector<1x16xf32>
        %swap3A_669 = vector.shape_cast %add3A_664 : vector<1x16xf32> to vector<1x16xf32>
        tpu.vector_store %arg9[%swap3A_665, %swap3A_666], %swap3A_669 {strides = array<i32>} : memref<16x1024xf32, #tpu.memory_space<vmem>>, vector<1x16xf32>,
        %add3A_670 = arith.constant 96 : i32
        %add3A_671 = arith.addi %add3A_575, %add3A_670 : i32
        %get3A_672 = arith.index_cast %add3A_565 : i32 to index
        %get3A_673 = arith.index_cast %add3A_671 : i32 to index
        %get3A_674 = tpu.vector_load %arg5[%get3A_672, %get3A_673] {strides = array<i32>} : memref<16x1024xf32, #tpu.memory_space<vmem>>, vector<1x16xf32>,
        %get3A_675 = vector.shape_cast %get3A_674 : vector<1x16xf32> to vector<1x16xf32>
        %get3A_676 = arith.index_cast %add3A_565 : i32 to index
        %get3A_677 = arith.index_cast %add3A_671 : i32 to index
        %get3A_678 = tpu.vector_load %arg7[%get3A_676, %get3A_677] {strides = array<i32>} : memref<16x1024xf32, #tpu.memory_space<vmem>>, vector<1x16xf32>,
        %get3A_679 = vector.shape_cast %get3A_678 : vector<1x16xf32> to vector<1x16xf32>
        %add3A_680 = arith.addf %get3A_675, %get3A_679 : vector<1x16xf32>
        %swap3A_681 = arith.index_cast %add3A_565 : i32 to index
        %swap3A_682 = arith.index_cast %add3A_671 : i32 to index
        %swap3A_683 = tpu.vector_load %arg9[%swap3A_681, %swap3A_682] {strides = array<i32>} : memref<16x1024xf32, #tpu.memory_space<vmem>>, vector<1x16xf32>,
        %swap3A_684 = vector.shape_cast %swap3A_683 : vector<1x16xf32> to vector<1x16xf32>
        %swap3A_685 = vector.shape_cast %add3A_680 : vector<1x16xf32> to vector<1x16xf32>
        tpu.vector_store %arg9[%swap3A_681, %swap3A_682], %swap3A_685 {strides = array<i32>} : memref<16x1024xf32, #tpu.memory_space<vmem>>, vector<1x16xf32>,
        %add3A_686 = arith.constant 112 : i32
        %add3A_687 = arith.addi %add3A_575, %add3A_686 : i32
        %get3A_688 = arith.index_cast %add3A_565 : i32 to index
        %get3A_689 = arith.index_cast %add3A_687 : i32 to index
        %get3A_690 = tpu.vector_load %arg5[%get3A_688, %get3A_689] {strides = array<i32>} : memref<16x1024xf32, #tpu.memory_space<vmem>>, vector<1x16xf32>,
        %get3A_691 = vector.shape_cast %get3A_690 : vector<1x16xf32> to vector<1x16xf32>
        %get3A_692 = arith.index_cast %add3A_565 : i32 to index
        %get3A_693 = arith.index_cast %add3A_687 : i32 to index
        %get3A_694 = tpu.vector_load %arg7[%get3A_692, %get3A_693] {strides = array<i32>} : memref<16x1024xf32, #tpu.memory_space<vmem>>, vector<1x16xf32>,
        %get3A_695 = vector.shape_cast %get3A_694 : vector<1x16xf32> to vector<1x16xf32>
        %add3A_696 = arith.addf %get3A_691, %get3A_695 : vector<1x16xf32>
        %swap3A_697 = arith.index_cast %add3A_565 : i32 to index
        %swap3A_698 = arith.index_cast %add3A_687 : i32 to index
        %swap3A_699 = tpu.vector_load %arg9[%swap3A_697, %swap3A_698] {strides = array<i32>} : memref<16x1024xf32, #tpu.memory_space<vmem>>, vector<1x16xf32>,
        %swap3A_700 = vector.shape_cast %swap3A_699 : vector<1x16xf32> to vector<1x16xf32>
        %swap3A_701 = vector.shape_cast %add3A_696 : vector<1x16xf32> to vector<1x16xf32>
        tpu.vector_store %arg9[%swap3A_697, %swap3A_698], %swap3A_701 {strides = array<i32>} : memref<16x1024xf32, #tpu.memory_space<vmem>>, vector<1x16xf32>,
      }
      %scan3A_570 = arith.constant 8 : i32
    }
    %scan3A_523 = arith.constant 16 : i32
    %add3A_524 = arith.constant 224 : i32
    %add3A_525 = arith.addi %mul3A_2, %add3A_524 : i32
    %dma_start3A_526 = arith.constant 0 : i32
    %dma_start3A_527 = tpu.memref_slice %arg4[%add3A_525, %dma_start3A_526] : memref<8192x1024xf32, #tpu.memory_space<hbm>> -> memref<16x1024xf32, #tpu.memory_space<hbm>>
    %dma_start3A_528 = arith.constant 0 : i32
    %dma_start3A_529 = tpu.memref_slice %arg4[%add3A_525, %dma_start3A_528] : memref<8192x1024xf32, #tpu.memory_space<hbm>> -> memref<16x1024xf32, #tpu.memory_space<hbm>>
    tpu.enqueue_dma source(%arg9 : memref<16x1024xf32, #tpu.memory_space<vmem>>) target(%dma_start3A_529 : memref<16x1024xf32, #tpu.memory_space<hbm>>) target_semaphore(%arg15 : memref<!tpu.dma_semaphore, #tpu.memory_space<semaphore_mem>>)
    %dma_wait3A_530 = arith.constant 0 : i32
    %dma_wait3A_531 = tpu.memref_slice %arg2[%add3A_496, %dma_wait3A_530] : memref<8192x1024xf32, #tpu.memory_space<hbm>> -> memref<16x1024xf32, #tpu.memory_space<hbm>>
    %dma_wait3A_532 = arith.constant 0 : i32
    %dma_wait3A_533 = tpu.memref_slice %arg2[%add3A_496, %dma_wait3A_532] : memref<8192x1024xf32, #tpu.memory_space<hbm>> -> memref<16x1024xf32, #tpu.memory_space<hbm>>
    tpu.wait_dma2 semaphore(%arg12 : memref<!tpu.dma_semaphore, #tpu.memory_space<semaphore_mem>>) src(%dma_wait3A_533 : memref<16x1024xf32, #tpu.memory_space<hbm>>) dst(%arg6 : memref<16x1024xf32, #tpu.memory_space<vmem>>)
    %dma_wait3A_534 = arith.constant 0 : i32
    %dma_wait3A_535 = tpu.memref_slice %arg3[%add3A_498, %dma_wait3A_534] : memref<2048x1024xf32, #tpu.memory_space<hbm>> -> memref<16x1024xf32, #tpu.memory_space<hbm>>
    %dma_wait3A_536 = arith.constant 0 : i32
    %dma_wait3A_537 = tpu.memref_slice %arg3[%add3A_498, %dma_wait3A_536] : memref<2048x1024xf32, #tpu.memory_space<hbm>> -> memref<16x1024xf32, #tpu.memory_space<hbm>>
    tpu.wait_dma2 semaphore(%arg14 : memref<!tpu.dma_semaphore, #tpu.memory_space<semaphore_mem>>) src(%dma_wait3A_537 : memref<16x1024xf32, #tpu.memory_space<hbm>>) dst(%arg8 : memref<16x1024xf32, #tpu.memory_space<vmem>>)
    %dma_wait3A_538 = arith.constant 0 : i32
    %dma_wait3A_539 = tpu.memref_slice %arg4[%add3A_490, %dma_wait3A_538] : memref<8192x1024xf32, #tpu.memory_space<hbm>> -> memref<16x1024xf32, #tpu.memory_space<hbm>>
    %dma_wait3A_540 = arith.constant 0 : i32
    %dma_wait3A_541 = tpu.memref_slice %arg4[%add3A_490, %dma_wait3A_540] : memref<8192x1024xf32, #tpu.memory_space<hbm>> -> memref<16x1024xf32, #tpu.memory_space<hbm>>
    tpu.wait_dma2 semaphore(%arg16 : memref<!tpu.dma_semaphore, #tpu.memory_space<semaphore_mem>>) src(%arg10 : memref<16x1024xf32, #tpu.memory_space<vmem>>) dst(%dma_wait3A_541 : memref<16x1024xf32, #tpu.memory_space<hbm>>)
    %scan3A_542 = arith.constant 0 : i32
    %scan3A_543 = arith.constant 16 : i32
    %scan3A_544 = arith.addi %scan3A_542, %scan3A_543 : i32
    %scan3A_545 = arith.constant 1 : i32
    scf.for %scan3A_561 = %scan3A_542 to %scan3A_544 step %scan3A_545  : i32 {
      %mul3A_562 = arith.constant 1 : i32
      %mul3A_563 = arith.muli %scan3A_561, %mul3A_562 : i32
      %add3A_564 = arith.constant 0 : i32
      %add3A_565 = arith.addi %add3A_564, %mul3A_563 : i32
      %scan3A_566 = arith.constant 0 : i32
      %scan3A_567 = arith.constant 8 : i32
      %scan3A_568 = arith.addi %scan3A_566, %scan3A_567 : i32
      %scan3A_569 = arith.constant 1 : i32
      scf.for %scan3A_571 = %scan3A_566 to %scan3A_568 step %scan3A_569  : i32 {
        %mul3A_572 = arith.constant 128 : i32
        %mul3A_573 = arith.muli %scan3A_571, %mul3A_572 : i32
        %add3A_574 = arith.constant 0 : i32
        %add3A_575 = arith.addi %add3A_574, %mul3A_573 : i32
        %add3A_576 = arith.constant 0 : i32
        %add3A_577 = arith.addi %add3A_575, %add3A_576 : i32
        %get3A = arith.index_cast %add3A_565 : i32 to index
        %get3A_578 = arith.index_cast %add3A_577 : i32 to index
        %get3A_579 = tpu.vector_load %arg6[%get3A, %get3A_578] {strides = array<i32>} : memref<16x1024xf32, #tpu.memory_space<vmem>>, vector<1x16xf32>,
        %get3A_580 = vector.shape_cast %get3A_579 : vector<1x16xf32> to vector<1x16xf32>
        %get3A_581 = arith.index_cast %add3A_565 : i32 to index
        %get3A_582 = arith.index_cast %add3A_577 : i32 to index
        %get3A_583 = tpu.vector_load %arg8[%get3A_581, %get3A_582] {strides = array<i32>} : memref<16x1024xf32, #tpu.memory_space<vmem>>, vector<1x16xf32>,
        %get3A_584 = vector.shape_cast %get3A_583 : vector<1x16xf32> to vector<1x16xf32>
        %add3A_585 = arith.addf %get3A_580, %get3A_584 : vector<1x16xf32>
        %swap3A = arith.index_cast %add3A_565 : i32 to index
        %swap3A_586 = arith.index_cast %add3A_577 : i32 to index
        %swap3A_587 = tpu.vector_load %arg10[%swap3A, %swap3A_586] {strides = array<i32>} : memref<16x1024xf32, #tpu.memory_space<vmem>>, vector<1x16xf32>,
        %swap3A_588 = vector.shape_cast %swap3A_587 : vector<1x16xf32> to vector<1x16xf32>
        %swap3A_589 = vector.shape_cast %add3A_585 : vector<1x16xf32> to vector<1x16xf32>
        tpu.vector_store %arg10[%swap3A, %swap3A_586], %swap3A_589 {strides = array<i32>} : memref<16x1024xf32, #tpu.memory_space<vmem>>, vector<1x16xf32>,
        %add3A_590 = arith.constant 16 : i32
        %add3A_591 = arith.addi %add3A_575, %add3A_590 : i32
        %get3A_592 = arith.index_cast %add3A_565 : i32 to index
        %get3A_593 = arith.index_cast %add3A_591 : i32 to index
        %get3A_594 = tpu.vector_load %arg6[%get3A_592, %get3A_593] {strides = array<i32>} : memref<16x1024xf32, #tpu.memory_space<vmem>>, vector<1x16xf32>,
        %get3A_595 = vector.shape_cast %get3A_594 : vector<1x16xf32> to vector<1x16xf32>
        %get3A_596 = arith.index_cast %add3A_565 : i32 to index
        %get3A_597 = arith.index_cast %add3A_591 : i32 to index
        %get3A_598 = tpu.vector_load %arg8[%get3A_596, %get3A_597] {strides = array<i32>} : memref<16x1024xf32, #tpu.memory_space<vmem>>, vector<1x16xf32>,
        %get3A_599 = vector.shape_cast %get3A_598 : vector<1x16xf32> to vector<1x16xf32>
        %add3A_600 = arith.addf %get3A_595, %get3A_599 : vector<1x16xf32>
        %swap3A_601 = arith.index_cast %add3A_565 : i32 to index
        %swap3A_602 = arith.index_cast %add3A_591 : i32 to index
        %swap3A_603 = tpu.vector_load %arg10[%swap3A_601, %swap3A_602] {strides = array<i32>} : memref<16x1024xf32, #tpu.memory_space<vmem>>, vector<1x16xf32>,
        %swap3A_604 = vector.shape_cast %swap3A_603 : vector<1x16xf32> to vector<1x16xf32>
        %swap3A_605 = vector.shape_cast %add3A_600 : vector<1x16xf32> to vector<1x16xf32>
        tpu.vector_store %arg10[%swap3A_601, %swap3A_602], %swap3A_605 {strides = array<i32>} : memref<16x1024xf32, #tpu.memory_space<vmem>>, vector<1x16xf32>,
        %add3A_606 = arith.constant 32 : i32
        %add3A_607 = arith.addi %add3A_575, %add3A_606 : i32
        %get3A_608 = arith.index_cast %add3A_565 : i32 to index
        %get3A_609 = arith.index_cast %add3A_607 : i32 to index
        %get3A_610 = tpu.vector_load %arg6[%get3A_608, %get3A_609] {strides = array<i32>} : memref<16x1024xf32, #tpu.memory_space<vmem>>, vector<1x16xf32>,
        %get3A_611 = vector.shape_cast %get3A_610 : vector<1x16xf32> to vector<1x16xf32>
        %get3A_612 = arith.index_cast %add3A_565 : i32 to index
        %get3A_613 = arith.index_cast %add3A_607 : i32 to index
        %get3A_614 = tpu.vector_load %arg8[%get3A_612, %get3A_613] {strides = array<i32>} : memref<16x1024xf32, #tpu.memory_space<vmem>>, vector<1x16xf32>,
        %get3A_615 = vector.shape_cast %get3A_614 : vector<1x16xf32> to vector<1x16xf32>
        %add3A_616 = arith.addf %get3A_611, %get3A_615 : vector<1x16xf32>
        %swap3A_617 = arith.index_cast %add3A_565 : i32 to index
        %swap3A_618 = arith.index_cast %add3A_607 : i32 to index
        %swap3A_619 = tpu.vector_load %arg10[%swap3A_617, %swap3A_618] {strides = array<i32>} : memref<16x1024xf32, #tpu.memory_space<vmem>>, vector<1x16xf32>,
        %swap3A_620 = vector.shape_cast %swap3A_619 : vector<1x16xf32> to vector<1x16xf32>
        %swap3A_621 = vector.shape_cast %add3A_616 : vector<1x16xf32> to vector<1x16xf32>
        tpu.vector_store %arg10[%swap3A_617, %swap3A_618], %swap3A_621 {strides = array<i32>} : memref<16x1024xf32, #tpu.memory_space<vmem>>, vector<1x16xf32>,
        %add3A_622 = arith.constant 48 : i32
        %add3A_623 = arith.addi %add3A_575, %add3A_622 : i32
        %get3A_624 = arith.index_cast %add3A_565 : i32 to index
        %get3A_625 = arith.index_cast %add3A_623 : i32 to index
        %get3A_626 = tpu.vector_load %arg6[%get3A_624, %get3A_625] {strides = array<i32>} : memref<16x1024xf32, #tpu.memory_space<vmem>>, vector<1x16xf32>,
        %get3A_627 = vector.shape_cast %get3A_626 : vector<1x16xf32> to vector<1x16xf32>
        %get3A_628 = arith.index_cast %add3A_565 : i32 to index
        %get3A_629 = arith.index_cast %add3A_623 : i32 to index
        %get3A_630 = tpu.vector_load %arg8[%get3A_628, %get3A_629] {strides = array<i32>} : memref<16x1024xf32, #tpu.memory_space<vmem>>, vector<1x16xf32>,
        %get3A_631 = vector.shape_cast %get3A_630 : vector<1x16xf32> to vector<1x16xf32>
        %add3A_632 = arith.addf %get3A_627, %get3A_631 : vector<1x16xf32>
        %swap3A_633 = arith.index_cast %add3A_565 : i32 to index
        %swap3A_634 = arith.index_cast %add3A_623 : i32 to index
        %swap3A_635 = tpu.vector_load %arg10[%swap3A_633, %swap3A_634] {strides = array<i32>} : memref<16x1024xf32, #tpu.memory_space<vmem>>, vector<1x16xf32>,
        %swap3A_636 = vector.shape_cast %swap3A_635 : vector<1x16xf32> to vector<1x16xf32>
        %swap3A_637 = vector.shape_cast %add3A_632 : vector<1x16xf32> to vector<1x16xf32>
        tpu.vector_store %arg10[%swap3A_633, %swap3A_634], %swap3A_637 {strides = array<i32>} : memref<16x1024xf32, #tpu.memory_space<vmem>>, vector<1x16xf32>,
        %add3A_638 = arith.constant 64 : i32
        %add3A_639 = arith.addi %add3A_575, %add3A_638 : i32
        %get3A_640 = arith.index_cast %add3A_565 : i32 to index
        %get3A_641 = arith.index_cast %add3A_639 : i32 to index
        %get3A_642 = tpu.vector_load %arg6[%get3A_640, %get3A_641] {strides = array<i32>} : memref<16x1024xf32, #tpu.memory_space<vmem>>, vector<1x16xf32>,
        %get3A_643 = vector.shape_cast %get3A_642 : vector<1x16xf32> to vector<1x16xf32>
        %get3A_644 = arith.index_cast %add3A_565 : i32 to index
        %get3A_645 = arith.index_cast %add3A_639 : i32 to index
        %get3A_646 = tpu.vector_load %arg8[%get3A_644, %get3A_645] {strides = array<i32>} : memref<16x1024xf32, #tpu.memory_space<vmem>>, vector<1x16xf32>,
        %get3A_647 = vector.shape_cast %get3A_646 : vector<1x16xf32> to vector<1x16xf32>
        %add3A_648 = arith.addf %get3A_643, %get3A_647 : vector<1x16xf32>
        %swap3A_649 = arith.index_cast %add3A_565 : i32 to index
        %swap3A_650 = arith.index_cast %add3A_639 : i32 to index
        %swap3A_651 = tpu.vector_load %arg10[%swap3A_649, %swap3A_650] {strides = array<i32>} : memref<16x1024xf32, #tpu.memory_space<vmem>>, vector<1x16xf32>,
        %swap3A_652 = vector.shape_cast %swap3A_651 : vector<1x16xf32> to vector<1x16xf32>
        %swap3A_653 = vector.shape_cast %add3A_648 : vector<1x16xf32> to vector<1x16xf32>
        tpu.vector_store %arg10[%swap3A_649, %swap3A_650], %swap3A_653 {strides = array<i32>} : memref<16x1024xf32, #tpu.memory_space<vmem>>, vector<1x16xf32>,
        %add3A_654 = arith.constant 80 : i32
        %add3A_655 = arith.addi %add3A_575, %add3A_654 : i32
        %get3A_656 = arith.index_cast %add3A_565 : i32 to index
        %get3A_657 = arith.index_cast %add3A_655 : i32 to index
        %get3A_658 = tpu.vector_load %arg6[%get3A_656, %get3A_657] {strides = array<i32>} : memref<16x1024xf32, #tpu.memory_space<vmem>>, vector<1x16xf32>,
        %get3A_659 = vector.shape_cast %get3A_658 : vector<1x16xf32> to vector<1x16xf32>
        %get3A_660 = arith.index_cast %add3A_565 : i32 to index
        %get3A_661 = arith.index_cast %add3A_655 : i32 to index
        %get3A_662 = tpu.vector_load %arg8[%get3A_660, %get3A_661] {strides = array<i32>} : memref<16x1024xf32, #tpu.memory_space<vmem>>, vector<1x16xf32>,
        %get3A_663 = vector.shape_cast %get3A_662 : vector<1x16xf32> to vector<1x16xf32>
        %add3A_664 = arith.addf %get3A_659, %get3A_663 : vector<1x16xf32>
        %swap3A_665 = arith.index_cast %add3A_565 : i32 to index
        %swap3A_666 = arith.index_cast %add3A_655 : i32 to index
        %swap3A_667 = tpu.vector_load %arg10[%swap3A_665, %swap3A_666] {strides = array<i32>} : memref<16x1024xf32, #tpu.memory_space<vmem>>, vector<1x16xf32>,
        %swap3A_668 = vector.shape_cast %swap3A_667 : vector<1x16xf32> to vector<1x16xf32>
        %swap3A_669 = vector.shape_cast %add3A_664 : vector<1x16xf32> to vector<1x16xf32>
        tpu.vector_store %arg10[%swap3A_665, %swap3A_666], %swap3A_669 {strides = array<i32>} : memref<16x1024xf32, #tpu.memory_space<vmem>>, vector<1x16xf32>,
        %add3A_670 = arith.constant 96 : i32
        %add3A_671 = arith.addi %add3A_575, %add3A_670 : i32
        %get3A_672 = arith.index_cast %add3A_565 : i32 to index
        %get3A_673 = arith.index_cast %add3A_671 : i32 to index
        %get3A_674 = tpu.vector_load %arg6[%get3A_672, %get3A_673] {strides = array<i32>} : memref<16x1024xf32, #tpu.memory_space<vmem>>, vector<1x16xf32>,
        %get3A_675 = vector.shape_cast %get3A_674 : vector<1x16xf32> to vector<1x16xf32>
        %get3A_676 = arith.index_cast %add3A_565 : i32 to index
        %get3A_677 = arith.index_cast %add3A_671 : i32 to index
        %get3A_678 = tpu.vector_load %arg8[%get3A_676, %get3A_677] {strides = array<i32>} : memref<16x1024xf32, #tpu.memory_space<vmem>>, vector<1x16xf32>,
        %get3A_679 = vector.shape_cast %get3A_678 : vector<1x16xf32> to vector<1x16xf32>
        %add3A_680 = arith.addf %get3A_675, %get3A_679 : vector<1x16xf32>
        %swap3A_681 = arith.index_cast %add3A_565 : i32 to index
        %swap3A_682 = arith.index_cast %add3A_671 : i32 to index
        %swap3A_683 = tpu.vector_load %arg10[%swap3A_681, %swap3A_682] {strides = array<i32>} : memref<16x1024xf32, #tpu.memory_space<vmem>>, vector<1x16xf32>,
        %swap3A_684 = vector.shape_cast %swap3A_683 : vector<1x16xf32> to vector<1x16xf32>
        %swap3A_685 = vector.shape_cast %add3A_680 : vector<1x16xf32> to vector<1x16xf32>
        tpu.vector_store %arg10[%swap3A_681, %swap3A_682], %swap3A_685 {strides = array<i32>} : memref<16x1024xf32, #tpu.memory_space<vmem>>, vector<1x16xf32>,
        %add3A_686 = arith.constant 112 : i32
        %add3A_687 = arith.addi %add3A_575, %add3A_686 : i32
        %get3A_688 = arith.index_cast %add3A_565 : i32 to index
        %get3A_689 = arith.index_cast %add3A_687 : i32 to index
        %get3A_690 = tpu.vector_load %arg6[%get3A_688, %get3A_689] {strides = array<i32>} : memref<16x1024xf32, #tpu.memory_space<vmem>>, vector<1x16xf32>,
        %get3A_691 = vector.shape_cast %get3A_690 : vector<1x16xf32> to vector<1x16xf32>
        %get3A_692 = arith.index_cast %add3A_565 : i32 to index
        %get3A_693 = arith.index_cast %add3A_687 : i32 to index
        %get3A_694 = tpu.vector_load %arg8[%get3A_692, %get3A_693] {strides = array<i32>} : memref<16x1024xf32, #tpu.memory_space<vmem>>, vector<1x16xf32>,
        %get3A_695 = vector.shape_cast %get3A_694 : vector<1x16xf32> to vector<1x16xf32>
        %add3A_696 = arith.addf %get3A_691, %get3A_695 : vector<1x16xf32>
        %swap3A_697 = arith.index_cast %add3A_565 : i32 to index
        %swap3A_698 = arith.index_cast %add3A_687 : i32 to index
        %swap3A_699 = tpu.vector_load %arg10[%swap3A_697, %swap3A_698] {strides = array<i32>} : memref<16x1024xf32, #tpu.memory_space<vmem>>, vector<1x16xf32>,
        %swap3A_700 = vector.shape_cast %swap3A_699 : vector<1x16xf32> to vector<1x16xf32>
        %swap3A_701 = vector.shape_cast %add3A_696 : vector<1x16xf32> to vector<1x16xf32>
        tpu.vector_store %arg10[%swap3A_697, %swap3A_698], %swap3A_701 {strides = array<i32>} : memref<16x1024xf32, #tpu.memory_space<vmem>>, vector<1x16xf32>,
      }
      %scan3A_570 = arith.constant 8 : i32
    }
    %scan3A_546 = arith.constant 16 : i32
    %add3A_547 = arith.constant 240 : i32
    %add3A_548 = arith.addi %mul3A_2, %add3A_547 : i32
    %dma_start3A_549 = arith.constant 0 : i32
    %dma_start3A_550 = tpu.memref_slice %arg4[%add3A_548, %dma_start3A_549] : memref<8192x1024xf32, #tpu.memory_space<hbm>> -> memref<16x1024xf32, #tpu.memory_space<hbm>>
    %dma_start3A_551 = arith.constant 0 : i32
    %dma_start3A_552 = tpu.memref_slice %arg4[%add3A_548, %dma_start3A_551] : memref<8192x1024xf32, #tpu.memory_space<hbm>> -> memref<16x1024xf32, #tpu.memory_space<hbm>>
    tpu.enqueue_dma source(%arg10 : memref<16x1024xf32, #tpu.memory_space<vmem>>) target(%dma_start3A_552 : memref<16x1024xf32, #tpu.memory_space<hbm>>) target_semaphore(%arg16 : memref<!tpu.dma_semaphore, #tpu.memory_space<semaphore_mem>>)
    %dma_wait3A_553 = arith.constant 0 : i32
    %dma_wait3A_554 = tpu.memref_slice %arg4[%add3A_525, %dma_wait3A_553] : memref<8192x1024xf32, #tpu.memory_space<hbm>> -> memref<16x1024xf32, #tpu.memory_space<hbm>>
    %dma_wait3A_555 = arith.constant 0 : i32
    %dma_wait3A_556 = tpu.memref_slice %arg4[%add3A_525, %dma_wait3A_555] : memref<8192x1024xf32, #tpu.memory_space<hbm>> -> memref<16x1024xf32, #tpu.memory_space<hbm>>
    tpu.wait_dma2 semaphore(%arg15 : memref<!tpu.dma_semaphore, #tpu.memory_space<semaphore_mem>>) src(%arg9 : memref<16x1024xf32, #tpu.memory_space<vmem>>) dst(%dma_wait3A_556 : memref<16x1024xf32, #tpu.memory_space<hbm>>)
    %dma_wait3A_557 = arith.constant 0 : i32
    %dma_wait3A_558 = tpu.memref_slice %arg4[%add3A_548, %dma_wait3A_557] : memref<8192x1024xf32, #tpu.memory_space<hbm>> -> memref<16x1024xf32, #tpu.memory_space<hbm>>
    %dma_wait3A_559 = arith.constant 0 : i32
    %dma_wait3A_560 = tpu.memref_slice %arg4[%add3A_548, %dma_wait3A_559] : memref<8192x1024xf32, #tpu.memory_space<hbm>> -> memref<16x1024xf32, #tpu.memory_space<hbm>>
    tpu.wait_dma2 semaphore(%arg16 : memref<!tpu.dma_semaphore, #tpu.memory_space<semaphore_mem>>) src(%arg10 : memref<16x1024xf32, #tpu.memory_space<vmem>>) dst(%dma_wait3A_560 : memref<16x1024xf32, #tpu.memory_space<hbm>>)
    return
  }
}

</mosaic_0001>

<sc_bundles>
// kernel: kernel.3.cloned.1.call-start
scs
__scs_entry_jumppad:
0x0: {  	(pc) =	sbr.rel $0x88, $3  }
0x1: {  	(tag) =	ssettag $0x0;
	lr =	simm.s32 $0x1  }
0x2: {  	[smem:$0x3F9F] =	sst lr;
	_ =	strace $0xD0000000  }
0x3: {  	_ = 	snop  }
0x4: {  	_ = 	snop  }
0x5: {  	_ = 	snop  }
0x6: {  	_ = 	snop  }
0x7: {  	_ = 	snop  }
__scs_overlays_trampoline_lowered:
0x8: {  	[smem:$0x3FAE] =	sst s0  }
0x9: {  	[smem:$0x3FAF] =	sst s1  }
0xa: {  	[smem:$0x3FB0] =	sst s2  }
0xb: {  	[smem:$0x3FB1] =	sst s3  }
0xc: {  	[smem:$0x3FB2] =	sst s4  }
0xd: {  	[smem:$0x3FB3] =	sst s5  }
0xe: {  	[smem:$0x3FB4] =	sst s6  }
0xf: {  	[smem:$0x3FB5] =	sst s7  }
0x10: {  	[smem:$0x3FB6] =	sst s8  }
0x11: {  	[smem:$0x3FB7] =	sst s9;
	s0 =	simm.s32 @!p0 $0x0  }
0x12: {  	s1 =	sld [smem:$0x3F9D];
	s0 =	simm.s32 @p0 $0x1  }
0x13: {  	[smem:$0x3FB8] =	sst s0;
	s0 =	simm.s32 @!p1 $0x0  }
0x14: {  	s2 =	sld [smem:$0x3F9C];
	s0 =	simm.s32 @p1 $0x1  }
0x15: {  	[smem:$0x3FB9] =	sst s0;
	s0 =	simm.s32 @!p2 $0x0  }
0x16: {  	s3 =	sld [smem:$0x3FDB];
	s0 =	simm.s32 @p2 $0x1  }
0x17: {  	s4 =	simm.s32 $0x1BF5;
	[smem:$0x3FBB] =	sst s0  }
0x18: {  	s0 =	sld [smem:$0x3F9E];
	_ =	swait.ge [sflag:s4], $0x0  }
0x19: {  	s7 =	sld [smem:$0x3F9F]  }
0x1a: {  	s8 =	sadd.s32 $0xFFFFE003, lr  }
0x1b: {  	s9 =	sadd.s32 $0xFFFFFEF7, lr;
	s5 =	simm.s32 $0xFFFFFFFF;
	p2 =	slt.u32 s8, $0xFFFFF086  }
0x1c: {  	p1 =	slt.u32 s9, $0xF7A;
	s5 =	simm.s32 @!p2 $0x0  }
0x1d: {  	s5 =	simm.s32 @p1 $0x1;
	p0 =	seq.s32 s7, s2  }
0x1e: {  	s7 =	smul.u32 @!p0 $0xF7A, s2;
	p2 =	seq.s32 @!p0 s5, $0x0  }
0x1f: {  	s9 =	smul.u32 $0xF7A, s1;
	s8 =	simm.s32 @!p0 $0x1BF5;
	p2 =	por !p2, p0  }
0x20: {  	[sflag:s8] =	ssyncset.s32 @!p0 $0xFFFFF086;
	s6 =	sadd.s32 @!p0 s3, s7;
	s7 =	simm.s32 @!p0 $0x108  }
0x21: {  	s3 =	sadd.s32 s3, s9;
	s6 =	sadd.s32 @!p0 $0x88, s6;
	s7 =	simm.s32 @p2 $0x1082  }
0x22: {  	[simem:s7], [sflag:s8] =	dma.local @!p0 [hbm:s6], $0xF7A  }
0x23: {  	s9 =	sor.u32 $0xD0000000, s2;
	s6 =	simm.s32 $0x108;
	_ =	swait.ge @!p0 [sflag:s8], $0x0  }
0x24: {  	s3 =	sadd.s32 $0x88, s3;
	s6 =	simm.s32 @!p1 $0x1082;
	[sflag:s4] =	ssyncset.s32 $0xFFFFF086  }
0x25: {  	[simem:s6], [sflag:s4] =	dma.local [hbm:s3], $0xF7A  }
0x26: {  	[smem:$0x3F9F] =	sst s1;
	(tag) =	ssettag s2;
	_ =	strace s9  }
0x27: {  	s1 =	sld [smem:$0x3FAF]  }
0x28: {  	s2 =	sld [smem:$0x3FB0]  }
0x29: {  	s4 =	sld [smem:$0x3FB2]  }
0x2a: {  	p0 =	seq.s32 s5, $0x0;
	s5 =	sld [smem:$0x3FB3]  }
0x2b: {  	s6 =	sld [smem:$0x3FB4]  }
0x2c: {  	s7 =	sld [smem:$0x3FB5]  }
0x2d: {  	s3 =	simm.s32 $0x108;
	s8 =	sld [smem:$0x3FB6]  }
0x2e: {  	s3 =	simm.s32 @!p0 $0x1082;
	s9 =	sld [smem:$0x3FB7]  }
0x2f: {  	lr =	sadd.s32 s0, s3;
	s0 =	sld [smem:$0x3FAE]  }
0x30: {  	s3 =	sld [smem:$0x3FB1]  }
0x31: {  	[smem:$0x3FBA] =	sst s10  }
0x32: {  	s10 =	sld [smem:$0x3FB8];
	_ =	sdelay $0x3  }
0x33: {  	p0 =	seq.s32 s10, $0x1;
	s10 =	sld [smem:$0x3FBA];
	_ =	sdelay $0x3  }
0x34: {  	[smem:$0x3FBA] =	sst s10  }
0x35: {  	s10 =	sld [smem:$0x3FB9];
	_ =	sdelay $0x3  }
0x36: {  	p1 =	seq.s32 s10, $0x1;
	s10 =	sld [smem:$0x3FBA];
	_ =	sdelay $0x3  }
0x37: {  	[smem:$0x3FBA] =	sst s10  }
0x38: {  	s10 =	sld [smem:$0x3FBB]  }
0x39: {  	_ = 	snop;
	(pc) =	sbr.ind lr, $3  }
0x3a: {  	_ = 	snop  }
0x3b: {  	_ = 	snop  }
0x3c: {  	p2 =	seq.s32 s10, $0x1;
	s10 =	sld [smem:$0x3FBA]  }
0x3d: {  	_ =	shalt  }
0x3e: {  	_ =	shalt  }
0x3f: {  	_ =	shalt  }
0x40: {  	_ =	shalt  }
0x41: {  	_ =	shalt  }
0x42: {  	_ =	shalt  }
0x43: {  	_ =	shalt  }
0x44: {  	_ =	shalt  }
0x45: {  	_ =	shalt  }
0x46: {  	_ =	shalt  }
0x47: {  	_ =	shalt  }
0x48: {  	_ =	shalt  }
0x49: {  	_ =	shalt  }
0x4a: {  	_ =	shalt  }
0x4b: {  	_ =	shalt  }
0x4c: {  	_ =	shalt  }
0x4d: {  	_ =	shalt  }
0x4e: {  	_ =	shalt  }
0x4f: {  	_ =	shalt  }
0x50: {  	_ =	shalt  }
0x51: {  	_ =	shalt  }
0x52: {  	_ =	shalt  }
0x53: {  	_ =	shalt  }
0x54: {  	_ =	shalt  }
0x55: {  	_ =	shalt  }
0x56: {  	_ =	shalt  }
0x57: {  	_ =	shalt  }
0x58: {  	_ =	shalt  }
0x59: {  	_ =	shalt  }
0x5a: {  	_ =	shalt  }
0x5b: {  	_ =	shalt  }
0x5c: {  	_ =	shalt  }
0x5d: {  	_ =	shalt  }
0x5e: {  	_ =	shalt  }
0x5f: {  	_ =	shalt  }
0x60: {  	_ =	shalt  }
0x61: {  	_ =	shalt  }
0x62: {  	_ =	shalt  }
0x63: {  	_ =	shalt  }
0x64: {  	_ =	shalt  }
0x65: {  	_ =	shalt  }
0x66: {  	_ =	shalt  }
0x67: {  	_ =	shalt  }
0x68: {  	_ =	shalt  }
0x69: {  	_ =	shalt  }
0x6a: {  	_ =	shalt  }
0x6b: {  	_ =	shalt  }
0x6c: {  	_ =	shalt  }
0x6d: {  	_ =	shalt  }
0x6e: {  	_ =	shalt  }
0x6f: {  	_ =	shalt  }
0x70: {  	_ =	shalt  }
0x71: {  	_ =	shalt  }
0x72: {  	_ =	shalt  }
0x73: {  	_ =	shalt  }
0x74: {  	_ =	shalt  }
0x75: {  	_ =	shalt  }
0x76: {  	_ =	shalt  }
0x77: {  	_ =	shalt  }
0x78: {  	_ =	shalt  }
0x79: {  	_ =	shalt  }
0x7a: {  	_ =	shalt  }
0x7b: {  	_ =	shalt  }
0x7c: {  	_ =	shalt  }
0x7d: {  	_ =	shalt  }
0x7e: {  	_ =	shalt  }
0x7f: {  	_ =	shalt  }
0x80: {  	_ =	shalt  }
0x81: {  	_ =	shalt  }
0x82: {  	_ =	shalt  }
0x83: {  	_ =	shalt  }
0x84: {  	_ =	shalt  }
0x85: {  	_ =	shalt  }
0x86: {  	_ =	shalt  }
0x87: {  	_ =	shalt  }
.Lfunc_end0:
.L_simem_size_0:
called_computation_lowered:
.L_overlay_start_0:
0x88: {  	s2 =	sld [smem:$0x3FD9]  }
0x89: {  	s3 =	sld [smem:$0x3FFE];
	_ =	sdelay $0x1  }
0x8a: {  	s1 =	srdreg.scid  }
0x8b: {  	s0 =	sand.u32 $0x1, s1  }
0x8c: {  	s18 =	sshll.u32 s0, $0xA;
	s2 =	sadd.s32 s3, s2  }
0x8d: {  	s2 =	sadd.s32 s2, s18  }
0x8e: {  	[smem:$0x3FC6] =	sst s2  }
0x8f: {  	_ = 	snop  }
0x90: {  	s2 =	sld [smem:$0x3FC9]  }
0x91: {  	s19 =	sld [smem:$0x3FC8]  }
0x92: {  	s4 =	sld [smem:$0x3FD0];
	(tm) =	ssettm $0x1  }
0x93: {  	s5 =	sld [smem:$0x3FFB];
	_ =	sdelay $0x3  }
0x94: {  	_ =	strace s5  }
0x95: {  	s5 =	sld [smem:$0x3FFC];
	_ =	sdelay $0x3  }
0x96: {  	_ =	strace s5  }
0x97: {  	s5 =	sld [smem:$0x3FFD];
	_ =	sdelay $0x3  }
0x98: {  	_ =	strace s5  }
0x99: {  	_ =	strace $0x8FFFFFFF  }
0x9a: {  	s20 =	sld [smem:$0x3FDB];
	_ =	sdelay $0x1  }
0x9b: {  	s6 =	simm.s32 $_scs_section_size  }
0x9c: {  	s7 =	simm.s32 $_size__tile_overlayer_lowered;
	s8 =	simm.s32 $_tile_overlayer_lowered  }
0x9d: {  	s23 =	simm.s32 $0x1BFF;
	s22 =	sshll.u32 s8, $0x1;
	s5 =	sadd.s32 s6, s20  }
0x9e: {  	s9 =	simm.s32 $0x0;
	s21 =	sshll.u32 s7, $0x1;
	s7 =	sadd.s32 s22, s5  }
0x9f: {  	[timem:s9], [sflag:s23] =	dma.local [hbm:s7], s21  }
0xa0: {  	_ =	swait.ge [sflag:s23], s21  }
0xa1: {  	s6 =	ssub.s32 $0x0, s21;
	[sflag:s23] =	ssyncset.done $0x0  }
0xa2: {  	[sflag:s23] =	ssyncadd.s32 s6;
	_ =	sdelay $0x1  }
0xa3: {  	s24 =	simm.s32 $0x1B8B  }
0xa4: {  	_ =	swait.ge [sflag:s24], $0x1  }
0xa5: {  	[sflag:s24] =	ssyncset.done $0x0  }
0xa6: {  	s25 =	simm.s32 $0x1B8E;
	[sflag:s24] =	ssyncadd.s32 $0xFFFFFFFF  }
0xa7: {  	s26 =	simm.s32 $execute0_lowered;
	[smem:$0x3FD2] =	sst s25  }
0xa8: {  	s6 =	sshll.u32 s26, $0x1;
	_ =	strace $0x80000046;
	[dreg:$0x1] =	wrdreg $0xFFFFFFFF  }
0xa9: {  	s28 =	simm.s32 $_size_execute0_lowered;
	s5 =	sadd.s32 s5, s6;
	[dreg:$0x0] =	wrdreg $0x0  }
0xaa: {  	s6 =	sshll.u32 s28, $0x1;
	[dreg:$0x2] =	wrdreg s5  }
0xab: {  	[dreg:$0x3] =	wrdreg s6  }
0xac: {  	[dreg:$0x4] =	wrdreg $0xC0  }
0xad: {  	_ =	task [dreg:s9], $0x5FFFF  }
0xae: {  	[dreg:$0x1] =	wrdreg $0xFFFFFFFF  }
0xaf: {  	[dreg:$0x0] =	wrdreg $0x60  }
0xb0: {  	[dreg:$0x2] =	wrdreg s2  }
0xb1: {  	[dreg:$0x3] =	wrdreg s19  }
0xb2: {  	[dreg:$0x4] =	wrdreg s4  }
0xb3: {  	[dreg:$0x5] =	wrdreg $0x9  }
0xb4: {  	_ =	task.clear_ibuf [dreg:s9], $0x6FFFF;
	_ =	strace $0x90000046  }
0xb5: {  	s29 =	simm.s32 $0x9;
	_ =	strace $0x80000048  }
0xb6: {  	_ =	swait.ge [sflag:s29], $0x1  }
0xb7: {  	[sflag:s29] =	ssyncadd.s32 $0xFFFFFFFF  }
0xb8: {  	_ =	strace $0x90000048  }
0xb9: {  	_ =	sfence  }
0xba: {  	s30 =	sld [smem:$0x0];
	_ =	sdelay $0x2  }
0xbb: {  	s31 =	sshll.u32 s1, $0xD;
	s1 =	sshrl.u32 s1, $0x2  }
0xbc: {  	s3 =	sand.u32 $0x4000, s31;
	s1 =	sadd.s32 s1, s30  }
0xbd: {  	s0 =	sor.u32 s3, s0;
	s1 =	sshll.u32 s1, $0x11  }
0xbe: {  	s0 =	sor.u32 s1, s0  }
0xbf: {  	s0 =	sadd.s32 $0x8F2B, s0  }
0xc0: {  	[sflag:s0] =	ssyncadd.remote.s32 $0x1  }
0xc1: {  	_ =	sfence.sel $0xFFFF  }
0xc2: {  	[dreg:$0x0] =	wrdreg $0xFFFFFFFF;
	(pc) =	sbr.abs _section_cstart, $3  }
0xc3: {  	[dreg:$0x1] =	wrdreg $0xFFFFFFFF  }
0xc4: {  	_ =	task.clear_ibuf [dreg:s9], $0x2FFFF;
	_ =	strace $0x9FFFFFFF  }
0xc5: {  	(tm) =	ssettm $0x7FFFFFFF  }
tec
execute0_lowered:
.L_overlay_start_1:
0x0: {  	(tag) =	ssettag $0x1  }
0x1: {  	s0 =	rddreg [dreg:$0x0];
	s1 =	srdreg.scid  }
0x2: {  	s2 =	rddreg [dreg:$0x1];
	s5 =	stileid.u32;
	s1 =	sand.u32 $0x1, s1  }
0x3: {  	s3 =	rddreg [dreg:$0x2];
	s5 =	sshll.u32 s5, $0x10;
	s6 =	sshll.u32 s1, $0xF  }
0x4: {  	s4 =	ssub.s32 $0x2, s1;
	s1 =	simm.s32 $0x0;
	s5 =	sor.u32 s6, s5  }
0x5: {  	s7 =	sshrl.u32 s4, $0x1;
	[smem:$0x7FF] =	sst s1;
	s24 =	sor.u32 $0x800, s5  }
0x6: {  	s6 =	sand.u32 $0x38000, s5;
	s25 =	sor.u32 $0x1000, s5;
	s8 =	sadd.s32 s0, s24  }
0x7: {  	s9 =	sor.u32 $0x1800, s5;
	s26 =	sadd.s32 s0, s25;
	[dreg:$0x4] =	wrdreg s8  }
0x8: {  	s2 =	sadd.s32 s2, s6;
	s6 =	sadd.s32 s3, s24;
	[dreg:$0x5] =	wrdreg s26  }
0x9: {  	s4 =	ssub.s32 s4, s7;
	s10 =	sadd.s32 s0, s9;
	[dreg:$0x6] =	wrdreg s6  }
0xa: {  	s11 =	sor.u32 $0x2000, s5;
	s7 =	sadd.s32 s3, s25;
	[dreg:$0x7] =	wrdreg s10  }
0xb: {  	s13 =	sor.u32 $0x2800, s5;
	s12 =	sadd.s32 s0, s11;
	[dreg:$0x8] =	wrdreg s7  }
0xc: {  	s15 =	sor.u32 $0x3000, s5;
	s14 =	sadd.s32 s0, s13;
	[dreg:$0x9] =	wrdreg s12  }
0xd: {  	s17 =	sor.u32 $0x3800, s5;
	s16 =	sadd.s32 s0, s15;
	[dreg:$0xb] =	wrdreg s14  }
0xe: {  	s19 =	sor.u32 $0x4000, s5;
	s18 =	sadd.s32 s0, s17;
	[dreg:$0xd] =	wrdreg s16  }
0xf: {  	s21 =	sor.u32 $0x4800, s5;
	s20 =	sadd.s32 s0, s19;
	[dreg:$0xf] =	wrdreg s18  }
0x10: {  	s28 =	simm.s32 $0x10000;
	s22 =	sadd.s32 s0, s21;
	[dreg:$0x11] =	wrdreg s20  }
0x11: {  	s29 =	simm.s32 $0x2;
	s23 =	sadd.s32 s3, s19;
	[dreg:$0x13] =	wrdreg s22  }
0x12: {  	s30 =	simm.s32 $0x4;
	s25 =	sadd.s32 s3, s21;
	[dreg:$0x14] =	wrdreg s23  }
0x13: {  	s31 =	simm.s32 $0x14000;
	s19 =	sadd.s32 s3, s5;
	[dreg:$0x15] =	wrdreg s25  }
0x14: {  	s24 =	sor.u32 $0x5000, s5;
	s8 =	sadd.s32 s3, s9;
	[dreg:$0x1f] =	wrdreg s19  }
0x15: {  	s6 =	sadd.s32 s3, s11;
	s7 =	sadd.s32 s3, s13;
	[dreg:$0xa] =	wrdreg s8  }
0x16: {  	s26 =	sor.u32 $0x5800, s5;
	s9 =	sadd.s32 s0, s24;
	[dreg:$0xc] =	wrdreg s6  }
0x17: {  	s12 =	sor.u32 $0x6000, s5;
	s13 =	sor.u32 $0x6800, s5;
	[dreg:$0xe] =	wrdreg s7  }
0x18: {  	s18 =	sor.u32 $0x7000, s5;
	s8 =	sadd.s32 s3, s15;
	[dreg:$0x16] =	wrdreg s9  }
0x19: {  	s23 =	smax.u32 s4, $0x1;
	s6 =	sadd.s32 s3, s17;
	[dreg:$0x10] =	wrdreg s8  }
0x1a: {  	s25 =	sadd.s32 $0x1000, s2;
	s10 =	sadd.s32 s0, s26;
	[dreg:$0x12] =	wrdreg s6  }
0x1b: {  	s19 =	sadd.s32 $0x6800, s2;
	s11 =	sadd.s32 s3, s26;
	[dreg:$0x18] =	wrdreg s10  }
0x1c: {  	s4 =	simm.s32 $0x0;
	s14 =	sadd.s32 s0, s12;
	[dreg:$0x19] =	wrdreg s11  }
0x1d: {  	s15 =	sadd.s32 s0, s13;
	s16 =	sadd.s32 s3, s13;
	[dreg:$0x1a] =	wrdreg s14  }
0x1e: {  	s17 =	sadd.s32 s0, s5;
	s5 =	sor.u32 $0x7800, s5;
	[dreg:$0x1c] =	wrdreg s15  }
0x1f: {  	s20 =	sadd.s32 s0, s18;
	s21 =	sadd.s32 s3, s18;
	[dreg:$0x1d] =	wrdreg s16  }
0x20: {  	s26 =	sadd.s32 $0x1800, s2;
	s13 =	sadd.s32 $0x3800, s2;
	[dreg:$0x1e] =	wrdreg s17  }
0x21: {  	s18 =	sadd.s32 $0x6000, s2;
	s6 =	sadd.s32 s3, s24;
	[smem:$0x7F6] =	sst s20  }
0x22: {  	s0 =	sadd.s32 s0, s5;
	[smem:$0x7F8] =	sst s21;
	s22 =	sadd.s32 s3, s5  }
0x23: {  	s24 =	sadd.s32 $0x800, s2;
	s10 =	sadd.s32 $0x2000, s2;
	[dreg:$0x17] =	wrdreg s6  }
0x24: {  	s11 =	sadd.s32 $0x2800, s2;
	s14 =	sadd.s32 $0x4000, s2;
	[smem:$0x7F7] =	sst s0  }
0x25: {  	s15 =	sadd.s32 $0x4800, s2;
	s6 =	sadd.s32 s3, s12;
	[smem:$0x7F9] =	sst s22  }
0x26: {  	s16 =	sadd.s32 $0x5000, s2;
	s17 =	sadd.s32 $0x5800, s2;
	[dreg:$0x1b] =	wrdreg s6  }
0x27: {  	s20 =	sadd.s32 $0x7000, s2;
	_ =	strace $0x80000047;
	[smem:$0x7FA] =	sst s23  }
0x28: {  	s21 =	sadd.s32 $0x7800, s2;
	s12 =	sadd.s32 $0x3000, s2;
	[smem:$0x7FB] =	sst s24  }
0x29: {  	s22 =	simm.s32 $0x8000;
	s0 =	simm.s32 $0x5;
	[smem:$0x7FC] =	sst s25  }
0x2a: {  	s3 =	simm.s32 $0x6;
	[smem:$0x7FD] =	sst s26;
	s23 =	simm.s32 $0x4000  }
0x2b: {  	s24 =	simm.s32 $0xC000;
	s25 =	simm.s32 $0x1;
	s26 =	simm.s32 $0x3  }
.LBB2_1:
0x2c: {  	s5 =	rddreg [dreg:$0x1e]  }
0x2d: {  	[tilespmem:s1], [sflag:$0x1] =	stream.linear.gather [hbm4b:s5+s1], $0x4000, $0x38;
	[tilespmem:$0x18000] =	vst v63  }
0x2e: {  	s8 =	rddreg [dreg:$0x4]  }
0x2f: {  	[tilespmem:s22], [sflag:$0x3] =	stream.linear.gather [hbm4b:s2+s1], $0x4000, $0x38;
	[tilespmem:$0x18000] =	vst v63  }
0x30: {  	s9 =	sld [smem:$0x7FB]  }
0x31: {  	[tilespmem:s23], [sflag:$0x2] =	stream.linear.gather [hbm4b:s8+s1], $0x4000, $0x38;
	[tilespmem:$0x18000] =	vst v63  }
0x32: {  	_ = 	snop  }
0x33: {  	[tilespmem:s24], [sflag:$0x4] =	stream.linear.gather [hbm4b:s9+s1], $0x4000, $0x38;
	[tilespmem:$0x18000] =	vst v63  }
0x34: {  	_ =	swait.ge [sflag:s25], $0x4000  }
0x35: {  	[sflag:s25] =	ssyncset.done $0x0  }
0x36: {  	[sflag:s25] =	ssyncadd.s32 $0xFFFFC000  }
0x37: {  	_ =	swait.ge [sflag:s26], $0x4000  }
0x38: {  	[sflag:s26] =	ssyncset.done $0x0  }
0x39: {  	s6 =	simm.s32 $0x0;
	s5 =	simm.s32 $0x0;
	[sflag:s26] =	ssyncadd.s32 $0xFFFFC000  }
.LBB2_2:
0x3a: {  	s7 =	sshll.u32 s6, $0xC;
	s8 =	sand.u32 $0x7, s5  }
0x3b: {  	s7 =	sand.u32 $0xFFFF8000, s7;
	s8 =	sshll.u32 s8, $0x9  }
0x3c: {  	s7 =	sor.u32 s8, s7  }
0x3d: {  	s8 =	sshrl.u32 s7, $0x2  }
0x3e: {  	s7 =	sor.u32 $0x40, s8  }
0x3f: {  	s9 =	sadd.s32 $0x8070, s8;
	v1 =	vmov s7  }
0x40: {  	v0 =	vmov s9;
	_ =	sdelay $0x2  }
0x41: {  	s7 =	simm.s32 $0x0  }
0x42: {  	v3 =	vld.idx.msk [tilespmem:v1+s7+$0xFFFFFFC0 ss:$0x1], $0xffff  }
0x43: {  	v4 =	vld.idx.msk [tilespmem:v0+s7+$0xFFFFFF90 ss:$0x1], $0xffff  }
0x44: {  	s8 =	sadd.s32 $0x10070, s8  }
0x45: {  	v2 =	vmov s8;
	_ =	sdelay $0x2  }
0x46: {  	v3 =	vadd.f32 v4, v3;
	_ =	sdelay $0x1  }
0x47: {  	[tilespmem:v2+s7+$0xFFFFFF90 ss:$0x1] =	vst.idx.msk $0xffff, v3  }
0x48: {  	v3 =	vld.idx.msk [tilespmem:v1+s7+$0xFFFFFFD0 ss:$0x1], $0xffff  }
0x49: {  	v4 =	vld.idx.msk [tilespmem:v0+s7+$0xFFFFFFA0 ss:$0x1], $0xffff;
	_ =	sdelay $0x4  }
0x4a: {  	v3 =	vadd.f32 v4, v3;
	_ =	sdelay $0x1  }
0x4b: {  	[tilespmem:v2+s7+$0xFFFFFFA0 ss:$0x1] =	vst.idx.msk $0xffff, v3  }
0x4c: {  	v3 =	vld.idx.msk [tilespmem:v1+s7+$0xFFFFFFE0 ss:$0x1], $0xffff  }
0x4d: {  	v4 =	vld.idx.msk [tilespmem:v0+s7+$0xFFFFFFB0 ss:$0x1], $0xffff;
	_ =	sdelay $0x4  }
0x4e: {  	v3 =	vadd.f32 v4, v3;
	_ =	sdelay $0x1  }
0x4f: {  	[tilespmem:v2+s7+$0xFFFFFFB0 ss:$0x1] =	vst.idx.msk $0xffff, v3  }
0x50: {  	v3 =	vld.idx.msk [tilespmem:v1+s7+$0xFFFFFFF0 ss:$0x1], $0xffff  }
0x51: {  	v4 =	vld.idx.msk [tilespmem:v0+s7+$0xFFFFFFC0 ss:$0x1], $0xffff;
	_ =	sdelay $0x4  }
0x52: {  	v3 =	vadd.f32 v4, v3;
	_ =	sdelay $0x1  }
0x53: {  	[tilespmem:v2+s7+$0xFFFFFFC0 ss:$0x1] =	vst.idx.msk $0xffff, v3  }
0x54: {  	v3 =	vld.idx.msk [tilespmem:v1+s7+$0x0 ss:$0x1], $0xffff  }
0x55: {  	v4 =	vld.idx.msk [tilespmem:v0+s7+$0xFFFFFFD0 ss:$0x1], $0xffff;
	_ =	sdelay $0x4  }
0x56: {  	v3 =	vadd.f32 v4, v3;
	_ =	sdelay $0x1  }
0x57: {  	[tilespmem:v2+s7+$0xFFFFFFD0 ss:$0x1] =	vst.idx.msk $0xffff, v3  }
0x58: {  	v3 =	vld.idx.msk [tilespmem:v1+s7+$0x10 ss:$0x1], $0xffff  }
0x59: {  	v4 =	vld.idx.msk [tilespmem:v0+s7+$0xFFFFFFE0 ss:$0x1], $0xffff;
	_ =	sdelay $0x4  }
0x5a: {  	v3 =	vadd.f32 v4, v3;
	_ =	sdelay $0x1  }
0x5b: {  	[tilespmem:v2+s7+$0xFFFFFFE0 ss:$0x1] =	vst.idx.msk $0xffff, v3  }
0x5c: {  	v3 =	vld.idx.msk [tilespmem:v1+s7+$0x20 ss:$0x1], $0xffff  }
0x5d: {  	v4 =	vld.idx.msk [tilespmem:v0+s7+$0xFFFFFFF0 ss:$0x1], $0xffff;
	_ =	sdelay $0x4  }
0x5e: {  	v3 =	vadd.f32 v4, v3;
	_ =	sdelay $0x1  }
0x5f: {  	[tilespmem:v2+s7+$0xFFFFFFF0 ss:$0x1] =	vst.idx.msk $0xffff, v3  }
0x60: {  	s8 =	simm.s32 $0x1000;
	v3 =	vld.idx.msk [tilespmem:v1+s7+$0x30 ss:$0x1], $0xffff  }
.LBB2_3:
0x61: {  	p0 =	sne.s32 s8, $0x7000;
	v4 =	vld.idx.msk [tilespmem:v0+s7+$0x0 ss:$0x1], $0xffff;
	s9 =	smov.u32 s8;
	s8 =	sadd.s32 $0x1000, s8  }
0x62: {  	_ =	sdelay $0x4  }
0x63: {  	v3 =	vadd.f32 v4, v3;
	_ =	sdelay $0x1  }
0x64: {  	[tilespmem:v2+s7+$0x0 ss:$0x1] =	vst.idx.msk $0xffff, v3;
	s7 =	sshra.s32 s9, $0x2  }
0x65: {  	v3 =	vld.idx.msk [tilespmem:v1+s7+$0xFFFFFFC0 ss:$0x1], $0xffff  }
0x66: {  	v4 =	vld.idx.msk [tilespmem:v0+s7+$0xFFFFFF90 ss:$0x1], $0xffff;
	_ =	sdelay $0x5  }
0x67: {  	v3 =	vadd.f32 v4, v3;
	_ =	sdelay $0x1  }
0x68: {  	[tilespmem:v2+s7+$0xFFFFFF90 ss:$0x1] =	vst.idx.msk $0xffff, v3  }
0x69: {  	v3 =	vld.idx.msk [tilespmem:v1+s7+$0xFFFFFFD0 ss:$0x1], $0xffff  }
0x6a: {  	v4 =	vld.idx.msk [tilespmem:v0+s7+$0xFFFFFFA0 ss:$0x1], $0xffff;
	_ =	sdelay $0x5  }
0x6b: {  	v3 =	vadd.f32 v4, v3;
	_ =	sdelay $0x1  }
0x6c: {  	[tilespmem:v2+s7+$0xFFFFFFA0 ss:$0x1] =	vst.idx.msk $0xffff, v3  }
0x6d: {  	v3 =	vld.idx.msk [tilespmem:v1+s7+$0xFFFFFFE0 ss:$0x1], $0xffff  }
0x6e: {  	v4 =	vld.idx.msk [tilespmem:v0+s7+$0xFFFFFFB0 ss:$0x1], $0xffff;
	_ =	sdelay $0x5  }
0x6f: {  	v3 =	vadd.f32 v4, v3;
	_ =	sdelay $0x1  }
0x70: {  	[tilespmem:v2+s7+$0xFFFFFFB0 ss:$0x1] =	vst.idx.msk $0xffff, v3  }
0x71: {  	v3 =	vld.idx.msk [tilespmem:v1+s7+$0xFFFFFFF0 ss:$0x1], $0xffff  }
0x72: {  	v4 =	vld.idx.msk [tilespmem:v0+s7+$0xFFFFFFC0 ss:$0x1], $0xffff;
	_ =	sdelay $0x5  }
0x73: {  	v3 =	vadd.f32 v4, v3;
	_ =	sdelay $0x1  }
0x74: {  	[tilespmem:v2+s7+$0xFFFFFFC0 ss:$0x1] =	vst.idx.msk $0xffff, v3  }
0x75: {  	v3 =	vld.idx.msk [tilespmem:v1+s7+$0x0 ss:$0x1], $0xffff  }
0x76: {  	v4 =	vld.idx.msk [tilespmem:v0+s7+$0xFFFFFFD0 ss:$0x1], $0xffff;
	_ =	sdelay $0x5  }
0x77: {  	v3 =	vadd.f32 v4, v3;
	_ =	sdelay $0x1  }
0x78: {  	[tilespmem:v2+s7+$0xFFFFFFD0 ss:$0x1] =	vst.idx.msk $0xffff, v3  }
0x79: {  	v3 =	vld.idx.msk [tilespmem:v1+s7+$0x10 ss:$0x1], $0xffff  }
0x7a: {  	v4 =	vld.idx.msk [tilespmem:v0+s7+$0xFFFFFFE0 ss:$0x1], $0xffff;
	_ =	sdelay $0x5  }
0x7b: {  	v3 =	vadd.f32 v4, v3;
	_ =	sdelay $0x1  }
0x7c: {  	[tilespmem:v2+s7+$0xFFFFFFE0 ss:$0x1] =	vst.idx.msk $0xffff, v3  }
0x7d: {  	v3 =	vld.idx.msk [tilespmem:v1+s7+$0x20 ss:$0x1], $0xffff  }
0x7e: {  	v4 =	vld.idx.msk [tilespmem:v0+s7+$0xFFFFFFF0 ss:$0x1], $0xffff;
	_ =	sdelay $0x4  }
.Ltmp0:
0x7f: {  	(pc) =	sbr.rel @p0 .LBB2_3-.Ltmp0, $3  }
0x80: {  	v3 =	vadd.f32 v4, v3;
	_ =	sdelay $0x1  }
0x81: {  	[tilespmem:v2+s7+$0xFFFFFFF0 ss:$0x1] =	vst.idx.msk $0xffff, v3  }
0x82: {  	v3 =	vld.idx.msk [tilespmem:v1+s7+$0x30 ss:$0x1], $0xffff  }
0x83: {  	_ =	sdelay $0x3  }
0x84: {  	v0 =	vld.idx.msk [tilespmem:v0+s7+$0x0 ss:$0x1], $0xffff  }
0x85: {  	s6 =	sadd.s32 $0x1, s6  }
0x86: {  	p0 =	sne.s32 s6, $0x10  }
.Ltmp1:
0x87: {  	_ = 	snop;
	(pc) =	sbr.rel @p0 .LBB2_2-.Ltmp1, $3  }
0x88: {  	_ = 	snop  }
0x89: {  	v0 =	vadd.f32 v0, v3;
	_ =	sdelay $0x1  }
0x8a: {  	s5 =	sadd.s32 $0x1, s5;
	[tilespmem:v2+s7+$0x0 ss:$0x1] =	vst.idx.msk $0xffff, v0  }
0x8b: {  	s6 =	rddreg [dreg:$0x1f]  }
0x8c: {  	s5 =	simm.s32 $0x0;
	s8 =	rddreg [dreg:$0x5]  }
0x8d: {  	[hbm4b:s6+s5] =	stream.linear.scatter [tilespmem:s28], [sflag:$0x5], $0x4000, $0x38;
	[tilespmem:$0x18000] =	vst v63  }
0x8e: {  	s9 =	sld [smem:$0x7FC]  }
0x8f: {  	[tilespmem:s5], [sflag:$0x1] =	stream.linear.gather [hbm4b:s8+s5], $0x4000, $0x38;
	[tilespmem:$0x18000] =	vst v63  }
0x90: {  	_ = 	snop  }
0x91: {  	[tilespmem:s22], [sflag:$0x3] =	stream.linear.gather [hbm4b:s9+s5], $0x4000, $0x38;
	[tilespmem:$0x18000] =	vst v63  }
0x92: {  	_ =	swait.ge [sflag:s29], $0x4000  }
0x93: {  	[sflag:s29] =	ssyncset.done $0x0  }
0x94: {  	[sflag:s29] =	ssyncadd.s32 $0xFFFFC000  }
0x95: {  	_ =	swait.ge [sflag:s30], $0x4000  }
0x96: {  	[sflag:s30] =	ssyncset.done $0x0  }
0x97: {  	s6 =	simm.s32 $0x0;
	[sflag:s30] =	ssyncadd.s32 $0xFFFFC000  }
.LBB2_6:
0x98: {  	s7 =	sshll.u32 s6, $0xC;
	s8 =	sand.u32 $0x7, s5  }
0x99: {  	s7 =	sand.u32 $0xFFFF8000, s7;
	s8 =	sshll.u32 s8, $0x9  }
0x9a: {  	s7 =	sor.u32 s8, s7  }
0x9b: {  	s8 =	sshrl.u32 s7, $0x2  }
0x9c: {  	s7 =	sadd.s32 $0x4040, s8  }
0x9d: {  	s9 =	sadd.s32 $0xC070, s8;
	v1 =	vmov s7  }
0x9e: {  	v0 =	vmov s9;
	_ =	sdelay $0x2  }
0x9f: {  	s7 =	simm.s32 $0x0  }
0xa0: {  	v3 =	vld.idx.msk [tilespmem:v1+s7+$0xFFFFFFC0 ss:$0x1], $0xffff  }
0xa1: {  	v4 =	vld.idx.msk [tilespmem:v0+s7+$0xFFFFFF90 ss:$0x1], $0xffff  }
0xa2: {  	s8 =	sadd.s32 $0x14070, s8  }
0xa3: {  	v2 =	vmov s8;
	_ =	sdelay $0x2  }
0xa4: {  	v3 =	vadd.f32 v4, v3;
	_ =	sdelay $0x1  }
0xa5: {  	[tilespmem:v2+s7+$0xFFFFFF90 ss:$0x1] =	vst.idx.msk $0xffff, v3  }
0xa6: {  	v3 =	vld.idx.msk [tilespmem:v1+s7+$0xFFFFFFD0 ss:$0x1], $0xffff  }
0xa7: {  	v4 =	vld.idx.msk [tilespmem:v0+s7+$0xFFFFFFA0 ss:$0x1], $0xffff;
	_ =	sdelay $0x4  }
0xa8: {  	v3 =	vadd.f32 v4, v3;
	_ =	sdelay $0x1  }
0xa9: {  	[tilespmem:v2+s7+$0xFFFFFFA0 ss:$0x1] =	vst.idx.msk $0xffff, v3  }
0xaa: {  	v3 =	vld.idx.msk [tilespmem:v1+s7+$0xFFFFFFE0 ss:$0x1], $0xffff  }
0xab: {  	v4 =	vld.idx.msk [tilespmem:v0+s7+$0xFFFFFFB0 ss:$0x1], $0xffff;
	_ =	sdelay $0x4  }
0xac: {  	v3 =	vadd.f32 v4, v3;
	_ =	sdelay $0x1  }
0xad: {  	[tilespmem:v2+s7+$0xFFFFFFB0 ss:$0x1] =	vst.idx.msk $0xffff, v3  }
0xae: {  	v3 =	vld.idx.msk [tilespmem:v1+s7+$0xFFFFFFF0 ss:$0x1], $0xffff  }
0xaf: {  	v4 =	vld.idx.msk [tilespmem:v0+s7+$0xFFFFFFC0 ss:$0x1], $0xffff;
	_ =	sdelay $0x4  }
0xb0: {  	v3 =	vadd.f32 v4, v3;
	_ =	sdelay $0x1  }
0xb1: {  	[tilespmem:v2+s7+$0xFFFFFFC0 ss:$0x1] =	vst.idx.msk $0xffff, v3  }
0xb2: {  	v3 =	vld.idx.msk [tilespmem:v1+s7+$0x0 ss:$0x1], $0xffff  }
0xb3: {  	v4 =	vld.idx.msk [tilespmem:v0+s7+$0xFFFFFFD0 ss:$0x1], $0xffff;
	_ =	sdelay $0x4  }
0xb4: {  	v3 =	vadd.f32 v4, v3;
	_ =	sdelay $0x1  }
0xb5: {  	[tilespmem:v2+s7+$0xFFFFFFD0 ss:$0x1] =	vst.idx.msk $0xffff, v3  }
0xb6: {  	v3 =	vld.idx.msk [tilespmem:v1+s7+$0x10 ss:$0x1], $0xffff  }
0xb7: {  	v4 =	vld.idx.msk [tilespmem:v0+s7+$0xFFFFFFE0 ss:$0x1], $0xffff;
	_ =	sdelay $0x4  }
0xb8: {  	v3 =	vadd.f32 v4, v3;
	_ =	sdelay $0x1  }
0xb9: {  	[tilespmem:v2+s7+$0xFFFFFFE0 ss:$0x1] =	vst.idx.msk $0xffff, v3  }
0xba: {  	v3 =	vld.idx.msk [tilespmem:v1+s7+$0x20 ss:$0x1], $0xffff  }
0xbb: {  	v4 =	vld.idx.msk [tilespmem:v0+s7+$0xFFFFFFF0 ss:$0x1], $0xffff;
	_ =	sdelay $0x4  }
0xbc: {  	v3 =	vadd.f32 v4, v3;
	_ =	sdelay $0x1  }
0xbd: {  	[tilespmem:v2+s7+$0xFFFFFFF0 ss:$0x1] =	vst.idx.msk $0xffff, v3  }
0xbe: {  	s8 =	simm.s32 $0x1000;
	v3 =	vld.idx.msk [tilespmem:v1+s7+$0x30 ss:$0x1], $0xffff  }
.LBB2_7:
0xbf: {  	p0 =	sne.s32 s8, $0x7000;
	v4 =	vld.idx.msk [tilespmem:v0+s7+$0x0 ss:$0x1], $0xffff;
	s9 =	smov.u32 s8;
	s8 =	sadd.s32 $0x1000, s8  }
0xc0: {  	_ =	sdelay $0x4  }
0xc1: {  	v3 =	vadd.f32 v4, v3;
	_ =	sdelay $0x1  }
0xc2: {  	[tilespmem:v2+s7+$0x0 ss:$0x1] =	vst.idx.msk $0xffff, v3;
	s7 =	sshra.s32 s9, $0x2  }
0xc3: {  	v3 =	vld.idx.msk [tilespmem:v1+s7+$0xFFFFFFC0 ss:$0x1], $0xffff  }
0xc4: {  	v4 =	vld.idx.msk [tilespmem:v0+s7+$0xFFFFFF90 ss:$0x1], $0xffff;
	_ =	sdelay $0x5  }
0xc5: {  	v3 =	vadd.f32 v4, v3;
	_ =	sdelay $0x1  }
0xc6: {  	[tilespmem:v2+s7+$0xFFFFFF90 ss:$0x1] =	vst.idx.msk $0xffff, v3  }
0xc7: {  	v3 =	vld.idx.msk [tilespmem:v1+s7+$0xFFFFFFD0 ss:$0x1], $0xffff  }
0xc8: {  	v4 =	vld.idx.msk [tilespmem:v0+s7+$0xFFFFFFA0 ss:$0x1], $0xffff;
	_ =	sdelay $0x5  }
0xc9: {  	v3 =	vadd.f32 v4, v3;
	_ =	sdelay $0x1  }
0xca: {  	[tilespmem:v2+s7+$0xFFFFFFA0 ss:$0x1] =	vst.idx.msk $0xffff, v3  }
0xcb: {  	v3 =	vld.idx.msk [tilespmem:v1+s7+$0xFFFFFFE0 ss:$0x1], $0xffff  }
0xcc: {  	v4 =	vld.idx.msk [tilespmem:v0+s7+$0xFFFFFFB0 ss:$0x1], $0xffff;
	_ =	sdelay $0x5  }
0xcd: {  	v3 =	vadd.f32 v4, v3;
	_ =	sdelay $0x1  }
0xce: {  	[tilespmem:v2+s7+$0xFFFFFFB0 ss:$0x1] =	vst.idx.msk $0xffff, v3  }
0xcf: {  	v3 =	vld.idx.msk [tilespmem:v1+s7+$0xFFFFFFF0 ss:$0x1], $0xffff  }
0xd0: {  	v4 =	vld.idx.msk [tilespmem:v0+s7+$0xFFFFFFC0 ss:$0x1], $0xffff;
	_ =	sdelay $0x5  }
0xd1: {  	v3 =	vadd.f32 v4, v3;
	_ =	sdelay $0x1  }
0xd2: {  	[tilespmem:v2+s7+$0xFFFFFFC0 ss:$0x1] =	vst.idx.msk $0xffff, v3  }
0xd3: {  	v3 =	vld.idx.msk [tilespmem:v1+s7+$0x0 ss:$0x1], $0xffff  }
0xd4: {  	v4 =	vld.idx.msk [tilespmem:v0+s7+$0xFFFFFFD0 ss:$0x1], $0xffff;
	_ =	sdelay $0x5  }
0xd5: {  	v3 =	vadd.f32 v4, v3;
	_ =	sdelay $0x1  }
0xd6: {  	[tilespmem:v2+s7+$0xFFFFFFD0 ss:$0x1] =	vst.idx.msk $0xffff, v3  }
0xd7: {  	v3 =	vld.idx.msk [tilespmem:v1+s7+$0x10 ss:$0x1], $0xffff  }
0xd8: {  	v4 =	vld.idx.msk [tilespmem:v0+s7+$0xFFFFFFE0 ss:$0x1], $0xffff;
	_ =	sdelay $0x5  }
0xd9: {  	v3 =	vadd.f32 v4, v3;
	_ =	sdelay $0x1  }
0xda: {  	[tilespmem:v2+s7+$0xFFFFFFE0 ss:$0x1] =	vst.idx.msk $0xffff, v3  }
0xdb: {  	v3 =	vld.idx.msk [tilespmem:v1+s7+$0x20 ss:$0x1], $0xffff  }
0xdc: {  	v4 =	vld.idx.msk [tilespmem:v0+s7+$0xFFFFFFF0 ss:$0x1], $0xffff;
	_ =	sdelay $0x4  }
.Ltmp2:
0xdd: {  	(pc) =	sbr.rel @p0 .LBB2_7-.Ltmp2, $3  }
0xde: {  	v3 =	vadd.f32 v4, v3;
	_ =	sdelay $0x1  }
0xdf: {  	[tilespmem:v2+s7+$0xFFFFFFF0 ss:$0x1] =	vst.idx.msk $0xffff, v3  }
0xe0: {  	v3 =	vld.idx.msk [tilespmem:v1+s7+$0x30 ss:$0x1], $0xffff  }
0xe1: {  	_ =	sdelay $0x3  }
0xe2: {  	v0 =	vld.idx.msk [tilespmem:v0+s7+$0x0 ss:$0x1], $0xffff  }
0xe3: {  	s6 =	sadd.s32 $0x1, s6  }
0xe4: {  	p0 =	sne.s32 s6, $0x10  }
.Ltmp3:
0xe5: {  	_ = 	snop;
	(pc) =	sbr.rel @p0 .LBB2_6-.Ltmp3, $3  }
0xe6: {  	_ = 	snop  }
0xe7: {  	v0 =	vadd.f32 v0, v3;
	_ =	sdelay $0x1  }
0xe8: {  	s5 =	sadd.s32 $0x1, s5;
	[tilespmem:v2+s7+$0x0 ss:$0x1] =	vst.idx.msk $0xffff, v0  }
0xe9: {  	s6 =	rddreg [dreg:$0x6]  }
0xea: {  	s5 =	simm.s32 $0x0;
	s8 =	rddreg [dreg:$0x7]  }
0xeb: {  	[hbm4b:s6+s5] =	stream.linear.scatter [tilespmem:s31], [sflag:$0x6], $0x4000, $0x38;
	[tilespmem:$0x18000] =	vst v63  }
0xec: {  	s9 =	sld [smem:$0x7FD]  }
0xed: {  	[tilespmem:s23], [sflag:$0x2] =	stream.linear.gather [hbm4b:s8+s5], $0x4000, $0x38;
	[tilespmem:$0x18000] =	vst v63  }
0xee: {  	_ = 	snop  }
0xef: {  	[tilespmem:s24], [sflag:$0x4] =	stream.linear.gather [hbm4b:s9+s5], $0x4000, $0x38;
	[tilespmem:$0x18000] =	vst v63  }
0xf0: {  	_ =	swait.ge [sflag:s25], $0x4000  }
0xf1: {  	[sflag:s25] =	ssyncset.done $0x0  }
0xf2: {  	[sflag:s25] =	ssyncadd.s32 $0xFFFFC000  }
0xf3: {  	_ =	swait.ge [sflag:s26], $0x4000  }
0xf4: {  	[sflag:s26] =	ssyncset.done $0x0  }
0xf5: {  	[sflag:s26] =	ssyncadd.s32 $0xFFFFC000  }
0xf6: {  	_ =	swait.ge [sflag:s0], $0x4000  }
0xf7: {  	[sflag:s0] =	ssyncset.done $0x0  }
0xf8: {  	s6 =	simm.s32 $0x0;
	[sflag:s0] =	ssyncadd.s32 $0xFFFFC000  }
.LBB2_10:
0xf9: {  	s7 =	sshll.u32 s6, $0xC;
	s8 =	sand.u32 $0x7, s5  }
0xfa: {  	s7 =	sand.u32 $0xFFFF8000, s7;
	s8 =	sshll.u32 s8, $0x9  }
0xfb: {  	s7 =	sor.u32 s8, s7  }
0xfc: {  	s8 =	sshrl.u32 s7, $0x2  }
0xfd: {  	s7 =	sor.u32 $0x40, s8  }
0xfe: {  	s9 =	sadd.s32 $0x8070, s8;
	v1 =	vmov s7  }
0xff: {  	v0 =	vmov s9;
	_ =	sdelay $0x2  }
0x100: {  	s7 =	simm.s32 $0x0  }
0x101: {  	v3 =	vld.idx.msk [tilespmem:v1+s7+$0xFFFFFFC0 ss:$0x1], $0xffff  }
0x102: {  	v4 =	vld.idx.msk [tilespmem:v0+s7+$0xFFFFFF90 ss:$0x1], $0xffff  }
0x103: {  	s8 =	sadd.s32 $0x10070, s8  }
0x104: {  	v2 =	vmov s8;
	_ =	sdelay $0x2  }
0x105: {  	v3 =	vadd.f32 v4, v3;
	_ =	sdelay $0x1  }
0x106: {  	[tilespmem:v2+s7+$0xFFFFFF90 ss:$0x1] =	vst.idx.msk $0xffff, v3  }
0x107: {  	v3 =	vld.idx.msk [tilespmem:v1+s7+$0xFFFFFFD0 ss:$0x1], $0xffff  }
0x108: {  	v4 =	vld.idx.msk [tilespmem:v0+s7+$0xFFFFFFA0 ss:$0x1], $0xffff;
	_ =	sdelay $0x4  }
0x109: {  	v3 =	vadd.f32 v4, v3;
	_ =	sdelay $0x1  }
0x10a: {  	[tilespmem:v2+s7+$0xFFFFFFA0 ss:$0x1] =	vst.idx.msk $0xffff, v3  }
0x10b: {  	v3 =	vld.idx.msk [tilespmem:v1+s7+$0xFFFFFFE0 ss:$0x1], $0xffff  }
0x10c: {  	v4 =	vld.idx.msk [tilespmem:v0+s7+$0xFFFFFFB0 ss:$0x1], $0xffff;
	_ =	sdelay $0x4  }
0x10d: {  	v3 =	vadd.f32 v4, v3;
	_ =	sdelay $0x1  }
0x10e: {  	[tilespmem:v2+s7+$0xFFFFFFB0 ss:$0x1] =	vst.idx.msk $0xffff, v3  }
0x10f: {  	v3 =	vld.idx.msk [tilespmem:v1+s7+$0xFFFFFFF0 ss:$0x1], $0xffff  }
0x110: {  	v4 =	vld.idx.msk [tilespmem:v0+s7+$0xFFFFFFC0 ss:$0x1], $0xffff;
	_ =	sdelay $0x4  }
0x111: {  	v3 =	vadd.f32 v4, v3;
	_ =	sdelay $0x1  }
0x112: {  	[tilespmem:v2+s7+$0xFFFFFFC0 ss:$0x1] =	vst.idx.msk $0xffff, v3  }
0x113: {  	v3 =	vld.idx.msk [tilespmem:v1+s7+$0x0 ss:$0x1], $0xffff  }
0x114: {  	v4 =	vld.idx.msk [tilespmem:v0+s7+$0xFFFFFFD0 ss:$0x1], $0xffff;
	_ =	sdelay $0x4  }
0x115: {  	v3 =	vadd.f32 v4, v3;
	_ =	sdelay $0x1  }
0x116: {  	[tilespmem:v2+s7+$0xFFFFFFD0 ss:$0x1] =	vst.idx.msk $0xffff, v3  }
0x117: {  	v3 =	vld.idx.msk [tilespmem:v1+s7+$0x10 ss:$0x1], $0xffff  }
0x118: {  	v4 =	vld.idx.msk [tilespmem:v0+s7+$0xFFFFFFE0 ss:$0x1], $0xffff;
	_ =	sdelay $0x4  }
0x119: {  	v3 =	vadd.f32 v4, v3;
	_ =	sdelay $0x1  }
0x11a: {  	[tilespmem:v2+s7+$0xFFFFFFE0 ss:$0x1] =	vst.idx.msk $0xffff, v3  }
0x11b: {  	v3 =	vld.idx.msk [tilespmem:v1+s7+$0x20 ss:$0x1], $0xffff  }
0x11c: {  	v4 =	vld.idx.msk [tilespmem:v0+s7+$0xFFFFFFF0 ss:$0x1], $0xffff;
	_ =	sdelay $0x4  }
0x11d: {  	v3 =	vadd.f32 v4, v3;
	_ =	sdelay $0x1  }
0x11e: {  	[tilespmem:v2+s7+$0xFFFFFFF0 ss:$0x1] =	vst.idx.msk $0xffff, v3  }
0x11f: {  	s8 =	simm.s32 $0x1000;
	v3 =	vld.idx.msk [tilespmem:v1+s7+$0x30 ss:$0x1], $0xffff  }
.LBB2_11:
0x120: {  	p0 =	sne.s32 s8, $0x7000;
	v4 =	vld.idx.msk [tilespmem:v0+s7+$0x0 ss:$0x1], $0xffff;
	s9 =	smov.u32 s8;
	s8 =	sadd.s32 $0x1000, s8  }
0x121: {  	_ =	sdelay $0x4  }
0x122: {  	v3 =	vadd.f32 v4, v3;
	_ =	sdelay $0x1  }
0x123: {  	[tilespmem:v2+s7+$0x0 ss:$0x1] =	vst.idx.msk $0xffff, v3;
	s7 =	sshra.s32 s9, $0x2  }
0x124: {  	v3 =	vld.idx.msk [tilespmem:v1+s7+$0xFFFFFFC0 ss:$0x1], $0xffff  }
0x125: {  	v4 =	vld.idx.msk [tilespmem:v0+s7+$0xFFFFFF90 ss:$0x1], $0xffff;
	_ =	sdelay $0x5  }
0x126: {  	v3 =	vadd.f32 v4, v3;
	_ =	sdelay $0x1  }
0x127: {  	[tilespmem:v2+s7+$0xFFFFFF90 ss:$0x1] =	vst.idx.msk $0xffff, v3  }
0x128: {  	v3 =	vld.idx.msk [tilespmem:v1+s7+$0xFFFFFFD0 ss:$0x1], $0xffff  }
0x129: {  	v4 =	vld.idx.msk [tilespmem:v0+s7+$0xFFFFFFA0 ss:$0x1], $0xffff;
	_ =	sdelay $0x5  }
0x12a: {  	v3 =	vadd.f32 v4, v3;
	_ =	sdelay $0x1  }
0x12b: {  	[tilespmem:v2+s7+$0xFFFFFFA0 ss:$0x1] =	vst.idx.msk $0xffff, v3  }
0x12c: {  	v3 =	vld.idx.msk [tilespmem:v1+s7+$0xFFFFFFE0 ss:$0x1], $0xffff  }
0x12d: {  	v4 =	vld.idx.msk [tilespmem:v0+s7+$0xFFFFFFB0 ss:$0x1], $0xffff;
	_ =	sdelay $0x5  }
0x12e: {  	v3 =	vadd.f32 v4, v3;
	_ =	sdelay $0x1  }
0x12f: {  	[tilespmem:v2+s7+$0xFFFFFFB0 ss:$0x1] =	vst.idx.msk $0xffff, v3  }
0x130: {  	v3 =	vld.idx.msk [tilespmem:v1+s7+$0xFFFFFFF0 ss:$0x1], $0xffff  }
0x131: {  	v4 =	vld.idx.msk [tilespmem:v0+s7+$0xFFFFFFC0 ss:$0x1], $0xffff;
	_ =	sdelay $0x5  }
0x132: {  	v3 =	vadd.f32 v4, v3;
	_ =	sdelay $0x1  }
0x133: {  	[tilespmem:v2+s7+$0xFFFFFFC0 ss:$0x1] =	vst.idx.msk $0xffff, v3  }
0x134: {  	v3 =	vld.idx.msk [tilespmem:v1+s7+$0x0 ss:$0x1], $0xffff  }
0x135: {  	v4 =	vld.idx.msk [tilespmem:v0+s7+$0xFFFFFFD0 ss:$0x1], $0xffff;
	_ =	sdelay $0x5  }
0x136: {  	v3 =	vadd.f32 v4, v3;
	_ =	sdelay $0x1  }
0x137: {  	[tilespmem:v2+s7+$0xFFFFFFD0 ss:$0x1] =	vst.idx.msk $0xffff, v3  }
0x138: {  	v3 =	vld.idx.msk [tilespmem:v1+s7+$0x10 ss:$0x1], $0xffff  }
0x139: {  	v4 =	vld.idx.msk [tilespmem:v0+s7+$0xFFFFFFE0 ss:$0x1], $0xffff;
	_ =	sdelay $0x5  }
0x13a: {  	v3 =	vadd.f32 v4, v3;
	_ =	sdelay $0x1  }
0x13b: {  	[tilespmem:v2+s7+$0xFFFFFFE0 ss:$0x1] =	vst.idx.msk $0xffff, v3  }
0x13c: {  	v3 =	vld.idx.msk [tilespmem:v1+s7+$0x20 ss:$0x1], $0xffff  }
0x13d: {  	v4 =	vld.idx.msk [tilespmem:v0+s7+$0xFFFFFFF0 ss:$0x1], $0xffff;
	_ =	sdelay $0x4  }
.Ltmp4:
0x13e: {  	(pc) =	sbr.rel @p0 .LBB2_11-.Ltmp4, $3  }
0x13f: {  	v3 =	vadd.f32 v4, v3;
	_ =	sdelay $0x1  }
0x140: {  	[tilespmem:v2+s7+$0xFFFFFFF0 ss:$0x1] =	vst.idx.msk $0xffff, v3  }
0x141: {  	v3 =	vld.idx.msk [tilespmem:v1+s7+$0x30 ss:$0x1], $0xffff  }
0x142: {  	_ =	sdelay $0x3  }
0x143: {  	v0 =	vld.idx.msk [tilespmem:v0+s7+$0x0 ss:$0x1], $0xffff  }
0x144: {  	s6 =	sadd.s32 $0x1, s6  }
0x145: {  	p0 =	sne.s32 s6, $0x10  }
.Ltmp5:
0x146: {  	_ = 	snop;
	(pc) =	sbr.rel @p0 .LBB2_10-.Ltmp5, $3  }
0x147: {  	_ = 	snop  }
0x148: {  	v0 =	vadd.f32 v0, v3;
	_ =	sdelay $0x1  }
0x149: {  	s5 =	sadd.s32 $0x1, s5;
	[tilespmem:v2+s7+$0x0 ss:$0x1] =	vst.idx.msk $0xffff, v0  }
0x14a: {  	s5 =	simm.s32 $0x0;
	s6 =	rddreg [dreg:$0x8]  }
0x14b: {  	[hbm4b:s6+s5] =	stream.linear.scatter [tilespmem:s28], [sflag:$0x5], $0x4000, $0x38;
	[tilespmem:$0x18000] =	vst v63  }
0x14c: {  	s9 =	rddreg [dreg:$0x9]  }
0x14d: {  	[tilespmem:s5], [sflag:$0x1] =	stream.linear.gather [hbm4b:s9+s5], $0x4000, $0x38;
	[tilespmem:$0x18000] =	vst v63  }
0x14e: {  	_ = 	snop  }
0x14f: {  	[tilespmem:s22], [sflag:$0x3] =	stream.linear.gather [hbm4b:s10+s5], $0x4000, $0x38;
	[tilespmem:$0x18000] =	vst v63  }
0x150: {  	_ =	swait.ge [sflag:s29], $0x4000  }
0x151: {  	[sflag:s29] =	ssyncset.done $0x0  }
0x152: {  	[sflag:s29] =	ssyncadd.s32 $0xFFFFC000  }
0x153: {  	_ =	swait.ge [sflag:s30], $0x4000  }
0x154: {  	[sflag:s30] =	ssyncset.done $0x0  }
0x155: {  	[sflag:s30] =	ssyncadd.s32 $0xFFFFC000  }
0x156: {  	_ =	swait.ge [sflag:s3], $0x4000  }
0x157: {  	[sflag:s3] =	ssyncset.done $0x0  }
0x158: {  	s6 =	simm.s32 $0x0;
	[sflag:s3] =	ssyncadd.s32 $0xFFFFC000  }
.LBB2_14:
0x159: {  	s7 =	sshll.u32 s6, $0xC;
	s8 =	sand.u32 $0x7, s5  }
0x15a: {  	s7 =	sand.u32 $0xFFFF8000, s7;
	s8 =	sshll.u32 s8, $0x9  }
0x15b: {  	s7 =	sor.u32 s8, s7  }
0x15c: {  	s8 =	sshrl.u32 s7, $0x2  }
0x15d: {  	s7 =	sadd.s32 $0x4040, s8  }
0x15e: {  	s9 =	sadd.s32 $0xC070, s8;
	v1 =	vmov s7  }
0x15f: {  	v0 =	vmov s9;
	_ =	sdelay $0x2  }
0x160: {  	s7 =	simm.s32 $0x0  }
0x161: {  	v3 =	vld.idx.msk [tilespmem:v1+s7+$0xFFFFFFC0 ss:$0x1], $0xffff  }
0x162: {  	v4 =	vld.idx.msk [tilespmem:v0+s7+$0xFFFFFF90 ss:$0x1], $0xffff  }
0x163: {  	s8 =	sadd.s32 $0x14070, s8  }
0x164: {  	v2 =	vmov s8;
	_ =	sdelay $0x2  }
0x165: {  	v3 =	vadd.f32 v4, v3;
	_ =	sdelay $0x1  }
0x166: {  	[tilespmem:v2+s7+$0xFFFFFF90 ss:$0x1] =	vst.idx.msk $0xffff, v3  }
0x167: {  	v3 =	vld.idx.msk [tilespmem:v1+s7+$0xFFFFFFD0 ss:$0x1], $0xffff  }
0x168: {  	v4 =	vld.idx.msk [tilespmem:v0+s7+$0xFFFFFFA0 ss:$0x1], $0xffff;
	_ =	sdelay $0x4  }
0x169: {  	v3 =	vadd.f32 v4, v3;
	_ =	sdelay $0x1  }
0x16a: {  	[tilespmem:v2+s7+$0xFFFFFFA0 ss:$0x1] =	vst.idx.msk $0xffff, v3  }
0x16b: {  	v3 =	vld.idx.msk [tilespmem:v1+s7+$0xFFFFFFE0 ss:$0x1], $0xffff  }
0x16c: {  	v4 =	vld.idx.msk [tilespmem:v0+s7+$0xFFFFFFB0 ss:$0x1], $0xffff;
	_ =	sdelay $0x4  }
0x16d: {  	v3 =	vadd.f32 v4, v3;
	_ =	sdelay $0x1  }
0x16e: {  	[tilespmem:v2+s7+$0xFFFFFFB0 ss:$0x1] =	vst.idx.msk $0xffff, v3  }
0x16f: {  	v3 =	vld.idx.msk [tilespmem:v1+s7+$0xFFFFFFF0 ss:$0x1], $0xffff  }
0x170: {  	v4 =	vld.idx.msk [tilespmem:v0+s7+$0xFFFFFFC0 ss:$0x1], $0xffff;
	_ =	sdelay $0x4  }
0x171: {  	v3 =	vadd.f32 v4, v3;
	_ =	sdelay $0x1  }
0x172: {  	[tilespmem:v2+s7+$0xFFFFFFC0 ss:$0x1] =	vst.idx.msk $0xffff, v3  }
0x173: {  	v3 =	vld.idx.msk [tilespmem:v1+s7+$0x0 ss:$0x1], $0xffff  }
0x174: {  	v4 =	vld.idx.msk [tilespmem:v0+s7+$0xFFFFFFD0 ss:$0x1], $0xffff;
	_ =	sdelay $0x4  }
0x175: {  	v3 =	vadd.f32 v4, v3;
	_ =	sdelay $0x1  }
0x176: {  	[tilespmem:v2+s7+$0xFFFFFFD0 ss:$0x1] =	vst.idx.msk $0xffff, v3  }
0x177: {  	v3 =	vld.idx.msk [tilespmem:v1+s7+$0x10 ss:$0x1], $0xffff  }
0x178: {  	v4 =	vld.idx.msk [tilespmem:v0+s7+$0xFFFFFFE0 ss:$0x1], $0xffff;
	_ =	sdelay $0x4  }
0x179: {  	v3 =	vadd.f32 v4, v3;
	_ =	sdelay $0x1  }
0x17a: {  	[tilespmem:v2+s7+$0xFFFFFFE0 ss:$0x1] =	vst.idx.msk $0xffff, v3  }
0x17b: {  	v3 =	vld.idx.msk [tilespmem:v1+s7+$0x20 ss:$0x1], $0xffff  }
0x17c: {  	v4 =	vld.idx.msk [tilespmem:v0+s7+$0xFFFFFFF0 ss:$0x1], $0xffff;
	_ =	sdelay $0x4  }
0x17d: {  	v3 =	vadd.f32 v4, v3;
	_ =	sdelay $0x1  }
0x17e: {  	[tilespmem:v2+s7+$0xFFFFFFF0 ss:$0x1] =	vst.idx.msk $0xffff, v3  }
0x17f: {  	s8 =	simm.s32 $0x1000;
	v3 =	vld.idx.msk [tilespmem:v1+s7+$0x30 ss:$0x1], $0xffff  }
.LBB2_15:
0x180: {  	p0 =	sne.s32 s8, $0x7000;
	v4 =	vld.idx.msk [tilespmem:v0+s7+$0x0 ss:$0x1], $0xffff;
	s9 =	smov.u32 s8;
	s8 =	sadd.s32 $0x1000, s8  }
0x181: {  	_ =	sdelay $0x4  }
0x182: {  	v3 =	vadd.f32 v4, v3;
	_ =	sdelay $0x1  }
0x183: {  	[tilespmem:v2+s7+$0x0 ss:$0x1] =	vst.idx.msk $0xffff, v3;
	s7 =	sshra.s32 s9, $0x2  }
0x184: {  	v3 =	vld.idx.msk [tilespmem:v1+s7+$0xFFFFFFC0 ss:$0x1], $0xffff  }
0x185: {  	v4 =	vld.idx.msk [tilespmem:v0+s7+$0xFFFFFF90 ss:$0x1], $0xffff;
	_ =	sdelay $0x5  }
0x186: {  	v3 =	vadd.f32 v4, v3;
	_ =	sdelay $0x1  }
0x187: {  	[tilespmem:v2+s7+$0xFFFFFF90 ss:$0x1] =	vst.idx.msk $0xffff, v3  }
0x188: {  	v3 =	vld.idx.msk [tilespmem:v1+s7+$0xFFFFFFD0 ss:$0x1], $0xffff  }
0x189: {  	v4 =	vld.idx.msk [tilespmem:v0+s7+$0xFFFFFFA0 ss:$0x1], $0xffff;
	_ =	sdelay $0x5  }
0x18a: {  	v3 =	vadd.f32 v4, v3;
	_ =	sdelay $0x1  }
0x18b: {  	[tilespmem:v2+s7+$0xFFFFFFA0 ss:$0x1] =	vst.idx.msk $0xffff, v3  }
0x18c: {  	v3 =	vld.idx.msk [tilespmem:v1+s7+$0xFFFFFFE0 ss:$0x1], $0xffff  }
0x18d: {  	v4 =	vld.idx.msk [tilespmem:v0+s7+$0xFFFFFFB0 ss:$0x1], $0xffff;
	_ =	sdelay $0x5  }
0x18e: {  	v3 =	vadd.f32 v4, v3;
	_ =	sdelay $0x1  }
0x18f: {  	[tilespmem:v2+s7+$0xFFFFFFB0 ss:$0x1] =	vst.idx.msk $0xffff, v3  }
0x190: {  	v3 =	vld.idx.msk [tilespmem:v1+s7+$0xFFFFFFF0 ss:$0x1], $0xffff  }
0x191: {  	v4 =	vld.idx.msk [tilespmem:v0+s7+$0xFFFFFFC0 ss:$0x1], $0xffff;
	_ =	sdelay $0x5  }
0x192: {  	v3 =	vadd.f32 v4, v3;
	_ =	sdelay $0x1  }
0x193: {  	[tilespmem:v2+s7+$0xFFFFFFC0 ss:$0x1] =	vst.idx.msk $0xffff, v3  }
0x194: {  	v3 =	vld.idx.msk [tilespmem:v1+s7+$0x0 ss:$0x1], $0xffff  }
0x195: {  	v4 =	vld.idx.msk [tilespmem:v0+s7+$0xFFFFFFD0 ss:$0x1], $0xffff;
	_ =	sdelay $0x5  }
0x196: {  	v3 =	vadd.f32 v4, v3;
	_ =	sdelay $0x1  }
0x197: {  	[tilespmem:v2+s7+$0xFFFFFFD0 ss:$0x1] =	vst.idx.msk $0xffff, v3  }
0x198: {  	v3 =	vld.idx.msk [tilespmem:v1+s7+$0x10 ss:$0x1], $0xffff  }
0x199: {  	v4 =	vld.idx.msk [tilespmem:v0+s7+$0xFFFFFFE0 ss:$0x1], $0xffff;
	_ =	sdelay $0x5  }
0x19a: {  	v3 =	vadd.f32 v4, v3;
	_ =	sdelay $0x1  }
0x19b: {  	[tilespmem:v2+s7+$0xFFFFFFE0 ss:$0x1] =	vst.idx.msk $0xffff, v3  }
0x19c: {  	v3 =	vld.idx.msk [tilespmem:v1+s7+$0x20 ss:$0x1], $0xffff  }
0x19d: {  	v4 =	vld.idx.msk [tilespmem:v0+s7+$0xFFFFFFF0 ss:$0x1], $0xffff;
	_ =	sdelay $0x4  }
.Ltmp6:
0x19e: {  	(pc) =	sbr.rel @p0 .LBB2_15-.Ltmp6, $3  }
0x19f: {  	v3 =	vadd.f32 v4, v3;
	_ =	sdelay $0x1  }
0x1a0: {  	[tilespmem:v2+s7+$0xFFFFFFF0 ss:$0x1] =	vst.idx.msk $0xffff, v3  }
0x1a1: {  	v3 =	vld.idx.msk [tilespmem:v1+s7+$0x30 ss:$0x1], $0xffff  }
0x1a2: {  	_ =	sdelay $0x3  }
0x1a3: {  	v0 =	vld.idx.msk [tilespmem:v0+s7+$0x0 ss:$0x1], $0xffff  }
0x1a4: {  	s6 =	sadd.s32 $0x1, s6  }
0x1a5: {  	p0 =	sne.s32 s6, $0x10  }
.Ltmp7:
0x1a6: {  	_ = 	snop;
	(pc) =	sbr.rel @p0 .LBB2_14-.Ltmp7, $3  }
0x1a7: {  	_ = 	snop  }
0x1a8: {  	v0 =	vadd.f32 v0, v3;
	_ =	sdelay $0x1  }
0x1a9: {  	s5 =	sadd.s32 $0x1, s5;
	[tilespmem:v2+s7+$0x0 ss:$0x1] =	vst.idx.msk $0xffff, v0  }
0x1aa: {  	s5 =	simm.s32 $0x0;
	s6 =	rddreg [dreg:$0xa]  }
0x1ab: {  	[hbm4b:s6+s5] =	stream.linear.scatter [tilespmem:s31], [sflag:$0x6], $0x4000, $0x38;
	[tilespmem:$0x18000] =	vst v63  }
0x1ac: {  	s9 =	rddreg [dreg:$0xb]  }
0x1ad: {  	[tilespmem:s23], [sflag:$0x2] =	stream.linear.gather [hbm4b:s9+s5], $0x4000, $0x38;
	[tilespmem:$0x18000] =	vst v63  }
0x1ae: {  	_ = 	snop  }
0x1af: {  	[tilespmem:s24], [sflag:$0x4] =	stream.linear.gather [hbm4b:s11+s5], $0x4000, $0x38;
	[tilespmem:$0x18000] =	vst v63  }
0x1b0: {  	_ =	swait.ge [sflag:s25], $0x4000  }
0x1b1: {  	[sflag:s25] =	ssyncset.done $0x0  }
0x1b2: {  	[sflag:s25] =	ssyncadd.s32 $0xFFFFC000  }
0x1b3: {  	_ =	swait.ge [sflag:s26], $0x4000  }
0x1b4: {  	[sflag:s26] =	ssyncset.done $0x0  }
0x1b5: {  	[sflag:s26] =	ssyncadd.s32 $0xFFFFC000  }
0x1b6: {  	_ =	swait.ge [sflag:s0], $0x4000  }
0x1b7: {  	[sflag:s0] =	ssyncset.done $0x0  }
0x1b8: {  	s6 =	simm.s32 $0x0;
	[sflag:s0] =	ssyncadd.s32 $0xFFFFC000  }
.LBB2_18:
0x1b9: {  	s7 =	sshll.u32 s6, $0xC;
	s8 =	sand.u32 $0x7, s5  }
0x1ba: {  	s7 =	sand.u32 $0xFFFF8000, s7;
	s8 =	sshll.u32 s8, $0x9  }
0x1bb: {  	s7 =	sor.u32 s8, s7  }
0x1bc: {  	s8 =	sshrl.u32 s7, $0x2  }
0x1bd: {  	s7 =	sor.u32 $0x40, s8  }
0x1be: {  	s9 =	sadd.s32 $0x8070, s8;
	v1 =	vmov s7  }
0x1bf: {  	v0 =	vmov s9;
	_ =	sdelay $0x2  }
0x1c0: {  	s7 =	simm.s32 $0x0  }
0x1c1: {  	v3 =	vld.idx.msk [tilespmem:v1+s7+$0xFFFFFFC0 ss:$0x1], $0xffff  }
0x1c2: {  	v4 =	vld.idx.msk [tilespmem:v0+s7+$0xFFFFFF90 ss:$0x1], $0xffff  }
0x1c3: {  	s8 =	sadd.s32 $0x10070, s8  }
0x1c4: {  	v2 =	vmov s8;
	_ =	sdelay $0x2  }
0x1c5: {  	v3 =	vadd.f32 v4, v3;
	_ =	sdelay $0x1  }
0x1c6: {  	[tilespmem:v2+s7+$0xFFFFFF90 ss:$0x1] =	vst.idx.msk $0xffff, v3  }
0x1c7: {  	v3 =	vld.idx.msk [tilespmem:v1+s7+$0xFFFFFFD0 ss:$0x1], $0xffff  }
0x1c8: {  	v4 =	vld.idx.msk [tilespmem:v0+s7+$0xFFFFFFA0 ss:$0x1], $0xffff;
	_ =	sdelay $0x4  }
0x1c9: {  	v3 =	vadd.f32 v4, v3;
	_ =	sdelay $0x1  }
0x1ca: {  	[tilespmem:v2+s7+$0xFFFFFFA0 ss:$0x1] =	vst.idx.msk $0xffff, v3  }
0x1cb: {  	v3 =	vld.idx.msk [tilespmem:v1+s7+$0xFFFFFFE0 ss:$0x1], $0xffff  }
0x1cc: {  	v4 =	vld.idx.msk [tilespmem:v0+s7+$0xFFFFFFB0 ss:$0x1], $0xffff;
	_ =	sdelay $0x4  }
0x1cd: {  	v3 =	vadd.f32 v4, v3;
	_ =	sdelay $0x1  }
0x1ce: {  	[tilespmem:v2+s7+$0xFFFFFFB0 ss:$0x1] =	vst.idx.msk $0xffff, v3  }
0x1cf: {  	v3 =	vld.idx.msk [tilespmem:v1+s7+$0xFFFFFFF0 ss:$0x1], $0xffff  }
0x1d0: {  	v4 =	vld.idx.msk [tilespmem:v0+s7+$0xFFFFFFC0 ss:$0x1], $0xffff;
	_ =	sdelay $0x4  }
0x1d1: {  	v3 =	vadd.f32 v4, v3;
	_ =	sdelay $0x1  }
0x1d2: {  	[tilespmem:v2+s7+$0xFFFFFFC0 ss:$0x1] =	vst.idx.msk $0xffff, v3  }
0x1d3: {  	v3 =	vld.idx.msk [tilespmem:v1+s7+$0x0 ss:$0x1], $0xffff  }
0x1d4: {  	v4 =	vld.idx.msk [tilespmem:v0+s7+$0xFFFFFFD0 ss:$0x1], $0xffff;
	_ =	sdelay $0x4  }
0x1d5: {  	v3 =	vadd.f32 v4, v3;
	_ =	sdelay $0x1  }
0x1d6: {  	[tilespmem:v2+s7+$0xFFFFFFD0 ss:$0x1] =	vst.idx.msk $0xffff, v3  }
0x1d7: {  	v3 =	vld.idx.msk [tilespmem:v1+s7+$0x10 ss:$0x1], $0xffff  }
0x1d8: {  	v4 =	vld.idx.msk [tilespmem:v0+s7+$0xFFFFFFE0 ss:$0x1], $0xffff;
	_ =	sdelay $0x4  }
0x1d9: {  	v3 =	vadd.f32 v4, v3;
	_ =	sdelay $0x1  }
0x1da: {  	[tilespmem:v2+s7+$0xFFFFFFE0 ss:$0x1] =	vst.idx.msk $0xffff, v3  }
0x1db: {  	v3 =	vld.idx.msk [tilespmem:v1+s7+$0x20 ss:$0x1], $0xffff  }
0x1dc: {  	v4 =	vld.idx.msk [tilespmem:v0+s7+$0xFFFFFFF0 ss:$0x1], $0xffff;
	_ =	sdelay $0x4  }
0x1dd: {  	v3 =	vadd.f32 v4, v3;
	_ =	sdelay $0x1  }
0x1de: {  	[tilespmem:v2+s7+$0xFFFFFFF0 ss:$0x1] =	vst.idx.msk $0xffff, v3  }
0x1df: {  	s8 =	simm.s32 $0x1000;
	v3 =	vld.idx.msk [tilespmem:v1+s7+$0x30 ss:$0x1], $0xffff  }
.LBB2_19:
0x1e0: {  	p0 =	sne.s32 s8, $0x7000;
	v4 =	vld.idx.msk [tilespmem:v0+s7+$0x0 ss:$0x1], $0xffff;
	s9 =	smov.u32 s8;
	s8 =	sadd.s32 $0x1000, s8  }
0x1e1: {  	_ =	sdelay $0x4  }
0x1e2: {  	v3 =	vadd.f32 v4, v3;
	_ =	sdelay $0x1  }
0x1e3: {  	[tilespmem:v2+s7+$0x0 ss:$0x1] =	vst.idx.msk $0xffff, v3;
	s7 =	sshra.s32 s9, $0x2  }
0x1e4: {  	v3 =	vld.idx.msk [tilespmem:v1+s7+$0xFFFFFFC0 ss:$0x1], $0xffff  }
0x1e5: {  	v4 =	vld.idx.msk [tilespmem:v0+s7+$0xFFFFFF90 ss:$0x1], $0xffff;
	_ =	sdelay $0x5  }
0x1e6: {  	v3 =	vadd.f32 v4, v3;
	_ =	sdelay $0x1  }
0x1e7: {  	[tilespmem:v2+s7+$0xFFFFFF90 ss:$0x1] =	vst.idx.msk $0xffff, v3  }
0x1e8: {  	v3 =	vld.idx.msk [tilespmem:v1+s7+$0xFFFFFFD0 ss:$0x1], $0xffff  }
0x1e9: {  	v4 =	vld.idx.msk [tilespmem:v0+s7+$0xFFFFFFA0 ss:$0x1], $0xffff;
	_ =	sdelay $0x5  }
0x1ea: {  	v3 =	vadd.f32 v4, v3;
	_ =	sdelay $0x1  }
0x1eb: {  	[tilespmem:v2+s7+$0xFFFFFFA0 ss:$0x1] =	vst.idx.msk $0xffff, v3  }
0x1ec: {  	v3 =	vld.idx.msk [tilespmem:v1+s7+$0xFFFFFFE0 ss:$0x1], $0xffff  }
0x1ed: {  	v4 =	vld.idx.msk [tilespmem:v0+s7+$0xFFFFFFB0 ss:$0x1], $0xffff;
	_ =	sdelay $0x5  }
0x1ee: {  	v3 =	vadd.f32 v4, v3;
	_ =	sdelay $0x1  }
0x1ef: {  	[tilespmem:v2+s7+$0xFFFFFFB0 ss:$0x1] =	vst.idx.msk $0xffff, v3  }
0x1f0: {  	v3 =	vld.idx.msk [tilespmem:v1+s7+$0xFFFFFFF0 ss:$0x1], $0xffff  }
0x1f1: {  	v4 =	vld.idx.msk [tilespmem:v0+s7+$0xFFFFFFC0 ss:$0x1], $0xffff;
	_ =	sdelay $0x5  }
0x1f2: {  	v3 =	vadd.f32 v4, v3;
	_ =	sdelay $0x1  }
0x1f3: {  	[tilespmem:v2+s7+$0xFFFFFFC0 ss:$0x1] =	vst.idx.msk $0xffff, v3  }
0x1f4: {  	v3 =	vld.idx.msk [tilespmem:v1+s7+$0x0 ss:$0x1], $0xffff  }
0x1f5: {  	v4 =	vld.idx.msk [tilespmem:v0+s7+$0xFFFFFFD0 ss:$0x1], $0xffff;
	_ =	sdelay $0x5  }
0x1f6: {  	v3 =	vadd.f32 v4, v3;
	_ =	sdelay $0x1  }
0x1f7: {  	[tilespmem:v2+s7+$0xFFFFFFD0 ss:$0x1] =	vst.idx.msk $0xffff, v3  }
0x1f8: {  	v3 =	vld.idx.msk [tilespmem:v1+s7+$0x10 ss:$0x1], $0xffff  }
0x1f9: {  	v4 =	vld.idx.msk [tilespmem:v0+s7+$0xFFFFFFE0 ss:$0x1], $0xffff;
	_ =	sdelay $0x5  }
0x1fa: {  	v3 =	vadd.f32 v4, v3;
	_ =	sdelay $0x1  }
0x1fb: {  	[tilespmem:v2+s7+$0xFFFFFFE0 ss:$0x1] =	vst.idx.msk $0xffff, v3  }
0x1fc: {  	v3 =	vld.idx.msk [tilespmem:v1+s7+$0x20 ss:$0x1], $0xffff  }
0x1fd: {  	v4 =	vld.idx.msk [tilespmem:v0+s7+$0xFFFFFFF0 ss:$0x1], $0xffff;
	_ =	sdelay $0x4  }
.Ltmp8:
0x1fe: {  	(pc) =	sbr.rel @p0 .LBB2_19-.Ltmp8, $3  }
0x1ff: {  	v3 =	vadd.f32 v4, v3;
	_ =	sdelay $0x1  }
0x200: {  	[tilespmem:v2+s7+$0xFFFFFFF0 ss:$0x1] =	vst.idx.msk $0xffff, v3  }
0x201: {  	v3 =	vld.idx.msk [tilespmem:v1+s7+$0x30 ss:$0x1], $0xffff  }
0x202: {  	_ =	sdelay $0x3  }
0x203: {  	v0 =	vld.idx.msk [tilespmem:v0+s7+$0x0 ss:$0x1], $0xffff  }
0x204: {  	s6 =	sadd.s32 $0x1, s6  }
0x205: {  	p0 =	sne.s32 s6, $0x10  }
.Ltmp9:
0x206: {  	_ = 	snop;
	(pc) =	sbr.rel @p0 .LBB2_18-.Ltmp9, $3  }
0x207: {  	_ = 	snop  }
0x208: {  	v0 =	vadd.f32 v0, v3;
	_ =	sdelay $0x1  }
0x209: {  	s5 =	sadd.s32 $0x1, s5;
	[tilespmem:v2+s7+$0x0 ss:$0x1] =	vst.idx.msk $0xffff, v0  }
0x20a: {  	s5 =	simm.s32 $0x0;
	s6 =	rddreg [dreg:$0xc]  }
0x20b: {  	[hbm4b:s6+s5] =	stream.linear.scatter [tilespmem:s28], [sflag:$0x5], $0x4000, $0x38;
	[tilespmem:$0x18000] =	vst v63  }
0x20c: {  	s9 =	rddreg [dreg:$0xd]  }
0x20d: {  	[tilespmem:s5], [sflag:$0x1] =	stream.linear.gather [hbm4b:s9+s5], $0x4000, $0x38;
	[tilespmem:$0x18000] =	vst v63  }
0x20e: {  	_ = 	snop  }
0x20f: {  	[tilespmem:s22], [sflag:$0x3] =	stream.linear.gather [hbm4b:s12+s5], $0x4000, $0x38;
	[tilespmem:$0x18000] =	vst v63  }
0x210: {  	_ =	swait.ge [sflag:s29], $0x4000  }
0x211: {  	[sflag:s29] =	ssyncset.done $0x0  }
0x212: {  	[sflag:s29] =	ssyncadd.s32 $0xFFFFC000  }
0x213: {  	_ =	swait.ge [sflag:s30], $0x4000  }
0x214: {  	[sflag:s30] =	ssyncset.done $0x0  }
0x215: {  	[sflag:s30] =	ssyncadd.s32 $0xFFFFC000  }
0x216: {  	_ =	swait.ge [sflag:s3], $0x4000  }
0x217: {  	[sflag:s3] =	ssyncset.done $0x0  }
0x218: {  	s6 =	simm.s32 $0x0;
	[sflag:s3] =	ssyncadd.s32 $0xFFFFC000  }
.LBB2_22:
0x219: {  	s7 =	sshll.u32 s6, $0xC;
	s8 =	sand.u32 $0x7, s5  }
0x21a: {  	s7 =	sand.u32 $0xFFFF8000, s7;
	s8 =	sshll.u32 s8, $0x9  }
0x21b: {  	s7 =	sor.u32 s8, s7  }
0x21c: {  	s8 =	sshrl.u32 s7, $0x2  }
0x21d: {  	s7 =	sadd.s32 $0x4040, s8  }
0x21e: {  	s9 =	sadd.s32 $0xC070, s8;
	v1 =	vmov s7  }
0x21f: {  	v0 =	vmov s9;
	_ =	sdelay $0x2  }
0x220: {  	s7 =	simm.s32 $0x0  }
0x221: {  	v3 =	vld.idx.msk [tilespmem:v1+s7+$0xFFFFFFC0 ss:$0x1], $0xffff  }
0x222: {  	v4 =	vld.idx.msk [tilespmem:v0+s7+$0xFFFFFF90 ss:$0x1], $0xffff  }
0x223: {  	s8 =	sadd.s32 $0x14070, s8  }
0x224: {  	v2 =	vmov s8;
	_ =	sdelay $0x2  }
0x225: {  	v3 =	vadd.f32 v4, v3;
	_ =	sdelay $0x1  }
0x226: {  	[tilespmem:v2+s7+$0xFFFFFF90 ss:$0x1] =	vst.idx.msk $0xffff, v3  }
0x227: {  	v3 =	vld.idx.msk [tilespmem:v1+s7+$0xFFFFFFD0 ss:$0x1], $0xffff  }
0x228: {  	v4 =	vld.idx.msk [tilespmem:v0+s7+$0xFFFFFFA0 ss:$0x1], $0xffff;
	_ =	sdelay $0x4  }
0x229: {  	v3 =	vadd.f32 v4, v3;
	_ =	sdelay $0x1  }
0x22a: {  	[tilespmem:v2+s7+$0xFFFFFFA0 ss:$0x1] =	vst.idx.msk $0xffff, v3  }
0x22b: {  	v3 =	vld.idx.msk [tilespmem:v1+s7+$0xFFFFFFE0 ss:$0x1], $0xffff  }
0x22c: {  	v4 =	vld.idx.msk [tilespmem:v0+s7+$0xFFFFFFB0 ss:$0x1], $0xffff;
	_ =	sdelay $0x4  }
0x22d: {  	v3 =	vadd.f32 v4, v3;
	_ =	sdelay $0x1  }
0x22e: {  	[tilespmem:v2+s7+$0xFFFFFFB0 ss:$0x1] =	vst.idx.msk $0xffff, v3  }
0x22f: {  	v3 =	vld.idx.msk [tilespmem:v1+s7+$0xFFFFFFF0 ss:$0x1], $0xffff  }
0x230: {  	v4 =	vld.idx.msk [tilespmem:v0+s7+$0xFFFFFFC0 ss:$0x1], $0xffff;
	_ =	sdelay $0x4  }
0x231: {  	v3 =	vadd.f32 v4, v3;
	_ =	sdelay $0x1  }
0x232: {  	[tilespmem:v2+s7+$0xFFFFFFC0 ss:$0x1] =	vst.idx.msk $0xffff, v3  }
0x233: {  	v3 =	vld.idx.msk [tilespmem:v1+s7+$0x0 ss:$0x1], $0xffff  }
0x234: {  	v4 =	vld.idx.msk [tilespmem:v0+s7+$0xFFFFFFD0 ss:$0x1], $0xffff;
	_ =	sdelay $0x4  }
0x235: {  	v3 =	vadd.f32 v4, v3;
	_ =	sdelay $0x1  }
0x236: {  	[tilespmem:v2+s7+$0xFFFFFFD0 ss:$0x1] =	vst.idx.msk $0xffff, v3  }
0x237: {  	v3 =	vld.idx.msk [tilespmem:v1+s7+$0x10 ss:$0x1], $0xffff  }
0x238: {  	v4 =	vld.idx.msk [tilespmem:v0+s7+$0xFFFFFFE0 ss:$0x1], $0xffff;
	_ =	sdelay $0x4  }
0x239: {  	v3 =	vadd.f32 v4, v3;
	_ =	sdelay $0x1  }
0x23a: {  	[tilespmem:v2+s7+$0xFFFFFFE0 ss:$0x1] =	vst.idx.msk $0xffff, v3  }
0x23b: {  	v3 =	vld.idx.msk [tilespmem:v1+s7+$0x20 ss:$0x1], $0xffff  }
0x23c: {  	v4 =	vld.idx.msk [tilespmem:v0+s7+$0xFFFFFFF0 ss:$0x1], $0xffff;
	_ =	sdelay $0x4  }
0x23d: {  	v3 =	vadd.f32 v4, v3;
	_ =	sdelay $0x1  }
0x23e: {  	[tilespmem:v2+s7+$0xFFFFFFF0 ss:$0x1] =	vst.idx.msk $0xffff, v3  }
0x23f: {  	s8 =	simm.s32 $0x1000;
	v3 =	vld.idx.msk [tilespmem:v1+s7+$0x30 ss:$0x1], $0xffff  }
.LBB2_23:
0x240: {  	p0 =	sne.s32 s8, $0x7000;
	v4 =	vld.idx.msk [tilespmem:v0+s7+$0x0 ss:$0x1], $0xffff;
	s9 =	smov.u32 s8;
	s8 =	sadd.s32 $0x1000, s8  }
0x241: {  	_ =	sdelay $0x4  }
0x242: {  	v3 =	vadd.f32 v4, v3;
	_ =	sdelay $0x1  }
0x243: {  	[tilespmem:v2+s7+$0x0 ss:$0x1] =	vst.idx.msk $0xffff, v3;
	s7 =	sshra.s32 s9, $0x2  }
0x244: {  	v3 =	vld.idx.msk [tilespmem:v1+s7+$0xFFFFFFC0 ss:$0x1], $0xffff  }
0x245: {  	v4 =	vld.idx.msk [tilespmem:v0+s7+$0xFFFFFF90 ss:$0x1], $0xffff;
	_ =	sdelay $0x5  }
0x246: {  	v3 =	vadd.f32 v4, v3;
	_ =	sdelay $0x1  }
0x247: {  	[tilespmem:v2+s7+$0xFFFFFF90 ss:$0x1] =	vst.idx.msk $0xffff, v3  }
0x248: {  	v3 =	vld.idx.msk [tilespmem:v1+s7+$0xFFFFFFD0 ss:$0x1], $0xffff  }
0x249: {  	v4 =	vld.idx.msk [tilespmem:v0+s7+$0xFFFFFFA0 ss:$0x1], $0xffff;
	_ =	sdelay $0x5  }
0x24a: {  	v3 =	vadd.f32 v4, v3;
	_ =	sdelay $0x1  }
0x24b: {  	[tilespmem:v2+s7+$0xFFFFFFA0 ss:$0x1] =	vst.idx.msk $0xffff, v3  }
0x24c: {  	v3 =	vld.idx.msk [tilespmem:v1+s7+$0xFFFFFFE0 ss:$0x1], $0xffff  }
0x24d: {  	v4 =	vld.idx.msk [tilespmem:v0+s7+$0xFFFFFFB0 ss:$0x1], $0xffff;
	_ =	sdelay $0x5  }
0x24e: {  	v3 =	vadd.f32 v4, v3;
	_ =	sdelay $0x1  }
0x24f: {  	[tilespmem:v2+s7+$0xFFFFFFB0 ss:$0x1] =	vst.idx.msk $0xffff, v3  }
0x250: {  	v3 =	vld.idx.msk [tilespmem:v1+s7+$0xFFFFFFF0 ss:$0x1], $0xffff  }
0x251: {  	v4 =	vld.idx.msk [tilespmem:v0+s7+$0xFFFFFFC0 ss:$0x1], $0xffff;
	_ =	sdelay $0x5  }
0x252: {  	v3 =	vadd.f32 v4, v3;
	_ =	sdelay $0x1  }
0x253: {  	[tilespmem:v2+s7+$0xFFFFFFC0 ss:$0x1] =	vst.idx.msk $0xffff, v3  }
0x254: {  	v3 =	vld.idx.msk [tilespmem:v1+s7+$0x0 ss:$0x1], $0xffff  }
0x255: {  	v4 =	vld.idx.msk [tilespmem:v0+s7+$0xFFFFFFD0 ss:$0x1], $0xffff;
	_ =	sdelay $0x5  }
0x256: {  	v3 =	vadd.f32 v4, v3;
	_ =	sdelay $0x1  }
0x257: {  	[tilespmem:v2+s7+$0xFFFFFFD0 ss:$0x1] =	vst.idx.msk $0xffff, v3  }
0x258: {  	v3 =	vld.idx.msk [tilespmem:v1+s7+$0x10 ss:$0x1], $0xffff  }
0x259: {  	v4 =	vld.idx.msk [tilespmem:v0+s7+$0xFFFFFFE0 ss:$0x1], $0xffff;
	_ =	sdelay $0x5  }
0x25a: {  	v3 =	vadd.f32 v4, v3;
	_ =	sdelay $0x1  }
0x25b: {  	[tilespmem:v2+s7+$0xFFFFFFE0 ss:$0x1] =	vst.idx.msk $0xffff, v3  }
0x25c: {  	v3 =	vld.idx.msk [tilespmem:v1+s7+$0x20 ss:$0x1], $0xffff  }
0x25d: {  	v4 =	vld.idx.msk [tilespmem:v0+s7+$0xFFFFFFF0 ss:$0x1], $0xffff;
	_ =	sdelay $0x4  }
.Ltmp10:
0x25e: {  	(pc) =	sbr.rel @p0 .LBB2_23-.Ltmp10, $3  }
0x25f: {  	v3 =	vadd.f32 v4, v3;
	_ =	sdelay $0x1  }
0x260: {  	[tilespmem:v2+s7+$0xFFFFFFF0 ss:$0x1] =	vst.idx.msk $0xffff, v3  }
0x261: {  	v3 =	vld.idx.msk [tilespmem:v1+s7+$0x30 ss:$0x1], $0xffff  }
0x262: {  	_ =	sdelay $0x3  }
0x263: {  	v0 =	vld.idx.msk [tilespmem:v0+s7+$0x0 ss:$0x1], $0xffff  }
0x264: {  	s6 =	sadd.s32 $0x1, s6  }
0x265: {  	p0 =	sne.s32 s6, $0x10  }
.Ltmp11:
0x266: {  	_ = 	snop;
	(pc) =	sbr.rel @p0 .LBB2_22-.Ltmp11, $3  }
0x267: {  	_ = 	snop  }
0x268: {  	v0 =	vadd.f32 v0, v3;
	_ =	sdelay $0x1  }
0x269: {  	s5 =	sadd.s32 $0x1, s5;
	[tilespmem:v2+s7+$0x0 ss:$0x1] =	vst.idx.msk $0xffff, v0  }
0x26a: {  	s5 =	simm.s32 $0x0;
	s6 =	rddreg [dreg:$0xe]  }
0x26b: {  	[hbm4b:s6+s5] =	stream.linear.scatter [tilespmem:s31], [sflag:$0x6], $0x4000, $0x38;
	[tilespmem:$0x18000] =	vst v63  }
0x26c: {  	s9 =	rddreg [dreg:$0xf]  }
0x26d: {  	[tilespmem:s23], [sflag:$0x2] =	stream.linear.gather [hbm4b:s9+s5], $0x4000, $0x38;
	[tilespmem:$0x18000] =	vst v63  }
0x26e: {  	_ = 	snop  }
0x26f: {  	[tilespmem:s24], [sflag:$0x4] =	stream.linear.gather [hbm4b:s13+s5], $0x4000, $0x38;
	[tilespmem:$0x18000] =	vst v63  }
0x270: {  	_ =	swait.ge [sflag:s25], $0x4000  }
0x271: {  	[sflag:s25] =	ssyncset.done $0x0  }
0x272: {  	[sflag:s25] =	ssyncadd.s32 $0xFFFFC000  }
0x273: {  	_ =	swait.ge [sflag:s26], $0x4000  }
0x274: {  	[sflag:s26] =	ssyncset.done $0x0  }
0x275: {  	[sflag:s26] =	ssyncadd.s32 $0xFFFFC000  }
0x276: {  	_ =	swait.ge [sflag:s0], $0x4000  }
0x277: {  	[sflag:s0] =	ssyncset.done $0x0  }
0x278: {  	s6 =	simm.s32 $0x0;
	[sflag:s0] =	ssyncadd.s32 $0xFFFFC000  }
.LBB2_26:
0x279: {  	s7 =	sshll.u32 s6, $0xC;
	s8 =	sand.u32 $0x7, s5  }
0x27a: {  	s7 =	sand.u32 $0xFFFF8000, s7;
	s8 =	sshll.u32 s8, $0x9  }
0x27b: {  	s7 =	sor.u32 s8, s7  }
0x27c: {  	s8 =	sshrl.u32 s7, $0x2  }
0x27d: {  	s7 =	sor.u32 $0x40, s8  }
0x27e: {  	s9 =	sadd.s32 $0x8070, s8;
	v1 =	vmov s7  }
0x27f: {  	v0 =	vmov s9;
	_ =	sdelay $0x2  }
0x280: {  	s7 =	simm.s32 $0x0  }
0x281: {  	v3 =	vld.idx.msk [tilespmem:v1+s7+$0xFFFFFFC0 ss:$0x1], $0xffff  }
0x282: {  	v4 =	vld.idx.msk [tilespmem:v0+s7+$0xFFFFFF90 ss:$0x1], $0xffff  }
0x283: {  	s8 =	sadd.s32 $0x10070, s8  }
0x284: {  	v2 =	vmov s8;
	_ =	sdelay $0x2  }
0x285: {  	v3 =	vadd.f32 v4, v3;
	_ =	sdelay $0x1  }
0x286: {  	[tilespmem:v2+s7+$0xFFFFFF90 ss:$0x1] =	vst.idx.msk $0xffff, v3  }
0x287: {  	v3 =	vld.idx.msk [tilespmem:v1+s7+$0xFFFFFFD0 ss:$0x1], $0xffff  }
0x288: {  	v4 =	vld.idx.msk [tilespmem:v0+s7+$0xFFFFFFA0 ss:$0x1], $0xffff;
	_ =	sdelay $0x4  }
0x289: {  	v3 =	vadd.f32 v4, v3;
	_ =	sdelay $0x1  }
0x28a: {  	[tilespmem:v2+s7+$0xFFFFFFA0 ss:$0x1] =	vst.idx.msk $0xffff, v3  }
0x28b: {  	v3 =	vld.idx.msk [tilespmem:v1+s7+$0xFFFFFFE0 ss:$0x1], $0xffff  }
0x28c: {  	v4 =	vld.idx.msk [tilespmem:v0+s7+$0xFFFFFFB0 ss:$0x1], $0xffff;
	_ =	sdelay $0x4  }
0x28d: {  	v3 =	vadd.f32 v4, v3;
	_ =	sdelay $0x1  }
0x28e: {  	[tilespmem:v2+s7+$0xFFFFFFB0 ss:$0x1] =	vst.idx.msk $0xffff, v3  }
0x28f: {  	v3 =	vld.idx.msk [tilespmem:v1+s7+$0xFFFFFFF0 ss:$0x1], $0xffff  }
0x290: {  	v4 =	vld.idx.msk [tilespmem:v0+s7+$0xFFFFFFC0 ss:$0x1], $0xffff;
	_ =	sdelay $0x4  }
0x291: {  	v3 =	vadd.f32 v4, v3;
	_ =	sdelay $0x1  }
0x292: {  	[tilespmem:v2+s7+$0xFFFFFFC0 ss:$0x1] =	vst.idx.msk $0xffff, v3  }
0x293: {  	v3 =	vld.idx.msk [tilespmem:v1+s7+$0x0 ss:$0x1], $0xffff  }
0x294: {  	v4 =	vld.idx.msk [tilespmem:v0+s7+$0xFFFFFFD0 ss:$0x1], $0xffff;
	_ =	sdelay $0x4  }
0x295: {  	v3 =	vadd.f32 v4, v3;
	_ =	sdelay $0x1  }
0x296: {  	[tilespmem:v2+s7+$0xFFFFFFD0 ss:$0x1] =	vst.idx.msk $0xffff, v3  }
0x297: {  	v3 =	vld.idx.msk [tilespmem:v1+s7+$0x10 ss:$0x1], $0xffff  }
0x298: {  	v4 =	vld.idx.msk [tilespmem:v0+s7+$0xFFFFFFE0 ss:$0x1], $0xffff;
	_ =	sdelay $0x4  }
0x299: {  	v3 =	vadd.f32 v4, v3;
	_ =	sdelay $0x1  }
0x29a: {  	[tilespmem:v2+s7+$0xFFFFFFE0 ss:$0x1] =	vst.idx.msk $0xffff, v3  }
0x29b: {  	v3 =	vld.idx.msk [tilespmem:v1+s7+$0x20 ss:$0x1], $0xffff  }
0x29c: {  	v4 =	vld.idx.msk [tilespmem:v0+s7+$0xFFFFFFF0 ss:$0x1], $0xffff;
	_ =	sdelay $0x4  }
0x29d: {  	v3 =	vadd.f32 v4, v3;
	_ =	sdelay $0x1  }
0x29e: {  	[tilespmem:v2+s7+$0xFFFFFFF0 ss:$0x1] =	vst.idx.msk $0xffff, v3  }
0x29f: {  	s8 =	simm.s32 $0x1000;
	v3 =	vld.idx.msk [tilespmem:v1+s7+$0x30 ss:$0x1], $0xffff  }
.LBB2_27:
0x2a0: {  	p0 =	sne.s32 s8, $0x7000;
	v4 =	vld.idx.msk [tilespmem:v0+s7+$0x0 ss:$0x1], $0xffff;
	s9 =	smov.u32 s8;
	s8 =	sadd.s32 $0x1000, s8  }
0x2a1: {  	_ =	sdelay $0x4  }
0x2a2: {  	v3 =	vadd.f32 v4, v3;
	_ =	sdelay $0x1  }
0x2a3: {  	[tilespmem:v2+s7+$0x0 ss:$0x1] =	vst.idx.msk $0xffff, v3;
	s7 =	sshra.s32 s9, $0x2  }
0x2a4: {  	v3 =	vld.idx.msk [tilespmem:v1+s7+$0xFFFFFFC0 ss:$0x1], $0xffff  }
0x2a5: {  	v4 =	vld.idx.msk [tilespmem:v0+s7+$0xFFFFFF90 ss:$0x1], $0xffff;
	_ =	sdelay $0x5  }
0x2a6: {  	v3 =	vadd.f32 v4, v3;
	_ =	sdelay $0x1  }
0x2a7: {  	[tilespmem:v2+s7+$0xFFFFFF90 ss:$0x1] =	vst.idx.msk $0xffff, v3  }
0x2a8: {  	v3 =	vld.idx.msk [tilespmem:v1+s7+$0xFFFFFFD0 ss:$0x1], $0xffff  }
0x2a9: {  	v4 =	vld.idx.msk [tilespmem:v0+s7+$0xFFFFFFA0 ss:$0x1], $0xffff;
	_ =	sdelay $0x5  }
0x2aa: {  	v3 =	vadd.f32 v4, v3;
	_ =	sdelay $0x1  }
0x2ab: {  	[tilespmem:v2+s7+$0xFFFFFFA0 ss:$0x1] =	vst.idx.msk $0xffff, v3  }
0x2ac: {  	v3 =	vld.idx.msk [tilespmem:v1+s7+$0xFFFFFFE0 ss:$0x1], $0xffff  }
0x2ad: {  	v4 =	vld.idx.msk [tilespmem:v0+s7+$0xFFFFFFB0 ss:$0x1], $0xffff;
	_ =	sdelay $0x5  }
0x2ae: {  	v3 =	vadd.f32 v4, v3;
	_ =	sdelay $0x1  }
0x2af: {  	[tilespmem:v2+s7+$0xFFFFFFB0 ss:$0x1] =	vst.idx.msk $0xffff, v3  }
0x2b0: {  	v3 =	vld.idx.msk [tilespmem:v1+s7+$0xFFFFFFF0 ss:$0x1], $0xffff  }
0x2b1: {  	v4 =	vld.idx.msk [tilespmem:v0+s7+$0xFFFFFFC0 ss:$0x1], $0xffff;
	_ =	sdelay $0x5  }
0x2b2: {  	v3 =	vadd.f32 v4, v3;
	_ =	sdelay $0x1  }
0x2b3: {  	[tilespmem:v2+s7+$0xFFFFFFC0 ss:$0x1] =	vst.idx.msk $0xffff, v3  }
0x2b4: {  	v3 =	vld.idx.msk [tilespmem:v1+s7+$0x0 ss:$0x1], $0xffff  }
0x2b5: {  	v4 =	vld.idx.msk [tilespmem:v0+s7+$0xFFFFFFD0 ss:$0x1], $0xffff;
	_ =	sdelay $0x5  }
0x2b6: {  	v3 =	vadd.f32 v4, v3;
	_ =	sdelay $0x1  }
0x2b7: {  	[tilespmem:v2+s7+$0xFFFFFFD0 ss:$0x1] =	vst.idx.msk $0xffff, v3  }
0x2b8: {  	v3 =	vld.idx.msk [tilespmem:v1+s7+$0x10 ss:$0x1], $0xffff  }
0x2b9: {  	v4 =	vld.idx.msk [tilespmem:v0+s7+$0xFFFFFFE0 ss:$0x1], $0xffff;
	_ =	sdelay $0x5  }
0x2ba: {  	v3 =	vadd.f32 v4, v3;
	_ =	sdelay $0x1  }
0x2bb: {  	[tilespmem:v2+s7+$0xFFFFFFE0 ss:$0x1] =	vst.idx.msk $0xffff, v3  }
0x2bc: {  	v3 =	vld.idx.msk [tilespmem:v1+s7+$0x20 ss:$0x1], $0xffff  }
0x2bd: {  	v4 =	vld.idx.msk [tilespmem:v0+s7+$0xFFFFFFF0 ss:$0x1], $0xffff;
	_ =	sdelay $0x4  }
.Ltmp12:
0x2be: {  	(pc) =	sbr.rel @p0 .LBB2_27-.Ltmp12, $3  }
0x2bf: {  	v3 =	vadd.f32 v4, v3;
	_ =	sdelay $0x1  }
0x2c0: {  	[tilespmem:v2+s7+$0xFFFFFFF0 ss:$0x1] =	vst.idx.msk $0xffff, v3  }
0x2c1: {  	v3 =	vld.idx.msk [tilespmem:v1+s7+$0x30 ss:$0x1], $0xffff  }
0x2c2: {  	_ =	sdelay $0x3  }
0x2c3: {  	v0 =	vld.idx.msk [tilespmem:v0+s7+$0x0 ss:$0x1], $0xffff  }
0x2c4: {  	s6 =	sadd.s32 $0x1, s6  }
0x2c5: {  	p0 =	sne.s32 s6, $0x10  }
.Ltmp13:
0x2c6: {  	_ = 	snop;
	(pc) =	sbr.rel @p0 .LBB2_26-.Ltmp13, $3  }
0x2c7: {  	_ = 	snop  }
0x2c8: {  	v0 =	vadd.f32 v0, v3;
	_ =	sdelay $0x1  }
0x2c9: {  	s5 =	sadd.s32 $0x1, s5;
	[tilespmem:v2+s7+$0x0 ss:$0x1] =	vst.idx.msk $0xffff, v0  }
0x2ca: {  	s5 =	simm.s32 $0x0;
	s6 =	rddreg [dreg:$0x10]  }
0x2cb: {  	[hbm4b:s6+s5] =	stream.linear.scatter [tilespmem:s28], [sflag:$0x5], $0x4000, $0x38;
	[tilespmem:$0x18000] =	vst v63  }
0x2cc: {  	s9 =	rddreg [dreg:$0x11]  }
0x2cd: {  	[tilespmem:s5], [sflag:$0x1] =	stream.linear.gather [hbm4b:s9+s5], $0x4000, $0x38;
	[tilespmem:$0x18000] =	vst v63  }
0x2ce: {  	_ = 	snop  }
0x2cf: {  	[tilespmem:s22], [sflag:$0x3] =	stream.linear.gather [hbm4b:s14+s5], $0x4000, $0x38;
	[tilespmem:$0x18000] =	vst v63  }
0x2d0: {  	_ =	swait.ge [sflag:s29], $0x4000  }
0x2d1: {  	[sflag:s29] =	ssyncset.done $0x0  }
0x2d2: {  	[sflag:s29] =	ssyncadd.s32 $0xFFFFC000  }
0x2d3: {  	_ =	swait.ge [sflag:s30], $0x4000  }
0x2d4: {  	[sflag:s30] =	ssyncset.done $0x0  }
0x2d5: {  	[sflag:s30] =	ssyncadd.s32 $0xFFFFC000  }
0x2d6: {  	_ =	swait.ge [sflag:s3], $0x4000  }
0x2d7: {  	[sflag:s3] =	ssyncset.done $0x0  }
0x2d8: {  	s6 =	simm.s32 $0x0;
	[sflag:s3] =	ssyncadd.s32 $0xFFFFC000  }
.LBB2_30:
0x2d9: {  	s7 =	sshll.u32 s6, $0xC;
	s8 =	sand.u32 $0x7, s5  }
0x2da: {  	s7 =	sand.u32 $0xFFFF8000, s7;
	s8 =	sshll.u32 s8, $0x9  }
0x2db: {  	s7 =	sor.u32 s8, s7  }
0x2dc: {  	s8 =	sshrl.u32 s7, $0x2  }
0x2dd: {  	s7 =	sadd.s32 $0x4040, s8  }
0x2de: {  	s9 =	sadd.s32 $0xC070, s8;
	v1 =	vmov s7  }
0x2df: {  	v0 =	vmov s9;
	_ =	sdelay $0x2  }
0x2e0: {  	s7 =	simm.s32 $0x0  }
0x2e1: {  	v3 =	vld.idx.msk [tilespmem:v1+s7+$0xFFFFFFC0 ss:$0x1], $0xffff  }
0x2e2: {  	v4 =	vld.idx.msk [tilespmem:v0+s7+$0xFFFFFF90 ss:$0x1], $0xffff  }
0x2e3: {  	s8 =	sadd.s32 $0x14070, s8  }
0x2e4: {  	v2 =	vmov s8;
	_ =	sdelay $0x2  }
0x2e5: {  	v3 =	vadd.f32 v4, v3;
	_ =	sdelay $0x1  }
0x2e6: {  	[tilespmem:v2+s7+$0xFFFFFF90 ss:$0x1] =	vst.idx.msk $0xffff, v3  }
0x2e7: {  	v3 =	vld.idx.msk [tilespmem:v1+s7+$0xFFFFFFD0 ss:$0x1], $0xffff  }
0x2e8: {  	v4 =	vld.idx.msk [tilespmem:v0+s7+$0xFFFFFFA0 ss:$0x1], $0xffff;
	_ =	sdelay $0x4  }
0x2e9: {  	v3 =	vadd.f32 v4, v3;
	_ =	sdelay $0x1  }
0x2ea: {  	[tilespmem:v2+s7+$0xFFFFFFA0 ss:$0x1] =	vst.idx.msk $0xffff, v3  }
0x2eb: {  	v3 =	vld.idx.msk [tilespmem:v1+s7+$0xFFFFFFE0 ss:$0x1], $0xffff  }
0x2ec: {  	v4 =	vld.idx.msk [tilespmem:v0+s7+$0xFFFFFFB0 ss:$0x1], $0xffff;
	_ =	sdelay $0x4  }
0x2ed: {  	v3 =	vadd.f32 v4, v3;
	_ =	sdelay $0x1  }
0x2ee: {  	[tilespmem:v2+s7+$0xFFFFFFB0 ss:$0x1] =	vst.idx.msk $0xffff, v3  }
0x2ef: {  	v3 =	vld.idx.msk [tilespmem:v1+s7+$0xFFFFFFF0 ss:$0x1], $0xffff  }
0x2f0: {  	v4 =	vld.idx.msk [tilespmem:v0+s7+$0xFFFFFFC0 ss:$0x1], $0xffff;
	_ =	sdelay $0x4  }
0x2f1: {  	v3 =	vadd.f32 v4, v3;
	_ =	sdelay $0x1  }
0x2f2: {  	[tilespmem:v2+s7+$0xFFFFFFC0 ss:$0x1] =	vst.idx.msk $0xffff, v3  }
0x2f3: {  	v3 =	vld.idx.msk [tilespmem:v1+s7+$0x0 ss:$0x1], $0xffff  }
0x2f4: {  	v4 =	vld.idx.msk [tilespmem:v0+s7+$0xFFFFFFD0 ss:$0x1], $0xffff;
	_ =	sdelay $0x4  }
0x2f5: {  	v3 =	vadd.f32 v4, v3;
	_ =	sdelay $0x1  }
0x2f6: {  	[tilespmem:v2+s7+$0xFFFFFFD0 ss:$0x1] =	vst.idx.msk $0xffff, v3  }
0x2f7: {  	v3 =	vld.idx.msk [tilespmem:v1+s7+$0x10 ss:$0x1], $0xffff  }
0x2f8: {  	v4 =	vld.idx.msk [tilespmem:v0+s7+$0xFFFFFFE0 ss:$0x1], $0xffff;
	_ =	sdelay $0x4  }
0x2f9: {  	v3 =	vadd.f32 v4, v3;
	_ =	sdelay $0x1  }
0x2fa: {  	[tilespmem:v2+s7+$0xFFFFFFE0 ss:$0x1] =	vst.idx.msk $0xffff, v3  }
0x2fb: {  	v3 =	vld.idx.msk [tilespmem:v1+s7+$0x20 ss:$0x1], $0xffff  }
0x2fc: {  	v4 =	vld.idx.msk [tilespmem:v0+s7+$0xFFFFFFF0 ss:$0x1], $0xffff;
	_ =	sdelay $0x4  }
0x2fd: {  	v3 =	vadd.f32 v4, v3;
	_ =	sdelay $0x1  }
0x2fe: {  	[tilespmem:v2+s7+$0xFFFFFFF0 ss:$0x1] =	vst.idx.msk $0xffff, v3  }
0x2ff: {  	s8 =	simm.s32 $0x1000;
	v3 =	vld.idx.msk [tilespmem:v1+s7+$0x30 ss:$0x1], $0xffff  }
.LBB2_31:
0x300: {  	p0 =	sne.s32 s8, $0x7000;
	v4 =	vld.idx.msk [tilespmem:v0+s7+$0x0 ss:$0x1], $0xffff;
	s9 =	smov.u32 s8;
	s8 =	sadd.s32 $0x1000, s8  }
0x301: {  	_ =	sdelay $0x4  }
0x302: {  	v3 =	vadd.f32 v4, v3;
	_ =	sdelay $0x1  }
0x303: {  	[tilespmem:v2+s7+$0x0 ss:$0x1] =	vst.idx.msk $0xffff, v3;
	s7 =	sshra.s32 s9, $0x2  }
0x304: {  	v3 =	vld.idx.msk [tilespmem:v1+s7+$0xFFFFFFC0 ss:$0x1], $0xffff  }
0x305: {  	v4 =	vld.idx.msk [tilespmem:v0+s7+$0xFFFFFF90 ss:$0x1], $0xffff;
	_ =	sdelay $0x5  }
0x306: {  	v3 =	vadd.f32 v4, v3;
	_ =	sdelay $0x1  }
0x307: {  	[tilespmem:v2+s7+$0xFFFFFF90 ss:$0x1] =	vst.idx.msk $0xffff, v3  }
0x308: {  	v3 =	vld.idx.msk [tilespmem:v1+s7+$0xFFFFFFD0 ss:$0x1], $0xffff  }
0x309: {  	v4 =	vld.idx.msk [tilespmem:v0+s7+$0xFFFFFFA0 ss:$0x1], $0xffff;
	_ =	sdelay $0x5  }
0x30a: {  	v3 =	vadd.f32 v4, v3;
	_ =	sdelay $0x1  }
0x30b: {  	[tilespmem:v2+s7+$0xFFFFFFA0 ss:$0x1] =	vst.idx.msk $0xffff, v3  }
0x30c: {  	v3 =	vld.idx.msk [tilespmem:v1+s7+$0xFFFFFFE0 ss:$0x1], $0xffff  }
0x30d: {  	v4 =	vld.idx.msk [tilespmem:v0+s7+$0xFFFFFFB0 ss:$0x1], $0xffff;
	_ =	sdelay $0x5  }
0x30e: {  	v3 =	vadd.f32 v4, v3;
	_ =	sdelay $0x1  }
0x30f: {  	[tilespmem:v2+s7+$0xFFFFFFB0 ss:$0x1] =	vst.idx.msk $0xffff, v3  }
0x310: {  	v3 =	vld.idx.msk [tilespmem:v1+s7+$0xFFFFFFF0 ss:$0x1], $0xffff  }
0x311: {  	v4 =	vld.idx.msk [tilespmem:v0+s7+$0xFFFFFFC0 ss:$0x1], $0xffff;
	_ =	sdelay $0x5  }
0x312: {  	v3 =	vadd.f32 v4, v3;
	_ =	sdelay $0x1  }
0x313: {  	[tilespmem:v2+s7+$0xFFFFFFC0 ss:$0x1] =	vst.idx.msk $0xffff, v3  }
0x314: {  	v3 =	vld.idx.msk [tilespmem:v1+s7+$0x0 ss:$0x1], $0xffff  }
0x315: {  	v4 =	vld.idx.msk [tilespmem:v0+s7+$0xFFFFFFD0 ss:$0x1], $0xffff;
	_ =	sdelay $0x5  }
0x316: {  	v3 =	vadd.f32 v4, v3;
	_ =	sdelay $0x1  }
0x317: {  	[tilespmem:v2+s7+$0xFFFFFFD0 ss:$0x1] =	vst.idx.msk $0xffff, v3  }
0x318: {  	v3 =	vld.idx.msk [tilespmem:v1+s7+$0x10 ss:$0x1], $0xffff  }
0x319: {  	v4 =	vld.idx.msk [tilespmem:v0+s7+$0xFFFFFFE0 ss:$0x1], $0xffff;
	_ =	sdelay $0x5  }
0x31a: {  	v3 =	vadd.f32 v4, v3;
	_ =	sdelay $0x1  }
0x31b: {  	[tilespmem:v2+s7+$0xFFFFFFE0 ss:$0x1] =	vst.idx.msk $0xffff, v3  }
0x31c: {  	v3 =	vld.idx.msk [tilespmem:v1+s7+$0x20 ss:$0x1], $0xffff  }
0x31d: {  	v4 =	vld.idx.msk [tilespmem:v0+s7+$0xFFFFFFF0 ss:$0x1], $0xffff;
	_ =	sdelay $0x4  }
.Ltmp14:
0x31e: {  	(pc) =	sbr.rel @p0 .LBB2_31-.Ltmp14, $3  }
0x31f: {  	v3 =	vadd.f32 v4, v3;
	_ =	sdelay $0x1  }
0x320: {  	[tilespmem:v2+s7+$0xFFFFFFF0 ss:$0x1] =	vst.idx.msk $0xffff, v3  }
0x321: {  	v3 =	vld.idx.msk [tilespmem:v1+s7+$0x30 ss:$0x1], $0xffff  }
0x322: {  	_ =	sdelay $0x3  }
0x323: {  	v0 =	vld.idx.msk [tilespmem:v0+s7+$0x0 ss:$0x1], $0xffff  }
0x324: {  	s6 =	sadd.s32 $0x1, s6  }
0x325: {  	p0 =	sne.s32 s6, $0x10  }
.Ltmp15:
0x326: {  	_ = 	snop;
	(pc) =	sbr.rel @p0 .LBB2_30-.Ltmp15, $3  }
0x327: {  	_ = 	snop  }
0x328: {  	v0 =	vadd.f32 v0, v3;
	_ =	sdelay $0x1  }
0x329: {  	s5 =	sadd.s32 $0x1, s5;
	[tilespmem:v2+s7+$0x0 ss:$0x1] =	vst.idx.msk $0xffff, v0  }
0x32a: {  	s5 =	simm.s32 $0x0;
	s6 =	rddreg [dreg:$0x12]  }
0x32b: {  	[hbm4b:s6+s5] =	stream.linear.scatter [tilespmem:s31], [sflag:$0x6], $0x4000, $0x38;
	[tilespmem:$0x18000] =	vst v63  }
0x32c: {  	s9 =	rddreg [dreg:$0x13]  }
0x32d: {  	[tilespmem:s23], [sflag:$0x2] =	stream.linear.gather [hbm4b:s9+s5], $0x4000, $0x38;
	[tilespmem:$0x18000] =	vst v63  }
0x32e: {  	_ = 	snop  }
0x32f: {  	[tilespmem:s24], [sflag:$0x4] =	stream.linear.gather [hbm4b:s15+s5], $0x4000, $0x38;
	[tilespmem:$0x18000] =	vst v63  }
0x330: {  	_ =	swait.ge [sflag:s25], $0x4000  }
0x331: {  	[sflag:s25] =	ssyncset.done $0x0  }
0x332: {  	[sflag:s25] =	ssyncadd.s32 $0xFFFFC000  }
0x333: {  	_ =	swait.ge [sflag:s26], $0x4000  }
0x334: {  	[sflag:s26] =	ssyncset.done $0x0  }
0x335: {  	[sflag:s26] =	ssyncadd.s32 $0xFFFFC000  }
0x336: {  	_ =	swait.ge [sflag:s0], $0x4000  }
0x337: {  	[sflag:s0] =	ssyncset.done $0x0  }
0x338: {  	s6 =	simm.s32 $0x0;
	[sflag:s0] =	ssyncadd.s32 $0xFFFFC000  }
.LBB2_34:
0x339: {  	s7 =	sshll.u32 s6, $0xC;
	s8 =	sand.u32 $0x7, s5  }
0x33a: {  	s7 =	sand.u32 $0xFFFF8000, s7;
	s8 =	sshll.u32 s8, $0x9  }
0x33b: {  	s7 =	sor.u32 s8, s7  }
0x33c: {  	s8 =	sshrl.u32 s7, $0x2  }
0x33d: {  	s7 =	sor.u32 $0x40, s8  }
0x33e: {  	s9 =	sadd.s32 $0x8070, s8;
	v1 =	vmov s7  }
0x33f: {  	v0 =	vmov s9;
	_ =	sdelay $0x2  }
0x340: {  	s7 =	simm.s32 $0x0  }
0x341: {  	v3 =	vld.idx.msk [tilespmem:v1+s7+$0xFFFFFFC0 ss:$0x1], $0xffff  }
0x342: {  	v4 =	vld.idx.msk [tilespmem:v0+s7+$0xFFFFFF90 ss:$0x1], $0xffff  }
0x343: {  	s8 =	sadd.s32 $0x10070, s8  }
0x344: {  	v2 =	vmov s8;
	_ =	sdelay $0x2  }
0x345: {  	v3 =	vadd.f32 v4, v3;
	_ =	sdelay $0x1  }
0x346: {  	[tilespmem:v2+s7+$0xFFFFFF90 ss:$0x1] =	vst.idx.msk $0xffff, v3  }
0x347: {  	v3 =	vld.idx.msk [tilespmem:v1+s7+$0xFFFFFFD0 ss:$0x1], $0xffff  }
0x348: {  	v4 =	vld.idx.msk [tilespmem:v0+s7+$0xFFFFFFA0 ss:$0x1], $0xffff;
	_ =	sdelay $0x4  }
0x349: {  	v3 =	vadd.f32 v4, v3;
	_ =	sdelay $0x1  }
0x34a: {  	[tilespmem:v2+s7+$0xFFFFFFA0 ss:$0x1] =	vst.idx.msk $0xffff, v3  }
0x34b: {  	v3 =	vld.idx.msk [tilespmem:v1+s7+$0xFFFFFFE0 ss:$0x1], $0xffff  }
0x34c: {  	v4 =	vld.idx.msk [tilespmem:v0+s7+$0xFFFFFFB0 ss:$0x1], $0xffff;
	_ =	sdelay $0x4  }
0x34d: {  	v3 =	vadd.f32 v4, v3;
	_ =	sdelay $0x1  }
0x34e: {  	[tilespmem:v2+s7+$0xFFFFFFB0 ss:$0x1] =	vst.idx.msk $0xffff, v3  }
0x34f: {  	v3 =	vld.idx.msk [tilespmem:v1+s7+$0xFFFFFFF0 ss:$0x1], $0xffff  }
0x350: {  	v4 =	vld.idx.msk [tilespmem:v0+s7+$0xFFFFFFC0 ss:$0x1], $0xffff;
	_ =	sdelay $0x4  }
0x351: {  	v3 =	vadd.f32 v4, v3;
	_ =	sdelay $0x1  }
0x352: {  	[tilespmem:v2+s7+$0xFFFFFFC0 ss:$0x1] =	vst.idx.msk $0xffff, v3  }
0x353: {  	v3 =	vld.idx.msk [tilespmem:v1+s7+$0x0 ss:$0x1], $0xffff  }
0x354: {  	v4 =	vld.idx.msk [tilespmem:v0+s7+$0xFFFFFFD0 ss:$0x1], $0xffff;
	_ =	sdelay $0x4  }
0x355: {  	v3 =	vadd.f32 v4, v3;
	_ =	sdelay $0x1  }
0x356: {  	[tilespmem:v2+s7+$0xFFFFFFD0 ss:$0x1] =	vst.idx.msk $0xffff, v3  }
0x357: {  	v3 =	vld.idx.msk [tilespmem:v1+s7+$0x10 ss:$0x1], $0xffff  }
0x358: {  	v4 =	vld.idx.msk [tilespmem:v0+s7+$0xFFFFFFE0 ss:$0x1], $0xffff;
	_ =	sdelay $0x4  }
0x359: {  	v3 =	vadd.f32 v4, v3;
	_ =	sdelay $0x1  }
0x35a: {  	[tilespmem:v2+s7+$0xFFFFFFE0 ss:$0x1] =	vst.idx.msk $0xffff, v3  }
0x35b: {  	v3 =	vld.idx.msk [tilespmem:v1+s7+$0x20 ss:$0x1], $0xffff  }
0x35c: {  	v4 =	vld.idx.msk [tilespmem:v0+s7+$0xFFFFFFF0 ss:$0x1], $0xffff;
	_ =	sdelay $0x4  }
0x35d: {  	v3 =	vadd.f32 v4, v3;
	_ =	sdelay $0x1  }
0x35e: {  	[tilespmem:v2+s7+$0xFFFFFFF0 ss:$0x1] =	vst.idx.msk $0xffff, v3  }
0x35f: {  	s8 =	simm.s32 $0x1000;
	v3 =	vld.idx.msk [tilespmem:v1+s7+$0x30 ss:$0x1], $0xffff  }
.LBB2_35:
0x360: {  	p0 =	sne.s32 s8, $0x7000;
	v4 =	vld.idx.msk [tilespmem:v0+s7+$0x0 ss:$0x1], $0xffff;
	s9 =	smov.u32 s8;
	s8 =	sadd.s32 $0x1000, s8  }
0x361: {  	_ =	sdelay $0x4  }
0x362: {  	v3 =	vadd.f32 v4, v3;
	_ =	sdelay $0x1  }
0x363: {  	[tilespmem:v2+s7+$0x0 ss:$0x1] =	vst.idx.msk $0xffff, v3;
	s7 =	sshra.s32 s9, $0x2  }
0x364: {  	v3 =	vld.idx.msk [tilespmem:v1+s7+$0xFFFFFFC0 ss:$0x1], $0xffff  }
0x365: {  	v4 =	vld.idx.msk [tilespmem:v0+s7+$0xFFFFFF90 ss:$0x1], $0xffff;
	_ =	sdelay $0x5  }
0x366: {  	v3 =	vadd.f32 v4, v3;
	_ =	sdelay $0x1  }
0x367: {  	[tilespmem:v2+s7+$0xFFFFFF90 ss:$0x1] =	vst.idx.msk $0xffff, v3  }
0x368: {  	v3 =	vld.idx.msk [tilespmem:v1+s7+$0xFFFFFFD0 ss:$0x1], $0xffff  }
0x369: {  	v4 =	vld.idx.msk [tilespmem:v0+s7+$0xFFFFFFA0 ss:$0x1], $0xffff;
	_ =	sdelay $0x5  }
0x36a: {  	v3 =	vadd.f32 v4, v3;
	_ =	sdelay $0x1  }
0x36b: {  	[tilespmem:v2+s7+$0xFFFFFFA0 ss:$0x1] =	vst.idx.msk $0xffff, v3  }
0x36c: {  	v3 =	vld.idx.msk [tilespmem:v1+s7+$0xFFFFFFE0 ss:$0x1], $0xffff  }
0x36d: {  	v4 =	vld.idx.msk [tilespmem:v0+s7+$0xFFFFFFB0 ss:$0x1], $0xffff;
	_ =	sdelay $0x5  }
0x36e: {  	v3 =	vadd.f32 v4, v3;
	_ =	sdelay $0x1  }
0x36f: {  	[tilespmem:v2+s7+$0xFFFFFFB0 ss:$0x1] =	vst.idx.msk $0xffff, v3  }
0x370: {  	v3 =	vld.idx.msk [tilespmem:v1+s7+$0xFFFFFFF0 ss:$0x1], $0xffff  }
0x371: {  	v4 =	vld.idx.msk [tilespmem:v0+s7+$0xFFFFFFC0 ss:$0x1], $0xffff;
	_ =	sdelay $0x5  }
0x372: {  	v3 =	vadd.f32 v4, v3;
	_ =	sdelay $0x1  }
0x373: {  	[tilespmem:v2+s7+$0xFFFFFFC0 ss:$0x1] =	vst.idx.msk $0xffff, v3  }
0x374: {  	v3 =	vld.idx.msk [tilespmem:v1+s7+$0x0 ss:$0x1], $0xffff  }
0x375: {  	v4 =	vld.idx.msk [tilespmem:v0+s7+$0xFFFFFFD0 ss:$0x1], $0xffff;
	_ =	sdelay $0x5  }
0x376: {  	v3 =	vadd.f32 v4, v3;
	_ =	sdelay $0x1  }
0x377: {  	[tilespmem:v2+s7+$0xFFFFFFD0 ss:$0x1] =	vst.idx.msk $0xffff, v3  }
0x378: {  	v3 =	vld.idx.msk [tilespmem:v1+s7+$0x10 ss:$0x1], $0xffff  }
0x379: {  	v4 =	vld.idx.msk [tilespmem:v0+s7+$0xFFFFFFE0 ss:$0x1], $0xffff;
	_ =	sdelay $0x5  }
0x37a: {  	v3 =	vadd.f32 v4, v3;
	_ =	sdelay $0x1  }
0x37b: {  	[tilespmem:v2+s7+$0xFFFFFFE0 ss:$0x1] =	vst.idx.msk $0xffff, v3  }
0x37c: {  	v3 =	vld.idx.msk [tilespmem:v1+s7+$0x20 ss:$0x1], $0xffff  }
0x37d: {  	v4 =	vld.idx.msk [tilespmem:v0+s7+$0xFFFFFFF0 ss:$0x1], $0xffff;
	_ =	sdelay $0x4  }
.Ltmp16:
0x37e: {  	(pc) =	sbr.rel @p0 .LBB2_35-.Ltmp16, $3  }
0x37f: {  	v3 =	vadd.f32 v4, v3;
	_ =	sdelay $0x1  }
0x380: {  	[tilespmem:v2+s7+$0xFFFFFFF0 ss:$0x1] =	vst.idx.msk $0xffff, v3  }
0x381: {  	v3 =	vld.idx.msk [tilespmem:v1+s7+$0x30 ss:$0x1], $0xffff  }
0x382: {  	_ =	sdelay $0x3  }
0x383: {  	v0 =	vld.idx.msk [tilespmem:v0+s7+$0x0 ss:$0x1], $0xffff  }
0x384: {  	s6 =	sadd.s32 $0x1, s6  }
0x385: {  	p0 =	sne.s32 s6, $0x10  }
.Ltmp17:
0x386: {  	_ = 	snop;
	(pc) =	sbr.rel @p0 .LBB2_34-.Ltmp17, $3  }
0x387: {  	_ = 	snop  }
0x388: {  	v0 =	vadd.f32 v0, v3;
	_ =	sdelay $0x1  }
0x389: {  	s5 =	sadd.s32 $0x1, s5;
	[tilespmem:v2+s7+$0x0 ss:$0x1] =	vst.idx.msk $0xffff, v0  }
0x38a: {  	s5 =	simm.s32 $0x0;
	s6 =	rddreg [dreg:$0x14]  }
0x38b: {  	[hbm4b:s6+s5] =	stream.linear.scatter [tilespmem:s28], [sflag:$0x5], $0x4000, $0x38;
	[tilespmem:$0x18000] =	vst v63  }
0x38c: {  	s9 =	rddreg [dreg:$0x16]  }
0x38d: {  	[tilespmem:s5], [sflag:$0x1] =	stream.linear.gather [hbm4b:s9+s5], $0x4000, $0x38;
	[tilespmem:$0x18000] =	vst v63  }
0x38e: {  	_ = 	snop  }
0x38f: {  	[tilespmem:s22], [sflag:$0x3] =	stream.linear.gather [hbm4b:s16+s5], $0x4000, $0x38;
	[tilespmem:$0x18000] =	vst v63  }
0x390: {  	_ =	swait.ge [sflag:s29], $0x4000  }
0x391: {  	[sflag:s29] =	ssyncset.done $0x0  }
0x392: {  	[sflag:s29] =	ssyncadd.s32 $0xFFFFC000  }
0x393: {  	_ =	swait.ge [sflag:s30], $0x4000  }
0x394: {  	[sflag:s30] =	ssyncset.done $0x0  }
0x395: {  	[sflag:s30] =	ssyncadd.s32 $0xFFFFC000  }
0x396: {  	_ =	swait.ge [sflag:s3], $0x4000  }
0x397: {  	[sflag:s3] =	ssyncset.done $0x0  }
0x398: {  	s6 =	simm.s32 $0x0;
	[sflag:s3] =	ssyncadd.s32 $0xFFFFC000  }
.LBB2_38:
0x399: {  	s7 =	sshll.u32 s6, $0xC;
	s8 =	sand.u32 $0x7, s5  }
0x39a: {  	s7 =	sand.u32 $0xFFFF8000, s7;
	s8 =	sshll.u32 s8, $0x9  }
0x39b: {  	s7 =	sor.u32 s8, s7  }
0x39c: {  	s8 =	sshrl.u32 s7, $0x2  }
0x39d: {  	s7 =	sadd.s32 $0x4040, s8  }
0x39e: {  	s9 =	sadd.s32 $0xC070, s8;
	v1 =	vmov s7  }
0x39f: {  	v0 =	vmov s9;
	_ =	sdelay $0x2  }
0x3a0: {  	s7 =	simm.s32 $0x0  }
0x3a1: {  	v3 =	vld.idx.msk [tilespmem:v1+s7+$0xFFFFFFC0 ss:$0x1], $0xffff  }
0x3a2: {  	v4 =	vld.idx.msk [tilespmem:v0+s7+$0xFFFFFF90 ss:$0x1], $0xffff  }
0x3a3: {  	s8 =	sadd.s32 $0x14070, s8  }
0x3a4: {  	v2 =	vmov s8;
	_ =	sdelay $0x2  }
0x3a5: {  	v3 =	vadd.f32 v4, v3;
	_ =	sdelay $0x1  }
0x3a6: {  	[tilespmem:v2+s7+$0xFFFFFF90 ss:$0x1] =	vst.idx.msk $0xffff, v3  }
0x3a7: {  	v3 =	vld.idx.msk [tilespmem:v1+s7+$0xFFFFFFD0 ss:$0x1], $0xffff  }
0x3a8: {  	v4 =	vld.idx.msk [tilespmem:v0+s7+$0xFFFFFFA0 ss:$0x1], $0xffff;
	_ =	sdelay $0x4  }
0x3a9: {  	v3 =	vadd.f32 v4, v3;
	_ =	sdelay $0x1  }
0x3aa: {  	[tilespmem:v2+s7+$0xFFFFFFA0 ss:$0x1] =	vst.idx.msk $0xffff, v3  }
0x3ab: {  	v3 =	vld.idx.msk [tilespmem:v1+s7+$0xFFFFFFE0 ss:$0x1], $0xffff  }
0x3ac: {  	v4 =	vld.idx.msk [tilespmem:v0+s7+$0xFFFFFFB0 ss:$0x1], $0xffff;
	_ =	sdelay $0x4  }
0x3ad: {  	v3 =	vadd.f32 v4, v3;
	_ =	sdelay $0x1  }
0x3ae: {  	[tilespmem:v2+s7+$0xFFFFFFB0 ss:$0x1] =	vst.idx.msk $0xffff, v3  }
0x3af: {  	v3 =	vld.idx.msk [tilespmem:v1+s7+$0xFFFFFFF0 ss:$0x1], $0xffff  }
0x3b0: {  	v4 =	vld.idx.msk [tilespmem:v0+s7+$0xFFFFFFC0 ss:$0x1], $0xffff;
	_ =	sdelay $0x4  }
0x3b1: {  	v3 =	vadd.f32 v4, v3;
	_ =	sdelay $0x1  }
0x3b2: {  	[tilespmem:v2+s7+$0xFFFFFFC0 ss:$0x1] =	vst.idx.msk $0xffff, v3  }
0x3b3: {  	v3 =	vld.idx.msk [tilespmem:v1+s7+$0x0 ss:$0x1], $0xffff  }
0x3b4: {  	v4 =	vld.idx.msk [tilespmem:v0+s7+$0xFFFFFFD0 ss:$0x1], $0xffff;
	_ =	sdelay $0x4  }
0x3b5: {  	v3 =	vadd.f32 v4, v3;
	_ =	sdelay $0x1  }
0x3b6: {  	[tilespmem:v2+s7+$0xFFFFFFD0 ss:$0x1] =	vst.idx.msk $0xffff, v3  }
0x3b7: {  	v3 =	vld.idx.msk [tilespmem:v1+s7+$0x10 ss:$0x1], $0xffff  }
0x3b8: {  	v4 =	vld.idx.msk [tilespmem:v0+s7+$0xFFFFFFE0 ss:$0x1], $0xffff;
	_ =	sdelay $0x4  }
0x3b9: {  	v3 =	vadd.f32 v4, v3;
	_ =	sdelay $0x1  }
0x3ba: {  	[tilespmem:v2+s7+$0xFFFFFFE0 ss:$0x1] =	vst.idx.msk $0xffff, v3  }
0x3bb: {  	v3 =	vld.idx.msk [tilespmem:v1+s7+$0x20 ss:$0x1], $0xffff  }
0x3bc: {  	v4 =	vld.idx.msk [tilespmem:v0+s7+$0xFFFFFFF0 ss:$0x1], $0xffff;
	_ =	sdelay $0x4  }
0x3bd: {  	v3 =	vadd.f32 v4, v3;
	_ =	sdelay $0x1  }
0x3be: {  	[tilespmem:v2+s7+$0xFFFFFFF0 ss:$0x1] =	vst.idx.msk $0xffff, v3  }
0x3bf: {  	s8 =	simm.s32 $0x1000;
	v3 =	vld.idx.msk [tilespmem:v1+s7+$0x30 ss:$0x1], $0xffff  }
.LBB2_39:
0x3c0: {  	p0 =	sne.s32 s8, $0x7000;
	v4 =	vld.idx.msk [tilespmem:v0+s7+$0x0 ss:$0x1], $0xffff;
	s9 =	smov.u32 s8;
	s8 =	sadd.s32 $0x1000, s8  }
0x3c1: {  	_ =	sdelay $0x4  }
0x3c2: {  	v3 =	vadd.f32 v4, v3;
	_ =	sdelay $0x1  }
0x3c3: {  	[tilespmem:v2+s7+$0x0 ss:$0x1] =	vst.idx.msk $0xffff, v3;
	s7 =	sshra.s32 s9, $0x2  }
0x3c4: {  	v3 =	vld.idx.msk [tilespmem:v1+s7+$0xFFFFFFC0 ss:$0x1], $0xffff  }
0x3c5: {  	v4 =	vld.idx.msk [tilespmem:v0+s7+$0xFFFFFF90 ss:$0x1], $0xffff;
	_ =	sdelay $0x5  }
0x3c6: {  	v3 =	vadd.f32 v4, v3;
	_ =	sdelay $0x1  }
0x3c7: {  	[tilespmem:v2+s7+$0xFFFFFF90 ss:$0x1] =	vst.idx.msk $0xffff, v3  }
0x3c8: {  	v3 =	vld.idx.msk [tilespmem:v1+s7+$0xFFFFFFD0 ss:$0x1], $0xffff  }
0x3c9: {  	v4 =	vld.idx.msk [tilespmem:v0+s7+$0xFFFFFFA0 ss:$0x1], $0xffff;
	_ =	sdelay $0x5  }
0x3ca: {  	v3 =	vadd.f32 v4, v3;
	_ =	sdelay $0x1  }
0x3cb: {  	[tilespmem:v2+s7+$0xFFFFFFA0 ss:$0x1] =	vst.idx.msk $0xffff, v3  }
0x3cc: {  	v3 =	vld.idx.msk [tilespmem:v1+s7+$0xFFFFFFE0 ss:$0x1], $0xffff  }
0x3cd: {  	v4 =	vld.idx.msk [tilespmem:v0+s7+$0xFFFFFFB0 ss:$0x1], $0xffff;
	_ =	sdelay $0x5  }
0x3ce: {  	v3 =	vadd.f32 v4, v3;
	_ =	sdelay $0x1  }
0x3cf: {  	[tilespmem:v2+s7+$0xFFFFFFB0 ss:$0x1] =	vst.idx.msk $0xffff, v3  }
0x3d0: {  	v3 =	vld.idx.msk [tilespmem:v1+s7+$0xFFFFFFF0 ss:$0x1], $0xffff  }
0x3d1: {  	v4 =	vld.idx.msk [tilespmem:v0+s7+$0xFFFFFFC0 ss:$0x1], $0xffff;
	_ =	sdelay $0x5  }
0x3d2: {  	v3 =	vadd.f32 v4, v3;
	_ =	sdelay $0x1  }
0x3d3: {  	[tilespmem:v2+s7+$0xFFFFFFC0 ss:$0x1] =	vst.idx.msk $0xffff, v3  }
0x3d4: {  	v3 =	vld.idx.msk [tilespmem:v1+s7+$0x0 ss:$0x1], $0xffff  }
0x3d5: {  	v4 =	vld.idx.msk [tilespmem:v0+s7+$0xFFFFFFD0 ss:$0x1], $0xffff;
	_ =	sdelay $0x5  }
0x3d6: {  	v3 =	vadd.f32 v4, v3;
	_ =	sdelay $0x1  }
0x3d7: {  	[tilespmem:v2+s7+$0xFFFFFFD0 ss:$0x1] =	vst.idx.msk $0xffff, v3  }
0x3d8: {  	v3 =	vld.idx.msk [tilespmem:v1+s7+$0x10 ss:$0x1], $0xffff  }
0x3d9: {  	v4 =	vld.idx.msk [tilespmem:v0+s7+$0xFFFFFFE0 ss:$0x1], $0xffff;
	_ =	sdelay $0x5  }
0x3da: {  	v3 =	vadd.f32 v4, v3;
	_ =	sdelay $0x1  }
0x3db: {  	[tilespmem:v2+s7+$0xFFFFFFE0 ss:$0x1] =	vst.idx.msk $0xffff, v3  }
0x3dc: {  	v3 =	vld.idx.msk [tilespmem:v1+s7+$0x20 ss:$0x1], $0xffff  }
0x3dd: {  	v4 =	vld.idx.msk [tilespmem:v0+s7+$0xFFFFFFF0 ss:$0x1], $0xffff;
	_ =	sdelay $0x4  }
.Ltmp18:
0x3de: {  	(pc) =	sbr.rel @p0 .LBB2_39-.Ltmp18, $3  }
0x3df: {  	v3 =	vadd.f32 v4, v3;
	_ =	sdelay $0x1  }
0x3e0: {  	[tilespmem:v2+s7+$0xFFFFFFF0 ss:$0x1] =	vst.idx.msk $0xffff, v3  }
0x3e1: {  	v3 =	vld.idx.msk [tilespmem:v1+s7+$0x30 ss:$0x1], $0xffff  }
0x3e2: {  	_ =	sdelay $0x3  }
0x3e3: {  	v0 =	vld.idx.msk [tilespmem:v0+s7+$0x0 ss:$0x1], $0xffff  }
0x3e4: {  	s6 =	sadd.s32 $0x1, s6  }
0x3e5: {  	p0 =	sne.s32 s6, $0x10  }
.Ltmp19:
0x3e6: {  	_ = 	snop;
	(pc) =	sbr.rel @p0 .LBB2_38-.Ltmp19, $3  }
0x3e7: {  	_ = 	snop  }
0x3e8: {  	v0 =	vadd.f32 v0, v3;
	_ =	sdelay $0x1  }
0x3e9: {  	s5 =	sadd.s32 $0x1, s5;
	[tilespmem:v2+s7+$0x0 ss:$0x1] =	vst.idx.msk $0xffff, v0  }
0x3ea: {  	s5 =	simm.s32 $0x0;
	s6 =	rddreg [dreg:$0x15]  }
0x3eb: {  	[hbm4b:s6+s5] =	stream.linear.scatter [tilespmem:s31], [sflag:$0x6], $0x4000, $0x38;
	[tilespmem:$0x18000] =	vst v63  }
0x3ec: {  	s9 =	rddreg [dreg:$0x18]  }
0x3ed: {  	[tilespmem:s23], [sflag:$0x2] =	stream.linear.gather [hbm4b:s9+s5], $0x4000, $0x38;
	[tilespmem:$0x18000] =	vst v63  }
0x3ee: {  	_ = 	snop  }
0x3ef: {  	[tilespmem:s24], [sflag:$0x4] =	stream.linear.gather [hbm4b:s17+s5], $0x4000, $0x38;
	[tilespmem:$0x18000] =	vst v63  }
0x3f0: {  	_ =	swait.ge [sflag:s25], $0x4000  }
0x3f1: {  	[sflag:s25] =	ssyncset.done $0x0  }
0x3f2: {  	[sflag:s25] =	ssyncadd.s32 $0xFFFFC000  }
0x3f3: {  	_ =	swait.ge [sflag:s26], $0x4000  }
0x3f4: {  	[sflag:s26] =	ssyncset.done $0x0  }
0x3f5: {  	[sflag:s26] =	ssyncadd.s32 $0xFFFFC000  }
0x3f6: {  	_ =	swait.ge [sflag:s0], $0x4000  }
0x3f7: {  	[sflag:s0] =	ssyncset.done $0x0  }
0x3f8: {  	s6 =	simm.s32 $0x0;
	[sflag:s0] =	ssyncadd.s32 $0xFFFFC000  }
.LBB2_42:
0x3f9: {  	s7 =	sshll.u32 s6, $0xC;
	s8 =	sand.u32 $0x7, s5  }
0x3fa: {  	s7 =	sand.u32 $0xFFFF8000, s7;
	s8 =	sshll.u32 s8, $0x9  }
0x3fb: {  	s7 =	sor.u32 s8, s7  }
0x3fc: {  	s8 =	sshrl.u32 s7, $0x2  }
0x3fd: {  	s7 =	sor.u32 $0x40, s8  }
0x3fe: {  	s9 =	sadd.s32 $0x8070, s8;
	v1 =	vmov s7  }
0x3ff: {  	v0 =	vmov s9;
	_ =	sdelay $0x2  }
0x400: {  	s7 =	simm.s32 $0x0  }
0x401: {  	v3 =	vld.idx.msk [tilespmem:v1+s7+$0xFFFFFFC0 ss:$0x1], $0xffff  }
0x402: {  	v4 =	vld.idx.msk [tilespmem:v0+s7+$0xFFFFFF90 ss:$0x1], $0xffff  }
0x403: {  	s8 =	sadd.s32 $0x10070, s8  }
0x404: {  	v2 =	vmov s8;
	_ =	sdelay $0x2  }
0x405: {  	v3 =	vadd.f32 v4, v3;
	_ =	sdelay $0x1  }
0x406: {  	[tilespmem:v2+s7+$0xFFFFFF90 ss:$0x1] =	vst.idx.msk $0xffff, v3  }
0x407: {  	v3 =	vld.idx.msk [tilespmem:v1+s7+$0xFFFFFFD0 ss:$0x1], $0xffff  }
0x408: {  	v4 =	vld.idx.msk [tilespmem:v0+s7+$0xFFFFFFA0 ss:$0x1], $0xffff;
	_ =	sdelay $0x4  }
0x409: {  	v3 =	vadd.f32 v4, v3;
	_ =	sdelay $0x1  }
0x40a: {  	[tilespmem:v2+s7+$0xFFFFFFA0 ss:$0x1] =	vst.idx.msk $0xffff, v3  }
0x40b: {  	v3 =	vld.idx.msk [tilespmem:v1+s7+$0xFFFFFFE0 ss:$0x1], $0xffff  }
0x40c: {  	v4 =	vld.idx.msk [tilespmem:v0+s7+$0xFFFFFFB0 ss:$0x1], $0xffff;
	_ =	sdelay $0x4  }
0x40d: {  	v3 =	vadd.f32 v4, v3;
	_ =	sdelay $0x1  }
0x40e: {  	[tilespmem:v2+s7+$0xFFFFFFB0 ss:$0x1] =	vst.idx.msk $0xffff, v3  }
0x40f: {  	v3 =	vld.idx.msk [tilespmem:v1+s7+$0xFFFFFFF0 ss:$0x1], $0xffff  }
0x410: {  	v4 =	vld.idx.msk [tilespmem:v0+s7+$0xFFFFFFC0 ss:$0x1], $0xffff;
	_ =	sdelay $0x4  }
0x411: {  	v3 =	vadd.f32 v4, v3;
	_ =	sdelay $0x1  }
0x412: {  	[tilespmem:v2+s7+$0xFFFFFFC0 ss:$0x1] =	vst.idx.msk $0xffff, v3  }
0x413: {  	v3 =	vld.idx.msk [tilespmem:v1+s7+$0x0 ss:$0x1], $0xffff  }
0x414: {  	v4 =	vld.idx.msk [tilespmem:v0+s7+$0xFFFFFFD0 ss:$0x1], $0xffff;
	_ =	sdelay $0x4  }
0x415: {  	v3 =	vadd.f32 v4, v3;
	_ =	sdelay $0x1  }
0x416: {  	[tilespmem:v2+s7+$0xFFFFFFD0 ss:$0x1] =	vst.idx.msk $0xffff, v3  }
0x417: {  	v3 =	vld.idx.msk [tilespmem:v1+s7+$0x10 ss:$0x1], $0xffff  }
0x418: {  	v4 =	vld.idx.msk [tilespmem:v0+s7+$0xFFFFFFE0 ss:$0x1], $0xffff;
	_ =	sdelay $0x4  }
0x419: {  	v3 =	vadd.f32 v4, v3;
	_ =	sdelay $0x1  }
0x41a: {  	[tilespmem:v2+s7+$0xFFFFFFE0 ss:$0x1] =	vst.idx.msk $0xffff, v3  }
0x41b: {  	v3 =	vld.idx.msk [tilespmem:v1+s7+$0x20 ss:$0x1], $0xffff  }
0x41c: {  	v4 =	vld.idx.msk [tilespmem:v0+s7+$0xFFFFFFF0 ss:$0x1], $0xffff;
	_ =	sdelay $0x4  }
0x41d: {  	v3 =	vadd.f32 v4, v3;
	_ =	sdelay $0x1  }
0x41e: {  	[tilespmem:v2+s7+$0xFFFFFFF0 ss:$0x1] =	vst.idx.msk $0xffff, v3  }
0x41f: {  	s8 =	simm.s32 $0x1000;
	v3 =	vld.idx.msk [tilespmem:v1+s7+$0x30 ss:$0x1], $0xffff  }
.LBB2_43:
0x420: {  	p0 =	sne.s32 s8, $0x7000;
	v4 =	vld.idx.msk [tilespmem:v0+s7+$0x0 ss:$0x1], $0xffff;
	s9 =	smov.u32 s8;
	s8 =	sadd.s32 $0x1000, s8  }
0x421: {  	_ =	sdelay $0x4  }
0x422: {  	v3 =	vadd.f32 v4, v3;
	_ =	sdelay $0x1  }
0x423: {  	[tilespmem:v2+s7+$0x0 ss:$0x1] =	vst.idx.msk $0xffff, v3;
	s7 =	sshra.s32 s9, $0x2  }
0x424: {  	v3 =	vld.idx.msk [tilespmem:v1+s7+$0xFFFFFFC0 ss:$0x1], $0xffff  }
0x425: {  	v4 =	vld.idx.msk [tilespmem:v0+s7+$0xFFFFFF90 ss:$0x1], $0xffff;
	_ =	sdelay $0x5  }
0x426: {  	v3 =	vadd.f32 v4, v3;
	_ =	sdelay $0x1  }
0x427: {  	[tilespmem:v2+s7+$0xFFFFFF90 ss:$0x1] =	vst.idx.msk $0xffff, v3  }
0x428: {  	v3 =	vld.idx.msk [tilespmem:v1+s7+$0xFFFFFFD0 ss:$0x1], $0xffff  }
0x429: {  	v4 =	vld.idx.msk [tilespmem:v0+s7+$0xFFFFFFA0 ss:$0x1], $0xffff;
	_ =	sdelay $0x5  }
0x42a: {  	v3 =	vadd.f32 v4, v3;
	_ =	sdelay $0x1  }
0x42b: {  	[tilespmem:v2+s7+$0xFFFFFFA0 ss:$0x1] =	vst.idx.msk $0xffff, v3  }
0x42c: {  	v3 =	vld.idx.msk [tilespmem:v1+s7+$0xFFFFFFE0 ss:$0x1], $0xffff  }
0x42d: {  	v4 =	vld.idx.msk [tilespmem:v0+s7+$0xFFFFFFB0 ss:$0x1], $0xffff;
	_ =	sdelay $0x5  }
0x42e: {  	v3 =	vadd.f32 v4, v3;
	_ =	sdelay $0x1  }
0x42f: {  	[tilespmem:v2+s7+$0xFFFFFFB0 ss:$0x1] =	vst.idx.msk $0xffff, v3  }
0x430: {  	v3 =	vld.idx.msk [tilespmem:v1+s7+$0xFFFFFFF0 ss:$0x1], $0xffff  }
0x431: {  	v4 =	vld.idx.msk [tilespmem:v0+s7+$0xFFFFFFC0 ss:$0x1], $0xffff;
	_ =	sdelay $0x5  }
0x432: {  	v3 =	vadd.f32 v4, v3;
	_ =	sdelay $0x1  }
0x433: {  	[tilespmem:v2+s7+$0xFFFFFFC0 ss:$0x1] =	vst.idx.msk $0xffff, v3  }
0x434: {  	v3 =	vld.idx.msk [tilespmem:v1+s7+$0x0 ss:$0x1], $0xffff  }
0x435: {  	v4 =	vld.idx.msk [tilespmem:v0+s7+$0xFFFFFFD0 ss:$0x1], $0xffff;
	_ =	sdelay $0x5  }
0x436: {  	v3 =	vadd.f32 v4, v3;
	_ =	sdelay $0x1  }
0x437: {  	[tilespmem:v2+s7+$0xFFFFFFD0 ss:$0x1] =	vst.idx.msk $0xffff, v3  }
0x438: {  	v3 =	vld.idx.msk [tilespmem:v1+s7+$0x10 ss:$0x1], $0xffff  }
0x439: {  	v4 =	vld.idx.msk [tilespmem:v0+s7+$0xFFFFFFE0 ss:$0x1], $0xffff;
	_ =	sdelay $0x5  }
0x43a: {  	v3 =	vadd.f32 v4, v3;
	_ =	sdelay $0x1  }
0x43b: {  	[tilespmem:v2+s7+$0xFFFFFFE0 ss:$0x1] =	vst.idx.msk $0xffff, v3  }
0x43c: {  	v3 =	vld.idx.msk [tilespmem:v1+s7+$0x20 ss:$0x1], $0xffff  }
0x43d: {  	v4 =	vld.idx.msk [tilespmem:v0+s7+$0xFFFFFFF0 ss:$0x1], $0xffff;
	_ =	sdelay $0x4  }
.Ltmp20:
0x43e: {  	(pc) =	sbr.rel @p0 .LBB2_43-.Ltmp20, $3  }
0x43f: {  	v3 =	vadd.f32 v4, v3;
	_ =	sdelay $0x1  }
0x440: {  	[tilespmem:v2+s7+$0xFFFFFFF0 ss:$0x1] =	vst.idx.msk $0xffff, v3  }
0x441: {  	v3 =	vld.idx.msk [tilespmem:v1+s7+$0x30 ss:$0x1], $0xffff  }
0x442: {  	_ =	sdelay $0x3  }
0x443: {  	v0 =	vld.idx.msk [tilespmem:v0+s7+$0x0 ss:$0x1], $0xffff  }
0x444: {  	s6 =	sadd.s32 $0x1, s6  }
0x445: {  	p0 =	sne.s32 s6, $0x10  }
.Ltmp21:
0x446: {  	_ = 	snop;
	(pc) =	sbr.rel @p0 .LBB2_42-.Ltmp21, $3  }
0x447: {  	_ = 	snop  }
0x448: {  	v0 =	vadd.f32 v0, v3;
	_ =	sdelay $0x1  }
0x449: {  	s5 =	sadd.s32 $0x1, s5;
	[tilespmem:v2+s7+$0x0 ss:$0x1] =	vst.idx.msk $0xffff, v0  }
0x44a: {  	s5 =	simm.s32 $0x0;
	s6 =	rddreg [dreg:$0x17]  }
0x44b: {  	[hbm4b:s6+s5] =	stream.linear.scatter [tilespmem:s28], [sflag:$0x5], $0x4000, $0x38;
	[tilespmem:$0x18000] =	vst v63  }
0x44c: {  	s9 =	rddreg [dreg:$0x1a]  }
0x44d: {  	[tilespmem:s5], [sflag:$0x1] =	stream.linear.gather [hbm4b:s9+s5], $0x4000, $0x38;
	[tilespmem:$0x18000] =	vst v63  }
0x44e: {  	_ = 	snop  }
0x44f: {  	[tilespmem:s22], [sflag:$0x3] =	stream.linear.gather [hbm4b:s18+s5], $0x4000, $0x38;
	[tilespmem:$0x18000] =	vst v63  }
0x450: {  	_ =	swait.ge [sflag:s29], $0x4000  }
0x451: {  	[sflag:s29] =	ssyncset.done $0x0  }
0x452: {  	[sflag:s29] =	ssyncadd.s32 $0xFFFFC000  }
0x453: {  	_ =	swait.ge [sflag:s30], $0x4000  }
0x454: {  	[sflag:s30] =	ssyncset.done $0x0  }
0x455: {  	[sflag:s30] =	ssyncadd.s32 $0xFFFFC000  }
0x456: {  	_ =	swait.ge [sflag:s3], $0x4000  }
0x457: {  	[sflag:s3] =	ssyncset.done $0x0  }
0x458: {  	s6 =	simm.s32 $0x0;
	[sflag:s3] =	ssyncadd.s32 $0xFFFFC000  }
.LBB2_46:
0x459: {  	s7 =	sshll.u32 s6, $0xC;
	s8 =	sand.u32 $0x7, s5  }
0x45a: {  	s7 =	sand.u32 $0xFFFF8000, s7;
	s8 =	sshll.u32 s8, $0x9  }
0x45b: {  	s7 =	sor.u32 s8, s7  }
0x45c: {  	s8 =	sshrl.u32 s7, $0x2  }
0x45d: {  	s7 =	sadd.s32 $0x4040, s8  }
0x45e: {  	s9 =	sadd.s32 $0xC070, s8;
	v1 =	vmov s7  }
0x45f: {  	v0 =	vmov s9;
	_ =	sdelay $0x2  }
0x460: {  	s7 =	simm.s32 $0x0  }
0x461: {  	v3 =	vld.idx.msk [tilespmem:v1+s7+$0xFFFFFFC0 ss:$0x1], $0xffff  }
0x462: {  	v4 =	vld.idx.msk [tilespmem:v0+s7+$0xFFFFFF90 ss:$0x1], $0xffff  }
0x463: {  	s8 =	sadd.s32 $0x14070, s8  }
0x464: {  	v2 =	vmov s8;
	_ =	sdelay $0x2  }
0x465: {  	v3 =	vadd.f32 v4, v3;
	_ =	sdelay $0x1  }
0x466: {  	[tilespmem:v2+s7+$0xFFFFFF90 ss:$0x1] =	vst.idx.msk $0xffff, v3  }
0x467: {  	v3 =	vld.idx.msk [tilespmem:v1+s7+$0xFFFFFFD0 ss:$0x1], $0xffff  }
0x468: {  	v4 =	vld.idx.msk [tilespmem:v0+s7+$0xFFFFFFA0 ss:$0x1], $0xffff;
	_ =	sdelay $0x4  }
0x469: {  	v3 =	vadd.f32 v4, v3;
	_ =	sdelay $0x1  }
0x46a: {  	[tilespmem:v2+s7+$0xFFFFFFA0 ss:$0x1] =	vst.idx.msk $0xffff, v3  }
0x46b: {  	v3 =	vld.idx.msk [tilespmem:v1+s7+$0xFFFFFFE0 ss:$0x1], $0xffff  }
0x46c: {  	v4 =	vld.idx.msk [tilespmem:v0+s7+$0xFFFFFFB0 ss:$0x1], $0xffff;
	_ =	sdelay $0x4  }
0x46d: {  	v3 =	vadd.f32 v4, v3;
	_ =	sdelay $0x1  }
0x46e: {  	[tilespmem:v2+s7+$0xFFFFFFB0 ss:$0x1] =	vst.idx.msk $0xffff, v3  }
0x46f: {  	v3 =	vld.idx.msk [tilespmem:v1+s7+$0xFFFFFFF0 ss:$0x1], $0xffff  }
0x470: {  	v4 =	vld.idx.msk [tilespmem:v0+s7+$0xFFFFFFC0 ss:$0x1], $0xffff;
	_ =	sdelay $0x4  }
0x471: {  	v3 =	vadd.f32 v4, v3;
	_ =	sdelay $0x1  }
0x472: {  	[tilespmem:v2+s7+$0xFFFFFFC0 ss:$0x1] =	vst.idx.msk $0xffff, v3  }
0x473: {  	v3 =	vld.idx.msk [tilespmem:v1+s7+$0x0 ss:$0x1], $0xffff  }
0x474: {  	v4 =	vld.idx.msk [tilespmem:v0+s7+$0xFFFFFFD0 ss:$0x1], $0xffff;
	_ =	sdelay $0x4  }
0x475: {  	v3 =	vadd.f32 v4, v3;
	_ =	sdelay $0x1  }
0x476: {  	[tilespmem:v2+s7+$0xFFFFFFD0 ss:$0x1] =	vst.idx.msk $0xffff, v3  }
0x477: {  	v3 =	vld.idx.msk [tilespmem:v1+s7+$0x10 ss:$0x1], $0xffff  }
0x478: {  	v4 =	vld.idx.msk [tilespmem:v0+s7+$0xFFFFFFE0 ss:$0x1], $0xffff;
	_ =	sdelay $0x4  }
0x479: {  	v3 =	vadd.f32 v4, v3;
	_ =	sdelay $0x1  }
0x47a: {  	[tilespmem:v2+s7+$0xFFFFFFE0 ss:$0x1] =	vst.idx.msk $0xffff, v3  }
0x47b: {  	v3 =	vld.idx.msk [tilespmem:v1+s7+$0x20 ss:$0x1], $0xffff  }
0x47c: {  	v4 =	vld.idx.msk [tilespmem:v0+s7+$0xFFFFFFF0 ss:$0x1], $0xffff;
	_ =	sdelay $0x4  }
0x47d: {  	v3 =	vadd.f32 v4, v3;
	_ =	sdelay $0x1  }
0x47e: {  	[tilespmem:v2+s7+$0xFFFFFFF0 ss:$0x1] =	vst.idx.msk $0xffff, v3  }
0x47f: {  	s8 =	simm.s32 $0x1000;
	v3 =	vld.idx.msk [tilespmem:v1+s7+$0x30 ss:$0x1], $0xffff  }
.LBB2_47:
0x480: {  	p0 =	sne.s32 s8, $0x7000;
	v4 =	vld.idx.msk [tilespmem:v0+s7+$0x0 ss:$0x1], $0xffff;
	s9 =	smov.u32 s8;
	s8 =	sadd.s32 $0x1000, s8  }
0x481: {  	_ =	sdelay $0x4  }
0x482: {  	v3 =	vadd.f32 v4, v3;
	_ =	sdelay $0x1  }
0x483: {  	[tilespmem:v2+s7+$0x0 ss:$0x1] =	vst.idx.msk $0xffff, v3;
	s7 =	sshra.s32 s9, $0x2  }
0x484: {  	v3 =	vld.idx.msk [tilespmem:v1+s7+$0xFFFFFFC0 ss:$0x1], $0xffff  }
0x485: {  	v4 =	vld.idx.msk [tilespmem:v0+s7+$0xFFFFFF90 ss:$0x1], $0xffff;
	_ =	sdelay $0x5  }
0x486: {  	v3 =	vadd.f32 v4, v3;
	_ =	sdelay $0x1  }
0x487: {  	[tilespmem:v2+s7+$0xFFFFFF90 ss:$0x1] =	vst.idx.msk $0xffff, v3  }
0x488: {  	v3 =	vld.idx.msk [tilespmem:v1+s7+$0xFFFFFFD0 ss:$0x1], $0xffff  }
0x489: {  	v4 =	vld.idx.msk [tilespmem:v0+s7+$0xFFFFFFA0 ss:$0x1], $0xffff;
	_ =	sdelay $0x5  }
0x48a: {  	v3 =	vadd.f32 v4, v3;
	_ =	sdelay $0x1  }
0x48b: {  	[tilespmem:v2+s7+$0xFFFFFFA0 ss:$0x1] =	vst.idx.msk $0xffff, v3  }
0x48c: {  	v3 =	vld.idx.msk [tilespmem:v1+s7+$0xFFFFFFE0 ss:$0x1], $0xffff  }
0x48d: {  	v4 =	vld.idx.msk [tilespmem:v0+s7+$0xFFFFFFB0 ss:$0x1], $0xffff;
	_ =	sdelay $0x5  }
0x48e: {  	v3 =	vadd.f32 v4, v3;
	_ =	sdelay $0x1  }
0x48f: {  	[tilespmem:v2+s7+$0xFFFFFFB0 ss:$0x1] =	vst.idx.msk $0xffff, v3  }
0x490: {  	v3 =	vld.idx.msk [tilespmem:v1+s7+$0xFFFFFFF0 ss:$0x1], $0xffff  }
0x491: {  	v4 =	vld.idx.msk [tilespmem:v0+s7+$0xFFFFFFC0 ss:$0x1], $0xffff;
	_ =	sdelay $0x5  }
0x492: {  	v3 =	vadd.f32 v4, v3;
	_ =	sdelay $0x1  }
0x493: {  	[tilespmem:v2+s7+$0xFFFFFFC0 ss:$0x1] =	vst.idx.msk $0xffff, v3  }
0x494: {  	v3 =	vld.idx.msk [tilespmem:v1+s7+$0x0 ss:$0x1], $0xffff  }
0x495: {  	v4 =	vld.idx.msk [tilespmem:v0+s7+$0xFFFFFFD0 ss:$0x1], $0xffff;
	_ =	sdelay $0x5  }
0x496: {  	v3 =	vadd.f32 v4, v3;
	_ =	sdelay $0x1  }
0x497: {  	[tilespmem:v2+s7+$0xFFFFFFD0 ss:$0x1] =	vst.idx.msk $0xffff, v3  }
0x498: {  	v3 =	vld.idx.msk [tilespmem:v1+s7+$0x10 ss:$0x1], $0xffff  }
0x499: {  	v4 =	vld.idx.msk [tilespmem:v0+s7+$0xFFFFFFE0 ss:$0x1], $0xffff;
	_ =	sdelay $0x5  }
0x49a: {  	v3 =	vadd.f32 v4, v3;
	_ =	sdelay $0x1  }
0x49b: {  	[tilespmem:v2+s7+$0xFFFFFFE0 ss:$0x1] =	vst.idx.msk $0xffff, v3  }
0x49c: {  	v3 =	vld.idx.msk [tilespmem:v1+s7+$0x20 ss:$0x1], $0xffff  }
0x49d: {  	v4 =	vld.idx.msk [tilespmem:v0+s7+$0xFFFFFFF0 ss:$0x1], $0xffff;
	_ =	sdelay $0x4  }
.Ltmp22:
0x49e: {  	(pc) =	sbr.rel @p0 .LBB2_47-.Ltmp22, $3  }
0x49f: {  	v3 =	vadd.f32 v4, v3;
	_ =	sdelay $0x1  }
0x4a0: {  	[tilespmem:v2+s7+$0xFFFFFFF0 ss:$0x1] =	vst.idx.msk $0xffff, v3  }
0x4a1: {  	v3 =	vld.idx.msk [tilespmem:v1+s7+$0x30 ss:$0x1], $0xffff  }
0x4a2: {  	_ =	sdelay $0x3  }
0x4a3: {  	v0 =	vld.idx.msk [tilespmem:v0+s7+$0x0 ss:$0x1], $0xffff  }
0x4a4: {  	s6 =	sadd.s32 $0x1, s6  }
0x4a5: {  	p0 =	sne.s32 s6, $0x10  }
.Ltmp23:
0x4a6: {  	_ = 	snop;
	(pc) =	sbr.rel @p0 .LBB2_46-.Ltmp23, $3  }
0x4a7: {  	_ = 	snop  }
0x4a8: {  	v0 =	vadd.f32 v0, v3;
	_ =	sdelay $0x1  }
0x4a9: {  	s5 =	sadd.s32 $0x1, s5;
	[tilespmem:v2+s7+$0x0 ss:$0x1] =	vst.idx.msk $0xffff, v0  }
0x4aa: {  	s5 =	simm.s32 $0x0;
	s6 =	rddreg [dreg:$0x19]  }
0x4ab: {  	[hbm4b:s6+s5] =	stream.linear.scatter [tilespmem:s31], [sflag:$0x6], $0x4000, $0x38;
	[tilespmem:$0x18000] =	vst v63  }
0x4ac: {  	s9 =	rddreg [dreg:$0x1c]  }
0x4ad: {  	[tilespmem:s23], [sflag:$0x2] =	stream.linear.gather [hbm4b:s9+s5], $0x4000, $0x38;
	[tilespmem:$0x18000] =	vst v63  }
0x4ae: {  	_ = 	snop  }
0x4af: {  	[tilespmem:s24], [sflag:$0x4] =	stream.linear.gather [hbm4b:s19+s5], $0x4000, $0x38;
	[tilespmem:$0x18000] =	vst v63  }
0x4b0: {  	_ =	swait.ge [sflag:s25], $0x4000  }
0x4b1: {  	[sflag:s25] =	ssyncset.done $0x0  }
0x4b2: {  	[sflag:s25] =	ssyncadd.s32 $0xFFFFC000  }
0x4b3: {  	_ =	swait.ge [sflag:s26], $0x4000  }
0x4b4: {  	[sflag:s26] =	ssyncset.done $0x0  }
0x4b5: {  	[sflag:s26] =	ssyncadd.s32 $0xFFFFC000  }
0x4b6: {  	_ =	swait.ge [sflag:s0], $0x4000  }
0x4b7: {  	[sflag:s0] =	ssyncset.done $0x0  }
0x4b8: {  	s6 =	simm.s32 $0x0;
	[sflag:s0] =	ssyncadd.s32 $0xFFFFC000  }
.LBB2_50:
0x4b9: {  	s7 =	sshll.u32 s6, $0xC;
	s8 =	sand.u32 $0x7, s5  }
0x4ba: {  	s7 =	sand.u32 $0xFFFF8000, s7;
	s8 =	sshll.u32 s8, $0x9  }
0x4bb: {  	s7 =	sor.u32 s8, s7  }
0x4bc: {  	s8 =	sshrl.u32 s7, $0x2  }
0x4bd: {  	s7 =	sor.u32 $0x40, s8  }
0x4be: {  	s9 =	sadd.s32 $0x8070, s8;
	v1 =	vmov s7  }
0x4bf: {  	v0 =	vmov s9;
	_ =	sdelay $0x2  }
0x4c0: {  	s7 =	simm.s32 $0x0  }
0x4c1: {  	v3 =	vld.idx.msk [tilespmem:v1+s7+$0xFFFFFFC0 ss:$0x1], $0xffff  }
0x4c2: {  	v4 =	vld.idx.msk [tilespmem:v0+s7+$0xFFFFFF90 ss:$0x1], $0xffff  }
0x4c3: {  	s8 =	sadd.s32 $0x10070, s8  }
0x4c4: {  	v2 =	vmov s8;
	_ =	sdelay $0x2  }
0x4c5: {  	v3 =	vadd.f32 v4, v3;
	_ =	sdelay $0x1  }
0x4c6: {  	[tilespmem:v2+s7+$0xFFFFFF90 ss:$0x1] =	vst.idx.msk $0xffff, v3  }
0x4c7: {  	v3 =	vld.idx.msk [tilespmem:v1+s7+$0xFFFFFFD0 ss:$0x1], $0xffff  }
0x4c8: {  	v4 =	vld.idx.msk [tilespmem:v0+s7+$0xFFFFFFA0 ss:$0x1], $0xffff;
	_ =	sdelay $0x4  }
0x4c9: {  	v3 =	vadd.f32 v4, v3;
	_ =	sdelay $0x1  }
0x4ca: {  	[tilespmem:v2+s7+$0xFFFFFFA0 ss:$0x1] =	vst.idx.msk $0xffff, v3  }
0x4cb: {  	v3 =	vld.idx.msk [tilespmem:v1+s7+$0xFFFFFFE0 ss:$0x1], $0xffff  }
0x4cc: {  	v4 =	vld.idx.msk [tilespmem:v0+s7+$0xFFFFFFB0 ss:$0x1], $0xffff;
	_ =	sdelay $0x4  }
0x4cd: {  	v3 =	vadd.f32 v4, v3;
	_ =	sdelay $0x1  }
0x4ce: {  	[tilespmem:v2+s7+$0xFFFFFFB0 ss:$0x1] =	vst.idx.msk $0xffff, v3  }
0x4cf: {  	v3 =	vld.idx.msk [tilespmem:v1+s7+$0xFFFFFFF0 ss:$0x1], $0xffff  }
0x4d0: {  	v4 =	vld.idx.msk [tilespmem:v0+s7+$0xFFFFFFC0 ss:$0x1], $0xffff;
	_ =	sdelay $0x4  }
0x4d1: {  	v3 =	vadd.f32 v4, v3;
	_ =	sdelay $0x1  }
0x4d2: {  	[tilespmem:v2+s7+$0xFFFFFFC0 ss:$0x1] =	vst.idx.msk $0xffff, v3  }
0x4d3: {  	v3 =	vld.idx.msk [tilespmem:v1+s7+$0x0 ss:$0x1], $0xffff  }
0x4d4: {  	v4 =	vld.idx.msk [tilespmem:v0+s7+$0xFFFFFFD0 ss:$0x1], $0xffff;
	_ =	sdelay $0x4  }
0x4d5: {  	v3 =	vadd.f32 v4, v3;
	_ =	sdelay $0x1  }
0x4d6: {  	[tilespmem:v2+s7+$0xFFFFFFD0 ss:$0x1] =	vst.idx.msk $0xffff, v3  }
0x4d7: {  	v3 =	vld.idx.msk [tilespmem:v1+s7+$0x10 ss:$0x1], $0xffff  }
0x4d8: {  	v4 =	vld.idx.msk [tilespmem:v0+s7+$0xFFFFFFE0 ss:$0x1], $0xffff;
	_ =	sdelay $0x4  }
0x4d9: {  	v3 =	vadd.f32 v4, v3;
	_ =	sdelay $0x1  }
0x4da: {  	[tilespmem:v2+s7+$0xFFFFFFE0 ss:$0x1] =	vst.idx.msk $0xffff, v3  }
0x4db: {  	v3 =	vld.idx.msk [tilespmem:v1+s7+$0x20 ss:$0x1], $0xffff  }
0x4dc: {  	v4 =	vld.idx.msk [tilespmem:v0+s7+$0xFFFFFFF0 ss:$0x1], $0xffff;
	_ =	sdelay $0x4  }
0x4dd: {  	v3 =	vadd.f32 v4, v3;
	_ =	sdelay $0x1  }
0x4de: {  	[tilespmem:v2+s7+$0xFFFFFFF0 ss:$0x1] =	vst.idx.msk $0xffff, v3  }
0x4df: {  	s8 =	simm.s32 $0x1000;
	v3 =	vld.idx.msk [tilespmem:v1+s7+$0x30 ss:$0x1], $0xffff  }
.LBB2_51:
0x4e0: {  	p0 =	sne.s32 s8, $0x7000;
	v4 =	vld.idx.msk [tilespmem:v0+s7+$0x0 ss:$0x1], $0xffff;
	s9 =	smov.u32 s8;
	s8 =	sadd.s32 $0x1000, s8  }
0x4e1: {  	_ =	sdelay $0x4  }
0x4e2: {  	v3 =	vadd.f32 v4, v3;
	_ =	sdelay $0x1  }
0x4e3: {  	[tilespmem:v2+s7+$0x0 ss:$0x1] =	vst.idx.msk $0xffff, v3;
	s7 =	sshra.s32 s9, $0x2  }
0x4e4: {  	v3 =	vld.idx.msk [tilespmem:v1+s7+$0xFFFFFFC0 ss:$0x1], $0xffff  }
0x4e5: {  	v4 =	vld.idx.msk [tilespmem:v0+s7+$0xFFFFFF90 ss:$0x1], $0xffff;
	_ =	sdelay $0x5  }
0x4e6: {  	v3 =	vadd.f32 v4, v3;
	_ =	sdelay $0x1  }
0x4e7: {  	[tilespmem:v2+s7+$0xFFFFFF90 ss:$0x1] =	vst.idx.msk $0xffff, v3  }
0x4e8: {  	v3 =	vld.idx.msk [tilespmem:v1+s7+$0xFFFFFFD0 ss:$0x1], $0xffff  }
0x4e9: {  	v4 =	vld.idx.msk [tilespmem:v0+s7+$0xFFFFFFA0 ss:$0x1], $0xffff;
	_ =	sdelay $0x5  }
0x4ea: {  	v3 =	vadd.f32 v4, v3;
	_ =	sdelay $0x1  }
0x4eb: {  	[tilespmem:v2+s7+$0xFFFFFFA0 ss:$0x1] =	vst.idx.msk $0xffff, v3  }
0x4ec: {  	v3 =	vld.idx.msk [tilespmem:v1+s7+$0xFFFFFFE0 ss:$0x1], $0xffff  }
0x4ed: {  	v4 =	vld.idx.msk [tilespmem:v0+s7+$0xFFFFFFB0 ss:$0x1], $0xffff;
	_ =	sdelay $0x5  }
0x4ee: {  	v3 =	vadd.f32 v4, v3;
	_ =	sdelay $0x1  }
0x4ef: {  	[tilespmem:v2+s7+$0xFFFFFFB0 ss:$0x1] =	vst.idx.msk $0xffff, v3  }
0x4f0: {  	v3 =	vld.idx.msk [tilespmem:v1+s7+$0xFFFFFFF0 ss:$0x1], $0xffff  }
0x4f1: {  	v4 =	vld.idx.msk [tilespmem:v0+s7+$0xFFFFFFC0 ss:$0x1], $0xffff;
	_ =	sdelay $0x5  }
0x4f2: {  	v3 =	vadd.f32 v4, v3;
	_ =	sdelay $0x1  }
0x4f3: {  	[tilespmem:v2+s7+$0xFFFFFFC0 ss:$0x1] =	vst.idx.msk $0xffff, v3  }
0x4f4: {  	v3 =	vld.idx.msk [tilespmem:v1+s7+$0x0 ss:$0x1], $0xffff  }
0x4f5: {  	v4 =	vld.idx.msk [tilespmem:v0+s7+$0xFFFFFFD0 ss:$0x1], $0xffff;
	_ =	sdelay $0x5  }
0x4f6: {  	v3 =	vadd.f32 v4, v3;
	_ =	sdelay $0x1  }
0x4f7: {  	[tilespmem:v2+s7+$0xFFFFFFD0 ss:$0x1] =	vst.idx.msk $0xffff, v3  }
0x4f8: {  	v3 =	vld.idx.msk [tilespmem:v1+s7+$0x10 ss:$0x1], $0xffff  }
0x4f9: {  	v4 =	vld.idx.msk [tilespmem:v0+s7+$0xFFFFFFE0 ss:$0x1], $0xffff;
	_ =	sdelay $0x5  }
0x4fa: {  	v3 =	vadd.f32 v4, v3;
	_ =	sdelay $0x1  }
0x4fb: {  	[tilespmem:v2+s7+$0xFFFFFFE0 ss:$0x1] =	vst.idx.msk $0xffff, v3  }
0x4fc: {  	v3 =	vld.idx.msk [tilespmem:v1+s7+$0x20 ss:$0x1], $0xffff  }
0x4fd: {  	v4 =	vld.idx.msk [tilespmem:v0+s7+$0xFFFFFFF0 ss:$0x1], $0xffff;
	_ =	sdelay $0x4  }
.Ltmp24:
0x4fe: {  	(pc) =	sbr.rel @p0 .LBB2_51-.Ltmp24, $3  }
0x4ff: {  	v3 =	vadd.f32 v4, v3;
	_ =	sdelay $0x1  }
0x500: {  	[tilespmem:v2+s7+$0xFFFFFFF0 ss:$0x1] =	vst.idx.msk $0xffff, v3  }
0x501: {  	v3 =	vld.idx.msk [tilespmem:v1+s7+$0x30 ss:$0x1], $0xffff  }
0x502: {  	_ =	sdelay $0x3  }
0x503: {  	v0 =	vld.idx.msk [tilespmem:v0+s7+$0x0 ss:$0x1], $0xffff  }
0x504: {  	s6 =	sadd.s32 $0x1, s6  }
0x505: {  	p0 =	sne.s32 s6, $0x10  }
.Ltmp25:
0x506: {  	_ = 	snop;
	(pc) =	sbr.rel @p0 .LBB2_50-.Ltmp25, $3  }
0x507: {  	_ = 	snop  }
0x508: {  	v0 =	vadd.f32 v0, v3;
	_ =	sdelay $0x1  }
0x509: {  	s5 =	sadd.s32 $0x1, s5;
	[tilespmem:v2+s7+$0x0 ss:$0x1] =	vst.idx.msk $0xffff, v0  }
0x50a: {  	s6 =	rddreg [dreg:$0x1b]  }
0x50b: {  	s5 =	simm.s32 $0x0;
	s9 =	sld [smem:$0x7F6]  }
0x50c: {  	[hbm4b:s6+s5] =	stream.linear.scatter [tilespmem:s28], [sflag:$0x5], $0x4000, $0x38;
	[tilespmem:$0x18000] =	vst v63  }
0x50d: {  	_ = 	snop  }
0x50e: {  	[tilespmem:s5], [sflag:$0x1] =	stream.linear.gather [hbm4b:s9+s5], $0x4000, $0x38;
	[tilespmem:$0x18000] =	vst v63  }
0x50f: {  	_ = 	snop  }
0x510: {  	[tilespmem:s22], [sflag:$0x3] =	stream.linear.gather [hbm4b:s20+s5], $0x4000, $0x38;
	[tilespmem:$0x18000] =	vst v63  }
0x511: {  	_ =	swait.ge [sflag:s29], $0x4000  }
0x512: {  	[sflag:s29] =	ssyncset.done $0x0  }
0x513: {  	[sflag:s29] =	ssyncadd.s32 $0xFFFFC000  }
0x514: {  	_ =	swait.ge [sflag:s30], $0x4000  }
0x515: {  	[sflag:s30] =	ssyncset.done $0x0  }
0x516: {  	[sflag:s30] =	ssyncadd.s32 $0xFFFFC000  }
0x517: {  	_ =	swait.ge [sflag:s3], $0x4000  }
0x518: {  	[sflag:s3] =	ssyncset.done $0x0  }
0x519: {  	s6 =	simm.s32 $0x0;
	[sflag:s3] =	ssyncadd.s32 $0xFFFFC000  }
.LBB2_54:
0x51a: {  	s7 =	sshll.u32 s6, $0xC;
	s8 =	sand.u32 $0x7, s5  }
0x51b: {  	s7 =	sand.u32 $0xFFFF8000, s7;
	s8 =	sshll.u32 s8, $0x9  }
0x51c: {  	s7 =	sor.u32 s8, s7  }
0x51d: {  	s8 =	sshrl.u32 s7, $0x2  }
0x51e: {  	s7 =	sadd.s32 $0x4040, s8  }
0x51f: {  	s9 =	sadd.s32 $0xC070, s8;
	v1 =	vmov s7  }
0x520: {  	v0 =	vmov s9;
	_ =	sdelay $0x2  }
0x521: {  	s7 =	simm.s32 $0x0  }
0x522: {  	v3 =	vld.idx.msk [tilespmem:v1+s7+$0xFFFFFFC0 ss:$0x1], $0xffff  }
0x523: {  	v4 =	vld.idx.msk [tilespmem:v0+s7+$0xFFFFFF90 ss:$0x1], $0xffff  }
0x524: {  	s8 =	sadd.s32 $0x14070, s8  }
0x525: {  	v2 =	vmov s8;
	_ =	sdelay $0x2  }
0x526: {  	v3 =	vadd.f32 v4, v3;
	_ =	sdelay $0x1  }
0x527: {  	[tilespmem:v2+s7+$0xFFFFFF90 ss:$0x1] =	vst.idx.msk $0xffff, v3  }
0x528: {  	v3 =	vld.idx.msk [tilespmem:v1+s7+$0xFFFFFFD0 ss:$0x1], $0xffff  }
0x529: {  	v4 =	vld.idx.msk [tilespmem:v0+s7+$0xFFFFFFA0 ss:$0x1], $0xffff;
	_ =	sdelay $0x4  }
0x52a: {  	v3 =	vadd.f32 v4, v3;
	_ =	sdelay $0x1  }
0x52b: {  	[tilespmem:v2+s7+$0xFFFFFFA0 ss:$0x1] =	vst.idx.msk $0xffff, v3  }
0x52c: {  	v3 =	vld.idx.msk [tilespmem:v1+s7+$0xFFFFFFE0 ss:$0x1], $0xffff  }
0x52d: {  	v4 =	vld.idx.msk [tilespmem:v0+s7+$0xFFFFFFB0 ss:$0x1], $0xffff;
	_ =	sdelay $0x4  }
0x52e: {  	v3 =	vadd.f32 v4, v3;
	_ =	sdelay $0x1  }
0x52f: {  	[tilespmem:v2+s7+$0xFFFFFFB0 ss:$0x1] =	vst.idx.msk $0xffff, v3  }
0x530: {  	v3 =	vld.idx.msk [tilespmem:v1+s7+$0xFFFFFFF0 ss:$0x1], $0xffff  }
0x531: {  	v4 =	vld.idx.msk [tilespmem:v0+s7+$0xFFFFFFC0 ss:$0x1], $0xffff;
	_ =	sdelay $0x4  }
0x532: {  	v3 =	vadd.f32 v4, v3;
	_ =	sdelay $0x1  }
0x533: {  	[tilespmem:v2+s7+$0xFFFFFFC0 ss:$0x1] =	vst.idx.msk $0xffff, v3  }
0x534: {  	v3 =	vld.idx.msk [tilespmem:v1+s7+$0x0 ss:$0x1], $0xffff  }
0x535: {  	v4 =	vld.idx.msk [tilespmem:v0+s7+$0xFFFFFFD0 ss:$0x1], $0xffff;
	_ =	sdelay $0x4  }
0x536: {  	v3 =	vadd.f32 v4, v3;
	_ =	sdelay $0x1  }
0x537: {  	[tilespmem:v2+s7+$0xFFFFFFD0 ss:$0x1] =	vst.idx.msk $0xffff, v3  }
0x538: {  	v3 =	vld.idx.msk [tilespmem:v1+s7+$0x10 ss:$0x1], $0xffff  }
0x539: {  	v4 =	vld.idx.msk [tilespmem:v0+s7+$0xFFFFFFE0 ss:$0x1], $0xffff;
	_ =	sdelay $0x4  }
0x53a: {  	v3 =	vadd.f32 v4, v3;
	_ =	sdelay $0x1  }
0x53b: {  	[tilespmem:v2+s7+$0xFFFFFFE0 ss:$0x1] =	vst.idx.msk $0xffff, v3  }
0x53c: {  	v3 =	vld.idx.msk [tilespmem:v1+s7+$0x20 ss:$0x1], $0xffff  }
0x53d: {  	v4 =	vld.idx.msk [tilespmem:v0+s7+$0xFFFFFFF0 ss:$0x1], $0xffff;
	_ =	sdelay $0x4  }
0x53e: {  	v3 =	vadd.f32 v4, v3;
	_ =	sdelay $0x1  }
0x53f: {  	[tilespmem:v2+s7+$0xFFFFFFF0 ss:$0x1] =	vst.idx.msk $0xffff, v3  }
0x540: {  	s8 =	simm.s32 $0x1000;
	v3 =	vld.idx.msk [tilespmem:v1+s7+$0x30 ss:$0x1], $0xffff  }
.LBB2_55:
0x541: {  	p0 =	sne.s32 s8, $0x7000;
	v4 =	vld.idx.msk [tilespmem:v0+s7+$0x0 ss:$0x1], $0xffff;
	s9 =	smov.u32 s8;
	s8 =	sadd.s32 $0x1000, s8  }
0x542: {  	_ =	sdelay $0x4  }
0x543: {  	v3 =	vadd.f32 v4, v3;
	_ =	sdelay $0x1  }
0x544: {  	[tilespmem:v2+s7+$0x0 ss:$0x1] =	vst.idx.msk $0xffff, v3;
	s7 =	sshra.s32 s9, $0x2  }
0x545: {  	v3 =	vld.idx.msk [tilespmem:v1+s7+$0xFFFFFFC0 ss:$0x1], $0xffff  }
0x546: {  	v4 =	vld.idx.msk [tilespmem:v0+s7+$0xFFFFFF90 ss:$0x1], $0xffff;
	_ =	sdelay $0x5  }
0x547: {  	v3 =	vadd.f32 v4, v3;
	_ =	sdelay $0x1  }
0x548: {  	[tilespmem:v2+s7+$0xFFFFFF90 ss:$0x1] =	vst.idx.msk $0xffff, v3  }
0x549: {  	v3 =	vld.idx.msk [tilespmem:v1+s7+$0xFFFFFFD0 ss:$0x1], $0xffff  }
0x54a: {  	v4 =	vld.idx.msk [tilespmem:v0+s7+$0xFFFFFFA0 ss:$0x1], $0xffff;
	_ =	sdelay $0x5  }
0x54b: {  	v3 =	vadd.f32 v4, v3;
	_ =	sdelay $0x1  }
0x54c: {  	[tilespmem:v2+s7+$0xFFFFFFA0 ss:$0x1] =	vst.idx.msk $0xffff, v3  }
0x54d: {  	v3 =	vld.idx.msk [tilespmem:v1+s7+$0xFFFFFFE0 ss:$0x1], $0xffff  }
0x54e: {  	v4 =	vld.idx.msk [tilespmem:v0+s7+$0xFFFFFFB0 ss:$0x1], $0xffff;
	_ =	sdelay $0x5  }
0x54f: {  	v3 =	vadd.f32 v4, v3;
	_ =	sdelay $0x1  }
0x550: {  	[tilespmem:v2+s7+$0xFFFFFFB0 ss:$0x1] =	vst.idx.msk $0xffff, v3  }
0x551: {  	v3 =	vld.idx.msk [tilespmem:v1+s7+$0xFFFFFFF0 ss:$0x1], $0xffff  }
0x552: {  	v4 =	vld.idx.msk [tilespmem:v0+s7+$0xFFFFFFC0 ss:$0x1], $0xffff;
	_ =	sdelay $0x5  }
0x553: {  	v3 =	vadd.f32 v4, v3;
	_ =	sdelay $0x1  }
0x554: {  	[tilespmem:v2+s7+$0xFFFFFFC0 ss:$0x1] =	vst.idx.msk $0xffff, v3  }
0x555: {  	v3 =	vld.idx.msk [tilespmem:v1+s7+$0x0 ss:$0x1], $0xffff  }
0x556: {  	v4 =	vld.idx.msk [tilespmem:v0+s7+$0xFFFFFFD0 ss:$0x1], $0xffff;
	_ =	sdelay $0x5  }
0x557: {  	v3 =	vadd.f32 v4, v3;
	_ =	sdelay $0x1  }
0x558: {  	[tilespmem:v2+s7+$0xFFFFFFD0 ss:$0x1] =	vst.idx.msk $0xffff, v3  }
0x559: {  	v3 =	vld.idx.msk [tilespmem:v1+s7+$0x10 ss:$0x1], $0xffff  }
0x55a: {  	v4 =	vld.idx.msk [tilespmem:v0+s7+$0xFFFFFFE0 ss:$0x1], $0xffff;
	_ =	sdelay $0x5  }
0x55b: {  	v3 =	vadd.f32 v4, v3;
	_ =	sdelay $0x1  }
0x55c: {  	[tilespmem:v2+s7+$0xFFFFFFE0 ss:$0x1] =	vst.idx.msk $0xffff, v3  }
0x55d: {  	v3 =	vld.idx.msk [tilespmem:v1+s7+$0x20 ss:$0x1], $0xffff  }
0x55e: {  	v4 =	vld.idx.msk [tilespmem:v0+s7+$0xFFFFFFF0 ss:$0x1], $0xffff;
	_ =	sdelay $0x4  }
.Ltmp26:
0x55f: {  	(pc) =	sbr.rel @p0 .LBB2_55-.Ltmp26, $3  }
0x560: {  	v3 =	vadd.f32 v4, v3;
	_ =	sdelay $0x1  }
0x561: {  	[tilespmem:v2+s7+$0xFFFFFFF0 ss:$0x1] =	vst.idx.msk $0xffff, v3  }
0x562: {  	v3 =	vld.idx.msk [tilespmem:v1+s7+$0x30 ss:$0x1], $0xffff  }
0x563: {  	_ =	sdelay $0x3  }
0x564: {  	v0 =	vld.idx.msk [tilespmem:v0+s7+$0x0 ss:$0x1], $0xffff  }
0x565: {  	s6 =	sadd.s32 $0x1, s6  }
0x566: {  	p0 =	sne.s32 s6, $0x10  }
.Ltmp27:
0x567: {  	_ = 	snop;
	(pc) =	sbr.rel @p0 .LBB2_54-.Ltmp27, $3  }
0x568: {  	_ = 	snop  }
0x569: {  	v0 =	vadd.f32 v0, v3;
	_ =	sdelay $0x1  }
0x56a: {  	s5 =	sadd.s32 $0x1, s5;
	[tilespmem:v2+s7+$0x0 ss:$0x1] =	vst.idx.msk $0xffff, v0  }
0x56b: {  	s6 =	rddreg [dreg:$0x1d]  }
0x56c: {  	s5 =	simm.s32 $0x0;
	s9 =	sld [smem:$0x7F7]  }
0x56d: {  	[hbm4b:s6+s5] =	stream.linear.scatter [tilespmem:s31], [sflag:$0x6], $0x4000, $0x38;
	[tilespmem:$0x18000] =	vst v63  }
0x56e: {  	_ = 	snop  }
0x56f: {  	[tilespmem:s23], [sflag:$0x2] =	stream.linear.gather [hbm4b:s9+s5], $0x4000, $0x38;
	[tilespmem:$0x18000] =	vst v63  }
0x570: {  	_ = 	snop  }
0x571: {  	[tilespmem:s24], [sflag:$0x4] =	stream.linear.gather [hbm4b:s21+s5], $0x4000, $0x38;
	[tilespmem:$0x18000] =	vst v63  }
0x572: {  	_ =	swait.ge [sflag:s25], $0x4000  }
0x573: {  	[sflag:s25] =	ssyncset.done $0x0  }
0x574: {  	[sflag:s25] =	ssyncadd.s32 $0xFFFFC000  }
0x575: {  	_ =	swait.ge [sflag:s26], $0x4000  }
0x576: {  	[sflag:s26] =	ssyncset.done $0x0  }
0x577: {  	[sflag:s26] =	ssyncadd.s32 $0xFFFFC000  }
0x578: {  	_ =	swait.ge [sflag:s0], $0x4000  }
0x579: {  	[sflag:s0] =	ssyncset.done $0x0  }
0x57a: {  	s6 =	simm.s32 $0x0;
	[sflag:s0] =	ssyncadd.s32 $0xFFFFC000  }
.LBB2_58:
0x57b: {  	s7 =	sshll.u32 s6, $0xC;
	s8 =	sand.u32 $0x7, s5  }
0x57c: {  	s7 =	sand.u32 $0xFFFF8000, s7;
	s8 =	sshll.u32 s8, $0x9  }
0x57d: {  	s7 =	sor.u32 s8, s7  }
0x57e: {  	s8 =	sshrl.u32 s7, $0x2  }
0x57f: {  	s7 =	sor.u32 $0x40, s8  }
0x580: {  	s9 =	sadd.s32 $0x8070, s8;
	v1 =	vmov s7  }
0x581: {  	v0 =	vmov s9;
	_ =	sdelay $0x2  }
0x582: {  	s7 =	simm.s32 $0x0  }
0x583: {  	v3 =	vld.idx.msk [tilespmem:v1+s7+$0xFFFFFFC0 ss:$0x1], $0xffff  }
0x584: {  	v4 =	vld.idx.msk [tilespmem:v0+s7+$0xFFFFFF90 ss:$0x1], $0xffff  }
0x585: {  	s8 =	sadd.s32 $0x10070, s8  }
0x586: {  	v2 =	vmov s8;
	_ =	sdelay $0x2  }
0x587: {  	v3 =	vadd.f32 v4, v3;
	_ =	sdelay $0x1  }
0x588: {  	[tilespmem:v2+s7+$0xFFFFFF90 ss:$0x1] =	vst.idx.msk $0xffff, v3  }
0x589: {  	v3 =	vld.idx.msk [tilespmem:v1+s7+$0xFFFFFFD0 ss:$0x1], $0xffff  }
0x58a: {  	v4 =	vld.idx.msk [tilespmem:v0+s7+$0xFFFFFFA0 ss:$0x1], $0xffff;
	_ =	sdelay $0x4  }
0x58b: {  	v3 =	vadd.f32 v4, v3;
	_ =	sdelay $0x1  }
0x58c: {  	[tilespmem:v2+s7+$0xFFFFFFA0 ss:$0x1] =	vst.idx.msk $0xffff, v3  }
0x58d: {  	v3 =	vld.idx.msk [tilespmem:v1+s7+$0xFFFFFFE0 ss:$0x1], $0xffff  }
0x58e: {  	v4 =	vld.idx.msk [tilespmem:v0+s7+$0xFFFFFFB0 ss:$0x1], $0xffff;
	_ =	sdelay $0x4  }
0x58f: {  	v3 =	vadd.f32 v4, v3;
	_ =	sdelay $0x1  }
0x590: {  	[tilespmem:v2+s7+$0xFFFFFFB0 ss:$0x1] =	vst.idx.msk $0xffff, v3  }
0x591: {  	v3 =	vld.idx.msk [tilespmem:v1+s7+$0xFFFFFFF0 ss:$0x1], $0xffff  }
0x592: {  	v4 =	vld.idx.msk [tilespmem:v0+s7+$0xFFFFFFC0 ss:$0x1], $0xffff;
	_ =	sdelay $0x4  }
0x593: {  	v3 =	vadd.f32 v4, v3;
	_ =	sdelay $0x1  }
0x594: {  	[tilespmem:v2+s7+$0xFFFFFFC0 ss:$0x1] =	vst.idx.msk $0xffff, v3  }
0x595: {  	v3 =	vld.idx.msk [tilespmem:v1+s7+$0x0 ss:$0x1], $0xffff  }
0x596: {  	v4 =	vld.idx.msk [tilespmem:v0+s7+$0xFFFFFFD0 ss:$0x1], $0xffff;
	_ =	sdelay $0x4  }
0x597: {  	v3 =	vadd.f32 v4, v3;
	_ =	sdelay $0x1  }
0x598: {  	[tilespmem:v2+s7+$0xFFFFFFD0 ss:$0x1] =	vst.idx.msk $0xffff, v3  }
0x599: {  	v3 =	vld.idx.msk [tilespmem:v1+s7+$0x10 ss:$0x1], $0xffff  }
0x59a: {  	v4 =	vld.idx.msk [tilespmem:v0+s7+$0xFFFFFFE0 ss:$0x1], $0xffff;
	_ =	sdelay $0x4  }
0x59b: {  	v3 =	vadd.f32 v4, v3;
	_ =	sdelay $0x1  }
0x59c: {  	[tilespmem:v2+s7+$0xFFFFFFE0 ss:$0x1] =	vst.idx.msk $0xffff, v3  }
0x59d: {  	v3 =	vld.idx.msk [tilespmem:v1+s7+$0x20 ss:$0x1], $0xffff  }
0x59e: {  	v4 =	vld.idx.msk [tilespmem:v0+s7+$0xFFFFFFF0 ss:$0x1], $0xffff;
	_ =	sdelay $0x4  }
0x59f: {  	v3 =	vadd.f32 v4, v3;
	_ =	sdelay $0x1  }
0x5a0: {  	[tilespmem:v2+s7+$0xFFFFFFF0 ss:$0x1] =	vst.idx.msk $0xffff, v3  }
0x5a1: {  	s8 =	simm.s32 $0x1000;
	v3 =	vld.idx.msk [tilespmem:v1+s7+$0x30 ss:$0x1], $0xffff  }
.LBB2_59:
0x5a2: {  	p0 =	sne.s32 s8, $0x7000;
	v4 =	vld.idx.msk [tilespmem:v0+s7+$0x0 ss:$0x1], $0xffff;
	s9 =	smov.u32 s8;
	s8 =	sadd.s32 $0x1000, s8  }
0x5a3: {  	_ =	sdelay $0x4  }
0x5a4: {  	v3 =	vadd.f32 v4, v3;
	_ =	sdelay $0x1  }
0x5a5: {  	[tilespmem:v2+s7+$0x0 ss:$0x1] =	vst.idx.msk $0xffff, v3;
	s7 =	sshra.s32 s9, $0x2  }
0x5a6: {  	v3 =	vld.idx.msk [tilespmem:v1+s7+$0xFFFFFFC0 ss:$0x1], $0xffff  }
0x5a7: {  	v4 =	vld.idx.msk [tilespmem:v0+s7+$0xFFFFFF90 ss:$0x1], $0xffff;
	_ =	sdelay $0x5  }
0x5a8: {  	v3 =	vadd.f32 v4, v3;
	_ =	sdelay $0x1  }
0x5a9: {  	[tilespmem:v2+s7+$0xFFFFFF90 ss:$0x1] =	vst.idx.msk $0xffff, v3  }
0x5aa: {  	v3 =	vld.idx.msk [tilespmem:v1+s7+$0xFFFFFFD0 ss:$0x1], $0xffff  }
0x5ab: {  	v4 =	vld.idx.msk [tilespmem:v0+s7+$0xFFFFFFA0 ss:$0x1], $0xffff;
	_ =	sdelay $0x5  }
0x5ac: {  	v3 =	vadd.f32 v4, v3;
	_ =	sdelay $0x1  }
0x5ad: {  	[tilespmem:v2+s7+$0xFFFFFFA0 ss:$0x1] =	vst.idx.msk $0xffff, v3  }
0x5ae: {  	v3 =	vld.idx.msk [tilespmem:v1+s7+$0xFFFFFFE0 ss:$0x1], $0xffff  }
0x5af: {  	v4 =	vld.idx.msk [tilespmem:v0+s7+$0xFFFFFFB0 ss:$0x1], $0xffff;
	_ =	sdelay $0x5  }
0x5b0: {  	v3 =	vadd.f32 v4, v3;
	_ =	sdelay $0x1  }
0x5b1: {  	[tilespmem:v2+s7+$0xFFFFFFB0 ss:$0x1] =	vst.idx.msk $0xffff, v3  }
0x5b2: {  	v3 =	vld.idx.msk [tilespmem:v1+s7+$0xFFFFFFF0 ss:$0x1], $0xffff  }
0x5b3: {  	v4 =	vld.idx.msk [tilespmem:v0+s7+$0xFFFFFFC0 ss:$0x1], $0xffff;
	_ =	sdelay $0x5  }
0x5b4: {  	v3 =	vadd.f32 v4, v3;
	_ =	sdelay $0x1  }
0x5b5: {  	[tilespmem:v2+s7+$0xFFFFFFC0 ss:$0x1] =	vst.idx.msk $0xffff, v3  }
0x5b6: {  	v3 =	vld.idx.msk [tilespmem:v1+s7+$0x0 ss:$0x1], $0xffff  }
0x5b7: {  	v4 =	vld.idx.msk [tilespmem:v0+s7+$0xFFFFFFD0 ss:$0x1], $0xffff;
	_ =	sdelay $0x5  }
0x5b8: {  	v3 =	vadd.f32 v4, v3;
	_ =	sdelay $0x1  }
0x5b9: {  	[tilespmem:v2+s7+$0xFFFFFFD0 ss:$0x1] =	vst.idx.msk $0xffff, v3  }
0x5ba: {  	v3 =	vld.idx.msk [tilespmem:v1+s7+$0x10 ss:$0x1], $0xffff  }
0x5bb: {  	v4 =	vld.idx.msk [tilespmem:v0+s7+$0xFFFFFFE0 ss:$0x1], $0xffff;
	_ =	sdelay $0x5  }
0x5bc: {  	v3 =	vadd.f32 v4, v3;
	_ =	sdelay $0x1  }
0x5bd: {  	[tilespmem:v2+s7+$0xFFFFFFE0 ss:$0x1] =	vst.idx.msk $0xffff, v3  }
0x5be: {  	v3 =	vld.idx.msk [tilespmem:v1+s7+$0x20 ss:$0x1], $0xffff  }
0x5bf: {  	v4 =	vld.idx.msk [tilespmem:v0+s7+$0xFFFFFFF0 ss:$0x1], $0xffff;
	_ =	sdelay $0x4  }
.Ltmp28:
0x5c0: {  	(pc) =	sbr.rel @p0 .LBB2_59-.Ltmp28, $3  }
0x5c1: {  	v3 =	vadd.f32 v4, v3;
	_ =	sdelay $0x1  }
0x5c2: {  	[tilespmem:v2+s7+$0xFFFFFFF0 ss:$0x1] =	vst.idx.msk $0xffff, v3  }
0x5c3: {  	v3 =	vld.idx.msk [tilespmem:v1+s7+$0x30 ss:$0x1], $0xffff  }
0x5c4: {  	_ =	sdelay $0x3  }
0x5c5: {  	v0 =	vld.idx.msk [tilespmem:v0+s7+$0x0 ss:$0x1], $0xffff  }
0x5c6: {  	s6 =	sadd.s32 $0x1, s6  }
0x5c7: {  	p0 =	sne.s32 s6, $0x10  }
.Ltmp29:
0x5c8: {  	_ = 	snop;
	(pc) =	sbr.rel @p0 .LBB2_58-.Ltmp29, $3  }
0x5c9: {  	_ = 	snop  }
0x5ca: {  	v0 =	vadd.f32 v0, v3;
	_ =	sdelay $0x1  }
0x5cb: {  	s5 =	sadd.s32 $0x1, s5;
	[tilespmem:v2+s7+$0x0 ss:$0x1] =	vst.idx.msk $0xffff, v0  }
0x5cc: {  	s6 =	sld [smem:$0x7F8];
	_ =	sdelay $0x1  }
0x5cd: {  	s5 =	simm.s32 $0x0  }
0x5ce: {  	[hbm4b:s6+s5] =	stream.linear.scatter [tilespmem:s28], [sflag:$0x5], $0x4000, $0x38;
	[tilespmem:$0x18000] =	vst v63  }
0x5cf: {  	_ =	swait.ge [sflag:s29], $0x4000  }
0x5d0: {  	[sflag:s29] =	ssyncset.done $0x0  }
0x5d1: {  	[sflag:s29] =	ssyncadd.s32 $0xFFFFC000  }
0x5d2: {  	_ =	swait.ge [sflag:s30], $0x4000  }
0x5d3: {  	[sflag:s30] =	ssyncset.done $0x0  }
0x5d4: {  	[sflag:s30] =	ssyncadd.s32 $0xFFFFC000  }
0x5d5: {  	_ =	swait.ge [sflag:s3], $0x4000  }
0x5d6: {  	[sflag:s3] =	ssyncset.done $0x0  }
0x5d7: {  	s6 =	simm.s32 $0x0;
	[sflag:s3] =	ssyncadd.s32 $0xFFFFC000  }
.LBB2_62:
0x5d8: {  	s7 =	sshll.u32 s6, $0xC;
	s8 =	sand.u32 $0x7, s5  }
0x5d9: {  	s7 =	sand.u32 $0xFFFF8000, s7;
	s8 =	sshll.u32 s8, $0x9  }
0x5da: {  	s7 =	sor.u32 s8, s7  }
0x5db: {  	s8 =	sshrl.u32 s7, $0x2  }
0x5dc: {  	s7 =	sadd.s32 $0x4040, s8  }
0x5dd: {  	s9 =	sadd.s32 $0xC070, s8;
	v1 =	vmov s7  }
0x5de: {  	v0 =	vmov s9;
	_ =	sdelay $0x2  }
0x5df: {  	s7 =	simm.s32 $0x0  }
0x5e0: {  	v3 =	vld.idx.msk [tilespmem:v1+s7+$0xFFFFFFC0 ss:$0x1], $0xffff  }
0x5e1: {  	v4 =	vld.idx.msk [tilespmem:v0+s7+$0xFFFFFF90 ss:$0x1], $0xffff  }
0x5e2: {  	s8 =	sadd.s32 $0x14070, s8  }
0x5e3: {  	v2 =	vmov s8;
	_ =	sdelay $0x2  }
0x5e4: {  	v3 =	vadd.f32 v4, v3;
	_ =	sdelay $0x1  }
0x5e5: {  	[tilespmem:v2+s7+$0xFFFFFF90 ss:$0x1] =	vst.idx.msk $0xffff, v3  }
0x5e6: {  	v3 =	vld.idx.msk [tilespmem:v1+s7+$0xFFFFFFD0 ss:$0x1], $0xffff  }
0x5e7: {  	v4 =	vld.idx.msk [tilespmem:v0+s7+$0xFFFFFFA0 ss:$0x1], $0xffff;
	_ =	sdelay $0x4  }
0x5e8: {  	v3 =	vadd.f32 v4, v3;
	_ =	sdelay $0x1  }
0x5e9: {  	[tilespmem:v2+s7+$0xFFFFFFA0 ss:$0x1] =	vst.idx.msk $0xffff, v3  }
0x5ea: {  	v3 =	vld.idx.msk [tilespmem:v1+s7+$0xFFFFFFE0 ss:$0x1], $0xffff  }
0x5eb: {  	v4 =	vld.idx.msk [tilespmem:v0+s7+$0xFFFFFFB0 ss:$0x1], $0xffff;
	_ =	sdelay $0x4  }
0x5ec: {  	v3 =	vadd.f32 v4, v3;
	_ =	sdelay $0x1  }
0x5ed: {  	[tilespmem:v2+s7+$0xFFFFFFB0 ss:$0x1] =	vst.idx.msk $0xffff, v3  }
0x5ee: {  	v3 =	vld.idx.msk [tilespmem:v1+s7+$0xFFFFFFF0 ss:$0x1], $0xffff  }
0x5ef: {  	v4 =	vld.idx.msk [tilespmem:v0+s7+$0xFFFFFFC0 ss:$0x1], $0xffff;
	_ =	sdelay $0x4  }
0x5f0: {  	v3 =	vadd.f32 v4, v3;
	_ =	sdelay $0x1  }
0x5f1: {  	[tilespmem:v2+s7+$0xFFFFFFC0 ss:$0x1] =	vst.idx.msk $0xffff, v3  }
0x5f2: {  	v3 =	vld.idx.msk [tilespmem:v1+s7+$0x0 ss:$0x1], $0xffff  }
0x5f3: {  	v4 =	vld.idx.msk [tilespmem:v0+s7+$0xFFFFFFD0 ss:$0x1], $0xffff;
	_ =	sdelay $0x4  }
0x5f4: {  	v3 =	vadd.f32 v4, v3;
	_ =	sdelay $0x1  }
0x5f5: {  	[tilespmem:v2+s7+$0xFFFFFFD0 ss:$0x1] =	vst.idx.msk $0xffff, v3  }
0x5f6: {  	v3 =	vld.idx.msk [tilespmem:v1+s7+$0x10 ss:$0x1], $0xffff  }
0x5f7: {  	v4 =	vld.idx.msk [tilespmem:v0+s7+$0xFFFFFFE0 ss:$0x1], $0xffff;
	_ =	sdelay $0x4  }
0x5f8: {  	v3 =	vadd.f32 v4, v3;
	_ =	sdelay $0x1  }
0x5f9: {  	[tilespmem:v2+s7+$0xFFFFFFE0 ss:$0x1] =	vst.idx.msk $0xffff, v3  }
0x5fa: {  	v3 =	vld.idx.msk [tilespmem:v1+s7+$0x20 ss:$0x1], $0xffff  }
0x5fb: {  	v4 =	vld.idx.msk [tilespmem:v0+s7+$0xFFFFFFF0 ss:$0x1], $0xffff;
	_ =	sdelay $0x4  }
0x5fc: {  	v3 =	vadd.f32 v4, v3;
	_ =	sdelay $0x1  }
0x5fd: {  	[tilespmem:v2+s7+$0xFFFFFFF0 ss:$0x1] =	vst.idx.msk $0xffff, v3  }
0x5fe: {  	s8 =	simm.s32 $0x1000;
	v3 =	vld.idx.msk [tilespmem:v1+s7+$0x30 ss:$0x1], $0xffff  }
.LBB2_63:
0x5ff: {  	p0 =	sne.s32 s8, $0x7000;
	v4 =	vld.idx.msk [tilespmem:v0+s7+$0x0 ss:$0x1], $0xffff;
	s9 =	smov.u32 s8;
	s8 =	sadd.s32 $0x1000, s8  }
0x600: {  	_ =	sdelay $0x4  }
0x601: {  	v3 =	vadd.f32 v4, v3;
	_ =	sdelay $0x1  }
0x602: {  	[tilespmem:v2+s7+$0x0 ss:$0x1] =	vst.idx.msk $0xffff, v3;
	s7 =	sshra.s32 s9, $0x2  }
0x603: {  	v3 =	vld.idx.msk [tilespmem:v1+s7+$0xFFFFFFC0 ss:$0x1], $0xffff  }
0x604: {  	v4 =	vld.idx.msk [tilespmem:v0+s7+$0xFFFFFF90 ss:$0x1], $0xffff;
	_ =	sdelay $0x5  }
0x605: {  	v3 =	vadd.f32 v4, v3;
	_ =	sdelay $0x1  }
0x606: {  	[tilespmem:v2+s7+$0xFFFFFF90 ss:$0x1] =	vst.idx.msk $0xffff, v3  }
0x607: {  	v3 =	vld.idx.msk [tilespmem:v1+s7+$0xFFFFFFD0 ss:$0x1], $0xffff  }
0x608: {  	v4 =	vld.idx.msk [tilespmem:v0+s7+$0xFFFFFFA0 ss:$0x1], $0xffff;
	_ =	sdelay $0x5  }
0x609: {  	v3 =	vadd.f32 v4, v3;
	_ =	sdelay $0x1  }
0x60a: {  	[tilespmem:v2+s7+$0xFFFFFFA0 ss:$0x1] =	vst.idx.msk $0xffff, v3  }
0x60b: {  	v3 =	vld.idx.msk [tilespmem:v1+s7+$0xFFFFFFE0 ss:$0x1], $0xffff  }
0x60c: {  	v4 =	vld.idx.msk [tilespmem:v0+s7+$0xFFFFFFB0 ss:$0x1], $0xffff;
	_ =	sdelay $0x5  }
0x60d: {  	v3 =	vadd.f32 v4, v3;
	_ =	sdelay $0x1  }
0x60e: {  	[tilespmem:v2+s7+$0xFFFFFFB0 ss:$0x1] =	vst.idx.msk $0xffff, v3  }
0x60f: {  	v3 =	vld.idx.msk [tilespmem:v1+s7+$0xFFFFFFF0 ss:$0x1], $0xffff  }
0x610: {  	v4 =	vld.idx.msk [tilespmem:v0+s7+$0xFFFFFFC0 ss:$0x1], $0xffff;
	_ =	sdelay $0x5  }
0x611: {  	v3 =	vadd.f32 v4, v3;
	_ =	sdelay $0x1  }
0x612: {  	[tilespmem:v2+s7+$0xFFFFFFC0 ss:$0x1] =	vst.idx.msk $0xffff, v3  }
0x613: {  	v3 =	vld.idx.msk [tilespmem:v1+s7+$0x0 ss:$0x1], $0xffff  }
0x614: {  	v4 =	vld.idx.msk [tilespmem:v0+s7+$0xFFFFFFD0 ss:$0x1], $0xffff;
	_ =	sdelay $0x5  }
0x615: {  	v3 =	vadd.f32 v4, v3;
	_ =	sdelay $0x1  }
0x616: {  	[tilespmem:v2+s7+$0xFFFFFFD0 ss:$0x1] =	vst.idx.msk $0xffff, v3  }
0x617: {  	v3 =	vld.idx.msk [tilespmem:v1+s7+$0x10 ss:$0x1], $0xffff  }
0x618: {  	v4 =	vld.idx.msk [tilespmem:v0+s7+$0xFFFFFFE0 ss:$0x1], $0xffff;
	_ =	sdelay $0x5  }
0x619: {  	v3 =	vadd.f32 v4, v3;
	_ =	sdelay $0x1  }
0x61a: {  	[tilespmem:v2+s7+$0xFFFFFFE0 ss:$0x1] =	vst.idx.msk $0xffff, v3  }
0x61b: {  	v3 =	vld.idx.msk [tilespmem:v1+s7+$0x20 ss:$0x1], $0xffff  }
0x61c: {  	v4 =	vld.idx.msk [tilespmem:v0+s7+$0xFFFFFFF0 ss:$0x1], $0xffff;
	_ =	sdelay $0x4  }
.Ltmp30:
0x61d: {  	(pc) =	sbr.rel @p0 .LBB2_63-.Ltmp30, $3  }
0x61e: {  	v3 =	vadd.f32 v4, v3;
	_ =	sdelay $0x1  }
0x61f: {  	[tilespmem:v2+s7+$0xFFFFFFF0 ss:$0x1] =	vst.idx.msk $0xffff, v3  }
0x620: {  	v3 =	vld.idx.msk [tilespmem:v1+s7+$0x30 ss:$0x1], $0xffff  }
0x621: {  	_ =	sdelay $0x3  }
0x622: {  	v0 =	vld.idx.msk [tilespmem:v0+s7+$0x0 ss:$0x1], $0xffff  }
0x623: {  	s6 =	sadd.s32 $0x1, s6  }
0x624: {  	p0 =	sne.s32 s6, $0x10  }
.Ltmp31:
0x625: {  	_ = 	snop;
	(pc) =	sbr.rel @p0 .LBB2_62-.Ltmp31, $3  }
0x626: {  	_ = 	snop  }
0x627: {  	v0 =	vadd.f32 v0, v3;
	_ =	sdelay $0x1  }
0x628: {  	s5 =	sadd.s32 $0x1, s5;
	[tilespmem:v2+s7+$0x0 ss:$0x1] =	vst.idx.msk $0xffff, v0  }
0x629: {  	s5 =	sld [smem:$0x7F9];
	_ =	sdelay $0x2  }
0x62a: {  	[hbm4b:s5+s1] =	stream.linear.scatter [tilespmem:s31], [sflag:$0x6], $0x4000, $0x38;
	[tilespmem:$0x18000] =	vst v63  }
0x62b: {  	_ =	swait.ge [sflag:s0], $0x4000  }
0x62c: {  	[sflag:s0] =	ssyncset.done $0x0  }
0x62d: {  	[sflag:s0] =	ssyncadd.s32 $0xFFFFC000  }
0x62e: {  	_ =	swait.ge [sflag:s3], $0x4000  }
0x62f: {  	s9 =	sld [smem:$0x7FA];
	_ =	sdelay $0x1  }
0x630: {  	s4 =	sadd.s32 $0x1, s4  }
0x631: {  	p0 =	sne.s32 s4, s9  }
.Ltmp32:
0x632: {  	_ = 	snop;
	(pc) =	sbr.rel @p0 .LBB2_1-.Ltmp32, $3  }
0x633: {  	_ =	sdelay $0x1  }
0x634: {  	[sflag:s3] =	ssyncset.done $0x0  }
0x635: {  	[sflag:s3] =	ssyncadd.s32 $0xFFFFC000  }
0x636: {  	_ =	sfence.sel $0x180000  }
0x637: {  	[bflag:$0x0] =	sbarrier.arrive $0xFFFF  }
0x638: {  	_ =	strace $0x90000047  }
0x639: {  	s0 =	stileid.u32;
	[bflag:$0x2] =	sbarrier.arrive $0xFFFF  }
0x63a: {  	p0 =	sne.s32 s0, $0x0;
	s0 =	rddreg [dreg:$0x3]  }
0x63b: {  	s0 =	sadd.s32 @!p0 $0x100000, s0  }
0x63c: {  	[sflag:s0] =	ssyncadd.tile.s32 @!p0 $0x1;
	_ =	shalt  }
.Lfunc_end2:
_tile_overlayer_lowered:
.L_overlay_start_2:
0x63d: {  	(tag) =	ssettag $0x2  }
0x63e: {  	s0 =	rddreg [dreg:$0x0];
	s2 =	stileid.u32  }
0x63f: {  	s1 =	rddreg [dreg:$0x1];
	p0 =	sne.s32 s2, $0x0  }
0x640: {  	s3 =	rddreg [dreg:$0x2];
	[bflag:$0x3] =	sbarrier.arrive $0xFFFF;
	s2 =	simm.s32 @!p0 $0x1C07  }
0x641: {  	[timem:s3], [sflag:s2] =	dma.local @!p0 [hbm:s0], s1  }
0x642: {  	s0 =	simm.s32 @!p0 $0x7  }
0x643: {  	_ =	swait.ge @!p0 [sflag:s0], s1  }
0x644: {  	s1 =	ssub.s32 @!p0 $0x0, s1;
	[sflag:s0] =	ssyncset.done @!p0 $0x0  }
0x645: {  	[sflag:s0] =	ssyncadd.s32 @!p0 s1  }
0x646: {  	[bflag:$0x3] =	sbarrier.arrive $0xFFFF  }
0x647: {  	_ =	shalt  }

</sc_bundles>
